<compile_context>
chip_gen: v7x
topology: tpu7x:2x2x1
jax: 0.10.2.dev20260603
libtpu: 0.0.44.dev20260713+nightly
codegen_flags: <defaults>
</compile_context>

<pallas_src>
import jax
import jax.numpy as jnp
from jax import lax
from jax.experimental import pallas as pl
from jax.experimental.pallas import tpu as pltpu
from jax.experimental.pallas import tpu_sc as plsc

N_NODES = 10000
N_PAD = 10240
E_EDGES = 320000
E_PAD = 327680
NW = 32
CHUNKS = 80
CHUNK = 128
GROUPS = 10
GCH = 8
ROWS_PER_TILE = N_PAD // 16


def _mesh():
    return plsc.VectorSubcoreMesh(core_axis_name="c", subcore_axis_name="s")


def _sc_scatter_h():
    out_type = jax.ShapeDtypeStruct((2, N_PAD, 128), jnp.float32)
    scratch = [
        pltpu.VMEM((GCH, CHUNK), jnp.int32),
        pltpu.VMEM((GCH, CHUNK), jnp.int32),
        pltpu.VMEM((GCH, CHUNK), jnp.int32),
        pltpu.VMEM((GCH, CHUNK), jnp.int32),
        pltpu.VMEM((CHUNK, 128), jnp.float32),
        pltpu.VMEM((CHUNK, 128), jnp.float32),
        pltpu.VMEM_SHARED((N_PAD, 128), jnp.float32),
        pltpu.SemaphoreType.DMA,
        pltpu.SemaphoreType.DMA,
        pltpu.SemaphoreType.DMA,
    ]

    def body(h_hbm, src_hbm, dst_hbm, z128, out_h,
             src_a, dst_a, src_b, dst_b, rows_a, rows_b, acc_h,
             sem_a, sem_b, sem_i):
        c = lax.axis_index("c")
        s = lax.axis_index("s")
        wid = c * 16 + s
        r0 = s * ROWS_PER_TILE

        pltpu.sync_copy(z128.at[pl.ds(r0, ROWS_PER_TILE)],
                        acc_h.at[pl.ds(r0, ROWS_PER_TILE)])
        plsc.subcore_barrier()

        bufs = (rows_a, rows_b)
        sems = (sem_a, sem_b)

        def do_group(src_v, dst_v):
            pltpu.async_copy(h_hbm.at[src_v.at[0]], rows_a, sem_a)
            for k in range(GCH):
                cur, scur = bufs[k % 2], sems[k % 2]
                pltpu.make_async_copy(h_hbm.at[src_v.at[k]], cur, scur).wait()
                if k + 1 < GCH:
                    nxt, snxt = bufs[(k + 1) % 2], sems[(k + 1) % 2]
                    pltpu.async_copy(h_hbm.at[src_v.at[k + 1]], nxt, snxt)
                pltpu.sync_copy(cur, acc_h.at[dst_v.at[k]], add=True)

        def fetch_idx(g, src_v, dst_v):
            pltpu.async_copy(src_hbm.at[wid, g], src_v, sem_i)
            pltpu.async_copy(dst_hbm.at[wid, g], dst_v, sem_i)

        def wait_idx(g, src_v, dst_v):
            pltpu.make_async_copy(src_hbm.at[wid, g], src_v, sem_i).wait()
            pltpu.make_async_copy(dst_hbm.at[wid, g], dst_v, sem_i).wait()

        fetch_idx(0, src_a, dst_a)

        def gpair(g2, carry):
            g = g2 * 2
            wait_idx(g, src_a, dst_a)
            fetch_idx(g + 1, src_b, dst_b)
            do_group(src_a, dst_a)
            wait_idx(g + 1, src_b, dst_b)

            @pl.when(g2 + 1 < GROUPS // 2)
            def _():
                fetch_idx(g + 2, src_a, dst_a)

            do_group(src_b, dst_b)
            return carry

        lax.fori_loop(0, GROUPS // 2, gpair, None)

        plsc.subcore_barrier()
        pltpu.sync_copy(acc_h.at[pl.ds(r0, ROWS_PER_TILE)],
                        out_h.at[c, pl.ds(r0, ROWS_PER_TILE)])

    return pl.kernel(body, mesh=_mesh(), out_type=out_type, scratch_types=scratch)


def _sc_scatter_e():
    out_type = jax.ShapeDtypeStruct((2, N_PAD, 128), jnp.float32)
    scratch = [
        pltpu.VMEM((GCH, CHUNK), jnp.int32),
        pltpu.VMEM((16, 128), jnp.float32),
        pltpu.VMEM((16, 128), jnp.float32),
        pltpu.VMEM((CHUNK, 128), jnp.float32),
        pltpu.VMEM((CHUNK, 128), jnp.float32),
        pltpu.VMEM((16,), jnp.float32),
        pltpu.VMEM_SHARED((N_PAD, 128), jnp.float32),
        pltpu.SemaphoreType.DMA,
        pltpu.SemaphoreType.DMA,
        pltpu.SemaphoreType.DMA,
        pltpu.SemaphoreType.DMA,
    ]

    def body(efp_hbm, dst_hbm, z128, onehot_hbm, out_e,
             dst_v, lin_a, lin_b, pay_a, pay_b, oh_v, acc_e,
             sem_a, sem_b, ssem_a, ssem_b):
        c = lax.axis_index("c")
        s = lax.axis_index("s")
        wid = c * 16 + s
        r0 = s * ROWS_PER_TILE

        pltpu.sync_copy(z128.at[pl.ds(r0, ROWS_PER_TILE)],
                        acc_e.at[pl.ds(r0, ROWS_PER_TILE)])

        pltpu.sync_copy(onehot_hbm, oh_v)
        one0 = oh_v[pl.ds(0, 16)]

        def initrow(e, carry):
            pay_a[e, pl.ds(16, 16)] = one0
            pay_b[e, pl.ds(16, 16)] = one0
            return carry

        lax.fori_loop(0, CHUNK, initrow, None)
        plsc.subcore_barrier()

        bufs = (lin_a, lin_b)
        sems = (sem_a, sem_b)
        pays = (pay_a, pay_b)
        ssems = (ssem_a, ssem_b)

        def group(g, carry):
            @pl.when(g > 0)
            def _():
                pltpu.make_async_copy(
                    pay_a, acc_e.at[dst_v.at[GCH - 2]], ssem_a).wait()
                pltpu.make_async_copy(
                    pay_b, acc_e.at[dst_v.at[GCH - 1]], ssem_b).wait()

            pltpu.sync_copy(dst_hbm.at[wid, g], dst_v)
            row0 = ((wid * GROUPS + g) * GCH) * 16
            pltpu.async_copy(efp_hbm.at[pl.ds(row0, 16)], lin_a, sem_a)
            for k in range(GCH):
                cur, scur = bufs[k % 2], sems[k % 2]
                pay, ssem = pays[k % 2], ssems[k % 2]
                pltpu.make_async_copy(
                    efp_hbm.at[pl.ds(row0 + k * 16, 16)], cur, scur).wait()
                if k + 1 < GCH:
                    nxt, snxt = bufs[(k + 1) % 2], sems[(k + 1) % 2]
                    pltpu.async_copy(
                        efp_hbm.at[pl.ds(row0 + (k + 1) * 16, 16)], nxt, snxt)
                if k >= 2:
                    pltpu.make_async_copy(
                        pay, acc_e.at[dst_v.at[k - 2]], ssem).wait()

                def repack(e, carry):
                    pay[e, pl.ds(0, 16)] = cur[e // 8, pl.ds((e % 8) * 16, 16)]
                    return carry

                lax.fori_loop(0, CHUNK, repack, None)
                pltpu.async_copy(pay, acc_e.at[dst_v.at[k]], ssem, add=True)
            return carry

        lax.fori_loop(0, GROUPS, group, None)

        pltpu.make_async_copy(pay_a, acc_e.at[dst_v.at[GCH - 2]], ssem_a).wait()
        pltpu.make_async_copy(pay_b, acc_e.at[dst_v.at[GCH - 1]], ssem_b).wait()
        plsc.subcore_barrier()
        pltpu.sync_copy(acc_e.at[pl.ds(r0, ROWS_PER_TILE)],
                        out_e.at[c, pl.ds(r0, ROWS_PER_TILE)])

    return pl.kernel(body, mesh=_mesh(), out_type=out_type, scratch_types=scratch)


def _dense_body(h_b, sa, sb, ea, eb, wmt, wme, bm, wat, wab, ba, o_ref):
    f32 = jnp.float32
    Sh = sa[0] + sb[0]
    Se = ea[0, :, :16] + eb[0, :, :16]
    deg = ea[0, :, 16:17] + eb[0, :, 16:17]
    summ = (jnp.dot(Sh, wmt[...], preferred_element_type=f32)
            + jnp.dot(Se, wme[...], preferred_element_type=f32))
    invd = 1.0 / jnp.maximum(deg, 1.0)
    h_neigh = summ * invd + bm[...] * (deg > 0).astype(f32)
    o = (jnp.dot(h_b[...], wat[...], preferred_element_type=f32)
         + jnp.dot(h_neigh, wab[...], preferred_element_type=f32)
         + ba[...])
    o_ref[...] = jnp.maximum(o, 0.0)


def _dense_layer(h, sh_parts, se_parts, W_msg, b_msg, W_apply, b_apply):
    blk = 400
    grid = (N_NODES // blk,)
    row_spec = pl.BlockSpec((blk, 128), lambda i: (i, 0))
    part_spec = lambda p: pl.BlockSpec((1, blk, 128), lambda i, _p=p: (_p, i, 0))
    full = lambda a: pl.BlockSpec(a.shape, lambda i: (0,) * a.ndim)
    wmt = W_msg[:128]
    wme = W_msg[128:144]
    bm = b_msg.reshape(1, 128)
    wat = W_apply[:128]
    wab = W_apply[128:256]
    ba = b_apply.reshape(1, 128)
    return pl.pallas_call(
        _dense_body,
        grid=grid,
        in_specs=[row_spec, part_spec(0), part_spec(1),
                  part_spec(0), part_spec(1),
                  full(wmt), full(wme), full(bm), full(wat), full(wab), full(ba)],
        out_specs=row_spec,
        out_shape=jax.ShapeDtypeStruct((N_NODES, 128), jnp.float32),
    )(h, sh_parts, sh_parts, se_parts, se_parts,
      wmt, wme, bm, wat, wab, ba)


def kernel(nfeats, efeats, edge_index, W_msg1, b_msg1, W_apply1, b_apply1,
           W_msg2, b_msg2, W_apply2, b_apply2):
    src = edge_index[0].astype(jnp.int32)
    dst = edge_index[1].astype(jnp.int32)
    pad = E_PAD - E_EDGES
    src_pad_rows = jnp.arange(pad, dtype=jnp.int32) % N_NODES
    src_p = jnp.concatenate([src, src_pad_rows]).reshape(
        NW, GROUPS, GCH, CHUNK)
    dst_pad_rows = (N_NODES + (jnp.arange(pad, dtype=jnp.int32) % (N_PAD - N_NODES)))
    dst_p = jnp.concatenate([dst, dst_pad_rows]).reshape(NW, GROUPS, GCH, CHUNK)

    efp = jnp.concatenate(
        [efeats.reshape(E_EDGES * 16 // 128, 128),
         jnp.zeros((pad * 16 // 128, 128), jnp.float32)], 0)

    h0 = nfeats.reshape(N_NODES, 128)
    z128 = jnp.zeros((N_PAD, 128), jnp.float32)

    sc_h = _sc_scatter_h()
    sh1 = sc_h(h0, src_p, dst_p, z128)
    efp_dep, _ = lax.optimization_barrier((efp, sh1))
    onehot = jnp.zeros((16,), jnp.float32).at[0].set(1.0)
    se = _sc_scatter_e()(efp_dep, dst_p, z128, onehot)
    h1 = _dense_layer(h0, sh1, se, W_msg1, b_msg1, W_apply1, b_apply1)
    sh2 = sc_h(h1, src_p, dst_p, z128)
    h2 = _dense_layer(h1, sh2, se, W_msg2, b_msg2, W_apply2, b_apply2)
    return h2

# --- scband reference (transcript-rebuilt; emitter-appended) ---
"""Pipeline reference for scband-sage-5617817224168 (READ-ONLY COPY).

The authoritative reference and input builder live on the scoring server;
editing this copy changes nothing except your own understanding.
"""

import jax, jax.numpy as jnp
import numpy as np

N_NODES = 10000
N_EDGES = 320000
NDIM_IN = 128
EDIM = 16
HIDDEN = 128
NDIM_OUT = 128


def setup_inputs(seed: int = 0) -> dict:
    key = jax.random.key(seed)
    ks = jax.random.split(key, 12)
    nfeats = jax.random.normal(ks[0], (N_NODES, 1, NDIM_IN), dtype=jnp.float32)
    efeats = jax.random.normal(ks[1], (N_EDGES, 1, EDIM), dtype=jnp.float32)
    edge_index = jax.random.randint(ks[2], (2, N_EDGES), 0, N_NODES, dtype=jnp.int64)
    # Layer 1: W_msg (ndim_in+edim -> 128), W_apply (ndim_in+128 -> 128)
    W_msg1 = jax.random.normal(ks[3], (NDIM_IN + EDIM, HIDDEN), dtype=jnp.float32) * (1.0 / np.sqrt(NDIM_IN + EDIM))
    b_msg1 = jnp.zeros((HIDDEN,), dtype=jnp.float32)
    W_apply1 = jax.random.normal(ks[4], (NDIM_IN + HIDDEN, HIDDEN), dtype=jnp.float32) * (1.0 / np.sqrt(NDIM_IN + HIDDEN))
    b_apply1 = jnp.zeros((HIDDEN,), dtype=jnp.float32)
    # Layer 2: W_msg (128+edim -> ndim_out), W_apply (128+ndim_out -> ndim_out)
    W_msg2 = jax.random.normal(ks[5], (HIDDEN + EDIM, NDIM_OUT), dtype=jnp.float32) * (1.0 / np.sqrt(HIDDEN + EDIM))
    b_msg2 = jnp.zeros((NDIM_OUT,), dtype=jnp.float32)
    W_apply2 = jax.random.normal(ks[6], (HIDDEN + NDIM_OUT, NDIM_OUT), dtype=jnp.float32) * (1.0 / np.sqrt(HIDDEN + NDIM_OUT))
    b_apply2 = jnp.zeros((NDIM_OUT,), dtype=jnp.float32)
    return {"nfeats": nfeats, "efeats": efeats, "edge_index": edge_index,
            "W_msg1": W_msg1, "b_msg1": b_msg1, "W_apply1": W_apply1, "b_apply1": b_apply1,
            "W_msg2": W_msg2, "b_msg2": b_msg2, "W_apply2": W_apply2, "b_apply2": b_apply2}


def _sage_layer(h, efeats, src, dst, n_nodes, W_msg, b_msg, W_apply, b_apply):
    # message: m = W_msg(cat([h_src, e_h], dim=2))
    src_h = jnp.take(h, src, axis=0)            # [E, 1, d]
    m_in = jnp.concatenate([src_h, efeats], axis=2)
    m = m_in @ W_msg + b_msg                    # [E, 1, d_out]
    # mean aggregation over incoming edges (dst)
    s = jax.ops.segment_sum(m, dst, num_segments=n_nodes)
    ones = jnp.ones((src.shape[0], 1, 1), dtype=h.dtype)
    deg = jax.ops.segment_sum(ones, dst, num_segments=n_nodes)
    h_neigh = s / jnp.maximum(deg, 1.0)         # zero-degree nodes -> 0, matching DGL
    out = jnp.concatenate([h, h_neigh], axis=2) @ W_apply + b_apply
    return jax.nn.relu(out)


def reference(nfeats, efeats, edge_index, W_msg1, b_msg1, W_apply1, b_apply1, W_msg2, b_msg2, W_apply2, b_apply2):
    src = edge_index[0]
    dst = edge_index[1]
    n_nodes = nfeats.shape[0]
    h = _sage_layer(nfeats, efeats, src, dst, n_nodes, W_msg1, b_msg1, W_apply1, b_apply1)
    # dropout is identity in eval mode
    h = _sage_layer(h, efeats, src, dst, n_nodes, W_msg2, b_msg2, W_apply2, b_apply2)
    return h.sum(axis=1)


if False:  # reference __main__ guard neutralized (emitter)
    out = reference(**setup_inputs())
    print(out.shape, out.dtype)

if __name__ == "__main__":
    import jax
    _d = setup_inputs()
    print(jax.jit(kernel)(*tuple(_d.values())))

</pallas_src>

<mosaic_0001>
#map = affine_map<(d0, d1) -> (0, 0)>
#map1 = affine_map<(d0, d1) -> (0, 0, 0, 0)>
#map2 = affine_map<(d0, d1) -> (0, 0, 0)>
module attributes {stable_mosaic.version = 14 : i64} {
  func.func @body(%arg0: i32, %arg1: i32, %arg2: memref<10000x128xf32, #tpu.memory_space<hbm>>, %arg3: memref<32x10x8x128xi32, #tpu.memory_space<hbm>>, %arg4: memref<32x10x8x128xi32, #tpu.memory_space<hbm>>, %arg5: memref<10240x128xf32, #tpu.memory_space<hbm>>, %arg6: memref<2x10240x128xf32, #tpu.memory_space<hbm>>, %arg7: memref<8x128xi32, #tpu.memory_space<vmem>>, %arg8: memref<8x128xi32, #tpu.memory_space<vmem>>, %arg9: memref<8x128xi32, #tpu.memory_space<vmem>>, %arg10: memref<8x128xi32, #tpu.memory_space<vmem>>, %arg11: memref<128x128xf32, #tpu.memory_space<vmem>>, %arg12: memref<128x128xf32, #tpu.memory_space<vmem>>, %arg13: memref<10240x128xf32, #tpu.memory_space<vmem_shared>>, %arg14: memref<!tpu.dma_semaphore, #tpu.memory_space<semaphore_mem>>, %arg15: memref<!tpu.dma_semaphore, #tpu.memory_space<semaphore_mem>>, %arg16: memref<!tpu.dma_semaphore, #tpu.memory_space<semaphore_mem>>) attributes {dimension_semantics = [#tpu.dimension_semantics<core_parallel>, #tpu.dimension_semantics<subcore_parallel>], iteration_bounds = array<i64: 2, 16>, scalar_prefetch = 0 : i64, scratch_operands = 10 : i64, tpu.core_type = #tpu.core_type<sc_vector_subcore>, window_params = [{transform_indices = #map}, {transform_indices = #map1}, {transform_indices = #map1}, {transform_indices = #map}, {transform_indices = #map2}]} {
    %mul3A = arith.constant 16 : i32
    %mul3A_0 = arith.muli %arg0, %mul3A : i32
    %add3A = arith.addi %mul3A_0, %arg1 : i32
    %mul3A_1 = arith.constant 640 : i32
    %mul3A_2 = arith.muli %arg1, %mul3A_1 : i32
    "tpu.region"() ({
      %run_scoped3A = tpu.sem_alloc : memref<!tpu.dma_semaphore, #tpu.memory_space<semaphore_mem>>
      %dma_start3A_25 = arith.constant 0 : i32
      %dma_start3A_26 = tpu.memref_slice %arg13[%mul3A_2, %dma_start3A_25] : memref<10240x128xf32, #tpu.memory_space<vmem_shared>> -> memref<640x128xf32, #tpu.memory_space<vmem_shared>>
      %dma_start3A_27 = arith.constant 0 : i32
      %dma_start3A_28 = tpu.memref_slice %arg5[%mul3A_2, %dma_start3A_27] : memref<10240x128xf32, #tpu.memory_space<hbm>> -> memref<640x128xf32, #tpu.memory_space<hbm>>
      tpu.enqueue_dma source(%dma_start3A_28 : memref<640x128xf32, #tpu.memory_space<hbm>>) target(%dma_start3A_26 : memref<640x128xf32, #tpu.memory_space<vmem_shared>>) target_semaphore(%run_scoped3A : memref<!tpu.dma_semaphore, #tpu.memory_space<semaphore_mem>>)
      %dma_wait3A = arith.constant 0 : i32
      %dma_wait3A_29 = tpu.memref_slice %arg13[%mul3A_2, %dma_wait3A] : memref<10240x128xf32, #tpu.memory_space<vmem_shared>> -> memref<640x128xf32, #tpu.memory_space<vmem_shared>>
      %dma_wait3A_30 = arith.constant 0 : i32
      %dma_wait3A_31 = tpu.memref_slice %arg5[%mul3A_2, %dma_wait3A_30] : memref<10240x128xf32, #tpu.memory_space<hbm>> -> memref<640x128xf32, #tpu.memory_space<hbm>>
      tpu.wait_dma2 semaphore(%run_scoped3A : memref<!tpu.dma_semaphore, #tpu.memory_space<semaphore_mem>>) src(%dma_wait3A_31 : memref<640x128xf32, #tpu.memory_space<hbm>>) dst(%dma_wait3A_29 : memref<640x128xf32, #tpu.memory_space<vmem_shared>>)
      tpu.yield
    }) : () -> ()
    %barrier3A = arith.constant 0 : index
    tpu.barrier barrier_id(%barrier3A)
    %dma_start3A = arith.constant 0 : i32
    %dma_start3A_3 = arith.constant 0 : i32
    %dma_start3A_4 = arith.constant 0 : i32
    %dma_start3A_5 = tpu.memref_slice %arg3[%add3A, %dma_start3A, %dma_start3A_3, %dma_start3A_4] : memref<32x10x8x128xi32, #tpu.memory_space<hbm>> -> memref<1x1x8x128xi32, #tpu.memory_space<hbm>>
    %dma_start3A_6 = tpu.memref_squeeze %dma_start3A_5 : memref<1x1x8x128xi32, #tpu.memory_space<hbm>> -> memref<8x128xi32, #tpu.memory_space<hbm>>
    %dma_start3A_7 = arith.constant 0 : i32
    %dma_start3A_8 = arith.constant 0 : i32
    %dma_start3A_9 = tpu.memref_slice %arg3[%add3A, %dma_start3A, %dma_start3A_7, %dma_start3A_8] : memref<32x10x8x128xi32, #tpu.memory_space<hbm>> -> memref<1x1x8x128xi32, #tpu.memory_space<hbm>>
    %dma_start3A_10 = tpu.memref_squeeze %dma_start3A_9 : memref<1x1x8x128xi32, #tpu.memory_space<hbm>> -> memref<8x128xi32, #tpu.memory_space<hbm>>
    tpu.enqueue_dma source(%dma_start3A_10 : memref<8x128xi32, #tpu.memory_space<hbm>>) target(%arg7 : memref<8x128xi32, #tpu.memory_space<vmem>>) target_semaphore(%arg16 : memref<!tpu.dma_semaphore, #tpu.memory_space<semaphore_mem>>)
    %dma_start3A_11 = arith.constant 0 : i32
    %dma_start3A_12 = arith.constant 0 : i32
    %dma_start3A_13 = arith.constant 0 : i32
    %dma_start3A_14 = tpu.memref_slice %arg4[%add3A, %dma_start3A_11, %dma_start3A_12, %dma_start3A_13] : memref<32x10x8x128xi32, #tpu.memory_space<hbm>> -> memref<1x1x8x128xi32, #tpu.memory_space<hbm>>
    %dma_start3A_15 = tpu.memref_squeeze %dma_start3A_14 : memref<1x1x8x128xi32, #tpu.memory_space<hbm>> -> memref<8x128xi32, #tpu.memory_space<hbm>>
    %dma_start3A_16 = arith.constant 0 : i32
    %dma_start3A_17 = arith.constant 0 : i32
    %dma_start3A_18 = tpu.memref_slice %arg4[%add3A, %dma_start3A_11, %dma_start3A_16, %dma_start3A_17] : memref<32x10x8x128xi32, #tpu.memory_space<hbm>> -> memref<1x1x8x128xi32, #tpu.memory_space<hbm>>
    %dma_start3A_19 = tpu.memref_squeeze %dma_start3A_18 : memref<1x1x8x128xi32, #tpu.memory_space<hbm>> -> memref<8x128xi32, #tpu.memory_space<hbm>>
    tpu.enqueue_dma source(%dma_start3A_19 : memref<8x128xi32, #tpu.memory_space<hbm>>) target(%arg8 : memref<8x128xi32, #tpu.memory_space<vmem>>) target_semaphore(%arg16 : memref<!tpu.dma_semaphore, #tpu.memory_space<semaphore_mem>>)
    %scan3A = arith.constant 0 : i32
    %scan3A_20 = arith.constant 5 : i32
    %scan3A_21 = arith.addi %scan3A, %scan3A_20 : i32
    %scan3A_22 = arith.constant 1 : i32
    scf.for %scan3A_25 = %scan3A to %scan3A_21 step %scan3A_22  : i32 {
      %mul3A_26 = arith.constant 2 : i32
      %mul3A_27 = arith.muli %scan3A_25, %mul3A_26 : i32
      %dma_wait3A = arith.constant 0 : i32
      %dma_wait3A_28 = arith.constant 0 : i32
      %dma_wait3A_29 = tpu.memref_slice %arg3[%add3A, %mul3A_27, %dma_wait3A, %dma_wait3A_28] : memref<32x10x8x128xi32, #tpu.memory_space<hbm>> -> memref<1x1x8x128xi32, #tpu.memory_space<hbm>>
      %dma_wait3A_30 = tpu.memref_squeeze %dma_wait3A_29 : memref<1x1x8x128xi32, #tpu.memory_space<hbm>> -> memref<8x128xi32, #tpu.memory_space<hbm>>
      %dma_wait3A_31 = arith.constant 0 : i32
      %dma_wait3A_32 = arith.constant 0 : i32
      %dma_wait3A_33 = tpu.memref_slice %arg3[%add3A, %mul3A_27, %dma_wait3A_31, %dma_wait3A_32] : memref<32x10x8x128xi32, #tpu.memory_space<hbm>> -> memref<1x1x8x128xi32, #tpu.memory_space<hbm>>
      %dma_wait3A_34 = tpu.memref_squeeze %dma_wait3A_33 : memref<1x1x8x128xi32, #tpu.memory_space<hbm>> -> memref<8x128xi32, #tpu.memory_space<hbm>>
      tpu.wait_dma2 semaphore(%arg16 : memref<!tpu.dma_semaphore, #tpu.memory_space<semaphore_mem>>) src(%dma_wait3A_34 : memref<8x128xi32, #tpu.memory_space<hbm>>) dst(%arg7 : memref<8x128xi32, #tpu.memory_space<vmem>>)
      %dma_wait3A_35 = arith.constant 0 : i32
      %dma_wait3A_36 = arith.constant 0 : i32
      %dma_wait3A_37 = tpu.memref_slice %arg4[%add3A, %mul3A_27, %dma_wait3A_35, %dma_wait3A_36] : memref<32x10x8x128xi32, #tpu.memory_space<hbm>> -> memref<1x1x8x128xi32, #tpu.memory_space<hbm>>
      %dma_wait3A_38 = tpu.memref_squeeze %dma_wait3A_37 : memref<1x1x8x128xi32, #tpu.memory_space<hbm>> -> memref<8x128xi32, #tpu.memory_space<hbm>>
      %dma_wait3A_39 = arith.constant 0 : i32
      %dma_wait3A_40 = arith.constant 0 : i32
      %dma_wait3A_41 = tpu.memref_slice %arg4[%add3A, %mul3A_27, %dma_wait3A_39, %dma_wait3A_40] : memref<32x10x8x128xi32, #tpu.memory_space<hbm>> -> memref<1x1x8x128xi32, #tpu.memory_space<hbm>>
      %dma_wait3A_42 = tpu.memref_squeeze %dma_wait3A_41 : memref<1x1x8x128xi32, #tpu.memory_space<hbm>> -> memref<8x128xi32, #tpu.memory_space<hbm>>
      tpu.wait_dma2 semaphore(%arg16 : memref<!tpu.dma_semaphore, #tpu.memory_space<semaphore_mem>>) src(%dma_wait3A_42 : memref<8x128xi32, #tpu.memory_space<hbm>>) dst(%arg8 : memref<8x128xi32, #tpu.memory_space<vmem>>)
      %add3A_43 = arith.constant 1 : i32
      %add3A_44 = arith.addi %mul3A_27, %add3A_43 : i32
      %dma_start3A_45 = arith.constant 0 : i32
      %dma_start3A_46 = arith.constant 0 : i32
      %dma_start3A_47 = tpu.memref_slice %arg3[%add3A, %add3A_44, %dma_start3A_45, %dma_start3A_46] : memref<32x10x8x128xi32, #tpu.memory_space<hbm>> -> memref<1x1x8x128xi32, #tpu.memory_space<hbm>>
      %dma_start3A_48 = tpu.memref_squeeze %dma_start3A_47 : memref<1x1x8x128xi32, #tpu.memory_space<hbm>> -> memref<8x128xi32, #tpu.memory_space<hbm>>
      %dma_start3A_49 = arith.constant 0 : i32
      %dma_start3A_50 = arith.constant 0 : i32
      %dma_start3A_51 = tpu.memref_slice %arg3[%add3A, %add3A_44, %dma_start3A_49, %dma_start3A_50] : memref<32x10x8x128xi32, #tpu.memory_space<hbm>> -> memref<1x1x8x128xi32, #tpu.memory_space<hbm>>
      %dma_start3A_52 = tpu.memref_squeeze %dma_start3A_51 : memref<1x1x8x128xi32, #tpu.memory_space<hbm>> -> memref<8x128xi32, #tpu.memory_space<hbm>>
      tpu.enqueue_dma source(%dma_start3A_52 : memref<8x128xi32, #tpu.memory_space<hbm>>) target(%arg9 : memref<8x128xi32, #tpu.memory_space<vmem>>) target_semaphore(%arg16 : memref<!tpu.dma_semaphore, #tpu.memory_space<semaphore_mem>>)
      %dma_start3A_53 = arith.constant 0 : i32
      %dma_start3A_54 = arith.constant 0 : i32
      %dma_start3A_55 = tpu.memref_slice %arg4[%add3A, %add3A_44, %dma_start3A_53, %dma_start3A_54] : memref<32x10x8x128xi32, #tpu.memory_space<hbm>> -> memref<1x1x8x128xi32, #tpu.memory_space<hbm>>
      %dma_start3A_56 = tpu.memref_squeeze %dma_start3A_55 : memref<1x1x8x128xi32, #tpu.memory_space<hbm>> -> memref<8x128xi32, #tpu.memory_space<hbm>>
      %dma_start3A_57 = arith.constant 0 : i32
      %dma_start3A_58 = arith.constant 0 : i32
      %dma_start3A_59 = tpu.memref_slice %arg4[%add3A, %add3A_44, %dma_start3A_57, %dma_start3A_58] : memref<32x10x8x128xi32, #tpu.memory_space<hbm>> -> memref<1x1x8x128xi32, #tpu.memory_space<hbm>>
      %dma_start3A_60 = tpu.memref_squeeze %dma_start3A_59 : memref<1x1x8x128xi32, #tpu.memory_space<hbm>> -> memref<8x128xi32, #tpu.memory_space<hbm>>
      tpu.enqueue_dma source(%dma_start3A_60 : memref<8x128xi32, #tpu.memory_space<hbm>>) target(%arg10 : memref<8x128xi32, #tpu.memory_space<vmem>>) target_semaphore(%arg16 : memref<!tpu.dma_semaphore, #tpu.memory_space<semaphore_mem>>)
      %dma_start3A_61 = arith.constant 0 : i32
      %dma_start3A_62 = arith.constant 0 : i32
      %dma_start3A_63 = tpu.memref_slice %arg7[%dma_start3A_61, %dma_start3A_62] : memref<8x128xi32, #tpu.memory_space<vmem>> -> memref<1x128xi32, #tpu.memory_space<vmem>>
      %dma_start3A_64 = tpu.memref_squeeze %dma_start3A_63 : memref<1x128xi32, #tpu.memory_space<vmem>> -> memref<128xi32, #tpu.memory_space<vmem>>
      %dma_start3A_65 = arith.constant 0 : i32
      %dma_start3A_66 = arith.constant 0 : i32
      %dma_start3A_67 = tpu.memref_slice %arg2[%dma_start3A_65, %dma_start3A_66] : memref<10000x128xf32, #tpu.memory_space<hbm>> -> memref<10000x128xf32, #tpu.memory_space<hbm>>
      tpu.enqueue_indirect_dma source(%dma_start3A_67 : memref<10000x128xf32, #tpu.memory_space<hbm>>) target(%arg11 : memref<128x128xf32, #tpu.memory_space<vmem>>) offsets(%dma_start3A_64 : memref<128xi32, #tpu.memory_space<vmem>>) semaphore(%arg14 : memref<!tpu.dma_semaphore, #tpu.memory_space<semaphore_mem>>)
      %dma_wait3A_68 = arith.constant 0 : i32
      %dma_wait3A_69 = arith.constant 0 : i32
      %dma_wait3A_70 = tpu.memref_slice %arg7[%dma_wait3A_68, %dma_wait3A_69] : memref<8x128xi32, #tpu.memory_space<vmem>> -> memref<1x128xi32, #tpu.memory_space<vmem>>
      %dma_wait3A_71 = tpu.memref_squeeze %dma_wait3A_70 : memref<1x128xi32, #tpu.memory_space<vmem>> -> memref<128xi32, #tpu.memory_space<vmem>>
      %dma_wait3A_72 = arith.constant 0 : i32
      %dma_wait3A_73 = arith.constant 0 : i32
      %dma_wait3A_74 = tpu.memref_slice %arg2[%dma_wait3A_72, %dma_wait3A_73] : memref<10000x128xf32, #tpu.memory_space<hbm>> -> memref<10000x128xf32, #tpu.memory_space<hbm>>
      tpu.wait_indirect_dma semaphore(%arg14 : memref<!tpu.dma_semaphore, #tpu.memory_space<semaphore_mem>>) src(%dma_wait3A_74 : memref<10000x128xf32, #tpu.memory_space<hbm>>) dst(%arg11 : memref<128x128xf32, #tpu.memory_space<vmem>>)
      %dma_start3A_75 = arith.constant 1 : i32
      %dma_start3A_76 = arith.constant 0 : i32
      %dma_start3A_77 = tpu.memref_slice %arg7[%dma_start3A_75, %dma_start3A_76] : memref<8x128xi32, #tpu.memory_space<vmem>> -> memref<1x128xi32, #tpu.memory_space<vmem>>
      %dma_start3A_78 = tpu.memref_squeeze %dma_start3A_77 : memref<1x128xi32, #tpu.memory_space<vmem>> -> memref<128xi32, #tpu.memory_space<vmem>>
      %dma_start3A_79 = arith.constant 0 : i32
      %dma_start3A_80 = arith.constant 0 : i32
      %dma_start3A_81 = tpu.memref_slice %arg2[%dma_start3A_79, %dma_start3A_80] : memref<10000x128xf32, #tpu.memory_space<hbm>> -> memref<10000x128xf32, #tpu.memory_space<hbm>>
      tpu.enqueue_indirect_dma source(%dma_start3A_81 : memref<10000x128xf32, #tpu.memory_space<hbm>>) target(%arg12 : memref<128x128xf32, #tpu.memory_space<vmem>>) offsets(%dma_start3A_78 : memref<128xi32, #tpu.memory_space<vmem>>) semaphore(%arg15 : memref<!tpu.dma_semaphore, #tpu.memory_space<semaphore_mem>>)
      %run_scoped3A = arith.constant 0 : i32
      "tpu.region"() ({
        %run_scoped3A_322 = tpu.sem_alloc : memref<!tpu.dma_semaphore, #tpu.memory_space<semaphore_mem>>
        %dma_start3A_323 = arith.constant 0 : i32
        %dma_start3A_324 = tpu.memref_slice %arg8[%run_scoped3A, %dma_start3A_323] : memref<8x128xi32, #tpu.memory_space<vmem>> -> memref<1x128xi32, #tpu.memory_space<vmem>>
        %dma_start3A_325 = tpu.memref_squeeze %dma_start3A_324 : memref<1x128xi32, #tpu.memory_space<vmem>> -> memref<128xi32, #tpu.memory_space<vmem>>
        %dma_start3A_326 = arith.constant 0 : i32
        %dma_start3A_327 = arith.constant 0 : i32
        %dma_start3A_328 = tpu.memref_slice %arg13[%dma_start3A_326, %dma_start3A_327] : memref<10240x128xf32, #tpu.memory_space<vmem_shared>> -> memref<10240x128xf32, #tpu.memory_space<vmem_shared>>
        tpu.enqueue_indirect_dma source(%arg11 : memref<128x128xf32, #tpu.memory_space<vmem>>) target(%dma_start3A_328 : memref<10240x128xf32, #tpu.memory_space<vmem_shared>>) offsets(%dma_start3A_325 : memref<128xi32, #tpu.memory_space<vmem>>) semaphore(%run_scoped3A_322 : memref<!tpu.dma_semaphore, #tpu.memory_space<semaphore_mem>>) {add = true}
        %dma_wait3A_329 = arith.constant 0 : i32
        %dma_wait3A_330 = tpu.memref_slice %arg8[%run_scoped3A, %dma_wait3A_329] : memref<8x128xi32, #tpu.memory_space<vmem>> -> memref<1x128xi32, #tpu.memory_space<vmem>>
        %dma_wait3A_331 = tpu.memref_squeeze %dma_wait3A_330 : memref<1x128xi32, #tpu.memory_space<vmem>> -> memref<128xi32, #tpu.memory_space<vmem>>
        %dma_wait3A_332 = arith.constant 0 : i32
        %dma_wait3A_333 = arith.constant 0 : i32
        %dma_wait3A_334 = tpu.memref_slice %arg13[%dma_wait3A_332, %dma_wait3A_333] : memref<10240x128xf32, #tpu.memory_space<vmem_shared>> -> memref<10240x128xf32, #tpu.memory_space<vmem_shared>>
        tpu.wait_indirect_dma semaphore(%run_scoped3A_322 : memref<!tpu.dma_semaphore, #tpu.memory_space<semaphore_mem>>) src(%arg11 : memref<128x128xf32, #tpu.memory_space<vmem>>) dst(%dma_wait3A_334 : memref<10240x128xf32, #tpu.memory_space<vmem_shared>>)
        tpu.yield
      }) : () -> ()
      %dma_wait3A_82 = arith.constant 1 : i32
      %dma_wait3A_83 = arith.constant 0 : i32
      %dma_wait3A_84 = tpu.memref_slice %arg7[%dma_wait3A_82, %dma_wait3A_83] : memref<8x128xi32, #tpu.memory_space<vmem>> -> memref<1x128xi32, #tpu.memory_space<vmem>>
      %dma_wait3A_85 = tpu.memref_squeeze %dma_wait3A_84 : memref<1x128xi32, #tpu.memory_space<vmem>> -> memref<128xi32, #tpu.memory_space<vmem>>
      %dma_wait3A_86 = arith.constant 0 : i32
      %dma_wait3A_87 = arith.constant 0 : i32
      %dma_wait3A_88 = tpu.memref_slice %arg2[%dma_wait3A_86, %dma_wait3A_87] : memref<10000x128xf32, #tpu.memory_space<hbm>> -> memref<10000x128xf32, #tpu.memory_space<hbm>>
      tpu.wait_indirect_dma semaphore(%arg15 : memref<!tpu.dma_semaphore, #tpu.memory_space<semaphore_mem>>) src(%dma_wait3A_88 : memref<10000x128xf32, #tpu.memory_space<hbm>>) dst(%arg12 : memref<128x128xf32, #tpu.memory_space<vmem>>)
      %dma_start3A_89 = arith.constant 2 : i32
      %dma_start3A_90 = arith.constant 0 : i32
      %dma_start3A_91 = tpu.memref_slice %arg7[%dma_start3A_89, %dma_start3A_90] : memref<8x128xi32, #tpu.memory_space<vmem>> -> memref<1x128xi32, #tpu.memory_space<vmem>>
      %dma_start3A_92 = tpu.memref_squeeze %dma_start3A_91 : memref<1x128xi32, #tpu.memory_space<vmem>> -> memref<128xi32, #tpu.memory_space<vmem>>
      %dma_start3A_93 = arith.constant 0 : i32
      %dma_start3A_94 = arith.constant 0 : i32
      %dma_start3A_95 = tpu.memref_slice %arg2[%dma_start3A_93, %dma_start3A_94] : memref<10000x128xf32, #tpu.memory_space<hbm>> -> memref<10000x128xf32, #tpu.memory_space<hbm>>
      tpu.enqueue_indirect_dma source(%dma_start3A_95 : memref<10000x128xf32, #tpu.memory_space<hbm>>) target(%arg11 : memref<128x128xf32, #tpu.memory_space<vmem>>) offsets(%dma_start3A_92 : memref<128xi32, #tpu.memory_space<vmem>>) semaphore(%arg14 : memref<!tpu.dma_semaphore, #tpu.memory_space<semaphore_mem>>)
      %run_scoped3A_96 = arith.constant 1 : i32
      "tpu.region"() ({
        %run_scoped3A_322 = tpu.sem_alloc : memref<!tpu.dma_semaphore, #tpu.memory_space<semaphore_mem>>
        %dma_start3A_323 = arith.constant 0 : i32
        %dma_start3A_324 = tpu.memref_slice %arg8[%run_scoped3A_96, %dma_start3A_323] : memref<8x128xi32, #tpu.memory_space<vmem>> -> memref<1x128xi32, #tpu.memory_space<vmem>>
        %dma_start3A_325 = tpu.memref_squeeze %dma_start3A_324 : memref<1x128xi32, #tpu.memory_space<vmem>> -> memref<128xi32, #tpu.memory_space<vmem>>
        %dma_start3A_326 = arith.constant 0 : i32
        %dma_start3A_327 = arith.constant 0 : i32
        %dma_start3A_328 = tpu.memref_slice %arg13[%dma_start3A_326, %dma_start3A_327] : memref<10240x128xf32, #tpu.memory_space<vmem_shared>> -> memref<10240x128xf32, #tpu.memory_space<vmem_shared>>
        tpu.enqueue_indirect_dma source(%arg12 : memref<128x128xf32, #tpu.memory_space<vmem>>) target(%dma_start3A_328 : memref<10240x128xf32, #tpu.memory_space<vmem_shared>>) offsets(%dma_start3A_325 : memref<128xi32, #tpu.memory_space<vmem>>) semaphore(%run_scoped3A_322 : memref<!tpu.dma_semaphore, #tpu.memory_space<semaphore_mem>>) {add = true}
        %dma_wait3A_329 = arith.constant 0 : i32
        %dma_wait3A_330 = tpu.memref_slice %arg8[%run_scoped3A_96, %dma_wait3A_329] : memref<8x128xi32, #tpu.memory_space<vmem>> -> memref<1x128xi32, #tpu.memory_space<vmem>>
        %dma_wait3A_331 = tpu.memref_squeeze %dma_wait3A_330 : memref<1x128xi32, #tpu.memory_space<vmem>> -> memref<128xi32, #tpu.memory_space<vmem>>
        %dma_wait3A_332 = arith.constant 0 : i32
        %dma_wait3A_333 = arith.constant 0 : i32
        %dma_wait3A_334 = tpu.memref_slice %arg13[%dma_wait3A_332, %dma_wait3A_333] : memref<10240x128xf32, #tpu.memory_space<vmem_shared>> -> memref<10240x128xf32, #tpu.memory_space<vmem_shared>>
        tpu.wait_indirect_dma semaphore(%run_scoped3A_322 : memref<!tpu.dma_semaphore, #tpu.memory_space<semaphore_mem>>) src(%arg12 : memref<128x128xf32, #tpu.memory_space<vmem>>) dst(%dma_wait3A_334 : memref<10240x128xf32, #tpu.memory_space<vmem_shared>>)
        tpu.yield
      }) : () -> ()
      %dma_wait3A_97 = arith.constant 2 : i32
      %dma_wait3A_98 = arith.constant 0 : i32
      %dma_wait3A_99 = tpu.memref_slice %arg7[%dma_wait3A_97, %dma_wait3A_98] : memref<8x128xi32, #tpu.memory_space<vmem>> -> memref<1x128xi32, #tpu.memory_space<vmem>>
      %dma_wait3A_100 = tpu.memref_squeeze %dma_wait3A_99 : memref<1x128xi32, #tpu.memory_space<vmem>> -> memref<128xi32, #tpu.memory_space<vmem>>
      %dma_wait3A_101 = arith.constant 0 : i32
      %dma_wait3A_102 = arith.constant 0 : i32
      %dma_wait3A_103 = tpu.memref_slice %arg2[%dma_wait3A_101, %dma_wait3A_102] : memref<10000x128xf32, #tpu.memory_space<hbm>> -> memref<10000x128xf32, #tpu.memory_space<hbm>>
      tpu.wait_indirect_dma semaphore(%arg14 : memref<!tpu.dma_semaphore, #tpu.memory_space<semaphore_mem>>) src(%dma_wait3A_103 : memref<10000x128xf32, #tpu.memory_space<hbm>>) dst(%arg11 : memref<128x128xf32, #tpu.memory_space<vmem>>)
      %dma_start3A_104 = arith.constant 3 : i32
      %dma_start3A_105 = arith.constant 0 : i32
      %dma_start3A_106 = tpu.memref_slice %arg7[%dma_start3A_104, %dma_start3A_105] : memref<8x128xi32, #tpu.memory_space<vmem>> -> memref<1x128xi32, #tpu.memory_space<vmem>>
      %dma_start3A_107 = tpu.memref_squeeze %dma_start3A_106 : memref<1x128xi32, #tpu.memory_space<vmem>> -> memref<128xi32, #tpu.memory_space<vmem>>
      %dma_start3A_108 = arith.constant 0 : i32
      %dma_start3A_109 = arith.constant 0 : i32
      %dma_start3A_110 = tpu.memref_slice %arg2[%dma_start3A_108, %dma_start3A_109] : memref<10000x128xf32, #tpu.memory_space<hbm>> -> memref<10000x128xf32, #tpu.memory_space<hbm>>
      tpu.enqueue_indirect_dma source(%dma_start3A_110 : memref<10000x128xf32, #tpu.memory_space<hbm>>) target(%arg12 : memref<128x128xf32, #tpu.memory_space<vmem>>) offsets(%dma_start3A_107 : memref<128xi32, #tpu.memory_space<vmem>>) semaphore(%arg15 : memref<!tpu.dma_semaphore, #tpu.memory_space<semaphore_mem>>)
      %run_scoped3A_111 = arith.constant 2 : i32
      "tpu.region"() ({
        %run_scoped3A_322 = tpu.sem_alloc : memref<!tpu.dma_semaphore, #tpu.memory_space<semaphore_mem>>
        %dma_start3A_323 = arith.constant 0 : i32
        %dma_start3A_324 = tpu.memref_slice %arg8[%run_scoped3A_111, %dma_start3A_323] : memref<8x128xi32, #tpu.memory_space<vmem>> -> memref<1x128xi32, #tpu.memory_space<vmem>>
        %dma_start3A_325 = tpu.memref_squeeze %dma_start3A_324 : memref<1x128xi32, #tpu.memory_space<vmem>> -> memref<128xi32, #tpu.memory_space<vmem>>
        %dma_start3A_326 = arith.constant 0 : i32
        %dma_start3A_327 = arith.constant 0 : i32
        %dma_start3A_328 = tpu.memref_slice %arg13[%dma_start3A_326, %dma_start3A_327] : memref<10240x128xf32, #tpu.memory_space<vmem_shared>> -> memref<10240x128xf32, #tpu.memory_space<vmem_shared>>
        tpu.enqueue_indirect_dma source(%arg11 : memref<128x128xf32, #tpu.memory_space<vmem>>) target(%dma_start3A_328 : memref<10240x128xf32, #tpu.memory_space<vmem_shared>>) offsets(%dma_start3A_325 : memref<128xi32, #tpu.memory_space<vmem>>) semaphore(%run_scoped3A_322 : memref<!tpu.dma_semaphore, #tpu.memory_space<semaphore_mem>>) {add = true}
        %dma_wait3A_329 = arith.constant 0 : i32
        %dma_wait3A_330 = tpu.memref_slice %arg8[%run_scoped3A_111, %dma_wait3A_329] : memref<8x128xi32, #tpu.memory_space<vmem>> -> memref<1x128xi32, #tpu.memory_space<vmem>>
        %dma_wait3A_331 = tpu.memref_squeeze %dma_wait3A_330 : memref<1x128xi32, #tpu.memory_space<vmem>> -> memref<128xi32, #tpu.memory_space<vmem>>
        %dma_wait3A_332 = arith.constant 0 : i32
        %dma_wait3A_333 = arith.constant 0 : i32
        %dma_wait3A_334 = tpu.memref_slice %arg13[%dma_wait3A_332, %dma_wait3A_333] : memref<10240x128xf32, #tpu.memory_space<vmem_shared>> -> memref<10240x128xf32, #tpu.memory_space<vmem_shared>>
        tpu.wait_indirect_dma semaphore(%run_scoped3A_322 : memref<!tpu.dma_semaphore, #tpu.memory_space<semaphore_mem>>) src(%arg11 : memref<128x128xf32, #tpu.memory_space<vmem>>) dst(%dma_wait3A_334 : memref<10240x128xf32, #tpu.memory_space<vmem_shared>>)
        tpu.yield
      }) : () -> ()
      %dma_wait3A_112 = arith.constant 3 : i32
      %dma_wait3A_113 = arith.constant 0 : i32
      %dma_wait3A_114 = tpu.memref_slice %arg7[%dma_wait3A_112, %dma_wait3A_113] : memref<8x128xi32, #tpu.memory_space<vmem>> -> memref<1x128xi32, #tpu.memory_space<vmem>>
      %dma_wait3A_115 = tpu.memref_squeeze %dma_wait3A_114 : memref<1x128xi32, #tpu.memory_space<vmem>> -> memref<128xi32, #tpu.memory_space<vmem>>
      %dma_wait3A_116 = arith.constant 0 : i32
      %dma_wait3A_117 = arith.constant 0 : i32
      %dma_wait3A_118 = tpu.memref_slice %arg2[%dma_wait3A_116, %dma_wait3A_117] : memref<10000x128xf32, #tpu.memory_space<hbm>> -> memref<10000x128xf32, #tpu.memory_space<hbm>>
      tpu.wait_indirect_dma semaphore(%arg15 : memref<!tpu.dma_semaphore, #tpu.memory_space<semaphore_mem>>) src(%dma_wait3A_118 : memref<10000x128xf32, #tpu.memory_space<hbm>>) dst(%arg12 : memref<128x128xf32, #tpu.memory_space<vmem>>)
      %dma_start3A_119 = arith.constant 4 : i32
      %dma_start3A_120 = arith.constant 0 : i32
      %dma_start3A_121 = tpu.memref_slice %arg7[%dma_start3A_119, %dma_start3A_120] : memref<8x128xi32, #tpu.memory_space<vmem>> -> memref<1x128xi32, #tpu.memory_space<vmem>>
      %dma_start3A_122 = tpu.memref_squeeze %dma_start3A_121 : memref<1x128xi32, #tpu.memory_space<vmem>> -> memref<128xi32, #tpu.memory_space<vmem>>
      %dma_start3A_123 = arith.constant 0 : i32
      %dma_start3A_124 = arith.constant 0 : i32
      %dma_start3A_125 = tpu.memref_slice %arg2[%dma_start3A_123, %dma_start3A_124] : memref<10000x128xf32, #tpu.memory_space<hbm>> -> memref<10000x128xf32, #tpu.memory_space<hbm>>
      tpu.enqueue_indirect_dma source(%dma_start3A_125 : memref<10000x128xf32, #tpu.memory_space<hbm>>) target(%arg11 : memref<128x128xf32, #tpu.memory_space<vmem>>) offsets(%dma_start3A_122 : memref<128xi32, #tpu.memory_space<vmem>>) semaphore(%arg14 : memref<!tpu.dma_semaphore, #tpu.memory_space<semaphore_mem>>)
      %run_scoped3A_126 = arith.constant 3 : i32
      "tpu.region"() ({
        %run_scoped3A_322 = tpu.sem_alloc : memref<!tpu.dma_semaphore, #tpu.memory_space<semaphore_mem>>
        %dma_start3A_323 = arith.constant 0 : i32
        %dma_start3A_324 = tpu.memref_slice %arg8[%run_scoped3A_126, %dma_start3A_323] : memref<8x128xi32, #tpu.memory_space<vmem>> -> memref<1x128xi32, #tpu.memory_space<vmem>>
        %dma_start3A_325 = tpu.memref_squeeze %dma_start3A_324 : memref<1x128xi32, #tpu.memory_space<vmem>> -> memref<128xi32, #tpu.memory_space<vmem>>
        %dma_start3A_326 = arith.constant 0 : i32
        %dma_start3A_327 = arith.constant 0 : i32
        %dma_start3A_328 = tpu.memref_slice %arg13[%dma_start3A_326, %dma_start3A_327] : memref<10240x128xf32, #tpu.memory_space<vmem_shared>> -> memref<10240x128xf32, #tpu.memory_space<vmem_shared>>
        tpu.enqueue_indirect_dma source(%arg12 : memref<128x128xf32, #tpu.memory_space<vmem>>) target(%dma_start3A_328 : memref<10240x128xf32, #tpu.memory_space<vmem_shared>>) offsets(%dma_start3A_325 : memref<128xi32, #tpu.memory_space<vmem>>) semaphore(%run_scoped3A_322 : memref<!tpu.dma_semaphore, #tpu.memory_space<semaphore_mem>>) {add = true}
        %dma_wait3A_329 = arith.constant 0 : i32
        %dma_wait3A_330 = tpu.memref_slice %arg8[%run_scoped3A_126, %dma_wait3A_329] : memref<8x128xi32, #tpu.memory_space<vmem>> -> memref<1x128xi32, #tpu.memory_space<vmem>>
        %dma_wait3A_331 = tpu.memref_squeeze %dma_wait3A_330 : memref<1x128xi32, #tpu.memory_space<vmem>> -> memref<128xi32, #tpu.memory_space<vmem>>
        %dma_wait3A_332 = arith.constant 0 : i32
        %dma_wait3A_333 = arith.constant 0 : i32
        %dma_wait3A_334 = tpu.memref_slice %arg13[%dma_wait3A_332, %dma_wait3A_333] : memref<10240x128xf32, #tpu.memory_space<vmem_shared>> -> memref<10240x128xf32, #tpu.memory_space<vmem_shared>>
        tpu.wait_indirect_dma semaphore(%run_scoped3A_322 : memref<!tpu.dma_semaphore, #tpu.memory_space<semaphore_mem>>) src(%arg12 : memref<128x128xf32, #tpu.memory_space<vmem>>) dst(%dma_wait3A_334 : memref<10240x128xf32, #tpu.memory_space<vmem_shared>>)
        tpu.yield
      }) : () -> ()
      %dma_wait3A_127 = arith.constant 4 : i32
      %dma_wait3A_128 = arith.constant 0 : i32
      %dma_wait3A_129 = tpu.memref_slice %arg7[%dma_wait3A_127, %dma_wait3A_128] : memref<8x128xi32, #tpu.memory_space<vmem>> -> memref<1x128xi32, #tpu.memory_space<vmem>>
      %dma_wait3A_130 = tpu.memref_squeeze %dma_wait3A_129 : memref<1x128xi32, #tpu.memory_space<vmem>> -> memref<128xi32, #tpu.memory_space<vmem>>
      %dma_wait3A_131 = arith.constant 0 : i32
      %dma_wait3A_132 = arith.constant 0 : i32
      %dma_wait3A_133 = tpu.memref_slice %arg2[%dma_wait3A_131, %dma_wait3A_132] : memref<10000x128xf32, #tpu.memory_space<hbm>> -> memref<10000x128xf32, #tpu.memory_space<hbm>>
      tpu.wait_indirect_dma semaphore(%arg14 : memref<!tpu.dma_semaphore, #tpu.memory_space<semaphore_mem>>) src(%dma_wait3A_133 : memref<10000x128xf32, #tpu.memory_space<hbm>>) dst(%arg11 : memref<128x128xf32, #tpu.memory_space<vmem>>)
      %dma_start3A_134 = arith.constant 5 : i32
      %dma_start3A_135 = arith.constant 0 : i32
      %dma_start3A_136 = tpu.memref_slice %arg7[%dma_start3A_134, %dma_start3A_135] : memref<8x128xi32, #tpu.memory_space<vmem>> -> memref<1x128xi32, #tpu.memory_space<vmem>>
      %dma_start3A_137 = tpu.memref_squeeze %dma_start3A_136 : memref<1x128xi32, #tpu.memory_space<vmem>> -> memref<128xi32, #tpu.memory_space<vmem>>
      %dma_start3A_138 = arith.constant 0 : i32
      %dma_start3A_139 = arith.constant 0 : i32
      %dma_start3A_140 = tpu.memref_slice %arg2[%dma_start3A_138, %dma_start3A_139] : memref<10000x128xf32, #tpu.memory_space<hbm>> -> memref<10000x128xf32, #tpu.memory_space<hbm>>
      tpu.enqueue_indirect_dma source(%dma_start3A_140 : memref<10000x128xf32, #tpu.memory_space<hbm>>) target(%arg12 : memref<128x128xf32, #tpu.memory_space<vmem>>) offsets(%dma_start3A_137 : memref<128xi32, #tpu.memory_space<vmem>>) semaphore(%arg15 : memref<!tpu.dma_semaphore, #tpu.memory_space<semaphore_mem>>)
      %run_scoped3A_141 = arith.constant 4 : i32
      "tpu.region"() ({
        %run_scoped3A_322 = tpu.sem_alloc : memref<!tpu.dma_semaphore, #tpu.memory_space<semaphore_mem>>
        %dma_start3A_323 = arith.constant 0 : i32
        %dma_start3A_324 = tpu.memref_slice %arg8[%run_scoped3A_141, %dma_start3A_323] : memref<8x128xi32, #tpu.memory_space<vmem>> -> memref<1x128xi32, #tpu.memory_space<vmem>>
        %dma_start3A_325 = tpu.memref_squeeze %dma_start3A_324 : memref<1x128xi32, #tpu.memory_space<vmem>> -> memref<128xi32, #tpu.memory_space<vmem>>
        %dma_start3A_326 = arith.constant 0 : i32
        %dma_start3A_327 = arith.constant 0 : i32
        %dma_start3A_328 = tpu.memref_slice %arg13[%dma_start3A_326, %dma_start3A_327] : memref<10240x128xf32, #tpu.memory_space<vmem_shared>> -> memref<10240x128xf32, #tpu.memory_space<vmem_shared>>
        tpu.enqueue_indirect_dma source(%arg11 : memref<128x128xf32, #tpu.memory_space<vmem>>) target(%dma_start3A_328 : memref<10240x128xf32, #tpu.memory_space<vmem_shared>>) offsets(%dma_start3A_325 : memref<128xi32, #tpu.memory_space<vmem>>) semaphore(%run_scoped3A_322 : memref<!tpu.dma_semaphore, #tpu.memory_space<semaphore_mem>>) {add = true}
        %dma_wait3A_329 = arith.constant 0 : i32
        %dma_wait3A_330 = tpu.memref_slice %arg8[%run_scoped3A_141, %dma_wait3A_329] : memref<8x128xi32, #tpu.memory_space<vmem>> -> memref<1x128xi32, #tpu.memory_space<vmem>>
        %dma_wait3A_331 = tpu.memref_squeeze %dma_wait3A_330 : memref<1x128xi32, #tpu.memory_space<vmem>> -> memref<128xi32, #tpu.memory_space<vmem>>
        %dma_wait3A_332 = arith.constant 0 : i32
        %dma_wait3A_333 = arith.constant 0 : i32
        %dma_wait3A_334 = tpu.memref_slice %arg13[%dma_wait3A_332, %dma_wait3A_333] : memref<10240x128xf32, #tpu.memory_space<vmem_shared>> -> memref<10240x128xf32, #tpu.memory_space<vmem_shared>>
        tpu.wait_indirect_dma semaphore(%run_scoped3A_322 : memref<!tpu.dma_semaphore, #tpu.memory_space<semaphore_mem>>) src(%arg11 : memref<128x128xf32, #tpu.memory_space<vmem>>) dst(%dma_wait3A_334 : memref<10240x128xf32, #tpu.memory_space<vmem_shared>>)
        tpu.yield
      }) : () -> ()
      %dma_wait3A_142 = arith.constant 5 : i32
      %dma_wait3A_143 = arith.constant 0 : i32
      %dma_wait3A_144 = tpu.memref_slice %arg7[%dma_wait3A_142, %dma_wait3A_143] : memref<8x128xi32, #tpu.memory_space<vmem>> -> memref<1x128xi32, #tpu.memory_space<vmem>>
      %dma_wait3A_145 = tpu.memref_squeeze %dma_wait3A_144 : memref<1x128xi32, #tpu.memory_space<vmem>> -> memref<128xi32, #tpu.memory_space<vmem>>
      %dma_wait3A_146 = arith.constant 0 : i32
      %dma_wait3A_147 = arith.constant 0 : i32
      %dma_wait3A_148 = tpu.memref_slice %arg2[%dma_wait3A_146, %dma_wait3A_147] : memref<10000x128xf32, #tpu.memory_space<hbm>> -> memref<10000x128xf32, #tpu.memory_space<hbm>>
      tpu.wait_indirect_dma semaphore(%arg15 : memref<!tpu.dma_semaphore, #tpu.memory_space<semaphore_mem>>) src(%dma_wait3A_148 : memref<10000x128xf32, #tpu.memory_space<hbm>>) dst(%arg12 : memref<128x128xf32, #tpu.memory_space<vmem>>)
      %dma_start3A_149 = arith.constant 6 : i32
      %dma_start3A_150 = arith.constant 0 : i32
      %dma_start3A_151 = tpu.memref_slice %arg7[%dma_start3A_149, %dma_start3A_150] : memref<8x128xi32, #tpu.memory_space<vmem>> -> memref<1x128xi32, #tpu.memory_space<vmem>>
      %dma_start3A_152 = tpu.memref_squeeze %dma_start3A_151 : memref<1x128xi32, #tpu.memory_space<vmem>> -> memref<128xi32, #tpu.memory_space<vmem>>
      %dma_start3A_153 = arith.constant 0 : i32
      %dma_start3A_154 = arith.constant 0 : i32
      %dma_start3A_155 = tpu.memref_slice %arg2[%dma_start3A_153, %dma_start3A_154] : memref<10000x128xf32, #tpu.memory_space<hbm>> -> memref<10000x128xf32, #tpu.memory_space<hbm>>
      tpu.enqueue_indirect_dma source(%dma_start3A_155 : memref<10000x128xf32, #tpu.memory_space<hbm>>) target(%arg11 : memref<128x128xf32, #tpu.memory_space<vmem>>) offsets(%dma_start3A_152 : memref<128xi32, #tpu.memory_space<vmem>>) semaphore(%arg14 : memref<!tpu.dma_semaphore, #tpu.memory_space<semaphore_mem>>)
      %run_scoped3A_156 = arith.constant 5 : i32
      "tpu.region"() ({
        %run_scoped3A_322 = tpu.sem_alloc : memref<!tpu.dma_semaphore, #tpu.memory_space<semaphore_mem>>
        %dma_start3A_323 = arith.constant 0 : i32
        %dma_start3A_324 = tpu.memref_slice %arg8[%run_scoped3A_156, %dma_start3A_323] : memref<8x128xi32, #tpu.memory_space<vmem>> -> memref<1x128xi32, #tpu.memory_space<vmem>>
        %dma_start3A_325 = tpu.memref_squeeze %dma_start3A_324 : memref<1x128xi32, #tpu.memory_space<vmem>> -> memref<128xi32, #tpu.memory_space<vmem>>
        %dma_start3A_326 = arith.constant 0 : i32
        %dma_start3A_327 = arith.constant 0 : i32
        %dma_start3A_328 = tpu.memref_slice %arg13[%dma_start3A_326, %dma_start3A_327] : memref<10240x128xf32, #tpu.memory_space<vmem_shared>> -> memref<10240x128xf32, #tpu.memory_space<vmem_shared>>
        tpu.enqueue_indirect_dma source(%arg12 : memref<128x128xf32, #tpu.memory_space<vmem>>) target(%dma_start3A_328 : memref<10240x128xf32, #tpu.memory_space<vmem_shared>>) offsets(%dma_start3A_325 : memref<128xi32, #tpu.memory_space<vmem>>) semaphore(%run_scoped3A_322 : memref<!tpu.dma_semaphore, #tpu.memory_space<semaphore_mem>>) {add = true}
        %dma_wait3A_329 = arith.constant 0 : i32
        %dma_wait3A_330 = tpu.memref_slice %arg8[%run_scoped3A_156, %dma_wait3A_329] : memref<8x128xi32, #tpu.memory_space<vmem>> -> memref<1x128xi32, #tpu.memory_space<vmem>>
        %dma_wait3A_331 = tpu.memref_squeeze %dma_wait3A_330 : memref<1x128xi32, #tpu.memory_space<vmem>> -> memref<128xi32, #tpu.memory_space<vmem>>
        %dma_wait3A_332 = arith.constant 0 : i32
        %dma_wait3A_333 = arith.constant 0 : i32
        %dma_wait3A_334 = tpu.memref_slice %arg13[%dma_wait3A_332, %dma_wait3A_333] : memref<10240x128xf32, #tpu.memory_space<vmem_shared>> -> memref<10240x128xf32, #tpu.memory_space<vmem_shared>>
        tpu.wait_indirect_dma semaphore(%run_scoped3A_322 : memref<!tpu.dma_semaphore, #tpu.memory_space<semaphore_mem>>) src(%arg12 : memref<128x128xf32, #tpu.memory_space<vmem>>) dst(%dma_wait3A_334 : memref<10240x128xf32, #tpu.memory_space<vmem_shared>>)
        tpu.yield
      }) : () -> ()
      %dma_wait3A_157 = arith.constant 6 : i32
      %dma_wait3A_158 = arith.constant 0 : i32
      %dma_wait3A_159 = tpu.memref_slice %arg7[%dma_wait3A_157, %dma_wait3A_158] : memref<8x128xi32, #tpu.memory_space<vmem>> -> memref<1x128xi32, #tpu.memory_space<vmem>>
      %dma_wait3A_160 = tpu.memref_squeeze %dma_wait3A_159 : memref<1x128xi32, #tpu.memory_space<vmem>> -> memref<128xi32, #tpu.memory_space<vmem>>
      %dma_wait3A_161 = arith.constant 0 : i32
      %dma_wait3A_162 = arith.constant 0 : i32
      %dma_wait3A_163 = tpu.memref_slice %arg2[%dma_wait3A_161, %dma_wait3A_162] : memref<10000x128xf32, #tpu.memory_space<hbm>> -> memref<10000x128xf32, #tpu.memory_space<hbm>>
      tpu.wait_indirect_dma semaphore(%arg14 : memref<!tpu.dma_semaphore, #tpu.memory_space<semaphore_mem>>) src(%dma_wait3A_163 : memref<10000x128xf32, #tpu.memory_space<hbm>>) dst(%arg11 : memref<128x128xf32, #tpu.memory_space<vmem>>)
      %dma_start3A_164 = arith.constant 7 : i32
      %dma_start3A_165 = arith.constant 0 : i32
      %dma_start3A_166 = tpu.memref_slice %arg7[%dma_start3A_164, %dma_start3A_165] : memref<8x128xi32, #tpu.memory_space<vmem>> -> memref<1x128xi32, #tpu.memory_space<vmem>>
      %dma_start3A_167 = tpu.memref_squeeze %dma_start3A_166 : memref<1x128xi32, #tpu.memory_space<vmem>> -> memref<128xi32, #tpu.memory_space<vmem>>
      %dma_start3A_168 = arith.constant 0 : i32
      %dma_start3A_169 = arith.constant 0 : i32
      %dma_start3A_170 = tpu.memref_slice %arg2[%dma_start3A_168, %dma_start3A_169] : memref<10000x128xf32, #tpu.memory_space<hbm>> -> memref<10000x128xf32, #tpu.memory_space<hbm>>
      tpu.enqueue_indirect_dma source(%dma_start3A_170 : memref<10000x128xf32, #tpu.memory_space<hbm>>) target(%arg12 : memref<128x128xf32, #tpu.memory_space<vmem>>) offsets(%dma_start3A_167 : memref<128xi32, #tpu.memory_space<vmem>>) semaphore(%arg15 : memref<!tpu.dma_semaphore, #tpu.memory_space<semaphore_mem>>)
      %run_scoped3A_171 = arith.constant 6 : i32
      "tpu.region"() ({
        %run_scoped3A_322 = tpu.sem_alloc : memref<!tpu.dma_semaphore, #tpu.memory_space<semaphore_mem>>
        %dma_start3A_323 = arith.constant 0 : i32
        %dma_start3A_324 = tpu.memref_slice %arg8[%run_scoped3A_171, %dma_start3A_323] : memref<8x128xi32, #tpu.memory_space<vmem>> -> memref<1x128xi32, #tpu.memory_space<vmem>>
        %dma_start3A_325 = tpu.memref_squeeze %dma_start3A_324 : memref<1x128xi32, #tpu.memory_space<vmem>> -> memref<128xi32, #tpu.memory_space<vmem>>
        %dma_start3A_326 = arith.constant 0 : i32
        %dma_start3A_327 = arith.constant 0 : i32
        %dma_start3A_328 = tpu.memref_slice %arg13[%dma_start3A_326, %dma_start3A_327] : memref<10240x128xf32, #tpu.memory_space<vmem_shared>> -> memref<10240x128xf32, #tpu.memory_space<vmem_shared>>
        tpu.enqueue_indirect_dma source(%arg11 : memref<128x128xf32, #tpu.memory_space<vmem>>) target(%dma_start3A_328 : memref<10240x128xf32, #tpu.memory_space<vmem_shared>>) offsets(%dma_start3A_325 : memref<128xi32, #tpu.memory_space<vmem>>) semaphore(%run_scoped3A_322 : memref<!tpu.dma_semaphore, #tpu.memory_space<semaphore_mem>>) {add = true}
        %dma_wait3A_329 = arith.constant 0 : i32
        %dma_wait3A_330 = tpu.memref_slice %arg8[%run_scoped3A_171, %dma_wait3A_329] : memref<8x128xi32, #tpu.memory_space<vmem>> -> memref<1x128xi32, #tpu.memory_space<vmem>>
        %dma_wait3A_331 = tpu.memref_squeeze %dma_wait3A_330 : memref<1x128xi32, #tpu.memory_space<vmem>> -> memref<128xi32, #tpu.memory_space<vmem>>
        %dma_wait3A_332 = arith.constant 0 : i32
        %dma_wait3A_333 = arith.constant 0 : i32
        %dma_wait3A_334 = tpu.memref_slice %arg13[%dma_wait3A_332, %dma_wait3A_333] : memref<10240x128xf32, #tpu.memory_space<vmem_shared>> -> memref<10240x128xf32, #tpu.memory_space<vmem_shared>>
        tpu.wait_indirect_dma semaphore(%run_scoped3A_322 : memref<!tpu.dma_semaphore, #tpu.memory_space<semaphore_mem>>) src(%arg11 : memref<128x128xf32, #tpu.memory_space<vmem>>) dst(%dma_wait3A_334 : memref<10240x128xf32, #tpu.memory_space<vmem_shared>>)
        tpu.yield
      }) : () -> ()
      %dma_wait3A_172 = arith.constant 7 : i32
      %dma_wait3A_173 = arith.constant 0 : i32
      %dma_wait3A_174 = tpu.memref_slice %arg7[%dma_wait3A_172, %dma_wait3A_173] : memref<8x128xi32, #tpu.memory_space<vmem>> -> memref<1x128xi32, #tpu.memory_space<vmem>>
      %dma_wait3A_175 = tpu.memref_squeeze %dma_wait3A_174 : memref<1x128xi32, #tpu.memory_space<vmem>> -> memref<128xi32, #tpu.memory_space<vmem>>
      %dma_wait3A_176 = arith.constant 0 : i32
      %dma_wait3A_177 = arith.constant 0 : i32
      %dma_wait3A_178 = tpu.memref_slice %arg2[%dma_wait3A_176, %dma_wait3A_177] : memref<10000x128xf32, #tpu.memory_space<hbm>> -> memref<10000x128xf32, #tpu.memory_space<hbm>>
      tpu.wait_indirect_dma semaphore(%arg15 : memref<!tpu.dma_semaphore, #tpu.memory_space<semaphore_mem>>) src(%dma_wait3A_178 : memref<10000x128xf32, #tpu.memory_space<hbm>>) dst(%arg12 : memref<128x128xf32, #tpu.memory_space<vmem>>)
      %run_scoped3A_179 = arith.constant 7 : i32
      "tpu.region"() ({
        %run_scoped3A_322 = tpu.sem_alloc : memref<!tpu.dma_semaphore, #tpu.memory_space<semaphore_mem>>
        %dma_start3A_323 = arith.constant 0 : i32
        %dma_start3A_324 = tpu.memref_slice %arg8[%run_scoped3A_179, %dma_start3A_323] : memref<8x128xi32, #tpu.memory_space<vmem>> -> memref<1x128xi32, #tpu.memory_space<vmem>>
        %dma_start3A_325 = tpu.memref_squeeze %dma_start3A_324 : memref<1x128xi32, #tpu.memory_space<vmem>> -> memref<128xi32, #tpu.memory_space<vmem>>
        %dma_start3A_326 = arith.constant 0 : i32
        %dma_start3A_327 = arith.constant 0 : i32
        %dma_start3A_328 = tpu.memref_slice %arg13[%dma_start3A_326, %dma_start3A_327] : memref<10240x128xf32, #tpu.memory_space<vmem_shared>> -> memref<10240x128xf32, #tpu.memory_space<vmem_shared>>
        tpu.enqueue_indirect_dma source(%arg12 : memref<128x128xf32, #tpu.memory_space<vmem>>) target(%dma_start3A_328 : memref<10240x128xf32, #tpu.memory_space<vmem_shared>>) offsets(%dma_start3A_325 : memref<128xi32, #tpu.memory_space<vmem>>) semaphore(%run_scoped3A_322 : memref<!tpu.dma_semaphore, #tpu.memory_space<semaphore_mem>>) {add = true}
        %dma_wait3A_329 = arith.constant 0 : i32
        %dma_wait3A_330 = tpu.memref_slice %arg8[%run_scoped3A_179, %dma_wait3A_329] : memref<8x128xi32, #tpu.memory_space<vmem>> -> memref<1x128xi32, #tpu.memory_space<vmem>>
        %dma_wait3A_331 = tpu.memref_squeeze %dma_wait3A_330 : memref<1x128xi32, #tpu.memory_space<vmem>> -> memref<128xi32, #tpu.memory_space<vmem>>
        %dma_wait3A_332 = arith.constant 0 : i32
        %dma_wait3A_333 = arith.constant 0 : i32
        %dma_wait3A_334 = tpu.memref_slice %arg13[%dma_wait3A_332, %dma_wait3A_333] : memref<10240x128xf32, #tpu.memory_space<vmem_shared>> -> memref<10240x128xf32, #tpu.memory_space<vmem_shared>>
        tpu.wait_indirect_dma semaphore(%run_scoped3A_322 : memref<!tpu.dma_semaphore, #tpu.memory_space<semaphore_mem>>) src(%arg12 : memref<128x128xf32, #tpu.memory_space<vmem>>) dst(%dma_wait3A_334 : memref<10240x128xf32, #tpu.memory_space<vmem_shared>>)
        tpu.yield
      }) : () -> ()
      %add3A_180 = arith.constant 1 : i32
      %add3A_181 = arith.addi %mul3A_27, %add3A_180 : i32
      %dma_wait3A_182 = arith.constant 0 : i32
      %dma_wait3A_183 = arith.constant 0 : i32
      %dma_wait3A_184 = tpu.memref_slice %arg3[%add3A, %add3A_181, %dma_wait3A_182, %dma_wait3A_183] : memref<32x10x8x128xi32, #tpu.memory_space<hbm>> -> memref<1x1x8x128xi32, #tpu.memory_space<hbm>>
      %dma_wait3A_185 = tpu.memref_squeeze %dma_wait3A_184 : memref<1x1x8x128xi32, #tpu.memory_space<hbm>> -> memref<8x128xi32, #tpu.memory_space<hbm>>
      %dma_wait3A_186 = arith.constant 0 : i32
      %dma_wait3A_187 = arith.constant 0 : i32
      %dma_wait3A_188 = tpu.memref_slice %arg3[%add3A, %add3A_181, %dma_wait3A_186, %dma_wait3A_187] : memref<32x10x8x128xi32, #tpu.memory_space<hbm>> -> memref<1x1x8x128xi32, #tpu.memory_space<hbm>>
      %dma_wait3A_189 = tpu.memref_squeeze %dma_wait3A_188 : memref<1x1x8x128xi32, #tpu.memory_space<hbm>> -> memref<8x128xi32, #tpu.memory_space<hbm>>
      tpu.wait_dma2 semaphore(%arg16 : memref<!tpu.dma_semaphore, #tpu.memory_space<semaphore_mem>>) src(%dma_wait3A_189 : memref<8x128xi32, #tpu.memory_space<hbm>>) dst(%arg9 : memref<8x128xi32, #tpu.memory_space<vmem>>)
      %dma_wait3A_190 = arith.constant 0 : i32
      %dma_wait3A_191 = arith.constant 0 : i32
      %dma_wait3A_192 = tpu.memref_slice %arg4[%add3A, %add3A_181, %dma_wait3A_190, %dma_wait3A_191] : memref<32x10x8x128xi32, #tpu.memory_space<hbm>> -> memref<1x1x8x128xi32, #tpu.memory_space<hbm>>
      %dma_wait3A_193 = tpu.memref_squeeze %dma_wait3A_192 : memref<1x1x8x128xi32, #tpu.memory_space<hbm>> -> memref<8x128xi32, #tpu.memory_space<hbm>>
      %dma_wait3A_194 = arith.constant 0 : i32
      %dma_wait3A_195 = arith.constant 0 : i32
      %dma_wait3A_196 = tpu.memref_slice %arg4[%add3A, %add3A_181, %dma_wait3A_194, %dma_wait3A_195] : memref<32x10x8x128xi32, #tpu.memory_space<hbm>> -> memref<1x1x8x128xi32, #tpu.memory_space<hbm>>
      %dma_wait3A_197 = tpu.memref_squeeze %dma_wait3A_196 : memref<1x1x8x128xi32, #tpu.memory_space<hbm>> -> memref<8x128xi32, #tpu.memory_space<hbm>>
      tpu.wait_dma2 semaphore(%arg16 : memref<!tpu.dma_semaphore, #tpu.memory_space<semaphore_mem>>) src(%dma_wait3A_197 : memref<8x128xi32, #tpu.memory_space<hbm>>) dst(%arg10 : memref<8x128xi32, #tpu.memory_space<vmem>>)
      %add3A_198 = arith.constant 1 : i32
      %add3A_199 = arith.addi %scan3A_25, %add3A_198 : i32
      %lt3A = arith.constant 5 : i32
      %lt3A_200 = arith.cmpi slt, %add3A_199, %lt3A : i32
      %convert_element_type3A = arith.extui %lt3A_200 : i1 to i32
      %cond3A = arith.constant 0 : i32
      %cond3A_201 = arith.cmpi ne, %convert_element_type3A, %cond3A : i32
      scf.if %cond3A_201 {
        %add3A_322 = arith.constant 2 : i32
        %add3A_323 = arith.addi %mul3A_27, %add3A_322 : i32
        %dma_start3A_324 = arith.constant 0 : i32
        %dma_start3A_325 = arith.constant 0 : i32
        %dma_start3A_326 = tpu.memref_slice %arg3[%add3A, %add3A_323, %dma_start3A_324, %dma_start3A_325] : memref<32x10x8x128xi32, #tpu.memory_space<hbm>> -> memref<1x1x8x128xi32, #tpu.memory_space<hbm>>
        %dma_start3A_327 = tpu.memref_squeeze %dma_start3A_326 : memref<1x1x8x128xi32, #tpu.memory_space<hbm>> -> memref<8x128xi32, #tpu.memory_space<hbm>>
        %dma_start3A_328 = arith.constant 0 : i32
        %dma_start3A_329 = arith.constant 0 : i32
        %dma_start3A_330 = tpu.memref_slice %arg3[%add3A, %add3A_323, %dma_start3A_328, %dma_start3A_329] : memref<32x10x8x128xi32, #tpu.memory_space<hbm>> -> memref<1x1x8x128xi32, #tpu.memory_space<hbm>>
        %dma_start3A_331 = tpu.memref_squeeze %dma_start3A_330 : memref<1x1x8x128xi32, #tpu.memory_space<hbm>> -> memref<8x128xi32, #tpu.memory_space<hbm>>
        tpu.enqueue_dma source(%dma_start3A_331 : memref<8x128xi32, #tpu.memory_space<hbm>>) target(%arg7 : memref<8x128xi32, #tpu.memory_space<vmem>>) target_semaphore(%arg16 : memref<!tpu.dma_semaphore, #tpu.memory_space<semaphore_mem>>)
        %dma_start3A_332 = arith.constant 0 : i32
        %dma_start3A_333 = arith.constant 0 : i32
        %dma_start3A_334 = tpu.memref_slice %arg4[%add3A, %add3A_323, %dma_start3A_332, %dma_start3A_333] : memref<32x10x8x128xi32, #tpu.memory_space<hbm>> -> memref<1x1x8x128xi32, #tpu.memory_space<hbm>>
        %dma_start3A_335 = tpu.memref_squeeze %dma_start3A_334 : memref<1x1x8x128xi32, #tpu.memory_space<hbm>> -> memref<8x128xi32, #tpu.memory_space<hbm>>
        %dma_start3A_336 = arith.constant 0 : i32
        %dma_start3A_337 = arith.constant 0 : i32
        %dma_start3A_338 = tpu.memref_slice %arg4[%add3A, %add3A_323, %dma_start3A_336, %dma_start3A_337] : memref<32x10x8x128xi32, #tpu.memory_space<hbm>> -> memref<1x1x8x128xi32, #tpu.memory_space<hbm>>
        %dma_start3A_339 = tpu.memref_squeeze %dma_start3A_338 : memref<1x1x8x128xi32, #tpu.memory_space<hbm>> -> memref<8x128xi32, #tpu.memory_space<hbm>>
        tpu.enqueue_dma source(%dma_start3A_339 : memref<8x128xi32, #tpu.memory_space<hbm>>) target(%arg8 : memref<8x128xi32, #tpu.memory_space<vmem>>) target_semaphore(%arg16 : memref<!tpu.dma_semaphore, #tpu.memory_space<semaphore_mem>>)
      } else {
      }
      %dma_start3A_202 = arith.constant 0 : i32
      %dma_start3A_203 = arith.constant 0 : i32
      %dma_start3A_204 = tpu.memref_slice %arg9[%dma_start3A_202, %dma_start3A_203] : memref<8x128xi32, #tpu.memory_space<vmem>> -> memref<1x128xi32, #tpu.memory_space<vmem>>
      %dma_start3A_205 = tpu.memref_squeeze %dma_start3A_204 : memref<1x128xi32, #tpu.memory_space<vmem>> -> memref<128xi32, #tpu.memory_space<vmem>>
      %dma_start3A_206 = arith.constant 0 : i32
      %dma_start3A_207 = arith.constant 0 : i32
      %dma_start3A_208 = tpu.memref_slice %arg2[%dma_start3A_206, %dma_start3A_207] : memref<10000x128xf32, #tpu.memory_space<hbm>> -> memref<10000x128xf32, #tpu.memory_space<hbm>>
      tpu.enqueue_indirect_dma source(%dma_start3A_208 : memref<10000x128xf32, #tpu.memory_space<hbm>>) target(%arg11 : memref<128x128xf32, #tpu.memory_space<vmem>>) offsets(%dma_start3A_205 : memref<128xi32, #tpu.memory_space<vmem>>) semaphore(%arg14 : memref<!tpu.dma_semaphore, #tpu.memory_space<semaphore_mem>>)
      %dma_wait3A_209 = arith.constant 0 : i32
      %dma_wait3A_210 = arith.constant 0 : i32
      %dma_wait3A_211 = tpu.memref_slice %arg9[%dma_wait3A_209, %dma_wait3A_210] : memref<8x128xi32, #tpu.memory_space<vmem>> -> memref<1x128xi32, #tpu.memory_space<vmem>>
      %dma_wait3A_212 = tpu.memref_squeeze %dma_wait3A_211 : memref<1x128xi32, #tpu.memory_space<vmem>> -> memref<128xi32, #tpu.memory_space<vmem>>
      %dma_wait3A_213 = arith.constant 0 : i32
      %dma_wait3A_214 = arith.constant 0 : i32
      %dma_wait3A_215 = tpu.memref_slice %arg2[%dma_wait3A_213, %dma_wait3A_214] : memref<10000x128xf32, #tpu.memory_space<hbm>> -> memref<10000x128xf32, #tpu.memory_space<hbm>>
      tpu.wait_indirect_dma semaphore(%arg14 : memref<!tpu.dma_semaphore, #tpu.memory_space<semaphore_mem>>) src(%dma_wait3A_215 : memref<10000x128xf32, #tpu.memory_space<hbm>>) dst(%arg11 : memref<128x128xf32, #tpu.memory_space<vmem>>)
      %dma_start3A_216 = arith.constant 1 : i32
      %dma_start3A_217 = arith.constant 0 : i32
      %dma_start3A_218 = tpu.memref_slice %arg9[%dma_start3A_216, %dma_start3A_217] : memref<8x128xi32, #tpu.memory_space<vmem>> -> memref<1x128xi32, #tpu.memory_space<vmem>>
      %dma_start3A_219 = tpu.memref_squeeze %dma_start3A_218 : memref<1x128xi32, #tpu.memory_space<vmem>> -> memref<128xi32, #tpu.memory_space<vmem>>
      %dma_start3A_220 = arith.constant 0 : i32
      %dma_start3A_221 = arith.constant 0 : i32
      %dma_start3A_222 = tpu.memref_slice %arg2[%dma_start3A_220, %dma_start3A_221] : memref<10000x128xf32, #tpu.memory_space<hbm>> -> memref<10000x128xf32, #tpu.memory_space<hbm>>
      tpu.enqueue_indirect_dma source(%dma_start3A_222 : memref<10000x128xf32, #tpu.memory_space<hbm>>) target(%arg12 : memref<128x128xf32, #tpu.memory_space<vmem>>) offsets(%dma_start3A_219 : memref<128xi32, #tpu.memory_space<vmem>>) semaphore(%arg15 : memref<!tpu.dma_semaphore, #tpu.memory_space<semaphore_mem>>)
      %run_scoped3A_223 = arith.constant 0 : i32
      "tpu.region"() ({
        %run_scoped3A_322 = tpu.sem_alloc : memref<!tpu.dma_semaphore, #tpu.memory_space<semaphore_mem>>
        %dma_start3A_323 = arith.constant 0 : i32
        %dma_start3A_324 = tpu.memref_slice %arg10[%run_scoped3A_223, %dma_start3A_323] : memref<8x128xi32, #tpu.memory_space<vmem>> -> memref<1x128xi32, #tpu.memory_space<vmem>>
        %dma_start3A_325 = tpu.memref_squeeze %dma_start3A_324 : memref<1x128xi32, #tpu.memory_space<vmem>> -> memref<128xi32, #tpu.memory_space<vmem>>
        %dma_start3A_326 = arith.constant 0 : i32
        %dma_start3A_327 = arith.constant 0 : i32
        %dma_start3A_328 = tpu.memref_slice %arg13[%dma_start3A_326, %dma_start3A_327] : memref<10240x128xf32, #tpu.memory_space<vmem_shared>> -> memref<10240x128xf32, #tpu.memory_space<vmem_shared>>
        tpu.enqueue_indirect_dma source(%arg11 : memref<128x128xf32, #tpu.memory_space<vmem>>) target(%dma_start3A_328 : memref<10240x128xf32, #tpu.memory_space<vmem_shared>>) offsets(%dma_start3A_325 : memref<128xi32, #tpu.memory_space<vmem>>) semaphore(%run_scoped3A_322 : memref<!tpu.dma_semaphore, #tpu.memory_space<semaphore_mem>>) {add = true}
        %dma_wait3A_329 = arith.constant 0 : i32
        %dma_wait3A_330 = tpu.memref_slice %arg10[%run_scoped3A_223, %dma_wait3A_329] : memref<8x128xi32, #tpu.memory_space<vmem>> -> memref<1x128xi32, #tpu.memory_space<vmem>>
        %dma_wait3A_331 = tpu.memref_squeeze %dma_wait3A_330 : memref<1x128xi32, #tpu.memory_space<vmem>> -> memref<128xi32, #tpu.memory_space<vmem>>
        %dma_wait3A_332 = arith.constant 0 : i32
        %dma_wait3A_333 = arith.constant 0 : i32
        %dma_wait3A_334 = tpu.memref_slice %arg13[%dma_wait3A_332, %dma_wait3A_333] : memref<10240x128xf32, #tpu.memory_space<vmem_shared>> -> memref<10240x128xf32, #tpu.memory_space<vmem_shared>>
        tpu.wait_indirect_dma semaphore(%run_scoped3A_322 : memref<!tpu.dma_semaphore, #tpu.memory_space<semaphore_mem>>) src(%arg11 : memref<128x128xf32, #tpu.memory_space<vmem>>) dst(%dma_wait3A_334 : memref<10240x128xf32, #tpu.memory_space<vmem_shared>>)
        tpu.yield
      }) : () -> ()
      %dma_wait3A_224 = arith.constant 1 : i32
      %dma_wait3A_225 = arith.constant 0 : i32
      %dma_wait3A_226 = tpu.memref_slice %arg9[%dma_wait3A_224, %dma_wait3A_225] : memref<8x128xi32, #tpu.memory_space<vmem>> -> memref<1x128xi32, #tpu.memory_space<vmem>>
      %dma_wait3A_227 = tpu.memref_squeeze %dma_wait3A_226 : memref<1x128xi32, #tpu.memory_space<vmem>> -> memref<128xi32, #tpu.memory_space<vmem>>
      %dma_wait3A_228 = arith.constant 0 : i32
      %dma_wait3A_229 = arith.constant 0 : i32
      %dma_wait3A_230 = tpu.memref_slice %arg2[%dma_wait3A_228, %dma_wait3A_229] : memref<10000x128xf32, #tpu.memory_space<hbm>> -> memref<10000x128xf32, #tpu.memory_space<hbm>>
      tpu.wait_indirect_dma semaphore(%arg15 : memref<!tpu.dma_semaphore, #tpu.memory_space<semaphore_mem>>) src(%dma_wait3A_230 : memref<10000x128xf32, #tpu.memory_space<hbm>>) dst(%arg12 : memref<128x128xf32, #tpu.memory_space<vmem>>)
      %dma_start3A_231 = arith.constant 2 : i32
      %dma_start3A_232 = arith.constant 0 : i32
      %dma_start3A_233 = tpu.memref_slice %arg9[%dma_start3A_231, %dma_start3A_232] : memref<8x128xi32, #tpu.memory_space<vmem>> -> memref<1x128xi32, #tpu.memory_space<vmem>>
      %dma_start3A_234 = tpu.memref_squeeze %dma_start3A_233 : memref<1x128xi32, #tpu.memory_space<vmem>> -> memref<128xi32, #tpu.memory_space<vmem>>
      %dma_start3A_235 = arith.constant 0 : i32
      %dma_start3A_236 = arith.constant 0 : i32
      %dma_start3A_237 = tpu.memref_slice %arg2[%dma_start3A_235, %dma_start3A_236] : memref<10000x128xf32, #tpu.memory_space<hbm>> -> memref<10000x128xf32, #tpu.memory_space<hbm>>
      tpu.enqueue_indirect_dma source(%dma_start3A_237 : memref<10000x128xf32, #tpu.memory_space<hbm>>) target(%arg11 : memref<128x128xf32, #tpu.memory_space<vmem>>) offsets(%dma_start3A_234 : memref<128xi32, #tpu.memory_space<vmem>>) semaphore(%arg14 : memref<!tpu.dma_semaphore, #tpu.memory_space<semaphore_mem>>)
      %run_scoped3A_238 = arith.constant 1 : i32
      "tpu.region"() ({
        %run_scoped3A_322 = tpu.sem_alloc : memref<!tpu.dma_semaphore, #tpu.memory_space<semaphore_mem>>
        %dma_start3A_323 = arith.constant 0 : i32
        %dma_start3A_324 = tpu.memref_slice %arg10[%run_scoped3A_238, %dma_start3A_323] : memref<8x128xi32, #tpu.memory_space<vmem>> -> memref<1x128xi32, #tpu.memory_space<vmem>>
        %dma_start3A_325 = tpu.memref_squeeze %dma_start3A_324 : memref<1x128xi32, #tpu.memory_space<vmem>> -> memref<128xi32, #tpu.memory_space<vmem>>
        %dma_start3A_326 = arith.constant 0 : i32
        %dma_start3A_327 = arith.constant 0 : i32
        %dma_start3A_328 = tpu.memref_slice %arg13[%dma_start3A_326, %dma_start3A_327] : memref<10240x128xf32, #tpu.memory_space<vmem_shared>> -> memref<10240x128xf32, #tpu.memory_space<vmem_shared>>
        tpu.enqueue_indirect_dma source(%arg12 : memref<128x128xf32, #tpu.memory_space<vmem>>) target(%dma_start3A_328 : memref<10240x128xf32, #tpu.memory_space<vmem_shared>>) offsets(%dma_start3A_325 : memref<128xi32, #tpu.memory_space<vmem>>) semaphore(%run_scoped3A_322 : memref<!tpu.dma_semaphore, #tpu.memory_space<semaphore_mem>>) {add = true}
        %dma_wait3A_329 = arith.constant 0 : i32
        %dma_wait3A_330 = tpu.memref_slice %arg10[%run_scoped3A_238, %dma_wait3A_329] : memref<8x128xi32, #tpu.memory_space<vmem>> -> memref<1x128xi32, #tpu.memory_space<vmem>>
        %dma_wait3A_331 = tpu.memref_squeeze %dma_wait3A_330 : memref<1x128xi32, #tpu.memory_space<vmem>> -> memref<128xi32, #tpu.memory_space<vmem>>
        %dma_wait3A_332 = arith.constant 0 : i32
        %dma_wait3A_333 = arith.constant 0 : i32
        %dma_wait3A_334 = tpu.memref_slice %arg13[%dma_wait3A_332, %dma_wait3A_333] : memref<10240x128xf32, #tpu.memory_space<vmem_shared>> -> memref<10240x128xf32, #tpu.memory_space<vmem_shared>>
        tpu.wait_indirect_dma semaphore(%run_scoped3A_322 : memref<!tpu.dma_semaphore, #tpu.memory_space<semaphore_mem>>) src(%arg12 : memref<128x128xf32, #tpu.memory_space<vmem>>) dst(%dma_wait3A_334 : memref<10240x128xf32, #tpu.memory_space<vmem_shared>>)
        tpu.yield
      }) : () -> ()
      %dma_wait3A_239 = arith.constant 2 : i32
      %dma_wait3A_240 = arith.constant 0 : i32
      %dma_wait3A_241 = tpu.memref_slice %arg9[%dma_wait3A_239, %dma_wait3A_240] : memref<8x128xi32, #tpu.memory_space<vmem>> -> memref<1x128xi32, #tpu.memory_space<vmem>>
      %dma_wait3A_242 = tpu.memref_squeeze %dma_wait3A_241 : memref<1x128xi32, #tpu.memory_space<vmem>> -> memref<128xi32, #tpu.memory_space<vmem>>
      %dma_wait3A_243 = arith.constant 0 : i32
      %dma_wait3A_244 = arith.constant 0 : i32
      %dma_wait3A_245 = tpu.memref_slice %arg2[%dma_wait3A_243, %dma_wait3A_244] : memref<10000x128xf32, #tpu.memory_space<hbm>> -> memref<10000x128xf32, #tpu.memory_space<hbm>>
      tpu.wait_indirect_dma semaphore(%arg14 : memref<!tpu.dma_semaphore, #tpu.memory_space<semaphore_mem>>) src(%dma_wait3A_245 : memref<10000x128xf32, #tpu.memory_space<hbm>>) dst(%arg11 : memref<128x128xf32, #tpu.memory_space<vmem>>)
      %dma_start3A_246 = arith.constant 3 : i32
      %dma_start3A_247 = arith.constant 0 : i32
      %dma_start3A_248 = tpu.memref_slice %arg9[%dma_start3A_246, %dma_start3A_247] : memref<8x128xi32, #tpu.memory_space<vmem>> -> memref<1x128xi32, #tpu.memory_space<vmem>>
      %dma_start3A_249 = tpu.memref_squeeze %dma_start3A_248 : memref<1x128xi32, #tpu.memory_space<vmem>> -> memref<128xi32, #tpu.memory_space<vmem>>
      %dma_start3A_250 = arith.constant 0 : i32
      %dma_start3A_251 = arith.constant 0 : i32
      %dma_start3A_252 = tpu.memref_slice %arg2[%dma_start3A_250, %dma_start3A_251] : memref<10000x128xf32, #tpu.memory_space<hbm>> -> memref<10000x128xf32, #tpu.memory_space<hbm>>
      tpu.enqueue_indirect_dma source(%dma_start3A_252 : memref<10000x128xf32, #tpu.memory_space<hbm>>) target(%arg12 : memref<128x128xf32, #tpu.memory_space<vmem>>) offsets(%dma_start3A_249 : memref<128xi32, #tpu.memory_space<vmem>>) semaphore(%arg15 : memref<!tpu.dma_semaphore, #tpu.memory_space<semaphore_mem>>)
      %run_scoped3A_253 = arith.constant 2 : i32
      "tpu.region"() ({
        %run_scoped3A_322 = tpu.sem_alloc : memref<!tpu.dma_semaphore, #tpu.memory_space<semaphore_mem>>
        %dma_start3A_323 = arith.constant 0 : i32
        %dma_start3A_324 = tpu.memref_slice %arg10[%run_scoped3A_253, %dma_start3A_323] : memref<8x128xi32, #tpu.memory_space<vmem>> -> memref<1x128xi32, #tpu.memory_space<vmem>>
        %dma_start3A_325 = tpu.memref_squeeze %dma_start3A_324 : memref<1x128xi32, #tpu.memory_space<vmem>> -> memref<128xi32, #tpu.memory_space<vmem>>
        %dma_start3A_326 = arith.constant 0 : i32
        %dma_start3A_327 = arith.constant 0 : i32
        %dma_start3A_328 = tpu.memref_slice %arg13[%dma_start3A_326, %dma_start3A_327] : memref<10240x128xf32, #tpu.memory_space<vmem_shared>> -> memref<10240x128xf32, #tpu.memory_space<vmem_shared>>
        tpu.enqueue_indirect_dma source(%arg11 : memref<128x128xf32, #tpu.memory_space<vmem>>) target(%dma_start3A_328 : memref<10240x128xf32, #tpu.memory_space<vmem_shared>>) offsets(%dma_start3A_325 : memref<128xi32, #tpu.memory_space<vmem>>) semaphore(%run_scoped3A_322 : memref<!tpu.dma_semaphore, #tpu.memory_space<semaphore_mem>>) {add = true}
        %dma_wait3A_329 = arith.constant 0 : i32
        %dma_wait3A_330 = tpu.memref_slice %arg10[%run_scoped3A_253, %dma_wait3A_329] : memref<8x128xi32, #tpu.memory_space<vmem>> -> memref<1x128xi32, #tpu.memory_space<vmem>>
        %dma_wait3A_331 = tpu.memref_squeeze %dma_wait3A_330 : memref<1x128xi32, #tpu.memory_space<vmem>> -> memref<128xi32, #tpu.memory_space<vmem>>
        %dma_wait3A_332 = arith.constant 0 : i32
        %dma_wait3A_333 = arith.constant 0 : i32
        %dma_wait3A_334 = tpu.memref_slice %arg13[%dma_wait3A_332, %dma_wait3A_333] : memref<10240x128xf32, #tpu.memory_space<vmem_shared>> -> memref<10240x128xf32, #tpu.memory_space<vmem_shared>>
        tpu.wait_indirect_dma semaphore(%run_scoped3A_322 : memref<!tpu.dma_semaphore, #tpu.memory_space<semaphore_mem>>) src(%arg11 : memref<128x128xf32, #tpu.memory_space<vmem>>) dst(%dma_wait3A_334 : memref<10240x128xf32, #tpu.memory_space<vmem_shared>>)
        tpu.yield
      }) : () -> ()
      %dma_wait3A_254 = arith.constant 3 : i32
      %dma_wait3A_255 = arith.constant 0 : i32
      %dma_wait3A_256 = tpu.memref_slice %arg9[%dma_wait3A_254, %dma_wait3A_255] : memref<8x128xi32, #tpu.memory_space<vmem>> -> memref<1x128xi32, #tpu.memory_space<vmem>>
      %dma_wait3A_257 = tpu.memref_squeeze %dma_wait3A_256 : memref<1x128xi32, #tpu.memory_space<vmem>> -> memref<128xi32, #tpu.memory_space<vmem>>
      %dma_wait3A_258 = arith.constant 0 : i32
      %dma_wait3A_259 = arith.constant 0 : i32
      %dma_wait3A_260 = tpu.memref_slice %arg2[%dma_wait3A_258, %dma_wait3A_259] : memref<10000x128xf32, #tpu.memory_space<hbm>> -> memref<10000x128xf32, #tpu.memory_space<hbm>>
      tpu.wait_indirect_dma semaphore(%arg15 : memref<!tpu.dma_semaphore, #tpu.memory_space<semaphore_mem>>) src(%dma_wait3A_260 : memref<10000x128xf32, #tpu.memory_space<hbm>>) dst(%arg12 : memref<128x128xf32, #tpu.memory_space<vmem>>)
      %dma_start3A_261 = arith.constant 4 : i32
      %dma_start3A_262 = arith.constant 0 : i32
      %dma_start3A_263 = tpu.memref_slice %arg9[%dma_start3A_261, %dma_start3A_262] : memref<8x128xi32, #tpu.memory_space<vmem>> -> memref<1x128xi32, #tpu.memory_space<vmem>>
      %dma_start3A_264 = tpu.memref_squeeze %dma_start3A_263 : memref<1x128xi32, #tpu.memory_space<vmem>> -> memref<128xi32, #tpu.memory_space<vmem>>
      %dma_start3A_265 = arith.constant 0 : i32
      %dma_start3A_266 = arith.constant 0 : i32
      %dma_start3A_267 = tpu.memref_slice %arg2[%dma_start3A_265, %dma_start3A_266] : memref<10000x128xf32, #tpu.memory_space<hbm>> -> memref<10000x128xf32, #tpu.memory_space<hbm>>
      tpu.enqueue_indirect_dma source(%dma_start3A_267 : memref<10000x128xf32, #tpu.memory_space<hbm>>) target(%arg11 : memref<128x128xf32, #tpu.memory_space<vmem>>) offsets(%dma_start3A_264 : memref<128xi32, #tpu.memory_space<vmem>>) semaphore(%arg14 : memref<!tpu.dma_semaphore, #tpu.memory_space<semaphore_mem>>)
      %run_scoped3A_268 = arith.constant 3 : i32
      "tpu.region"() ({
        %run_scoped3A_322 = tpu.sem_alloc : memref<!tpu.dma_semaphore, #tpu.memory_space<semaphore_mem>>
        %dma_start3A_323 = arith.constant 0 : i32
        %dma_start3A_324 = tpu.memref_slice %arg10[%run_scoped3A_268, %dma_start3A_323] : memref<8x128xi32, #tpu.memory_space<vmem>> -> memref<1x128xi32, #tpu.memory_space<vmem>>
        %dma_start3A_325 = tpu.memref_squeeze %dma_start3A_324 : memref<1x128xi32, #tpu.memory_space<vmem>> -> memref<128xi32, #tpu.memory_space<vmem>>
        %dma_start3A_326 = arith.constant 0 : i32
        %dma_start3A_327 = arith.constant 0 : i32
        %dma_start3A_328 = tpu.memref_slice %arg13[%dma_start3A_326, %dma_start3A_327] : memref<10240x128xf32, #tpu.memory_space<vmem_shared>> -> memref<10240x128xf32, #tpu.memory_space<vmem_shared>>
        tpu.enqueue_indirect_dma source(%arg12 : memref<128x128xf32, #tpu.memory_space<vmem>>) target(%dma_start3A_328 : memref<10240x128xf32, #tpu.memory_space<vmem_shared>>) offsets(%dma_start3A_325 : memref<128xi32, #tpu.memory_space<vmem>>) semaphore(%run_scoped3A_322 : memref<!tpu.dma_semaphore, #tpu.memory_space<semaphore_mem>>) {add = true}
        %dma_wait3A_329 = arith.constant 0 : i32
        %dma_wait3A_330 = tpu.memref_slice %arg10[%run_scoped3A_268, %dma_wait3A_329] : memref<8x128xi32, #tpu.memory_space<vmem>> -> memref<1x128xi32, #tpu.memory_space<vmem>>
        %dma_wait3A_331 = tpu.memref_squeeze %dma_wait3A_330 : memref<1x128xi32, #tpu.memory_space<vmem>> -> memref<128xi32, #tpu.memory_space<vmem>>
        %dma_wait3A_332 = arith.constant 0 : i32
        %dma_wait3A_333 = arith.constant 0 : i32
        %dma_wait3A_334 = tpu.memref_slice %arg13[%dma_wait3A_332, %dma_wait3A_333] : memref<10240x128xf32, #tpu.memory_space<vmem_shared>> -> memref<10240x128xf32, #tpu.memory_space<vmem_shared>>
        tpu.wait_indirect_dma semaphore(%run_scoped3A_322 : memref<!tpu.dma_semaphore, #tpu.memory_space<semaphore_mem>>) src(%arg12 : memref<128x128xf32, #tpu.memory_space<vmem>>) dst(%dma_wait3A_334 : memref<10240x128xf32, #tpu.memory_space<vmem_shared>>)
        tpu.yield
      }) : () -> ()
      %dma_wait3A_269 = arith.constant 4 : i32
      %dma_wait3A_270 = arith.constant 0 : i32
      %dma_wait3A_271 = tpu.memref_slice %arg9[%dma_wait3A_269, %dma_wait3A_270] : memref<8x128xi32, #tpu.memory_space<vmem>> -> memref<1x128xi32, #tpu.memory_space<vmem>>
      %dma_wait3A_272 = tpu.memref_squeeze %dma_wait3A_271 : memref<1x128xi32, #tpu.memory_space<vmem>> -> memref<128xi32, #tpu.memory_space<vmem>>
      %dma_wait3A_273 = arith.constant 0 : i32
      %dma_wait3A_274 = arith.constant 0 : i32
      %dma_wait3A_275 = tpu.memref_slice %arg2[%dma_wait3A_273, %dma_wait3A_274] : memref<10000x128xf32, #tpu.memory_space<hbm>> -> memref<10000x128xf32, #tpu.memory_space<hbm>>
      tpu.wait_indirect_dma semaphore(%arg14 : memref<!tpu.dma_semaphore, #tpu.memory_space<semaphore_mem>>) src(%dma_wait3A_275 : memref<10000x128xf32, #tpu.memory_space<hbm>>) dst(%arg11 : memref<128x128xf32, #tpu.memory_space<vmem>>)
      %dma_start3A_276 = arith.constant 5 : i32
      %dma_start3A_277 = arith.constant 0 : i32
      %dma_start3A_278 = tpu.memref_slice %arg9[%dma_start3A_276, %dma_start3A_277] : memref<8x128xi32, #tpu.memory_space<vmem>> -> memref<1x128xi32, #tpu.memory_space<vmem>>
      %dma_start3A_279 = tpu.memref_squeeze %dma_start3A_278 : memref<1x128xi32, #tpu.memory_space<vmem>> -> memref<128xi32, #tpu.memory_space<vmem>>
      %dma_start3A_280 = arith.constant 0 : i32
      %dma_start3A_281 = arith.constant 0 : i32
      %dma_start3A_282 = tpu.memref_slice %arg2[%dma_start3A_280, %dma_start3A_281] : memref<10000x128xf32, #tpu.memory_space<hbm>> -> memref<10000x128xf32, #tpu.memory_space<hbm>>
      tpu.enqueue_indirect_dma source(%dma_start3A_282 : memref<10000x128xf32, #tpu.memory_space<hbm>>) target(%arg12 : memref<128x128xf32, #tpu.memory_space<vmem>>) offsets(%dma_start3A_279 : memref<128xi32, #tpu.memory_space<vmem>>) semaphore(%arg15 : memref<!tpu.dma_semaphore, #tpu.memory_space<semaphore_mem>>)
      %run_scoped3A_283 = arith.constant 4 : i32
      "tpu.region"() ({
        %run_scoped3A_322 = tpu.sem_alloc : memref<!tpu.dma_semaphore, #tpu.memory_space<semaphore_mem>>
        %dma_start3A_323 = arith.constant 0 : i32
        %dma_start3A_324 = tpu.memref_slice %arg10[%run_scoped3A_283, %dma_start3A_323] : memref<8x128xi32, #tpu.memory_space<vmem>> -> memref<1x128xi32, #tpu.memory_space<vmem>>
        %dma_start3A_325 = tpu.memref_squeeze %dma_start3A_324 : memref<1x128xi32, #tpu.memory_space<vmem>> -> memref<128xi32, #tpu.memory_space<vmem>>
        %dma_start3A_326 = arith.constant 0 : i32
        %dma_start3A_327 = arith.constant 0 : i32
        %dma_start3A_328 = tpu.memref_slice %arg13[%dma_start3A_326, %dma_start3A_327] : memref<10240x128xf32, #tpu.memory_space<vmem_shared>> -> memref<10240x128xf32, #tpu.memory_space<vmem_shared>>
        tpu.enqueue_indirect_dma source(%arg11 : memref<128x128xf32, #tpu.memory_space<vmem>>) target(%dma_start3A_328 : memref<10240x128xf32, #tpu.memory_space<vmem_shared>>) offsets(%dma_start3A_325 : memref<128xi32, #tpu.memory_space<vmem>>) semaphore(%run_scoped3A_322 : memref<!tpu.dma_semaphore, #tpu.memory_space<semaphore_mem>>) {add = true}
        %dma_wait3A_329 = arith.constant 0 : i32
        %dma_wait3A_330 = tpu.memref_slice %arg10[%run_scoped3A_283, %dma_wait3A_329] : memref<8x128xi32, #tpu.memory_space<vmem>> -> memref<1x128xi32, #tpu.memory_space<vmem>>
        %dma_wait3A_331 = tpu.memref_squeeze %dma_wait3A_330 : memref<1x128xi32, #tpu.memory_space<vmem>> -> memref<128xi32, #tpu.memory_space<vmem>>
        %dma_wait3A_332 = arith.constant 0 : i32
        %dma_wait3A_333 = arith.constant 0 : i32
        %dma_wait3A_334 = tpu.memref_slice %arg13[%dma_wait3A_332, %dma_wait3A_333] : memref<10240x128xf32, #tpu.memory_space<vmem_shared>> -> memref<10240x128xf32, #tpu.memory_space<vmem_shared>>
        tpu.wait_indirect_dma semaphore(%run_scoped3A_322 : memref<!tpu.dma_semaphore, #tpu.memory_space<semaphore_mem>>) src(%arg11 : memref<128x128xf32, #tpu.memory_space<vmem>>) dst(%dma_wait3A_334 : memref<10240x128xf32, #tpu.memory_space<vmem_shared>>)
        tpu.yield
      }) : () -> ()
      %dma_wait3A_284 = arith.constant 5 : i32
      %dma_wait3A_285 = arith.constant 0 : i32
      %dma_wait3A_286 = tpu.memref_slice %arg9[%dma_wait3A_284, %dma_wait3A_285] : memref<8x128xi32, #tpu.memory_space<vmem>> -> memref<1x128xi32, #tpu.memory_space<vmem>>
      %dma_wait3A_287 = tpu.memref_squeeze %dma_wait3A_286 : memref<1x128xi32, #tpu.memory_space<vmem>> -> memref<128xi32, #tpu.memory_space<vmem>>
      %dma_wait3A_288 = arith.constant 0 : i32
      %dma_wait3A_289 = arith.constant 0 : i32
      %dma_wait3A_290 = tpu.memref_slice %arg2[%dma_wait3A_288, %dma_wait3A_289] : memref<10000x128xf32, #tpu.memory_space<hbm>> -> memref<10000x128xf32, #tpu.memory_space<hbm>>
      tpu.wait_indirect_dma semaphore(%arg15 : memref<!tpu.dma_semaphore, #tpu.memory_space<semaphore_mem>>) src(%dma_wait3A_290 : memref<10000x128xf32, #tpu.memory_space<hbm>>) dst(%arg12 : memref<128x128xf32, #tpu.memory_space<vmem>>)
      %dma_start3A_291 = arith.constant 6 : i32
      %dma_start3A_292 = arith.constant 0 : i32
      %dma_start3A_293 = tpu.memref_slice %arg9[%dma_start3A_291, %dma_start3A_292] : memref<8x128xi32, #tpu.memory_space<vmem>> -> memref<1x128xi32, #tpu.memory_space<vmem>>
      %dma_start3A_294 = tpu.memref_squeeze %dma_start3A_293 : memref<1x128xi32, #tpu.memory_space<vmem>> -> memref<128xi32, #tpu.memory_space<vmem>>
      %dma_start3A_295 = arith.constant 0 : i32
      %dma_start3A_296 = arith.constant 0 : i32
      %dma_start3A_297 = tpu.memref_slice %arg2[%dma_start3A_295, %dma_start3A_296] : memref<10000x128xf32, #tpu.memory_space<hbm>> -> memref<10000x128xf32, #tpu.memory_space<hbm>>
      tpu.enqueue_indirect_dma source(%dma_start3A_297 : memref<10000x128xf32, #tpu.memory_space<hbm>>) target(%arg11 : memref<128x128xf32, #tpu.memory_space<vmem>>) offsets(%dma_start3A_294 : memref<128xi32, #tpu.memory_space<vmem>>) semaphore(%arg14 : memref<!tpu.dma_semaphore, #tpu.memory_space<semaphore_mem>>)
      %run_scoped3A_298 = arith.constant 5 : i32
      "tpu.region"() ({
        %run_scoped3A_322 = tpu.sem_alloc : memref<!tpu.dma_semaphore, #tpu.memory_space<semaphore_mem>>
        %dma_start3A_323 = arith.constant 0 : i32
        %dma_start3A_324 = tpu.memref_slice %arg10[%run_scoped3A_298, %dma_start3A_323] : memref<8x128xi32, #tpu.memory_space<vmem>> -> memref<1x128xi32, #tpu.memory_space<vmem>>
        %dma_start3A_325 = tpu.memref_squeeze %dma_start3A_324 : memref<1x128xi32, #tpu.memory_space<vmem>> -> memref<128xi32, #tpu.memory_space<vmem>>
        %dma_start3A_326 = arith.constant 0 : i32
        %dma_start3A_327 = arith.constant 0 : i32
        %dma_start3A_328 = tpu.memref_slice %arg13[%dma_start3A_326, %dma_start3A_327] : memref<10240x128xf32, #tpu.memory_space<vmem_shared>> -> memref<10240x128xf32, #tpu.memory_space<vmem_shared>>
        tpu.enqueue_indirect_dma source(%arg12 : memref<128x128xf32, #tpu.memory_space<vmem>>) target(%dma_start3A_328 : memref<10240x128xf32, #tpu.memory_space<vmem_shared>>) offsets(%dma_start3A_325 : memref<128xi32, #tpu.memory_space<vmem>>) semaphore(%run_scoped3A_322 : memref<!tpu.dma_semaphore, #tpu.memory_space<semaphore_mem>>) {add = true}
        %dma_wait3A_329 = arith.constant 0 : i32
        %dma_wait3A_330 = tpu.memref_slice %arg10[%run_scoped3A_298, %dma_wait3A_329] : memref<8x128xi32, #tpu.memory_space<vmem>> -> memref<1x128xi32, #tpu.memory_space<vmem>>
        %dma_wait3A_331 = tpu.memref_squeeze %dma_wait3A_330 : memref<1x128xi32, #tpu.memory_space<vmem>> -> memref<128xi32, #tpu.memory_space<vmem>>
        %dma_wait3A_332 = arith.constant 0 : i32
        %dma_wait3A_333 = arith.constant 0 : i32
        %dma_wait3A_334 = tpu.memref_slice %arg13[%dma_wait3A_332, %dma_wait3A_333] : memref<10240x128xf32, #tpu.memory_space<vmem_shared>> -> memref<10240x128xf32, #tpu.memory_space<vmem_shared>>
        tpu.wait_indirect_dma semaphore(%run_scoped3A_322 : memref<!tpu.dma_semaphore, #tpu.memory_space<semaphore_mem>>) src(%arg12 : memref<128x128xf32, #tpu.memory_space<vmem>>) dst(%dma_wait3A_334 : memref<10240x128xf32, #tpu.memory_space<vmem_shared>>)
        tpu.yield
      }) : () -> ()
      %dma_wait3A_299 = arith.constant 6 : i32
      %dma_wait3A_300 = arith.constant 0 : i32
      %dma_wait3A_301 = tpu.memref_slice %arg9[%dma_wait3A_299, %dma_wait3A_300] : memref<8x128xi32, #tpu.memory_space<vmem>> -> memref<1x128xi32, #tpu.memory_space<vmem>>
      %dma_wait3A_302 = tpu.memref_squeeze %dma_wait3A_301 : memref<1x128xi32, #tpu.memory_space<vmem>> -> memref<128xi32, #tpu.memory_space<vmem>>
      %dma_wait3A_303 = arith.constant 0 : i32
      %dma_wait3A_304 = arith.constant 0 : i32
      %dma_wait3A_305 = tpu.memref_slice %arg2[%dma_wait3A_303, %dma_wait3A_304] : memref<10000x128xf32, #tpu.memory_space<hbm>> -> memref<10000x128xf32, #tpu.memory_space<hbm>>
      tpu.wait_indirect_dma semaphore(%arg14 : memref<!tpu.dma_semaphore, #tpu.memory_space<semaphore_mem>>) src(%dma_wait3A_305 : memref<10000x128xf32, #tpu.memory_space<hbm>>) dst(%arg11 : memref<128x128xf32, #tpu.memory_space<vmem>>)
      %dma_start3A_306 = arith.constant 7 : i32
      %dma_start3A_307 = arith.constant 0 : i32
      %dma_start3A_308 = tpu.memref_slice %arg9[%dma_start3A_306, %dma_start3A_307] : memref<8x128xi32, #tpu.memory_space<vmem>> -> memref<1x128xi32, #tpu.memory_space<vmem>>
      %dma_start3A_309 = tpu.memref_squeeze %dma_start3A_308 : memref<1x128xi32, #tpu.memory_space<vmem>> -> memref<128xi32, #tpu.memory_space<vmem>>
      %dma_start3A_310 = arith.constant 0 : i32
      %dma_start3A_311 = arith.constant 0 : i32
      %dma_start3A_312 = tpu.memref_slice %arg2[%dma_start3A_310, %dma_start3A_311] : memref<10000x128xf32, #tpu.memory_space<hbm>> -> memref<10000x128xf32, #tpu.memory_space<hbm>>
      tpu.enqueue_indirect_dma source(%dma_start3A_312 : memref<10000x128xf32, #tpu.memory_space<hbm>>) target(%arg12 : memref<128x128xf32, #tpu.memory_space<vmem>>) offsets(%dma_start3A_309 : memref<128xi32, #tpu.memory_space<vmem>>) semaphore(%arg15 : memref<!tpu.dma_semaphore, #tpu.memory_space<semaphore_mem>>)
      %run_scoped3A_313 = arith.constant 6 : i32
      "tpu.region"() ({
        %run_scoped3A_322 = tpu.sem_alloc : memref<!tpu.dma_semaphore, #tpu.memory_space<semaphore_mem>>
        %dma_start3A_323 = arith.constant 0 : i32
        %dma_start3A_324 = tpu.memref_slice %arg10[%run_scoped3A_313, %dma_start3A_323] : memref<8x128xi32, #tpu.memory_space<vmem>> -> memref<1x128xi32, #tpu.memory_space<vmem>>
        %dma_start3A_325 = tpu.memref_squeeze %dma_start3A_324 : memref<1x128xi32, #tpu.memory_space<vmem>> -> memref<128xi32, #tpu.memory_space<vmem>>
        %dma_start3A_326 = arith.constant 0 : i32
        %dma_start3A_327 = arith.constant 0 : i32
        %dma_start3A_328 = tpu.memref_slice %arg13[%dma_start3A_326, %dma_start3A_327] : memref<10240x128xf32, #tpu.memory_space<vmem_shared>> -> memref<10240x128xf32, #tpu.memory_space<vmem_shared>>
        tpu.enqueue_indirect_dma source(%arg11 : memref<128x128xf32, #tpu.memory_space<vmem>>) target(%dma_start3A_328 : memref<10240x128xf32, #tpu.memory_space<vmem_shared>>) offsets(%dma_start3A_325 : memref<128xi32, #tpu.memory_space<vmem>>) semaphore(%run_scoped3A_322 : memref<!tpu.dma_semaphore, #tpu.memory_space<semaphore_mem>>) {add = true}
        %dma_wait3A_329 = arith.constant 0 : i32
        %dma_wait3A_330 = tpu.memref_slice %arg10[%run_scoped3A_313, %dma_wait3A_329] : memref<8x128xi32, #tpu.memory_space<vmem>> -> memref<1x128xi32, #tpu.memory_space<vmem>>
        %dma_wait3A_331 = tpu.memref_squeeze %dma_wait3A_330 : memref<1x128xi32, #tpu.memory_space<vmem>> -> memref<128xi32, #tpu.memory_space<vmem>>
        %dma_wait3A_332 = arith.constant 0 : i32
        %dma_wait3A_333 = arith.constant 0 : i32
        %dma_wait3A_334 = tpu.memref_slice %arg13[%dma_wait3A_332, %dma_wait3A_333] : memref<10240x128xf32, #tpu.memory_space<vmem_shared>> -> memref<10240x128xf32, #tpu.memory_space<vmem_shared>>
        tpu.wait_indirect_dma semaphore(%run_scoped3A_322 : memref<!tpu.dma_semaphore, #tpu.memory_space<semaphore_mem>>) src(%arg11 : memref<128x128xf32, #tpu.memory_space<vmem>>) dst(%dma_wait3A_334 : memref<10240x128xf32, #tpu.memory_space<vmem_shared>>)
        tpu.yield
      }) : () -> ()
      %dma_wait3A_314 = arith.constant 7 : i32
      %dma_wait3A_315 = arith.constant 0 : i32
      %dma_wait3A_316 = tpu.memref_slice %arg9[%dma_wait3A_314, %dma_wait3A_315] : memref<8x128xi32, #tpu.memory_space<vmem>> -> memref<1x128xi32, #tpu.memory_space<vmem>>
      %dma_wait3A_317 = tpu.memref_squeeze %dma_wait3A_316 : memref<1x128xi32, #tpu.memory_space<vmem>> -> memref<128xi32, #tpu.memory_space<vmem>>
      %dma_wait3A_318 = arith.constant 0 : i32
      %dma_wait3A_319 = arith.constant 0 : i32
      %dma_wait3A_320 = tpu.memref_slice %arg2[%dma_wait3A_318, %dma_wait3A_319] : memref<10000x128xf32, #tpu.memory_space<hbm>> -> memref<10000x128xf32, #tpu.memory_space<hbm>>
      tpu.wait_indirect_dma semaphore(%arg15 : memref<!tpu.dma_semaphore, #tpu.memory_space<semaphore_mem>>) src(%dma_wait3A_320 : memref<10000x128xf32, #tpu.memory_space<hbm>>) dst(%arg12 : memref<128x128xf32, #tpu.memory_space<vmem>>)
      %run_scoped3A_321 = arith.constant 7 : i32
      "tpu.region"() ({
        %run_scoped3A_322 = tpu.sem_alloc : memref<!tpu.dma_semaphore, #tpu.memory_space<semaphore_mem>>
        %dma_start3A_323 = arith.constant 0 : i32
        %dma_start3A_324 = tpu.memref_slice %arg10[%run_scoped3A_321, %dma_start3A_323] : memref<8x128xi32, #tpu.memory_space<vmem>> -> memref<1x128xi32, #tpu.memory_space<vmem>>
        %dma_start3A_325 = tpu.memref_squeeze %dma_start3A_324 : memref<1x128xi32, #tpu.memory_space<vmem>> -> memref<128xi32, #tpu.memory_space<vmem>>
        %dma_start3A_326 = arith.constant 0 : i32
        %dma_start3A_327 = arith.constant 0 : i32
        %dma_start3A_328 = tpu.memref_slice %arg13[%dma_start3A_326, %dma_start3A_327] : memref<10240x128xf32, #tpu.memory_space<vmem_shared>> -> memref<10240x128xf32, #tpu.memory_space<vmem_shared>>
        tpu.enqueue_indirect_dma source(%arg12 : memref<128x128xf32, #tpu.memory_space<vmem>>) target(%dma_start3A_328 : memref<10240x128xf32, #tpu.memory_space<vmem_shared>>) offsets(%dma_start3A_325 : memref<128xi32, #tpu.memory_space<vmem>>) semaphore(%run_scoped3A_322 : memref<!tpu.dma_semaphore, #tpu.memory_space<semaphore_mem>>) {add = true}
        %dma_wait3A_329 = arith.constant 0 : i32
        %dma_wait3A_330 = tpu.memref_slice %arg10[%run_scoped3A_321, %dma_wait3A_329] : memref<8x128xi32, #tpu.memory_space<vmem>> -> memref<1x128xi32, #tpu.memory_space<vmem>>
        %dma_wait3A_331 = tpu.memref_squeeze %dma_wait3A_330 : memref<1x128xi32, #tpu.memory_space<vmem>> -> memref<128xi32, #tpu.memory_space<vmem>>
        %dma_wait3A_332 = arith.constant 0 : i32
        %dma_wait3A_333 = arith.constant 0 : i32
        %dma_wait3A_334 = tpu.memref_slice %arg13[%dma_wait3A_332, %dma_wait3A_333] : memref<10240x128xf32, #tpu.memory_space<vmem_shared>> -> memref<10240x128xf32, #tpu.memory_space<vmem_shared>>
        tpu.wait_indirect_dma semaphore(%run_scoped3A_322 : memref<!tpu.dma_semaphore, #tpu.memory_space<semaphore_mem>>) src(%arg12 : memref<128x128xf32, #tpu.memory_space<vmem>>) dst(%dma_wait3A_334 : memref<10240x128xf32, #tpu.memory_space<vmem_shared>>)
        tpu.yield
      }) : () -> ()
    }
    %scan3A_23 = arith.constant 5 : i32
    %barrier3A_24 = arith.constant 0 : index
    tpu.barrier barrier_id(%barrier3A_24)
    "tpu.region"() ({
      %run_scoped3A = tpu.sem_alloc : memref<!tpu.dma_semaphore, #tpu.memory_space<semaphore_mem>>
      %dma_start3A_25 = arith.constant 0 : i32
      %dma_start3A_26 = tpu.memref_slice %arg6[%arg0, %mul3A_2, %dma_start3A_25] : memref<2x10240x128xf32, #tpu.memory_space<hbm>> -> memref<1x640x128xf32, #tpu.memory_space<hbm>>
      %dma_start3A_27 = tpu.memref_squeeze %dma_start3A_26 : memref<1x640x128xf32, #tpu.memory_space<hbm>> -> memref<640x128xf32, #tpu.memory_space<hbm>>
      %dma_start3A_28 = arith.constant 0 : i32
      %dma_start3A_29 = tpu.memref_slice %arg13[%mul3A_2, %dma_start3A_28] : memref<10240x128xf32, #tpu.memory_space<vmem_shared>> -> memref<640x128xf32, #tpu.memory_space<vmem_shared>>
      tpu.enqueue_dma source(%dma_start3A_29 : memref<640x128xf32, #tpu.memory_space<vmem_shared>>) target(%dma_start3A_27 : memref<640x128xf32, #tpu.memory_space<hbm>>) target_semaphore(%run_scoped3A : memref<!tpu.dma_semaphore, #tpu.memory_space<semaphore_mem>>)
      %dma_wait3A = arith.constant 0 : i32
      %dma_wait3A_30 = tpu.memref_slice %arg6[%arg0, %mul3A_2, %dma_wait3A] : memref<2x10240x128xf32, #tpu.memory_space<hbm>> -> memref<1x640x128xf32, #tpu.memory_space<hbm>>
      %dma_wait3A_31 = tpu.memref_squeeze %dma_wait3A_30 : memref<1x640x128xf32, #tpu.memory_space<hbm>> -> memref<640x128xf32, #tpu.memory_space<hbm>>
      %dma_wait3A_32 = arith.constant 0 : i32
      %dma_wait3A_33 = tpu.memref_slice %arg13[%mul3A_2, %dma_wait3A_32] : memref<10240x128xf32, #tpu.memory_space<vmem_shared>> -> memref<640x128xf32, #tpu.memory_space<vmem_shared>>
      tpu.wait_dma2 semaphore(%run_scoped3A : memref<!tpu.dma_semaphore, #tpu.memory_space<semaphore_mem>>) src(%dma_wait3A_33 : memref<640x128xf32, #tpu.memory_space<vmem_shared>>) dst(%dma_wait3A_31 : memref<640x128xf32, #tpu.memory_space<hbm>>)
      tpu.yield
    }) : () -> ()
    return
  }
}

#map = affine_map<(d0, d1) -> (0, 0)>
#map1 = affine_map<(d0, d1) -> (0, 0, 0, 0)>
#map2 = affine_map<(d0, d1) -> (0)>
#map3 = affine_map<(d0, d1) -> (0, 0, 0)>
module attributes {stable_mosaic.version = 14 : i64} {
  func.func @body(%arg0: i32, %arg1: i32, %arg2: memref<40960x128xf32, #tpu.memory_space<hbm>>, %arg3: memref<32x10x8x128xi32, #tpu.memory_space<hbm>>, %arg4: memref<10240x128xf32, #tpu.memory_space<hbm>>, %arg5: memref<16xf32, #tpu.memory_space<hbm>>, %arg6: memref<2x10240x128xf32, #tpu.memory_space<hbm>>, %arg7: memref<8x128xi32, #tpu.memory_space<vmem>>, %arg8: memref<16x128xf32, #tpu.memory_space<vmem>>, %arg9: memref<16x128xf32, #tpu.memory_space<vmem>>, %arg10: memref<128x128xf32, #tpu.memory_space<vmem>>, %arg11: memref<128x128xf32, #tpu.memory_space<vmem>>, %arg12: memref<16xf32, #tpu.memory_space<vmem>>, %arg13: memref<10240x128xf32, #tpu.memory_space<vmem_shared>>, %arg14: memref<!tpu.dma_semaphore, #tpu.memory_space<semaphore_mem>>, %arg15: memref<!tpu.dma_semaphore, #tpu.memory_space<semaphore_mem>>, %arg16: memref<!tpu.dma_semaphore, #tpu.memory_space<semaphore_mem>>, %arg17: memref<!tpu.dma_semaphore, #tpu.memory_space<semaphore_mem>>) attributes {dimension_semantics = [#tpu.dimension_semantics<core_parallel>, #tpu.dimension_semantics<subcore_parallel>], iteration_bounds = array<i64: 2, 16>, scalar_prefetch = 0 : i64, scratch_operands = 11 : i64, tpu.core_type = #tpu.core_type<sc_vector_subcore>, window_params = [{transform_indices = #map}, {transform_indices = #map1}, {transform_indices = #map}, {transform_indices = #map2}, {transform_indices = #map3}]} {
    %mul3A = arith.constant 16 : i32
    %mul3A_0 = arith.muli %arg0, %mul3A : i32
    %add3A = arith.addi %mul3A_0, %arg1 : i32
    %mul3A_1 = arith.constant 640 : i32
    %mul3A_2 = arith.muli %arg1, %mul3A_1 : i32
    "tpu.region"() ({
      %run_scoped3A = tpu.sem_alloc : memref<!tpu.dma_semaphore, #tpu.memory_space<semaphore_mem>>
      %dma_start3A = arith.constant 0 : i32
      %dma_start3A_28 = tpu.memref_slice %arg13[%mul3A_2, %dma_start3A] : memref<10240x128xf32, #tpu.memory_space<vmem_shared>> -> memref<640x128xf32, #tpu.memory_space<vmem_shared>>
      %dma_start3A_29 = arith.constant 0 : i32
      %dma_start3A_30 = tpu.memref_slice %arg4[%mul3A_2, %dma_start3A_29] : memref<10240x128xf32, #tpu.memory_space<hbm>> -> memref<640x128xf32, #tpu.memory_space<hbm>>
      tpu.enqueue_dma source(%dma_start3A_30 : memref<640x128xf32, #tpu.memory_space<hbm>>) target(%dma_start3A_28 : memref<640x128xf32, #tpu.memory_space<vmem_shared>>) target_semaphore(%run_scoped3A : memref<!tpu.dma_semaphore, #tpu.memory_space<semaphore_mem>>)
      %dma_wait3A_31 = arith.constant 0 : i32
      %dma_wait3A_32 = tpu.memref_slice %arg13[%mul3A_2, %dma_wait3A_31] : memref<10240x128xf32, #tpu.memory_space<vmem_shared>> -> memref<640x128xf32, #tpu.memory_space<vmem_shared>>
      %dma_wait3A_33 = arith.constant 0 : i32
      %dma_wait3A_34 = tpu.memref_slice %arg4[%mul3A_2, %dma_wait3A_33] : memref<10240x128xf32, #tpu.memory_space<hbm>> -> memref<640x128xf32, #tpu.memory_space<hbm>>
      tpu.wait_dma2 semaphore(%run_scoped3A : memref<!tpu.dma_semaphore, #tpu.memory_space<semaphore_mem>>) src(%dma_wait3A_34 : memref<640x128xf32, #tpu.memory_space<hbm>>) dst(%dma_wait3A_32 : memref<640x128xf32, #tpu.memory_space<vmem_shared>>)
      tpu.yield
    }) : () -> ()
    "tpu.region"() ({
      %run_scoped3A = tpu.sem_alloc : memref<!tpu.dma_semaphore, #tpu.memory_space<semaphore_mem>>
      tpu.enqueue_dma source(%arg5 : memref<16xf32, #tpu.memory_space<hbm>>) target(%arg12 : memref<16xf32, #tpu.memory_space<vmem>>) target_semaphore(%run_scoped3A : memref<!tpu.dma_semaphore, #tpu.memory_space<semaphore_mem>>)
      tpu.wait_dma2 semaphore(%run_scoped3A : memref<!tpu.dma_semaphore, #tpu.memory_space<semaphore_mem>>) src(%arg5 : memref<16xf32, #tpu.memory_space<hbm>>) dst(%arg12 : memref<16xf32, #tpu.memory_space<vmem>>)
      tpu.yield
    }) : () -> ()
    %get3A = arith.constant 0 : index
    %get3A_3 = tpu.vector_load %arg12[%get3A] {strides = array<i32>} : memref<16xf32, #tpu.memory_space<vmem>>, vector<16xf32>,
    %get3A_4 = vector.shape_cast %get3A_3 : vector<16xf32> to vector<16xf32>
    %scan3A = arith.constant 0 : i32
    %scan3A_5 = arith.constant 128 : i32
    %scan3A_6 = arith.addi %scan3A, %scan3A_5 : i32
    %scan3A_7 = arith.constant 1 : i32
    scf.for %scan3A_28 = %scan3A to %scan3A_6 step %scan3A_7  : i32 {
      %swap3A = arith.index_cast %scan3A_28 : i32 to index
      %swap3A_29 = arith.constant 16 : index
      %swap3A_30 = tpu.vector_load %arg10[%swap3A, %swap3A_29] {strides = array<i32>} : memref<128x128xf32, #tpu.memory_space<vmem>>, vector<1x16xf32>,
      %swap3A_31 = vector.shape_cast %swap3A_30 : vector<1x16xf32> to vector<16xf32>
      %swap3A_32 = vector.shape_cast %get3A_4 : vector<16xf32> to vector<1x16xf32>
      tpu.vector_store %arg10[%swap3A, %swap3A_29], %swap3A_32 {strides = array<i32>} : memref<128x128xf32, #tpu.memory_space<vmem>>, vector<1x16xf32>,
      %swap3A_33 = arith.index_cast %scan3A_28 : i32 to index
      %swap3A_34 = arith.constant 16 : index
      %swap3A_35 = tpu.vector_load %arg11[%swap3A_33, %swap3A_34] {strides = array<i32>} : memref<128x128xf32, #tpu.memory_space<vmem>>, vector<1x16xf32>,
      %swap3A_36 = vector.shape_cast %swap3A_35 : vector<1x16xf32> to vector<16xf32>
      %swap3A_37 = vector.shape_cast %get3A_4 : vector<16xf32> to vector<1x16xf32>
      tpu.vector_store %arg11[%swap3A_33, %swap3A_34], %swap3A_37 {strides = array<i32>} : memref<128x128xf32, #tpu.memory_space<vmem>>, vector<1x16xf32>,
    }
    %scan3A_8 = arith.constant 128 : i32
    %barrier3A = arith.constant 0 : index
    tpu.barrier barrier_id(%barrier3A)
    %scan3A_9 = arith.constant 0 : i32
    %scan3A_10 = arith.constant 10 : i32
    %scan3A_11 = arith.addi %scan3A_9, %scan3A_10 : i32
    %scan3A_12 = arith.constant 1 : i32
    scf.for %scan3A_28 = %scan3A_9 to %scan3A_11 step %scan3A_12  : i32 {
      %gt3A = arith.constant 0 : i32
      %gt3A_29 = arith.cmpi sgt, %scan3A_28, %gt3A : i32
      %convert_element_type3A = arith.extui %gt3A_29 : i1 to i32
      %cond3A = arith.constant 0 : i32
      %cond3A_30 = arith.cmpi ne, %convert_element_type3A, %cond3A : i32
      scf.if %cond3A_30 {
        %dma_wait3A_269 = arith.constant 6 : i32
        %dma_wait3A_270 = arith.constant 0 : i32
        %dma_wait3A_271 = tpu.memref_slice %arg7[%dma_wait3A_269, %dma_wait3A_270] : memref<8x128xi32, #tpu.memory_space<vmem>> -> memref<1x128xi32, #tpu.memory_space<vmem>>
        %dma_wait3A_272 = tpu.memref_squeeze %dma_wait3A_271 : memref<1x128xi32, #tpu.memory_space<vmem>> -> memref<128xi32, #tpu.memory_space<vmem>>
        %dma_wait3A_273 = arith.constant 0 : i32
        %dma_wait3A_274 = arith.constant 0 : i32
        %dma_wait3A_275 = tpu.memref_slice %arg13[%dma_wait3A_273, %dma_wait3A_274] : memref<10240x128xf32, #tpu.memory_space<vmem_shared>> -> memref<10240x128xf32, #tpu.memory_space<vmem_shared>>
        tpu.wait_indirect_dma semaphore(%arg16 : memref<!tpu.dma_semaphore, #tpu.memory_space<semaphore_mem>>) src(%arg10 : memref<128x128xf32, #tpu.memory_space<vmem>>) dst(%dma_wait3A_275 : memref<10240x128xf32, #tpu.memory_space<vmem_shared>>)
        %dma_wait3A_276 = arith.constant 7 : i32
        %dma_wait3A_277 = arith.constant 0 : i32
        %dma_wait3A_278 = tpu.memref_slice %arg7[%dma_wait3A_276, %dma_wait3A_277] : memref<8x128xi32, #tpu.memory_space<vmem>> -> memref<1x128xi32, #tpu.memory_space<vmem>>
        %dma_wait3A_279 = tpu.memref_squeeze %dma_wait3A_278 : memref<1x128xi32, #tpu.memory_space<vmem>> -> memref<128xi32, #tpu.memory_space<vmem>>
        %dma_wait3A_280 = arith.constant 0 : i32
        %dma_wait3A_281 = arith.constant 0 : i32
        %dma_wait3A_282 = tpu.memref_slice %arg13[%dma_wait3A_280, %dma_wait3A_281] : memref<10240x128xf32, #tpu.memory_space<vmem_shared>> -> memref<10240x128xf32, #tpu.memory_space<vmem_shared>>
        tpu.wait_indirect_dma semaphore(%arg17 : memref<!tpu.dma_semaphore, #tpu.memory_space<semaphore_mem>>) src(%arg11 : memref<128x128xf32, #tpu.memory_space<vmem>>) dst(%dma_wait3A_282 : memref<10240x128xf32, #tpu.memory_space<vmem_shared>>)
      } else {
      }
      "tpu.region"() ({
        %run_scoped3A = tpu.sem_alloc : memref<!tpu.dma_semaphore, #tpu.memory_space<semaphore_mem>>
        %dma_start3A_269 = arith.constant 0 : i32
        %dma_start3A_270 = arith.constant 0 : i32
        %dma_start3A_271 = tpu.memref_slice %arg3[%add3A, %scan3A_28, %dma_start3A_269, %dma_start3A_270] : memref<32x10x8x128xi32, #tpu.memory_space<hbm>> -> memref<1x1x8x128xi32, #tpu.memory_space<hbm>>
        %dma_start3A_272 = tpu.memref_squeeze %dma_start3A_271 : memref<1x1x8x128xi32, #tpu.memory_space<hbm>> -> memref<8x128xi32, #tpu.memory_space<hbm>>
        %dma_start3A_273 = arith.constant 0 : i32
        %dma_start3A_274 = arith.constant 0 : i32
        %dma_start3A_275 = tpu.memref_slice %arg3[%add3A, %scan3A_28, %dma_start3A_273, %dma_start3A_274] : memref<32x10x8x128xi32, #tpu.memory_space<hbm>> -> memref<1x1x8x128xi32, #tpu.memory_space<hbm>>
        %dma_start3A_276 = tpu.memref_squeeze %dma_start3A_275 : memref<1x1x8x128xi32, #tpu.memory_space<hbm>> -> memref<8x128xi32, #tpu.memory_space<hbm>>
        tpu.enqueue_dma source(%dma_start3A_276 : memref<8x128xi32, #tpu.memory_space<hbm>>) target(%arg7 : memref<8x128xi32, #tpu.memory_space<vmem>>) target_semaphore(%run_scoped3A : memref<!tpu.dma_semaphore, #tpu.memory_space<semaphore_mem>>)
        %dma_wait3A_277 = arith.constant 0 : i32
        %dma_wait3A_278 = arith.constant 0 : i32
        %dma_wait3A_279 = tpu.memref_slice %arg3[%add3A, %scan3A_28, %dma_wait3A_277, %dma_wait3A_278] : memref<32x10x8x128xi32, #tpu.memory_space<hbm>> -> memref<1x1x8x128xi32, #tpu.memory_space<hbm>>
        %dma_wait3A_280 = tpu.memref_squeeze %dma_wait3A_279 : memref<1x1x8x128xi32, #tpu.memory_space<hbm>> -> memref<8x128xi32, #tpu.memory_space<hbm>>
        %dma_wait3A_281 = arith.constant 0 : i32
        %dma_wait3A_282 = arith.constant 0 : i32
        %dma_wait3A_283 = tpu.memref_slice %arg3[%add3A, %scan3A_28, %dma_wait3A_281, %dma_wait3A_282] : memref<32x10x8x128xi32, #tpu.memory_space<hbm>> -> memref<1x1x8x128xi32, #tpu.memory_space<hbm>>
        %dma_wait3A_284 = tpu.memref_squeeze %dma_wait3A_283 : memref<1x1x8x128xi32, #tpu.memory_space<hbm>> -> memref<8x128xi32, #tpu.memory_space<hbm>>
        tpu.wait_dma2 semaphore(%run_scoped3A : memref<!tpu.dma_semaphore, #tpu.memory_space<semaphore_mem>>) src(%dma_wait3A_284 : memref<8x128xi32, #tpu.memory_space<hbm>>) dst(%arg7 : memref<8x128xi32, #tpu.memory_space<vmem>>)
        tpu.yield
      }) : () -> ()
      %mul3A_31 = arith.constant 10 : i32
      %mul3A_32 = arith.muli %add3A, %mul3A_31 : i32
      %add3A_33 = arith.addi %mul3A_32, %scan3A_28 : i32
      %mul3A_34 = arith.constant 8 : i32
      %mul3A_35 = arith.muli %add3A_33, %mul3A_34 : i32
      %mul3A_36 = arith.constant 16 : i32
      %mul3A_37 = arith.muli %mul3A_35, %mul3A_36 : i32
      %dma_start3A = arith.constant 0 : i32
      %dma_start3A_38 = tpu.memref_slice %arg2[%mul3A_37, %dma_start3A] : memref<40960x128xf32, #tpu.memory_space<hbm>> -> memref<16x128xf32, #tpu.memory_space<hbm>>
      %dma_start3A_39 = arith.constant 0 : i32
      %dma_start3A_40 = tpu.memref_slice %arg2[%mul3A_37, %dma_start3A_39] : memref<40960x128xf32, #tpu.memory_space<hbm>> -> memref<16x128xf32, #tpu.memory_space<hbm>>
      tpu.enqueue_dma source(%dma_start3A_40 : memref<16x128xf32, #tpu.memory_space<hbm>>) target(%arg8 : memref<16x128xf32, #tpu.memory_space<vmem>>) target_semaphore(%arg14 : memref<!tpu.dma_semaphore, #tpu.memory_space<semaphore_mem>>)
      %add3A_41 = arith.constant 0 : i32
      %add3A_42 = arith.addi %mul3A_37, %add3A_41 : i32
      %dma_wait3A_43 = arith.constant 0 : i32
      %dma_wait3A_44 = tpu.memref_slice %arg2[%add3A_42, %dma_wait3A_43] : memref<40960x128xf32, #tpu.memory_space<hbm>> -> memref<16x128xf32, #tpu.memory_space<hbm>>
      %dma_wait3A_45 = arith.constant 0 : i32
      %dma_wait3A_46 = tpu.memref_slice %arg2[%add3A_42, %dma_wait3A_45] : memref<40960x128xf32, #tpu.memory_space<hbm>> -> memref<16x128xf32, #tpu.memory_space<hbm>>
      tpu.wait_dma2 semaphore(%arg14 : memref<!tpu.dma_semaphore, #tpu.memory_space<semaphore_mem>>) src(%dma_wait3A_46 : memref<16x128xf32, #tpu.memory_space<hbm>>) dst(%arg8 : memref<16x128xf32, #tpu.memory_space<vmem>>)
      %add3A_47 = arith.constant 16 : i32
      %add3A_48 = arith.addi %mul3A_37, %add3A_47 : i32
      %dma_start3A_49 = arith.constant 0 : i32
      %dma_start3A_50 = tpu.memref_slice %arg2[%add3A_48, %dma_start3A_49] : memref<40960x128xf32, #tpu.memory_space<hbm>> -> memref<16x128xf32, #tpu.memory_space<hbm>>
      %dma_start3A_51 = arith.constant 0 : i32
      %dma_start3A_52 = tpu.memref_slice %arg2[%add3A_48, %dma_start3A_51] : memref<40960x128xf32, #tpu.memory_space<hbm>> -> memref<16x128xf32, #tpu.memory_space<hbm>>
      tpu.enqueue_dma source(%dma_start3A_52 : memref<16x128xf32, #tpu.memory_space<hbm>>) target(%arg9 : memref<16x128xf32, #tpu.memory_space<vmem>>) target_semaphore(%arg15 : memref<!tpu.dma_semaphore, #tpu.memory_space<semaphore_mem>>)
      %scan3A_53 = arith.constant 0 : i32
      %scan3A_54 = arith.constant 128 : i32
      %scan3A_55 = arith.addi %scan3A_53, %scan3A_54 : i32
      %scan3A_56 = arith.constant 1 : i32
      scf.for %scan3A_269 = %scan3A_53 to %scan3A_55 step %scan3A_56  : i32 {
        %jit3A = arith.constant 8 : i32
        %div3A = arith.divsi %scan3A_269, %jit3A : i32
        %sign3A = arith.constant 0 : i32
        %sign3A_270 = arith.cmpi sgt, %scan3A_269, %sign3A : i32
        %sign3A_271 = arith.extui %sign3A_270 : i1 to i32
        %sign3A_272 = arith.constant 0 : i32
        %sign3A_273 = arith.cmpi slt, %scan3A_269, %sign3A_272 : i32
        %sign3A_274 = arith.extui %sign3A_273 : i1 to i32
        %sign3A_275 = arith.subi %sign3A_271, %sign3A_274 : i32
        %sign3A_276 = arith.constant 0 : i32
        %sign3A_277 = arith.cmpi sgt, %jit3A, %sign3A_276 : i32
        %sign3A_278 = arith.extui %sign3A_277 : i1 to i32
        %sign3A_279 = arith.constant 0 : i32
        %sign3A_280 = arith.cmpi slt, %jit3A, %sign3A_279 : i32
        %sign3A_281 = arith.extui %sign3A_280 : i1 to i32
        %sign3A_282 = arith.subi %sign3A_278, %sign3A_281 : i32
        %ne3A = arith.cmpi ne, %sign3A_275, %sign3A_282 : i32
        %rem3A = arith.remsi %scan3A_269, %jit3A : i32
        %ne3A_283 = arith.constant 0 : i32
        %ne3A_284 = arith.cmpi ne, %rem3A, %ne3A_283 : i32
        %and3A = arith.andi %ne3A, %ne3A_284 : i1
        %sub3A = arith.constant 1 : i32
        %sub3A_285 = arith.subi %div3A, %sub3A : i32
        %select_n3A = arith.select %and3A, %sub3A_285, %div3A : i32
        %jit3A_286 = arith.constant 8 : i32
        %eq3A = arith.constant 0 : i32
        %eq3A_287 = arith.cmpi eq, %jit3A_286, %eq3A : i32
        %jit3A_288 = arith.constant 1 : i32
        %select_n3A_289 = arith.select %eq3A_287, %jit3A_288, %jit3A_286 : i32
        %rem3A_290 = arith.remsi %scan3A_269, %select_n3A_289 : i32
        %ne3A_291 = arith.constant 0 : i32
        %ne3A_292 = arith.cmpi ne, %rem3A_290, %ne3A_291 : i32
        %lt3A = arith.constant 0 : i32
        %lt3A_293 = arith.cmpi slt, %rem3A_290, %lt3A : i32
        %lt3A_294 = arith.constant 0 : i32
        %lt3A_295 = arith.cmpi slt, %select_n3A_289, %lt3A_294 : i32
        %ne3A_296 = arith.xori %lt3A_293, %lt3A_295 : i1
        %and3A_297 = arith.andi %ne3A_296, %ne3A_292 : i1
        %add3A_298 = arith.addi %rem3A_290, %select_n3A_289 : i32
        %select_n3A_299 = arith.select %and3A_297, %add3A_298, %rem3A_290 : i32
        %mul3A_300 = arith.constant 16 : i32
        %mul3A_301 = arith.muli %select_n3A_299, %mul3A_300 : i32
        %get3A_302 = arith.index_cast %select_n3A : i32 to index
        %get3A_303 = arith.index_cast %mul3A_301 : i32 to index
        %get3A_304 = tpu.vector_load %arg8[%get3A_302, %get3A_303] {strides = array<i32>} : memref<16x128xf32, #tpu.memory_space<vmem>>, vector<1x16xf32>,
        %get3A_305 = vector.shape_cast %get3A_304 : vector<1x16xf32> to vector<16xf32>
        %swap3A = arith.index_cast %scan3A_269 : i32 to index
        %swap3A_306 = arith.constant 0 : index
        %swap3A_307 = tpu.vector_load %arg10[%swap3A, %swap3A_306] {strides = array<i32>} : memref<128x128xf32, #tpu.memory_space<vmem>>, vector<1x16xf32>,
        %swap3A_308 = vector.shape_cast %swap3A_307 : vector<1x16xf32> to vector<16xf32>
        %swap3A_309 = vector.shape_cast %get3A_305 : vector<16xf32> to vector<1x16xf32>
        tpu.vector_store %arg10[%swap3A, %swap3A_306], %swap3A_309 {strides = array<i32>} : memref<128x128xf32, #tpu.memory_space<vmem>>, vector<1x16xf32>,
      }
      %scan3A_57 = arith.constant 128 : i32
      %dma_start3A_58 = arith.constant 0 : i32
      %dma_start3A_59 = arith.constant 0 : i32
      %dma_start3A_60 = tpu.memref_slice %arg7[%dma_start3A_58, %dma_start3A_59] : memref<8x128xi32, #tpu.memory_space<vmem>> -> memref<1x128xi32, #tpu.memory_space<vmem>>
      %dma_start3A_61 = tpu.memref_squeeze %dma_start3A_60 : memref<1x128xi32, #tpu.memory_space<vmem>> -> memref<128xi32, #tpu.memory_space<vmem>>
      %dma_start3A_62 = arith.constant 0 : i32
      %dma_start3A_63 = arith.constant 0 : i32
      %dma_start3A_64 = tpu.memref_slice %arg13[%dma_start3A_62, %dma_start3A_63] : memref<10240x128xf32, #tpu.memory_space<vmem_shared>> -> memref<10240x128xf32, #tpu.memory_space<vmem_shared>>
      tpu.enqueue_indirect_dma source(%arg10 : memref<128x128xf32, #tpu.memory_space<vmem>>) target(%dma_start3A_64 : memref<10240x128xf32, #tpu.memory_space<vmem_shared>>) offsets(%dma_start3A_61 : memref<128xi32, #tpu.memory_space<vmem>>) semaphore(%arg16 : memref<!tpu.dma_semaphore, #tpu.memory_space<semaphore_mem>>) {add = true}
      %add3A_65 = arith.constant 16 : i32
      %add3A_66 = arith.addi %mul3A_37, %add3A_65 : i32
      %dma_wait3A_67 = arith.constant 0 : i32
      %dma_wait3A_68 = tpu.memref_slice %arg2[%add3A_66, %dma_wait3A_67] : memref<40960x128xf32, #tpu.memory_space<hbm>> -> memref<16x128xf32, #tpu.memory_space<hbm>>
      %dma_wait3A_69 = arith.constant 0 : i32
      %dma_wait3A_70 = tpu.memref_slice %arg2[%add3A_66, %dma_wait3A_69] : memref<40960x128xf32, #tpu.memory_space<hbm>> -> memref<16x128xf32, #tpu.memory_space<hbm>>
      tpu.wait_dma2 semaphore(%arg15 : memref<!tpu.dma_semaphore, #tpu.memory_space<semaphore_mem>>) src(%dma_wait3A_70 : memref<16x128xf32, #tpu.memory_space<hbm>>) dst(%arg9 : memref<16x128xf32, #tpu.memory_space<vmem>>)
      %add3A_71 = arith.constant 32 : i32
      %add3A_72 = arith.addi %mul3A_37, %add3A_71 : i32
      %dma_start3A_73 = arith.constant 0 : i32
      %dma_start3A_74 = tpu.memref_slice %arg2[%add3A_72, %dma_start3A_73] : memref<40960x128xf32, #tpu.memory_space<hbm>> -> memref<16x128xf32, #tpu.memory_space<hbm>>
      %dma_start3A_75 = arith.constant 0 : i32
      %dma_start3A_76 = tpu.memref_slice %arg2[%add3A_72, %dma_start3A_75] : memref<40960x128xf32, #tpu.memory_space<hbm>> -> memref<16x128xf32, #tpu.memory_space<hbm>>
      tpu.enqueue_dma source(%dma_start3A_76 : memref<16x128xf32, #tpu.memory_space<hbm>>) target(%arg8 : memref<16x128xf32, #tpu.memory_space<vmem>>) target_semaphore(%arg14 : memref<!tpu.dma_semaphore, #tpu.memory_space<semaphore_mem>>)
      %scan3A_77 = arith.constant 0 : i32
      %scan3A_78 = arith.constant 128 : i32
      %scan3A_79 = arith.addi %scan3A_77, %scan3A_78 : i32
      %scan3A_80 = arith.constant 1 : i32
      scf.for %scan3A_269 = %scan3A_77 to %scan3A_79 step %scan3A_80  : i32 {
        %jit3A = arith.constant 8 : i32
        %div3A = arith.divsi %scan3A_269, %jit3A : i32
        %sign3A = arith.constant 0 : i32
        %sign3A_270 = arith.cmpi sgt, %scan3A_269, %sign3A : i32
        %sign3A_271 = arith.extui %sign3A_270 : i1 to i32
        %sign3A_272 = arith.constant 0 : i32
        %sign3A_273 = arith.cmpi slt, %scan3A_269, %sign3A_272 : i32
        %sign3A_274 = arith.extui %sign3A_273 : i1 to i32
        %sign3A_275 = arith.subi %sign3A_271, %sign3A_274 : i32
        %sign3A_276 = arith.constant 0 : i32
        %sign3A_277 = arith.cmpi sgt, %jit3A, %sign3A_276 : i32
        %sign3A_278 = arith.extui %sign3A_277 : i1 to i32
        %sign3A_279 = arith.constant 0 : i32
        %sign3A_280 = arith.cmpi slt, %jit3A, %sign3A_279 : i32
        %sign3A_281 = arith.extui %sign3A_280 : i1 to i32
        %sign3A_282 = arith.subi %sign3A_278, %sign3A_281 : i32
        %ne3A = arith.cmpi ne, %sign3A_275, %sign3A_282 : i32
        %rem3A = arith.remsi %scan3A_269, %jit3A : i32
        %ne3A_283 = arith.constant 0 : i32
        %ne3A_284 = arith.cmpi ne, %rem3A, %ne3A_283 : i32
        %and3A = arith.andi %ne3A, %ne3A_284 : i1
        %sub3A = arith.constant 1 : i32
        %sub3A_285 = arith.subi %div3A, %sub3A : i32
        %select_n3A = arith.select %and3A, %sub3A_285, %div3A : i32
        %jit3A_286 = arith.constant 8 : i32
        %eq3A = arith.constant 0 : i32
        %eq3A_287 = arith.cmpi eq, %jit3A_286, %eq3A : i32
        %jit3A_288 = arith.constant 1 : i32
        %select_n3A_289 = arith.select %eq3A_287, %jit3A_288, %jit3A_286 : i32
        %rem3A_290 = arith.remsi %scan3A_269, %select_n3A_289 : i32
        %ne3A_291 = arith.constant 0 : i32
        %ne3A_292 = arith.cmpi ne, %rem3A_290, %ne3A_291 : i32
        %lt3A = arith.constant 0 : i32
        %lt3A_293 = arith.cmpi slt, %rem3A_290, %lt3A : i32
        %lt3A_294 = arith.constant 0 : i32
        %lt3A_295 = arith.cmpi slt, %select_n3A_289, %lt3A_294 : i32
        %ne3A_296 = arith.xori %lt3A_293, %lt3A_295 : i1
        %and3A_297 = arith.andi %ne3A_296, %ne3A_292 : i1
        %add3A_298 = arith.addi %rem3A_290, %select_n3A_289 : i32
        %select_n3A_299 = arith.select %and3A_297, %add3A_298, %rem3A_290 : i32
        %mul3A_300 = arith.constant 16 : i32
        %mul3A_301 = arith.muli %select_n3A_299, %mul3A_300 : i32
        %get3A_302 = arith.index_cast %select_n3A : i32 to index
        %get3A_303 = arith.index_cast %mul3A_301 : i32 to index
        %get3A_304 = tpu.vector_load %arg9[%get3A_302, %get3A_303] {strides = array<i32>} : memref<16x128xf32, #tpu.memory_space<vmem>>, vector<1x16xf32>,
        %get3A_305 = vector.shape_cast %get3A_304 : vector<1x16xf32> to vector<16xf32>
        %swap3A = arith.index_cast %scan3A_269 : i32 to index
        %swap3A_306 = arith.constant 0 : index
        %swap3A_307 = tpu.vector_load %arg11[%swap3A, %swap3A_306] {strides = array<i32>} : memref<128x128xf32, #tpu.memory_space<vmem>>, vector<1x16xf32>,
        %swap3A_308 = vector.shape_cast %swap3A_307 : vector<1x16xf32> to vector<16xf32>
        %swap3A_309 = vector.shape_cast %get3A_305 : vector<16xf32> to vector<1x16xf32>
        tpu.vector_store %arg11[%swap3A, %swap3A_306], %swap3A_309 {strides = array<i32>} : memref<128x128xf32, #tpu.memory_space<vmem>>, vector<1x16xf32>,
      }
      %scan3A_81 = arith.constant 128 : i32
      %dma_start3A_82 = arith.constant 1 : i32
      %dma_start3A_83 = arith.constant 0 : i32
      %dma_start3A_84 = tpu.memref_slice %arg7[%dma_start3A_82, %dma_start3A_83] : memref<8x128xi32, #tpu.memory_space<vmem>> -> memref<1x128xi32, #tpu.memory_space<vmem>>
      %dma_start3A_85 = tpu.memref_squeeze %dma_start3A_84 : memref<1x128xi32, #tpu.memory_space<vmem>> -> memref<128xi32, #tpu.memory_space<vmem>>
      %dma_start3A_86 = arith.constant 0 : i32
      %dma_start3A_87 = arith.constant 0 : i32
      %dma_start3A_88 = tpu.memref_slice %arg13[%dma_start3A_86, %dma_start3A_87] : memref<10240x128xf32, #tpu.memory_space<vmem_shared>> -> memref<10240x128xf32, #tpu.memory_space<vmem_shared>>
      tpu.enqueue_indirect_dma source(%arg11 : memref<128x128xf32, #tpu.memory_space<vmem>>) target(%dma_start3A_88 : memref<10240x128xf32, #tpu.memory_space<vmem_shared>>) offsets(%dma_start3A_85 : memref<128xi32, #tpu.memory_space<vmem>>) semaphore(%arg17 : memref<!tpu.dma_semaphore, #tpu.memory_space<semaphore_mem>>) {add = true}
      %add3A_89 = arith.constant 32 : i32
      %add3A_90 = arith.addi %mul3A_37, %add3A_89 : i32
      %dma_wait3A_91 = arith.constant 0 : i32
      %dma_wait3A_92 = tpu.memref_slice %arg2[%add3A_90, %dma_wait3A_91] : memref<40960x128xf32, #tpu.memory_space<hbm>> -> memref<16x128xf32, #tpu.memory_space<hbm>>
      %dma_wait3A_93 = arith.constant 0 : i32
      %dma_wait3A_94 = tpu.memref_slice %arg2[%add3A_90, %dma_wait3A_93] : memref<40960x128xf32, #tpu.memory_space<hbm>> -> memref<16x128xf32, #tpu.memory_space<hbm>>
      tpu.wait_dma2 semaphore(%arg14 : memref<!tpu.dma_semaphore, #tpu.memory_space<semaphore_mem>>) src(%dma_wait3A_94 : memref<16x128xf32, #tpu.memory_space<hbm>>) dst(%arg8 : memref<16x128xf32, #tpu.memory_space<vmem>>)
      %add3A_95 = arith.constant 48 : i32
      %add3A_96 = arith.addi %mul3A_37, %add3A_95 : i32
      %dma_start3A_97 = arith.constant 0 : i32
      %dma_start3A_98 = tpu.memref_slice %arg2[%add3A_96, %dma_start3A_97] : memref<40960x128xf32, #tpu.memory_space<hbm>> -> memref<16x128xf32, #tpu.memory_space<hbm>>
      %dma_start3A_99 = arith.constant 0 : i32
      %dma_start3A_100 = tpu.memref_slice %arg2[%add3A_96, %dma_start3A_99] : memref<40960x128xf32, #tpu.memory_space<hbm>> -> memref<16x128xf32, #tpu.memory_space<hbm>>
      tpu.enqueue_dma source(%dma_start3A_100 : memref<16x128xf32, #tpu.memory_space<hbm>>) target(%arg9 : memref<16x128xf32, #tpu.memory_space<vmem>>) target_semaphore(%arg15 : memref<!tpu.dma_semaphore, #tpu.memory_space<semaphore_mem>>)
      %dma_wait3A_101 = arith.constant 0 : i32
      %dma_wait3A_102 = arith.constant 0 : i32
      %dma_wait3A_103 = tpu.memref_slice %arg7[%dma_wait3A_101, %dma_wait3A_102] : memref<8x128xi32, #tpu.memory_space<vmem>> -> memref<1x128xi32, #tpu.memory_space<vmem>>
      %dma_wait3A_104 = tpu.memref_squeeze %dma_wait3A_103 : memref<1x128xi32, #tpu.memory_space<vmem>> -> memref<128xi32, #tpu.memory_space<vmem>>
      %dma_wait3A_105 = arith.constant 0 : i32
      %dma_wait3A_106 = arith.constant 0 : i32
      %dma_wait3A_107 = tpu.memref_slice %arg13[%dma_wait3A_105, %dma_wait3A_106] : memref<10240x128xf32, #tpu.memory_space<vmem_shared>> -> memref<10240x128xf32, #tpu.memory_space<vmem_shared>>
      tpu.wait_indirect_dma semaphore(%arg16 : memref<!tpu.dma_semaphore, #tpu.memory_space<semaphore_mem>>) src(%arg10 : memref<128x128xf32, #tpu.memory_space<vmem>>) dst(%dma_wait3A_107 : memref<10240x128xf32, #tpu.memory_space<vmem_shared>>)
      %scan3A_108 = arith.constant 0 : i32
      %scan3A_109 = arith.constant 128 : i32
      %scan3A_110 = arith.addi %scan3A_108, %scan3A_109 : i32
      %scan3A_111 = arith.constant 1 : i32
      scf.for %scan3A_269 = %scan3A_108 to %scan3A_110 step %scan3A_111  : i32 {
        %jit3A = arith.constant 8 : i32
        %div3A = arith.divsi %scan3A_269, %jit3A : i32
        %sign3A = arith.constant 0 : i32
        %sign3A_270 = arith.cmpi sgt, %scan3A_269, %sign3A : i32
        %sign3A_271 = arith.extui %sign3A_270 : i1 to i32
        %sign3A_272 = arith.constant 0 : i32
        %sign3A_273 = arith.cmpi slt, %scan3A_269, %sign3A_272 : i32
        %sign3A_274 = arith.extui %sign3A_273 : i1 to i32
        %sign3A_275 = arith.subi %sign3A_271, %sign3A_274 : i32
        %sign3A_276 = arith.constant 0 : i32
        %sign3A_277 = arith.cmpi sgt, %jit3A, %sign3A_276 : i32
        %sign3A_278 = arith.extui %sign3A_277 : i1 to i32
        %sign3A_279 = arith.constant 0 : i32
        %sign3A_280 = arith.cmpi slt, %jit3A, %sign3A_279 : i32
        %sign3A_281 = arith.extui %sign3A_280 : i1 to i32
        %sign3A_282 = arith.subi %sign3A_278, %sign3A_281 : i32
        %ne3A = arith.cmpi ne, %sign3A_275, %sign3A_282 : i32
        %rem3A = arith.remsi %scan3A_269, %jit3A : i32
        %ne3A_283 = arith.constant 0 : i32
        %ne3A_284 = arith.cmpi ne, %rem3A, %ne3A_283 : i32
        %and3A = arith.andi %ne3A, %ne3A_284 : i1
        %sub3A = arith.constant 1 : i32
        %sub3A_285 = arith.subi %div3A, %sub3A : i32
        %select_n3A = arith.select %and3A, %sub3A_285, %div3A : i32
        %jit3A_286 = arith.constant 8 : i32
        %eq3A = arith.constant 0 : i32
        %eq3A_287 = arith.cmpi eq, %jit3A_286, %eq3A : i32
        %jit3A_288 = arith.constant 1 : i32
        %select_n3A_289 = arith.select %eq3A_287, %jit3A_288, %jit3A_286 : i32
        %rem3A_290 = arith.remsi %scan3A_269, %select_n3A_289 : i32
        %ne3A_291 = arith.constant 0 : i32
        %ne3A_292 = arith.cmpi ne, %rem3A_290, %ne3A_291 : i32
        %lt3A = arith.constant 0 : i32
        %lt3A_293 = arith.cmpi slt, %rem3A_290, %lt3A : i32
        %lt3A_294 = arith.constant 0 : i32
        %lt3A_295 = arith.cmpi slt, %select_n3A_289, %lt3A_294 : i32
        %ne3A_296 = arith.xori %lt3A_293, %lt3A_295 : i1
        %and3A_297 = arith.andi %ne3A_296, %ne3A_292 : i1
        %add3A_298 = arith.addi %rem3A_290, %select_n3A_289 : i32
        %select_n3A_299 = arith.select %and3A_297, %add3A_298, %rem3A_290 : i32
        %mul3A_300 = arith.constant 16 : i32
        %mul3A_301 = arith.muli %select_n3A_299, %mul3A_300 : i32
        %get3A_302 = arith.index_cast %select_n3A : i32 to index
        %get3A_303 = arith.index_cast %mul3A_301 : i32 to index
        %get3A_304 = tpu.vector_load %arg8[%get3A_302, %get3A_303] {strides = array<i32>} : memref<16x128xf32, #tpu.memory_space<vmem>>, vector<1x16xf32>,
        %get3A_305 = vector.shape_cast %get3A_304 : vector<1x16xf32> to vector<16xf32>
        %swap3A = arith.index_cast %scan3A_269 : i32 to index
        %swap3A_306 = arith.constant 0 : index
        %swap3A_307 = tpu.vector_load %arg10[%swap3A, %swap3A_306] {strides = array<i32>} : memref<128x128xf32, #tpu.memory_space<vmem>>, vector<1x16xf32>,
        %swap3A_308 = vector.shape_cast %swap3A_307 : vector<1x16xf32> to vector<16xf32>
        %swap3A_309 = vector.shape_cast %get3A_305 : vector<16xf32> to vector<1x16xf32>
        tpu.vector_store %arg10[%swap3A, %swap3A_306], %swap3A_309 {strides = array<i32>} : memref<128x128xf32, #tpu.memory_space<vmem>>, vector<1x16xf32>,
      }
      %scan3A_112 = arith.constant 128 : i32
      %dma_start3A_113 = arith.constant 2 : i32
      %dma_start3A_114 = arith.constant 0 : i32
      %dma_start3A_115 = tpu.memref_slice %arg7[%dma_start3A_113, %dma_start3A_114] : memref<8x128xi32, #tpu.memory_space<vmem>> -> memref<1x128xi32, #tpu.memory_space<vmem>>
      %dma_start3A_116 = tpu.memref_squeeze %dma_start3A_115 : memref<1x128xi32, #tpu.memory_space<vmem>> -> memref<128xi32, #tpu.memory_space<vmem>>
      %dma_start3A_117 = arith.constant 0 : i32
      %dma_start3A_118 = arith.constant 0 : i32
      %dma_start3A_119 = tpu.memref_slice %arg13[%dma_start3A_117, %dma_start3A_118] : memref<10240x128xf32, #tpu.memory_space<vmem_shared>> -> memref<10240x128xf32, #tpu.memory_space<vmem_shared>>
      tpu.enqueue_indirect_dma source(%arg10 : memref<128x128xf32, #tpu.memory_space<vmem>>) target(%dma_start3A_119 : memref<10240x128xf32, #tpu.memory_space<vmem_shared>>) offsets(%dma_start3A_116 : memref<128xi32, #tpu.memory_space<vmem>>) semaphore(%arg16 : memref<!tpu.dma_semaphore, #tpu.memory_space<semaphore_mem>>) {add = true}
      %add3A_120 = arith.constant 48 : i32
      %add3A_121 = arith.addi %mul3A_37, %add3A_120 : i32
      %dma_wait3A_122 = arith.constant 0 : i32
      %dma_wait3A_123 = tpu.memref_slice %arg2[%add3A_121, %dma_wait3A_122] : memref<40960x128xf32, #tpu.memory_space<hbm>> -> memref<16x128xf32, #tpu.memory_space<hbm>>
      %dma_wait3A_124 = arith.constant 0 : i32
      %dma_wait3A_125 = tpu.memref_slice %arg2[%add3A_121, %dma_wait3A_124] : memref<40960x128xf32, #tpu.memory_space<hbm>> -> memref<16x128xf32, #tpu.memory_space<hbm>>
      tpu.wait_dma2 semaphore(%arg15 : memref<!tpu.dma_semaphore, #tpu.memory_space<semaphore_mem>>) src(%dma_wait3A_125 : memref<16x128xf32, #tpu.memory_space<hbm>>) dst(%arg9 : memref<16x128xf32, #tpu.memory_space<vmem>>)
      %add3A_126 = arith.constant 64 : i32
      %add3A_127 = arith.addi %mul3A_37, %add3A_126 : i32
      %dma_start3A_128 = arith.constant 0 : i32
      %dma_start3A_129 = tpu.memref_slice %arg2[%add3A_127, %dma_start3A_128] : memref<40960x128xf32, #tpu.memory_space<hbm>> -> memref<16x128xf32, #tpu.memory_space<hbm>>
      %dma_start3A_130 = arith.constant 0 : i32
      %dma_start3A_131 = tpu.memref_slice %arg2[%add3A_127, %dma_start3A_130] : memref<40960x128xf32, #tpu.memory_space<hbm>> -> memref<16x128xf32, #tpu.memory_space<hbm>>
      tpu.enqueue_dma source(%dma_start3A_131 : memref<16x128xf32, #tpu.memory_space<hbm>>) target(%arg8 : memref<16x128xf32, #tpu.memory_space<vmem>>) target_semaphore(%arg14 : memref<!tpu.dma_semaphore, #tpu.memory_space<semaphore_mem>>)
      %dma_wait3A_132 = arith.constant 1 : i32
      %dma_wait3A_133 = arith.constant 0 : i32
      %dma_wait3A_134 = tpu.memref_slice %arg7[%dma_wait3A_132, %dma_wait3A_133] : memref<8x128xi32, #tpu.memory_space<vmem>> -> memref<1x128xi32, #tpu.memory_space<vmem>>
      %dma_wait3A_135 = tpu.memref_squeeze %dma_wait3A_134 : memref<1x128xi32, #tpu.memory_space<vmem>> -> memref<128xi32, #tpu.memory_space<vmem>>
      %dma_wait3A_136 = arith.constant 0 : i32
      %dma_wait3A_137 = arith.constant 0 : i32
      %dma_wait3A_138 = tpu.memref_slice %arg13[%dma_wait3A_136, %dma_wait3A_137] : memref<10240x128xf32, #tpu.memory_space<vmem_shared>> -> memref<10240x128xf32, #tpu.memory_space<vmem_shared>>
      tpu.wait_indirect_dma semaphore(%arg17 : memref<!tpu.dma_semaphore, #tpu.memory_space<semaphore_mem>>) src(%arg11 : memref<128x128xf32, #tpu.memory_space<vmem>>) dst(%dma_wait3A_138 : memref<10240x128xf32, #tpu.memory_space<vmem_shared>>)
      %scan3A_139 = arith.constant 0 : i32
      %scan3A_140 = arith.constant 128 : i32
      %scan3A_141 = arith.addi %scan3A_139, %scan3A_140 : i32
      %scan3A_142 = arith.constant 1 : i32
      scf.for %scan3A_269 = %scan3A_139 to %scan3A_141 step %scan3A_142  : i32 {
        %jit3A = arith.constant 8 : i32
        %div3A = arith.divsi %scan3A_269, %jit3A : i32
        %sign3A = arith.constant 0 : i32
        %sign3A_270 = arith.cmpi sgt, %scan3A_269, %sign3A : i32
        %sign3A_271 = arith.extui %sign3A_270 : i1 to i32
        %sign3A_272 = arith.constant 0 : i32
        %sign3A_273 = arith.cmpi slt, %scan3A_269, %sign3A_272 : i32
        %sign3A_274 = arith.extui %sign3A_273 : i1 to i32
        %sign3A_275 = arith.subi %sign3A_271, %sign3A_274 : i32
        %sign3A_276 = arith.constant 0 : i32
        %sign3A_277 = arith.cmpi sgt, %jit3A, %sign3A_276 : i32
        %sign3A_278 = arith.extui %sign3A_277 : i1 to i32
        %sign3A_279 = arith.constant 0 : i32
        %sign3A_280 = arith.cmpi slt, %jit3A, %sign3A_279 : i32
        %sign3A_281 = arith.extui %sign3A_280 : i1 to i32
        %sign3A_282 = arith.subi %sign3A_278, %sign3A_281 : i32
        %ne3A = arith.cmpi ne, %sign3A_275, %sign3A_282 : i32
        %rem3A = arith.remsi %scan3A_269, %jit3A : i32
        %ne3A_283 = arith.constant 0 : i32
        %ne3A_284 = arith.cmpi ne, %rem3A, %ne3A_283 : i32
        %and3A = arith.andi %ne3A, %ne3A_284 : i1
        %sub3A = arith.constant 1 : i32
        %sub3A_285 = arith.subi %div3A, %sub3A : i32
        %select_n3A = arith.select %and3A, %sub3A_285, %div3A : i32
        %jit3A_286 = arith.constant 8 : i32
        %eq3A = arith.constant 0 : i32
        %eq3A_287 = arith.cmpi eq, %jit3A_286, %eq3A : i32
        %jit3A_288 = arith.constant 1 : i32
        %select_n3A_289 = arith.select %eq3A_287, %jit3A_288, %jit3A_286 : i32
        %rem3A_290 = arith.remsi %scan3A_269, %select_n3A_289 : i32
        %ne3A_291 = arith.constant 0 : i32
        %ne3A_292 = arith.cmpi ne, %rem3A_290, %ne3A_291 : i32
        %lt3A = arith.constant 0 : i32
        %lt3A_293 = arith.cmpi slt, %rem3A_290, %lt3A : i32
        %lt3A_294 = arith.constant 0 : i32
        %lt3A_295 = arith.cmpi slt, %select_n3A_289, %lt3A_294 : i32
        %ne3A_296 = arith.xori %lt3A_293, %lt3A_295 : i1
        %and3A_297 = arith.andi %ne3A_296, %ne3A_292 : i1
        %add3A_298 = arith.addi %rem3A_290, %select_n3A_289 : i32
        %select_n3A_299 = arith.select %and3A_297, %add3A_298, %rem3A_290 : i32
        %mul3A_300 = arith.constant 16 : i32
        %mul3A_301 = arith.muli %select_n3A_299, %mul3A_300 : i32
        %get3A_302 = arith.index_cast %select_n3A : i32 to index
        %get3A_303 = arith.index_cast %mul3A_301 : i32 to index
        %get3A_304 = tpu.vector_load %arg9[%get3A_302, %get3A_303] {strides = array<i32>} : memref<16x128xf32, #tpu.memory_space<vmem>>, vector<1x16xf32>,
        %get3A_305 = vector.shape_cast %get3A_304 : vector<1x16xf32> to vector<16xf32>
        %swap3A = arith.index_cast %scan3A_269 : i32 to index
        %swap3A_306 = arith.constant 0 : index
        %swap3A_307 = tpu.vector_load %arg11[%swap3A, %swap3A_306] {strides = array<i32>} : memref<128x128xf32, #tpu.memory_space<vmem>>, vector<1x16xf32>,
        %swap3A_308 = vector.shape_cast %swap3A_307 : vector<1x16xf32> to vector<16xf32>
        %swap3A_309 = vector.shape_cast %get3A_305 : vector<16xf32> to vector<1x16xf32>
        tpu.vector_store %arg11[%swap3A, %swap3A_306], %swap3A_309 {strides = array<i32>} : memref<128x128xf32, #tpu.memory_space<vmem>>, vector<1x16xf32>,
      }
      %scan3A_143 = arith.constant 128 : i32
      %dma_start3A_144 = arith.constant 3 : i32
      %dma_start3A_145 = arith.constant 0 : i32
      %dma_start3A_146 = tpu.memref_slice %arg7[%dma_start3A_144, %dma_start3A_145] : memref<8x128xi32, #tpu.memory_space<vmem>> -> memref<1x128xi32, #tpu.memory_space<vmem>>
      %dma_start3A_147 = tpu.memref_squeeze %dma_start3A_146 : memref<1x128xi32, #tpu.memory_space<vmem>> -> memref<128xi32, #tpu.memory_space<vmem>>
      %dma_start3A_148 = arith.constant 0 : i32
      %dma_start3A_149 = arith.constant 0 : i32
      %dma_start3A_150 = tpu.memref_slice %arg13[%dma_start3A_148, %dma_start3A_149] : memref<10240x128xf32, #tpu.memory_space<vmem_shared>> -> memref<10240x128xf32, #tpu.memory_space<vmem_shared>>
      tpu.enqueue_indirect_dma source(%arg11 : memref<128x128xf32, #tpu.memory_space<vmem>>) target(%dma_start3A_150 : memref<10240x128xf32, #tpu.memory_space<vmem_shared>>) offsets(%dma_start3A_147 : memref<128xi32, #tpu.memory_space<vmem>>) semaphore(%arg17 : memref<!tpu.dma_semaphore, #tpu.memory_space<semaphore_mem>>) {add = true}
      %add3A_151 = arith.constant 64 : i32
      %add3A_152 = arith.addi %mul3A_37, %add3A_151 : i32
      %dma_wait3A_153 = arith.constant 0 : i32
      %dma_wait3A_154 = tpu.memref_slice %arg2[%add3A_152, %dma_wait3A_153] : memref<40960x128xf32, #tpu.memory_space<hbm>> -> memref<16x128xf32, #tpu.memory_space<hbm>>
      %dma_wait3A_155 = arith.constant 0 : i32
      %dma_wait3A_156 = tpu.memref_slice %arg2[%add3A_152, %dma_wait3A_155] : memref<40960x128xf32, #tpu.memory_space<hbm>> -> memref<16x128xf32, #tpu.memory_space<hbm>>
      tpu.wait_dma2 semaphore(%arg14 : memref<!tpu.dma_semaphore, #tpu.memory_space<semaphore_mem>>) src(%dma_wait3A_156 : memref<16x128xf32, #tpu.memory_space<hbm>>) dst(%arg8 : memref<16x128xf32, #tpu.memory_space<vmem>>)
      %add3A_157 = arith.constant 80 : i32
      %add3A_158 = arith.addi %mul3A_37, %add3A_157 : i32
      %dma_start3A_159 = arith.constant 0 : i32
      %dma_start3A_160 = tpu.memref_slice %arg2[%add3A_158, %dma_start3A_159] : memref<40960x128xf32, #tpu.memory_space<hbm>> -> memref<16x128xf32, #tpu.memory_space<hbm>>
      %dma_start3A_161 = arith.constant 0 : i32
      %dma_start3A_162 = tpu.memref_slice %arg2[%add3A_158, %dma_start3A_161] : memref<40960x128xf32, #tpu.memory_space<hbm>> -> memref<16x128xf32, #tpu.memory_space<hbm>>
      tpu.enqueue_dma source(%dma_start3A_162 : memref<16x128xf32, #tpu.memory_space<hbm>>) target(%arg9 : memref<16x128xf32, #tpu.memory_space<vmem>>) target_semaphore(%arg15 : memref<!tpu.dma_semaphore, #tpu.memory_space<semaphore_mem>>)
      %dma_wait3A_163 = arith.constant 2 : i32
      %dma_wait3A_164 = arith.constant 0 : i32
      %dma_wait3A_165 = tpu.memref_slice %arg7[%dma_wait3A_163, %dma_wait3A_164] : memref<8x128xi32, #tpu.memory_space<vmem>> -> memref<1x128xi32, #tpu.memory_space<vmem>>
      %dma_wait3A_166 = tpu.memref_squeeze %dma_wait3A_165 : memref<1x128xi32, #tpu.memory_space<vmem>> -> memref<128xi32, #tpu.memory_space<vmem>>
      %dma_wait3A_167 = arith.constant 0 : i32
      %dma_wait3A_168 = arith.constant 0 : i32
      %dma_wait3A_169 = tpu.memref_slice %arg13[%dma_wait3A_167, %dma_wait3A_168] : memref<10240x128xf32, #tpu.memory_space<vmem_shared>> -> memref<10240x128xf32, #tpu.memory_space<vmem_shared>>
      tpu.wait_indirect_dma semaphore(%arg16 : memref<!tpu.dma_semaphore, #tpu.memory_space<semaphore_mem>>) src(%arg10 : memref<128x128xf32, #tpu.memory_space<vmem>>) dst(%dma_wait3A_169 : memref<10240x128xf32, #tpu.memory_space<vmem_shared>>)
      %scan3A_170 = arith.constant 0 : i32
      %scan3A_171 = arith.constant 128 : i32
      %scan3A_172 = arith.addi %scan3A_170, %scan3A_171 : i32
      %scan3A_173 = arith.constant 1 : i32
      scf.for %scan3A_269 = %scan3A_170 to %scan3A_172 step %scan3A_173  : i32 {
        %jit3A = arith.constant 8 : i32
        %div3A = arith.divsi %scan3A_269, %jit3A : i32
        %sign3A = arith.constant 0 : i32
        %sign3A_270 = arith.cmpi sgt, %scan3A_269, %sign3A : i32
        %sign3A_271 = arith.extui %sign3A_270 : i1 to i32
        %sign3A_272 = arith.constant 0 : i32
        %sign3A_273 = arith.cmpi slt, %scan3A_269, %sign3A_272 : i32
        %sign3A_274 = arith.extui %sign3A_273 : i1 to i32
        %sign3A_275 = arith.subi %sign3A_271, %sign3A_274 : i32
        %sign3A_276 = arith.constant 0 : i32
        %sign3A_277 = arith.cmpi sgt, %jit3A, %sign3A_276 : i32
        %sign3A_278 = arith.extui %sign3A_277 : i1 to i32
        %sign3A_279 = arith.constant 0 : i32
        %sign3A_280 = arith.cmpi slt, %jit3A, %sign3A_279 : i32
        %sign3A_281 = arith.extui %sign3A_280 : i1 to i32
        %sign3A_282 = arith.subi %sign3A_278, %sign3A_281 : i32
        %ne3A = arith.cmpi ne, %sign3A_275, %sign3A_282 : i32
        %rem3A = arith.remsi %scan3A_269, %jit3A : i32
        %ne3A_283 = arith.constant 0 : i32
        %ne3A_284 = arith.cmpi ne, %rem3A, %ne3A_283 : i32
        %and3A = arith.andi %ne3A, %ne3A_284 : i1
        %sub3A = arith.constant 1 : i32
        %sub3A_285 = arith.subi %div3A, %sub3A : i32
        %select_n3A = arith.select %and3A, %sub3A_285, %div3A : i32
        %jit3A_286 = arith.constant 8 : i32
        %eq3A = arith.constant 0 : i32
        %eq3A_287 = arith.cmpi eq, %jit3A_286, %eq3A : i32
        %jit3A_288 = arith.constant 1 : i32
        %select_n3A_289 = arith.select %eq3A_287, %jit3A_288, %jit3A_286 : i32
        %rem3A_290 = arith.remsi %scan3A_269, %select_n3A_289 : i32
        %ne3A_291 = arith.constant 0 : i32
        %ne3A_292 = arith.cmpi ne, %rem3A_290, %ne3A_291 : i32
        %lt3A = arith.constant 0 : i32
        %lt3A_293 = arith.cmpi slt, %rem3A_290, %lt3A : i32
        %lt3A_294 = arith.constant 0 : i32
        %lt3A_295 = arith.cmpi slt, %select_n3A_289, %lt3A_294 : i32
        %ne3A_296 = arith.xori %lt3A_293, %lt3A_295 : i1
        %and3A_297 = arith.andi %ne3A_296, %ne3A_292 : i1
        %add3A_298 = arith.addi %rem3A_290, %select_n3A_289 : i32
        %select_n3A_299 = arith.select %and3A_297, %add3A_298, %rem3A_290 : i32
        %mul3A_300 = arith.constant 16 : i32
        %mul3A_301 = arith.muli %select_n3A_299, %mul3A_300 : i32
        %get3A_302 = arith.index_cast %select_n3A : i32 to index
        %get3A_303 = arith.index_cast %mul3A_301 : i32 to index
        %get3A_304 = tpu.vector_load %arg8[%get3A_302, %get3A_303] {strides = array<i32>} : memref<16x128xf32, #tpu.memory_space<vmem>>, vector<1x16xf32>,
        %get3A_305 = vector.shape_cast %get3A_304 : vector<1x16xf32> to vector<16xf32>
        %swap3A = arith.index_cast %scan3A_269 : i32 to index
        %swap3A_306 = arith.constant 0 : index
        %swap3A_307 = tpu.vector_load %arg10[%swap3A, %swap3A_306] {strides = array<i32>} : memref<128x128xf32, #tpu.memory_space<vmem>>, vector<1x16xf32>,
        %swap3A_308 = vector.shape_cast %swap3A_307 : vector<1x16xf32> to vector<16xf32>
        %swap3A_309 = vector.shape_cast %get3A_305 : vector<16xf32> to vector<1x16xf32>
        tpu.vector_store %arg10[%swap3A, %swap3A_306], %swap3A_309 {strides = array<i32>} : memref<128x128xf32, #tpu.memory_space<vmem>>, vector<1x16xf32>,
      }
      %scan3A_174 = arith.constant 128 : i32
      %dma_start3A_175 = arith.constant 4 : i32
      %dma_start3A_176 = arith.constant 0 : i32
      %dma_start3A_177 = tpu.memref_slice %arg7[%dma_start3A_175, %dma_start3A_176] : memref<8x128xi32, #tpu.memory_space<vmem>> -> memref<1x128xi32, #tpu.memory_space<vmem>>
      %dma_start3A_178 = tpu.memref_squeeze %dma_start3A_177 : memref<1x128xi32, #tpu.memory_space<vmem>> -> memref<128xi32, #tpu.memory_space<vmem>>
      %dma_start3A_179 = arith.constant 0 : i32
      %dma_start3A_180 = arith.constant 0 : i32
      %dma_start3A_181 = tpu.memref_slice %arg13[%dma_start3A_179, %dma_start3A_180] : memref<10240x128xf32, #tpu.memory_space<vmem_shared>> -> memref<10240x128xf32, #tpu.memory_space<vmem_shared>>
      tpu.enqueue_indirect_dma source(%arg10 : memref<128x128xf32, #tpu.memory_space<vmem>>) target(%dma_start3A_181 : memref<10240x128xf32, #tpu.memory_space<vmem_shared>>) offsets(%dma_start3A_178 : memref<128xi32, #tpu.memory_space<vmem>>) semaphore(%arg16 : memref<!tpu.dma_semaphore, #tpu.memory_space<semaphore_mem>>) {add = true}
      %add3A_182 = arith.constant 80 : i32
      %add3A_183 = arith.addi %mul3A_37, %add3A_182 : i32
      %dma_wait3A_184 = arith.constant 0 : i32
      %dma_wait3A_185 = tpu.memref_slice %arg2[%add3A_183, %dma_wait3A_184] : memref<40960x128xf32, #tpu.memory_space<hbm>> -> memref<16x128xf32, #tpu.memory_space<hbm>>
      %dma_wait3A_186 = arith.constant 0 : i32
      %dma_wait3A_187 = tpu.memref_slice %arg2[%add3A_183, %dma_wait3A_186] : memref<40960x128xf32, #tpu.memory_space<hbm>> -> memref<16x128xf32, #tpu.memory_space<hbm>>
      tpu.wait_dma2 semaphore(%arg15 : memref<!tpu.dma_semaphore, #tpu.memory_space<semaphore_mem>>) src(%dma_wait3A_187 : memref<16x128xf32, #tpu.memory_space<hbm>>) dst(%arg9 : memref<16x128xf32, #tpu.memory_space<vmem>>)
      %add3A_188 = arith.constant 96 : i32
      %add3A_189 = arith.addi %mul3A_37, %add3A_188 : i32
      %dma_start3A_190 = arith.constant 0 : i32
      %dma_start3A_191 = tpu.memref_slice %arg2[%add3A_189, %dma_start3A_190] : memref<40960x128xf32, #tpu.memory_space<hbm>> -> memref<16x128xf32, #tpu.memory_space<hbm>>
      %dma_start3A_192 = arith.constant 0 : i32
      %dma_start3A_193 = tpu.memref_slice %arg2[%add3A_189, %dma_start3A_192] : memref<40960x128xf32, #tpu.memory_space<hbm>> -> memref<16x128xf32, #tpu.memory_space<hbm>>
      tpu.enqueue_dma source(%dma_start3A_193 : memref<16x128xf32, #tpu.memory_space<hbm>>) target(%arg8 : memref<16x128xf32, #tpu.memory_space<vmem>>) target_semaphore(%arg14 : memref<!tpu.dma_semaphore, #tpu.memory_space<semaphore_mem>>)
      %dma_wait3A_194 = arith.constant 3 : i32
      %dma_wait3A_195 = arith.constant 0 : i32
      %dma_wait3A_196 = tpu.memref_slice %arg7[%dma_wait3A_194, %dma_wait3A_195] : memref<8x128xi32, #tpu.memory_space<vmem>> -> memref<1x128xi32, #tpu.memory_space<vmem>>
      %dma_wait3A_197 = tpu.memref_squeeze %dma_wait3A_196 : memref<1x128xi32, #tpu.memory_space<vmem>> -> memref<128xi32, #tpu.memory_space<vmem>>
      %dma_wait3A_198 = arith.constant 0 : i32
      %dma_wait3A_199 = arith.constant 0 : i32
      %dma_wait3A_200 = tpu.memref_slice %arg13[%dma_wait3A_198, %dma_wait3A_199] : memref<10240x128xf32, #tpu.memory_space<vmem_shared>> -> memref<10240x128xf32, #tpu.memory_space<vmem_shared>>
      tpu.wait_indirect_dma semaphore(%arg17 : memref<!tpu.dma_semaphore, #tpu.memory_space<semaphore_mem>>) src(%arg11 : memref<128x128xf32, #tpu.memory_space<vmem>>) dst(%dma_wait3A_200 : memref<10240x128xf32, #tpu.memory_space<vmem_shared>>)
      %scan3A_201 = arith.constant 0 : i32
      %scan3A_202 = arith.constant 128 : i32
      %scan3A_203 = arith.addi %scan3A_201, %scan3A_202 : i32
      %scan3A_204 = arith.constant 1 : i32
      scf.for %scan3A_269 = %scan3A_201 to %scan3A_203 step %scan3A_204  : i32 {
        %jit3A = arith.constant 8 : i32
        %div3A = arith.divsi %scan3A_269, %jit3A : i32
        %sign3A = arith.constant 0 : i32
        %sign3A_270 = arith.cmpi sgt, %scan3A_269, %sign3A : i32
        %sign3A_271 = arith.extui %sign3A_270 : i1 to i32
        %sign3A_272 = arith.constant 0 : i32
        %sign3A_273 = arith.cmpi slt, %scan3A_269, %sign3A_272 : i32
        %sign3A_274 = arith.extui %sign3A_273 : i1 to i32
        %sign3A_275 = arith.subi %sign3A_271, %sign3A_274 : i32
        %sign3A_276 = arith.constant 0 : i32
        %sign3A_277 = arith.cmpi sgt, %jit3A, %sign3A_276 : i32
        %sign3A_278 = arith.extui %sign3A_277 : i1 to i32
        %sign3A_279 = arith.constant 0 : i32
        %sign3A_280 = arith.cmpi slt, %jit3A, %sign3A_279 : i32
        %sign3A_281 = arith.extui %sign3A_280 : i1 to i32
        %sign3A_282 = arith.subi %sign3A_278, %sign3A_281 : i32
        %ne3A = arith.cmpi ne, %sign3A_275, %sign3A_282 : i32
        %rem3A = arith.remsi %scan3A_269, %jit3A : i32
        %ne3A_283 = arith.constant 0 : i32
        %ne3A_284 = arith.cmpi ne, %rem3A, %ne3A_283 : i32
        %and3A = arith.andi %ne3A, %ne3A_284 : i1
        %sub3A = arith.constant 1 : i32
        %sub3A_285 = arith.subi %div3A, %sub3A : i32
        %select_n3A = arith.select %and3A, %sub3A_285, %div3A : i32
        %jit3A_286 = arith.constant 8 : i32
        %eq3A = arith.constant 0 : i32
        %eq3A_287 = arith.cmpi eq, %jit3A_286, %eq3A : i32
        %jit3A_288 = arith.constant 1 : i32
        %select_n3A_289 = arith.select %eq3A_287, %jit3A_288, %jit3A_286 : i32
        %rem3A_290 = arith.remsi %scan3A_269, %select_n3A_289 : i32
        %ne3A_291 = arith.constant 0 : i32
        %ne3A_292 = arith.cmpi ne, %rem3A_290, %ne3A_291 : i32
        %lt3A = arith.constant 0 : i32
        %lt3A_293 = arith.cmpi slt, %rem3A_290, %lt3A : i32
        %lt3A_294 = arith.constant 0 : i32
        %lt3A_295 = arith.cmpi slt, %select_n3A_289, %lt3A_294 : i32
        %ne3A_296 = arith.xori %lt3A_293, %lt3A_295 : i1
        %and3A_297 = arith.andi %ne3A_296, %ne3A_292 : i1
        %add3A_298 = arith.addi %rem3A_290, %select_n3A_289 : i32
        %select_n3A_299 = arith.select %and3A_297, %add3A_298, %rem3A_290 : i32
        %mul3A_300 = arith.constant 16 : i32
        %mul3A_301 = arith.muli %select_n3A_299, %mul3A_300 : i32
        %get3A_302 = arith.index_cast %select_n3A : i32 to index
        %get3A_303 = arith.index_cast %mul3A_301 : i32 to index
        %get3A_304 = tpu.vector_load %arg9[%get3A_302, %get3A_303] {strides = array<i32>} : memref<16x128xf32, #tpu.memory_space<vmem>>, vector<1x16xf32>,
        %get3A_305 = vector.shape_cast %get3A_304 : vector<1x16xf32> to vector<16xf32>
        %swap3A = arith.index_cast %scan3A_269 : i32 to index
        %swap3A_306 = arith.constant 0 : index
        %swap3A_307 = tpu.vector_load %arg11[%swap3A, %swap3A_306] {strides = array<i32>} : memref<128x128xf32, #tpu.memory_space<vmem>>, vector<1x16xf32>,
        %swap3A_308 = vector.shape_cast %swap3A_307 : vector<1x16xf32> to vector<16xf32>
        %swap3A_309 = vector.shape_cast %get3A_305 : vector<16xf32> to vector<1x16xf32>
        tpu.vector_store %arg11[%swap3A, %swap3A_306], %swap3A_309 {strides = array<i32>} : memref<128x128xf32, #tpu.memory_space<vmem>>, vector<1x16xf32>,
      }
      %scan3A_205 = arith.constant 128 : i32
      %dma_start3A_206 = arith.constant 5 : i32
      %dma_start3A_207 = arith.constant 0 : i32
      %dma_start3A_208 = tpu.memref_slice %arg7[%dma_start3A_206, %dma_start3A_207] : memref<8x128xi32, #tpu.memory_space<vmem>> -> memref<1x128xi32, #tpu.memory_space<vmem>>
      %dma_start3A_209 = tpu.memref_squeeze %dma_start3A_208 : memref<1x128xi32, #tpu.memory_space<vmem>> -> memref<128xi32, #tpu.memory_space<vmem>>
      %dma_start3A_210 = arith.constant 0 : i32
      %dma_start3A_211 = arith.constant 0 : i32
      %dma_start3A_212 = tpu.memref_slice %arg13[%dma_start3A_210, %dma_start3A_211] : memref<10240x128xf32, #tpu.memory_space<vmem_shared>> -> memref<10240x128xf32, #tpu.memory_space<vmem_shared>>
      tpu.enqueue_indirect_dma source(%arg11 : memref<128x128xf32, #tpu.memory_space<vmem>>) target(%dma_start3A_212 : memref<10240x128xf32, #tpu.memory_space<vmem_shared>>) offsets(%dma_start3A_209 : memref<128xi32, #tpu.memory_space<vmem>>) semaphore(%arg17 : memref<!tpu.dma_semaphore, #tpu.memory_space<semaphore_mem>>) {add = true}
      %add3A_213 = arith.constant 96 : i32
      %add3A_214 = arith.addi %mul3A_37, %add3A_213 : i32
      %dma_wait3A_215 = arith.constant 0 : i32
      %dma_wait3A_216 = tpu.memref_slice %arg2[%add3A_214, %dma_wait3A_215] : memref<40960x128xf32, #tpu.memory_space<hbm>> -> memref<16x128xf32, #tpu.memory_space<hbm>>
      %dma_wait3A_217 = arith.constant 0 : i32
      %dma_wait3A_218 = tpu.memref_slice %arg2[%add3A_214, %dma_wait3A_217] : memref<40960x128xf32, #tpu.memory_space<hbm>> -> memref<16x128xf32, #tpu.memory_space<hbm>>
      tpu.wait_dma2 semaphore(%arg14 : memref<!tpu.dma_semaphore, #tpu.memory_space<semaphore_mem>>) src(%dma_wait3A_218 : memref<16x128xf32, #tpu.memory_space<hbm>>) dst(%arg8 : memref<16x128xf32, #tpu.memory_space<vmem>>)
      %add3A_219 = arith.constant 112 : i32
      %add3A_220 = arith.addi %mul3A_37, %add3A_219 : i32
      %dma_start3A_221 = arith.constant 0 : i32
      %dma_start3A_222 = tpu.memref_slice %arg2[%add3A_220, %dma_start3A_221] : memref<40960x128xf32, #tpu.memory_space<hbm>> -> memref<16x128xf32, #tpu.memory_space<hbm>>
      %dma_start3A_223 = arith.constant 0 : i32
      %dma_start3A_224 = tpu.memref_slice %arg2[%add3A_220, %dma_start3A_223] : memref<40960x128xf32, #tpu.memory_space<hbm>> -> memref<16x128xf32, #tpu.memory_space<hbm>>
      tpu.enqueue_dma source(%dma_start3A_224 : memref<16x128xf32, #tpu.memory_space<hbm>>) target(%arg9 : memref<16x128xf32, #tpu.memory_space<vmem>>) target_semaphore(%arg15 : memref<!tpu.dma_semaphore, #tpu.memory_space<semaphore_mem>>)
      %dma_wait3A_225 = arith.constant 4 : i32
      %dma_wait3A_226 = arith.constant 0 : i32
      %dma_wait3A_227 = tpu.memref_slice %arg7[%dma_wait3A_225, %dma_wait3A_226] : memref<8x128xi32, #tpu.memory_space<vmem>> -> memref<1x128xi32, #tpu.memory_space<vmem>>
      %dma_wait3A_228 = tpu.memref_squeeze %dma_wait3A_227 : memref<1x128xi32, #tpu.memory_space<vmem>> -> memref<128xi32, #tpu.memory_space<vmem>>
      %dma_wait3A_229 = arith.constant 0 : i32
      %dma_wait3A_230 = arith.constant 0 : i32
      %dma_wait3A_231 = tpu.memref_slice %arg13[%dma_wait3A_229, %dma_wait3A_230] : memref<10240x128xf32, #tpu.memory_space<vmem_shared>> -> memref<10240x128xf32, #tpu.memory_space<vmem_shared>>
      tpu.wait_indirect_dma semaphore(%arg16 : memref<!tpu.dma_semaphore, #tpu.memory_space<semaphore_mem>>) src(%arg10 : memref<128x128xf32, #tpu.memory_space<vmem>>) dst(%dma_wait3A_231 : memref<10240x128xf32, #tpu.memory_space<vmem_shared>>)
      %scan3A_232 = arith.constant 0 : i32
      %scan3A_233 = arith.constant 128 : i32
      %scan3A_234 = arith.addi %scan3A_232, %scan3A_233 : i32
      %scan3A_235 = arith.constant 1 : i32
      scf.for %scan3A_269 = %scan3A_232 to %scan3A_234 step %scan3A_235  : i32 {
        %jit3A = arith.constant 8 : i32
        %div3A = arith.divsi %scan3A_269, %jit3A : i32
        %sign3A = arith.constant 0 : i32
        %sign3A_270 = arith.cmpi sgt, %scan3A_269, %sign3A : i32
        %sign3A_271 = arith.extui %sign3A_270 : i1 to i32
        %sign3A_272 = arith.constant 0 : i32
        %sign3A_273 = arith.cmpi slt, %scan3A_269, %sign3A_272 : i32
        %sign3A_274 = arith.extui %sign3A_273 : i1 to i32
        %sign3A_275 = arith.subi %sign3A_271, %sign3A_274 : i32
        %sign3A_276 = arith.constant 0 : i32
        %sign3A_277 = arith.cmpi sgt, %jit3A, %sign3A_276 : i32
        %sign3A_278 = arith.extui %sign3A_277 : i1 to i32
        %sign3A_279 = arith.constant 0 : i32
        %sign3A_280 = arith.cmpi slt, %jit3A, %sign3A_279 : i32
        %sign3A_281 = arith.extui %sign3A_280 : i1 to i32
        %sign3A_282 = arith.subi %sign3A_278, %sign3A_281 : i32
        %ne3A = arith.cmpi ne, %sign3A_275, %sign3A_282 : i32
        %rem3A = arith.remsi %scan3A_269, %jit3A : i32
        %ne3A_283 = arith.constant 0 : i32
        %ne3A_284 = arith.cmpi ne, %rem3A, %ne3A_283 : i32
        %and3A = arith.andi %ne3A, %ne3A_284 : i1
        %sub3A = arith.constant 1 : i32
        %sub3A_285 = arith.subi %div3A, %sub3A : i32
        %select_n3A = arith.select %and3A, %sub3A_285, %div3A : i32
        %jit3A_286 = arith.constant 8 : i32
        %eq3A = arith.constant 0 : i32
        %eq3A_287 = arith.cmpi eq, %jit3A_286, %eq3A : i32
        %jit3A_288 = arith.constant 1 : i32
        %select_n3A_289 = arith.select %eq3A_287, %jit3A_288, %jit3A_286 : i32
        %rem3A_290 = arith.remsi %scan3A_269, %select_n3A_289 : i32
        %ne3A_291 = arith.constant 0 : i32
        %ne3A_292 = arith.cmpi ne, %rem3A_290, %ne3A_291 : i32
        %lt3A = arith.constant 0 : i32
        %lt3A_293 = arith.cmpi slt, %rem3A_290, %lt3A : i32
        %lt3A_294 = arith.constant 0 : i32
        %lt3A_295 = arith.cmpi slt, %select_n3A_289, %lt3A_294 : i32
        %ne3A_296 = arith.xori %lt3A_293, %lt3A_295 : i1
        %and3A_297 = arith.andi %ne3A_296, %ne3A_292 : i1
        %add3A_298 = arith.addi %rem3A_290, %select_n3A_289 : i32
        %select_n3A_299 = arith.select %and3A_297, %add3A_298, %rem3A_290 : i32
        %mul3A_300 = arith.constant 16 : i32
        %mul3A_301 = arith.muli %select_n3A_299, %mul3A_300 : i32
        %get3A_302 = arith.index_cast %select_n3A : i32 to index
        %get3A_303 = arith.index_cast %mul3A_301 : i32 to index
        %get3A_304 = tpu.vector_load %arg8[%get3A_302, %get3A_303] {strides = array<i32>} : memref<16x128xf32, #tpu.memory_space<vmem>>, vector<1x16xf32>,
        %get3A_305 = vector.shape_cast %get3A_304 : vector<1x16xf32> to vector<16xf32>
        %swap3A = arith.index_cast %scan3A_269 : i32 to index
        %swap3A_306 = arith.constant 0 : index
        %swap3A_307 = tpu.vector_load %arg10[%swap3A, %swap3A_306] {strides = array<i32>} : memref<128x128xf32, #tpu.memory_space<vmem>>, vector<1x16xf32>,
        %swap3A_308 = vector.shape_cast %swap3A_307 : vector<1x16xf32> to vector<16xf32>
        %swap3A_309 = vector.shape_cast %get3A_305 : vector<16xf32> to vector<1x16xf32>
        tpu.vector_store %arg10[%swap3A, %swap3A_306], %swap3A_309 {strides = array<i32>} : memref<128x128xf32, #tpu.memory_space<vmem>>, vector<1x16xf32>,
      }
      %scan3A_236 = arith.constant 128 : i32
      %dma_start3A_237 = arith.constant 6 : i32
      %dma_start3A_238 = arith.constant 0 : i32
      %dma_start3A_239 = tpu.memref_slice %arg7[%dma_start3A_237, %dma_start3A_238] : memref<8x128xi32, #tpu.memory_space<vmem>> -> memref<1x128xi32, #tpu.memory_space<vmem>>
      %dma_start3A_240 = tpu.memref_squeeze %dma_start3A_239 : memref<1x128xi32, #tpu.memory_space<vmem>> -> memref<128xi32, #tpu.memory_space<vmem>>
      %dma_start3A_241 = arith.constant 0 : i32
      %dma_start3A_242 = arith.constant 0 : i32
      %dma_start3A_243 = tpu.memref_slice %arg13[%dma_start3A_241, %dma_start3A_242] : memref<10240x128xf32, #tpu.memory_space<vmem_shared>> -> memref<10240x128xf32, #tpu.memory_space<vmem_shared>>
      tpu.enqueue_indirect_dma source(%arg10 : memref<128x128xf32, #tpu.memory_space<vmem>>) target(%dma_start3A_243 : memref<10240x128xf32, #tpu.memory_space<vmem_shared>>) offsets(%dma_start3A_240 : memref<128xi32, #tpu.memory_space<vmem>>) semaphore(%arg16 : memref<!tpu.dma_semaphore, #tpu.memory_space<semaphore_mem>>) {add = true}
      %add3A_244 = arith.constant 112 : i32
      %add3A_245 = arith.addi %mul3A_37, %add3A_244 : i32
      %dma_wait3A_246 = arith.constant 0 : i32
      %dma_wait3A_247 = tpu.memref_slice %arg2[%add3A_245, %dma_wait3A_246] : memref<40960x128xf32, #tpu.memory_space<hbm>> -> memref<16x128xf32, #tpu.memory_space<hbm>>
      %dma_wait3A_248 = arith.constant 0 : i32
      %dma_wait3A_249 = tpu.memref_slice %arg2[%add3A_245, %dma_wait3A_248] : memref<40960x128xf32, #tpu.memory_space<hbm>> -> memref<16x128xf32, #tpu.memory_space<hbm>>
      tpu.wait_dma2 semaphore(%arg15 : memref<!tpu.dma_semaphore, #tpu.memory_space<semaphore_mem>>) src(%dma_wait3A_249 : memref<16x128xf32, #tpu.memory_space<hbm>>) dst(%arg9 : memref<16x128xf32, #tpu.memory_space<vmem>>)
      %dma_wait3A_250 = arith.constant 5 : i32
      %dma_wait3A_251 = arith.constant 0 : i32
      %dma_wait3A_252 = tpu.memref_slice %arg7[%dma_wait3A_250, %dma_wait3A_251] : memref<8x128xi32, #tpu.memory_space<vmem>> -> memref<1x128xi32, #tpu.memory_space<vmem>>
      %dma_wait3A_253 = tpu.memref_squeeze %dma_wait3A_252 : memref<1x128xi32, #tpu.memory_space<vmem>> -> memref<128xi32, #tpu.memory_space<vmem>>
      %dma_wait3A_254 = arith.constant 0 : i32
      %dma_wait3A_255 = arith.constant 0 : i32
      %dma_wait3A_256 = tpu.memref_slice %arg13[%dma_wait3A_254, %dma_wait3A_255] : memref<10240x128xf32, #tpu.memory_space<vmem_shared>> -> memref<10240x128xf32, #tpu.memory_space<vmem_shared>>
      tpu.wait_indirect_dma semaphore(%arg17 : memref<!tpu.dma_semaphore, #tpu.memory_space<semaphore_mem>>) src(%arg11 : memref<128x128xf32, #tpu.memory_space<vmem>>) dst(%dma_wait3A_256 : memref<10240x128xf32, #tpu.memory_space<vmem_shared>>)
      %scan3A_257 = arith.constant 0 : i32
      %scan3A_258 = arith.constant 128 : i32
      %scan3A_259 = arith.addi %scan3A_257, %scan3A_258 : i32
      %scan3A_260 = arith.constant 1 : i32
      scf.for %scan3A_269 = %scan3A_257 to %scan3A_259 step %scan3A_260  : i32 {
        %jit3A = arith.constant 8 : i32
        %div3A = arith.divsi %scan3A_269, %jit3A : i32
        %sign3A = arith.constant 0 : i32
        %sign3A_270 = arith.cmpi sgt, %scan3A_269, %sign3A : i32
        %sign3A_271 = arith.extui %sign3A_270 : i1 to i32
        %sign3A_272 = arith.constant 0 : i32
        %sign3A_273 = arith.cmpi slt, %scan3A_269, %sign3A_272 : i32
        %sign3A_274 = arith.extui %sign3A_273 : i1 to i32
        %sign3A_275 = arith.subi %sign3A_271, %sign3A_274 : i32
        %sign3A_276 = arith.constant 0 : i32
        %sign3A_277 = arith.cmpi sgt, %jit3A, %sign3A_276 : i32
        %sign3A_278 = arith.extui %sign3A_277 : i1 to i32
        %sign3A_279 = arith.constant 0 : i32
        %sign3A_280 = arith.cmpi slt, %jit3A, %sign3A_279 : i32
        %sign3A_281 = arith.extui %sign3A_280 : i1 to i32
        %sign3A_282 = arith.subi %sign3A_278, %sign3A_281 : i32
        %ne3A = arith.cmpi ne, %sign3A_275, %sign3A_282 : i32
        %rem3A = arith.remsi %scan3A_269, %jit3A : i32
        %ne3A_283 = arith.constant 0 : i32
        %ne3A_284 = arith.cmpi ne, %rem3A, %ne3A_283 : i32
        %and3A = arith.andi %ne3A, %ne3A_284 : i1
        %sub3A = arith.constant 1 : i32
        %sub3A_285 = arith.subi %div3A, %sub3A : i32
        %select_n3A = arith.select %and3A, %sub3A_285, %div3A : i32
        %jit3A_286 = arith.constant 8 : i32
        %eq3A = arith.constant 0 : i32
        %eq3A_287 = arith.cmpi eq, %jit3A_286, %eq3A : i32
        %jit3A_288 = arith.constant 1 : i32
        %select_n3A_289 = arith.select %eq3A_287, %jit3A_288, %jit3A_286 : i32
        %rem3A_290 = arith.remsi %scan3A_269, %select_n3A_289 : i32
        %ne3A_291 = arith.constant 0 : i32
        %ne3A_292 = arith.cmpi ne, %rem3A_290, %ne3A_291 : i32
        %lt3A = arith.constant 0 : i32
        %lt3A_293 = arith.cmpi slt, %rem3A_290, %lt3A : i32
        %lt3A_294 = arith.constant 0 : i32
        %lt3A_295 = arith.cmpi slt, %select_n3A_289, %lt3A_294 : i32
        %ne3A_296 = arith.xori %lt3A_293, %lt3A_295 : i1
        %and3A_297 = arith.andi %ne3A_296, %ne3A_292 : i1
        %add3A_298 = arith.addi %rem3A_290, %select_n3A_289 : i32
        %select_n3A_299 = arith.select %and3A_297, %add3A_298, %rem3A_290 : i32
        %mul3A_300 = arith.constant 16 : i32
        %mul3A_301 = arith.muli %select_n3A_299, %mul3A_300 : i32
        %get3A_302 = arith.index_cast %select_n3A : i32 to index
        %get3A_303 = arith.index_cast %mul3A_301 : i32 to index
        %get3A_304 = tpu.vector_load %arg9[%get3A_302, %get3A_303] {strides = array<i32>} : memref<16x128xf32, #tpu.memory_space<vmem>>, vector<1x16xf32>,
        %get3A_305 = vector.shape_cast %get3A_304 : vector<1x16xf32> to vector<16xf32>
        %swap3A = arith.index_cast %scan3A_269 : i32 to index
        %swap3A_306 = arith.constant 0 : index
        %swap3A_307 = tpu.vector_load %arg11[%swap3A, %swap3A_306] {strides = array<i32>} : memref<128x128xf32, #tpu.memory_space<vmem>>, vector<1x16xf32>,
        %swap3A_308 = vector.shape_cast %swap3A_307 : vector<1x16xf32> to vector<16xf32>
        %swap3A_309 = vector.shape_cast %get3A_305 : vector<16xf32> to vector<1x16xf32>
        tpu.vector_store %arg11[%swap3A, %swap3A_306], %swap3A_309 {strides = array<i32>} : memref<128x128xf32, #tpu.memory_space<vmem>>, vector<1x16xf32>,
      }
      %scan3A_261 = arith.constant 128 : i32
      %dma_start3A_262 = arith.constant 7 : i32
      %dma_start3A_263 = arith.constant 0 : i32
      %dma_start3A_264 = tpu.memref_slice %arg7[%dma_start3A_262, %dma_start3A_263] : memref<8x128xi32, #tpu.memory_space<vmem>> -> memref<1x128xi32, #tpu.memory_space<vmem>>
      %dma_start3A_265 = tpu.memref_squeeze %dma_start3A_264 : memref<1x128xi32, #tpu.memory_space<vmem>> -> memref<128xi32, #tpu.memory_space<vmem>>
      %dma_start3A_266 = arith.constant 0 : i32
      %dma_start3A_267 = arith.constant 0 : i32
      %dma_start3A_268 = tpu.memref_slice %arg13[%dma_start3A_266, %dma_start3A_267] : memref<10240x128xf32, #tpu.memory_space<vmem_shared>> -> memref<10240x128xf32, #tpu.memory_space<vmem_shared>>
      tpu.enqueue_indirect_dma source(%arg11 : memref<128x128xf32, #tpu.memory_space<vmem>>) target(%dma_start3A_268 : memref<10240x128xf32, #tpu.memory_space<vmem_shared>>) offsets(%dma_start3A_265 : memref<128xi32, #tpu.memory_space<vmem>>) semaphore(%arg17 : memref<!tpu.dma_semaphore, #tpu.memory_space<semaphore_mem>>) {add = true}
    }
    %scan3A_13 = arith.constant 10 : i32
    %dma_wait3A = arith.constant 6 : i32
    %dma_wait3A_14 = arith.constant 0 : i32
    %dma_wait3A_15 = tpu.memref_slice %arg7[%dma_wait3A, %dma_wait3A_14] : memref<8x128xi32, #tpu.memory_space<vmem>> -> memref<1x128xi32, #tpu.memory_space<vmem>>
    %dma_wait3A_16 = tpu.memref_squeeze %dma_wait3A_15 : memref<1x128xi32, #tpu.memory_space<vmem>> -> memref<128xi32, #tpu.memory_space<vmem>>
    %dma_wait3A_17 = arith.constant 0 : i32
    %dma_wait3A_18 = arith.constant 0 : i32
    %dma_wait3A_19 = tpu.memref_slice %arg13[%dma_wait3A_17, %dma_wait3A_18] : memref<10240x128xf32, #tpu.memory_space<vmem_shared>> -> memref<10240x128xf32, #tpu.memory_space<vmem_shared>>
    tpu.wait_indirect_dma semaphore(%arg16 : memref<!tpu.dma_semaphore, #tpu.memory_space<semaphore_mem>>) src(%arg10 : memref<128x128xf32, #tpu.memory_space<vmem>>) dst(%dma_wait3A_19 : memref<10240x128xf32, #tpu.memory_space<vmem_shared>>)
    %dma_wait3A_20 = arith.constant 7 : i32
    %dma_wait3A_21 = arith.constant 0 : i32
    %dma_wait3A_22 = tpu.memref_slice %arg7[%dma_wait3A_20, %dma_wait3A_21] : memref<8x128xi32, #tpu.memory_space<vmem>> -> memref<1x128xi32, #tpu.memory_space<vmem>>
    %dma_wait3A_23 = tpu.memref_squeeze %dma_wait3A_22 : memref<1x128xi32, #tpu.memory_space<vmem>> -> memref<128xi32, #tpu.memory_space<vmem>>
    %dma_wait3A_24 = arith.constant 0 : i32
    %dma_wait3A_25 = arith.constant 0 : i32
    %dma_wait3A_26 = tpu.memref_slice %arg13[%dma_wait3A_24, %dma_wait3A_25] : memref<10240x128xf32, #tpu.memory_space<vmem_shared>> -> memref<10240x128xf32, #tpu.memory_space<vmem_shared>>
    tpu.wait_indirect_dma semaphore(%arg17 : memref<!tpu.dma_semaphore, #tpu.memory_space<semaphore_mem>>) src(%arg11 : memref<128x128xf32, #tpu.memory_space<vmem>>) dst(%dma_wait3A_26 : memref<10240x128xf32, #tpu.memory_space<vmem_shared>>)
    %barrier3A_27 = arith.constant 0 : index
    tpu.barrier barrier_id(%barrier3A_27)
    "tpu.region"() ({
      %run_scoped3A = tpu.sem_alloc : memref<!tpu.dma_semaphore, #tpu.memory_space<semaphore_mem>>
      %dma_start3A = arith.constant 0 : i32
      %dma_start3A_28 = tpu.memref_slice %arg6[%arg0, %mul3A_2, %dma_start3A] : memref<2x10240x128xf32, #tpu.memory_space<hbm>> -> memref<1x640x128xf32, #tpu.memory_space<hbm>>
      %dma_start3A_29 = tpu.memref_squeeze %dma_start3A_28 : memref<1x640x128xf32, #tpu.memory_space<hbm>> -> memref<640x128xf32, #tpu.memory_space<hbm>>
      %dma_start3A_30 = arith.constant 0 : i32
      %dma_start3A_31 = tpu.memref_slice %arg13[%mul3A_2, %dma_start3A_30] : memref<10240x128xf32, #tpu.memory_space<vmem_shared>> -> memref<640x128xf32, #tpu.memory_space<vmem_shared>>
      tpu.enqueue_dma source(%dma_start3A_31 : memref<640x128xf32, #tpu.memory_space<vmem_shared>>) target(%dma_start3A_29 : memref<640x128xf32, #tpu.memory_space<hbm>>) target_semaphore(%run_scoped3A : memref<!tpu.dma_semaphore, #tpu.memory_space<semaphore_mem>>)
      %dma_wait3A_32 = arith.constant 0 : i32
      %dma_wait3A_33 = tpu.memref_slice %arg6[%arg0, %mul3A_2, %dma_wait3A_32] : memref<2x10240x128xf32, #tpu.memory_space<hbm>> -> memref<1x640x128xf32, #tpu.memory_space<hbm>>
      %dma_wait3A_34 = tpu.memref_squeeze %dma_wait3A_33 : memref<1x640x128xf32, #tpu.memory_space<hbm>> -> memref<640x128xf32, #tpu.memory_space<hbm>>
      %dma_wait3A_35 = arith.constant 0 : i32
      %dma_wait3A_36 = tpu.memref_slice %arg13[%mul3A_2, %dma_wait3A_35] : memref<10240x128xf32, #tpu.memory_space<vmem_shared>> -> memref<640x128xf32, #tpu.memory_space<vmem_shared>>
      tpu.wait_dma2 semaphore(%run_scoped3A : memref<!tpu.dma_semaphore, #tpu.memory_space<semaphore_mem>>) src(%dma_wait3A_36 : memref<640x128xf32, #tpu.memory_space<vmem_shared>>) dst(%dma_wait3A_34 : memref<640x128xf32, #tpu.memory_space<hbm>>)
      tpu.yield
    }) : () -> ()
    return
  }
}

#map = affine_map<(d0, d1) -> (0, 0)>
#map1 = affine_map<(d0, d1) -> (0, 0, 0, 0)>
#map2 = affine_map<(d0, d1) -> (0, 0, 0)>
module attributes {stable_mosaic.version = 14 : i64} {
  func.func @body(%arg0: i32, %arg1: i32, %arg2: memref<10000x128xf32, #tpu.memory_space<hbm>>, %arg3: memref<32x10x8x128xi32, #tpu.memory_space<hbm>>, %arg4: memref<32x10x8x128xi32, #tpu.memory_space<hbm>>, %arg5: memref<10240x128xf32, #tpu.memory_space<hbm>>, %arg6: memref<2x10240x128xf32, #tpu.memory_space<hbm>>, %arg7: memref<8x128xi32, #tpu.memory_space<vmem>>, %arg8: memref<8x128xi32, #tpu.memory_space<vmem>>, %arg9: memref<8x128xi32, #tpu.memory_space<vmem>>, %arg10: memref<8x128xi32, #tpu.memory_space<vmem>>, %arg11: memref<128x128xf32, #tpu.memory_space<vmem>>, %arg12: memref<128x128xf32, #tpu.memory_space<vmem>>, %arg13: memref<10240x128xf32, #tpu.memory_space<vmem_shared>>, %arg14: memref<!tpu.dma_semaphore, #tpu.memory_space<semaphore_mem>>, %arg15: memref<!tpu.dma_semaphore, #tpu.memory_space<semaphore_mem>>, %arg16: memref<!tpu.dma_semaphore, #tpu.memory_space<semaphore_mem>>) attributes {dimension_semantics = [#tpu.dimension_semantics<core_parallel>, #tpu.dimension_semantics<subcore_parallel>], iteration_bounds = array<i64: 2, 16>, scalar_prefetch = 0 : i64, scratch_operands = 10 : i64, tpu.core_type = #tpu.core_type<sc_vector_subcore>, window_params = [{transform_indices = #map}, {transform_indices = #map1}, {transform_indices = #map1}, {transform_indices = #map}, {transform_indices = #map2}]} {
    %mul3A = arith.constant 16 : i32
    %mul3A_0 = arith.muli %arg0, %mul3A : i32
    %add3A = arith.addi %mul3A_0, %arg1 : i32
    %mul3A_1 = arith.constant 640 : i32
    %mul3A_2 = arith.muli %arg1, %mul3A_1 : i32
    "tpu.region"() ({
      %run_scoped3A = tpu.sem_alloc : memref<!tpu.dma_semaphore, #tpu.memory_space<semaphore_mem>>
      %dma_start3A_25 = arith.constant 0 : i32
      %dma_start3A_26 = tpu.memref_slice %arg13[%mul3A_2, %dma_start3A_25] : memref<10240x128xf32, #tpu.memory_space<vmem_shared>> -> memref<640x128xf32, #tpu.memory_space<vmem_shared>>
      %dma_start3A_27 = arith.constant 0 : i32
      %dma_start3A_28 = tpu.memref_slice %arg5[%mul3A_2, %dma_start3A_27] : memref<10240x128xf32, #tpu.memory_space<hbm>> -> memref<640x128xf32, #tpu.memory_space<hbm>>
      tpu.enqueue_dma source(%dma_start3A_28 : memref<640x128xf32, #tpu.memory_space<hbm>>) target(%dma_start3A_26 : memref<640x128xf32, #tpu.memory_space<vmem_shared>>) target_semaphore(%run_scoped3A : memref<!tpu.dma_semaphore, #tpu.memory_space<semaphore_mem>>)
      %dma_wait3A = arith.constant 0 : i32
      %dma_wait3A_29 = tpu.memref_slice %arg13[%mul3A_2, %dma_wait3A] : memref<10240x128xf32, #tpu.memory_space<vmem_shared>> -> memref<640x128xf32, #tpu.memory_space<vmem_shared>>
      %dma_wait3A_30 = arith.constant 0 : i32
      %dma_wait3A_31 = tpu.memref_slice %arg5[%mul3A_2, %dma_wait3A_30] : memref<10240x128xf32, #tpu.memory_space<hbm>> -> memref<640x128xf32, #tpu.memory_space<hbm>>
      tpu.wait_dma2 semaphore(%run_scoped3A : memref<!tpu.dma_semaphore, #tpu.memory_space<semaphore_mem>>) src(%dma_wait3A_31 : memref<640x128xf32, #tpu.memory_space<hbm>>) dst(%dma_wait3A_29 : memref<640x128xf32, #tpu.memory_space<vmem_shared>>)
      tpu.yield
    }) : () -> ()
    %barrier3A = arith.constant 0 : index
    tpu.barrier barrier_id(%barrier3A)
    %dma_start3A = arith.constant 0 : i32
    %dma_start3A_3 = arith.constant 0 : i32
    %dma_start3A_4 = arith.constant 0 : i32
    %dma_start3A_5 = tpu.memref_slice %arg3[%add3A, %dma_start3A, %dma_start3A_3, %dma_start3A_4] : memref<32x10x8x128xi32, #tpu.memory_space<hbm>> -> memref<1x1x8x128xi32, #tpu.memory_space<hbm>>
    %dma_start3A_6 = tpu.memref_squeeze %dma_start3A_5 : memref<1x1x8x128xi32, #tpu.memory_space<hbm>> -> memref<8x128xi32, #tpu.memory_space<hbm>>
    %dma_start3A_7 = arith.constant 0 : i32
    %dma_start3A_8 = arith.constant 0 : i32
    %dma_start3A_9 = tpu.memref_slice %arg3[%add3A, %dma_start3A, %dma_start3A_7, %dma_start3A_8] : memref<32x10x8x128xi32, #tpu.memory_space<hbm>> -> memref<1x1x8x128xi32, #tpu.memory_space<hbm>>
    %dma_start3A_10 = tpu.memref_squeeze %dma_start3A_9 : memref<1x1x8x128xi32, #tpu.memory_space<hbm>> -> memref<8x128xi32, #tpu.memory_space<hbm>>
    tpu.enqueue_dma source(%dma_start3A_10 : memref<8x128xi32, #tpu.memory_space<hbm>>) target(%arg7 : memref<8x128xi32, #tpu.memory_space<vmem>>) target_semaphore(%arg16 : memref<!tpu.dma_semaphore, #tpu.memory_space<semaphore_mem>>)
    %dma_start3A_11 = arith.constant 0 : i32
    %dma_start3A_12 = arith.constant 0 : i32
    %dma_start3A_13 = arith.constant 0 : i32
    %dma_start3A_14 = tpu.memref_slice %arg4[%add3A, %dma_start3A_11, %dma_start3A_12, %dma_start3A_13] : memref<32x10x8x128xi32, #tpu.memory_space<hbm>> -> memref<1x1x8x128xi32, #tpu.memory_space<hbm>>
    %dma_start3A_15 = tpu.memref_squeeze %dma_start3A_14 : memref<1x1x8x128xi32, #tpu.memory_space<hbm>> -> memref<8x128xi32, #tpu.memory_space<hbm>>
    %dma_start3A_16 = arith.constant 0 : i32
    %dma_start3A_17 = arith.constant 0 : i32
    %dma_start3A_18 = tpu.memref_slice %arg4[%add3A, %dma_start3A_11, %dma_start3A_16, %dma_start3A_17] : memref<32x10x8x128xi32, #tpu.memory_space<hbm>> -> memref<1x1x8x128xi32, #tpu.memory_space<hbm>>
    %dma_start3A_19 = tpu.memref_squeeze %dma_start3A_18 : memref<1x1x8x128xi32, #tpu.memory_space<hbm>> -> memref<8x128xi32, #tpu.memory_space<hbm>>
    tpu.enqueue_dma source(%dma_start3A_19 : memref<8x128xi32, #tpu.memory_space<hbm>>) target(%arg8 : memref<8x128xi32, #tpu.memory_space<vmem>>) target_semaphore(%arg16 : memref<!tpu.dma_semaphore, #tpu.memory_space<semaphore_mem>>)
    %scan3A = arith.constant 0 : i32
    %scan3A_20 = arith.constant 5 : i32
    %scan3A_21 = arith.addi %scan3A, %scan3A_20 : i32
    %scan3A_22 = arith.constant 1 : i32
    scf.for %scan3A_25 = %scan3A to %scan3A_21 step %scan3A_22  : i32 {
      %mul3A_26 = arith.constant 2 : i32
      %mul3A_27 = arith.muli %scan3A_25, %mul3A_26 : i32
      %dma_wait3A = arith.constant 0 : i32
      %dma_wait3A_28 = arith.constant 0 : i32
      %dma_wait3A_29 = tpu.memref_slice %arg3[%add3A, %mul3A_27, %dma_wait3A, %dma_wait3A_28] : memref<32x10x8x128xi32, #tpu.memory_space<hbm>> -> memref<1x1x8x128xi32, #tpu.memory_space<hbm>>
      %dma_wait3A_30 = tpu.memref_squeeze %dma_wait3A_29 : memref<1x1x8x128xi32, #tpu.memory_space<hbm>> -> memref<8x128xi32, #tpu.memory_space<hbm>>
      %dma_wait3A_31 = arith.constant 0 : i32
      %dma_wait3A_32 = arith.constant 0 : i32
      %dma_wait3A_33 = tpu.memref_slice %arg3[%add3A, %mul3A_27, %dma_wait3A_31, %dma_wait3A_32] : memref<32x10x8x128xi32, #tpu.memory_space<hbm>> -> memref<1x1x8x128xi32, #tpu.memory_space<hbm>>
      %dma_wait3A_34 = tpu.memref_squeeze %dma_wait3A_33 : memref<1x1x8x128xi32, #tpu.memory_space<hbm>> -> memref<8x128xi32, #tpu.memory_space<hbm>>
      tpu.wait_dma2 semaphore(%arg16 : memref<!tpu.dma_semaphore, #tpu.memory_space<semaphore_mem>>) src(%dma_wait3A_34 : memref<8x128xi32, #tpu.memory_space<hbm>>) dst(%arg7 : memref<8x128xi32, #tpu.memory_space<vmem>>)
      %dma_wait3A_35 = arith.constant 0 : i32
      %dma_wait3A_36 = arith.constant 0 : i32
      %dma_wait3A_37 = tpu.memref_slice %arg4[%add3A, %mul3A_27, %dma_wait3A_35, %dma_wait3A_36] : memref<32x10x8x128xi32, #tpu.memory_space<hbm>> -> memref<1x1x8x128xi32, #tpu.memory_space<hbm>>
      %dma_wait3A_38 = tpu.memref_squeeze %dma_wait3A_37 : memref<1x1x8x128xi32, #tpu.memory_space<hbm>> -> memref<8x128xi32, #tpu.memory_space<hbm>>
      %dma_wait3A_39 = arith.constant 0 : i32
      %dma_wait3A_40 = arith.constant 0 : i32
      %dma_wait3A_41 = tpu.memref_slice %arg4[%add3A, %mul3A_27, %dma_wait3A_39, %dma_wait3A_40] : memref<32x10x8x128xi32, #tpu.memory_space<hbm>> -> memref<1x1x8x128xi32, #tpu.memory_space<hbm>>
      %dma_wait3A_42 = tpu.memref_squeeze %dma_wait3A_41 : memref<1x1x8x128xi32, #tpu.memory_space<hbm>> -> memref<8x128xi32, #tpu.memory_space<hbm>>
      tpu.wait_dma2 semaphore(%arg16 : memref<!tpu.dma_semaphore, #tpu.memory_space<semaphore_mem>>) src(%dma_wait3A_42 : memref<8x128xi32, #tpu.memory_space<hbm>>) dst(%arg8 : memref<8x128xi32, #tpu.memory_space<vmem>>)
      %add3A_43 = arith.constant 1 : i32
      %add3A_44 = arith.addi %mul3A_27, %add3A_43 : i32
      %dma_start3A_45 = arith.constant 0 : i32
      %dma_start3A_46 = arith.constant 0 : i32
      %dma_start3A_47 = tpu.memref_slice %arg3[%add3A, %add3A_44, %dma_start3A_45, %dma_start3A_46] : memref<32x10x8x128xi32, #tpu.memory_space<hbm>> -> memref<1x1x8x128xi32, #tpu.memory_space<hbm>>
      %dma_start3A_48 = tpu.memref_squeeze %dma_start3A_47 : memref<1x1x8x128xi32, #tpu.memory_space<hbm>> -> memref<8x128xi32, #tpu.memory_space<hbm>>
      %dma_start3A_49 = arith.constant 0 : i32
      %dma_start3A_50 = arith.constant 0 : i32
      %dma_start3A_51 = tpu.memref_slice %arg3[%add3A, %add3A_44, %dma_start3A_49, %dma_start3A_50] : memref<32x10x8x128xi32, #tpu.memory_space<hbm>> -> memref<1x1x8x128xi32, #tpu.memory_space<hbm>>
      %dma_start3A_52 = tpu.memref_squeeze %dma_start3A_51 : memref<1x1x8x128xi32, #tpu.memory_space<hbm>> -> memref<8x128xi32, #tpu.memory_space<hbm>>
      tpu.enqueue_dma source(%dma_start3A_52 : memref<8x128xi32, #tpu.memory_space<hbm>>) target(%arg9 : memref<8x128xi32, #tpu.memory_space<vmem>>) target_semaphore(%arg16 : memref<!tpu.dma_semaphore, #tpu.memory_space<semaphore_mem>>)
      %dma_start3A_53 = arith.constant 0 : i32
      %dma_start3A_54 = arith.constant 0 : i32
      %dma_start3A_55 = tpu.memref_slice %arg4[%add3A, %add3A_44, %dma_start3A_53, %dma_start3A_54] : memref<32x10x8x128xi32, #tpu.memory_space<hbm>> -> memref<1x1x8x128xi32, #tpu.memory_space<hbm>>
      %dma_start3A_56 = tpu.memref_squeeze %dma_start3A_55 : memref<1x1x8x128xi32, #tpu.memory_space<hbm>> -> memref<8x128xi32, #tpu.memory_space<hbm>>
      %dma_start3A_57 = arith.constant 0 : i32
      %dma_start3A_58 = arith.constant 0 : i32
      %dma_start3A_59 = tpu.memref_slice %arg4[%add3A, %add3A_44, %dma_start3A_57, %dma_start3A_58] : memref<32x10x8x128xi32, #tpu.memory_space<hbm>> -> memref<1x1x8x128xi32, #tpu.memory_space<hbm>>
      %dma_start3A_60 = tpu.memref_squeeze %dma_start3A_59 : memref<1x1x8x128xi32, #tpu.memory_space<hbm>> -> memref<8x128xi32, #tpu.memory_space<hbm>>
      tpu.enqueue_dma source(%dma_start3A_60 : memref<8x128xi32, #tpu.memory_space<hbm>>) target(%arg10 : memref<8x128xi32, #tpu.memory_space<vmem>>) target_semaphore(%arg16 : memref<!tpu.dma_semaphore, #tpu.memory_space<semaphore_mem>>)
      %dma_start3A_61 = arith.constant 0 : i32
      %dma_start3A_62 = arith.constant 0 : i32
      %dma_start3A_63 = tpu.memref_slice %arg7[%dma_start3A_61, %dma_start3A_62] : memref<8x128xi32, #tpu.memory_space<vmem>> -> memref<1x128xi32, #tpu.memory_space<vmem>>
      %dma_start3A_64 = tpu.memref_squeeze %dma_start3A_63 : memref<1x128xi32, #tpu.memory_space<vmem>> -> memref<128xi32, #tpu.memory_space<vmem>>
      %dma_start3A_65 = arith.constant 0 : i32
      %dma_start3A_66 = arith.constant 0 : i32
      %dma_start3A_67 = tpu.memref_slice %arg2[%dma_start3A_65, %dma_start3A_66] : memref<10000x128xf32, #tpu.memory_space<hbm>> -> memref<10000x128xf32, #tpu.memory_space<hbm>>
      tpu.enqueue_indirect_dma source(%dma_start3A_67 : memref<10000x128xf32, #tpu.memory_space<hbm>>) target(%arg11 : memref<128x128xf32, #tpu.memory_space<vmem>>) offsets(%dma_start3A_64 : memref<128xi32, #tpu.memory_space<vmem>>) semaphore(%arg14 : memref<!tpu.dma_semaphore, #tpu.memory_space<semaphore_mem>>)
      %dma_wait3A_68 = arith.constant 0 : i32
      %dma_wait3A_69 = arith.constant 0 : i32
      %dma_wait3A_70 = tpu.memref_slice %arg7[%dma_wait3A_68, %dma_wait3A_69] : memref<8x128xi32, #tpu.memory_space<vmem>> -> memref<1x128xi32, #tpu.memory_space<vmem>>
      %dma_wait3A_71 = tpu.memref_squeeze %dma_wait3A_70 : memref<1x128xi32, #tpu.memory_space<vmem>> -> memref<128xi32, #tpu.memory_space<vmem>>
      %dma_wait3A_72 = arith.constant 0 : i32
      %dma_wait3A_73 = arith.constant 0 : i32
      %dma_wait3A_74 = tpu.memref_slice %arg2[%dma_wait3A_72, %dma_wait3A_73] : memref<10000x128xf32, #tpu.memory_space<hbm>> -> memref<10000x128xf32, #tpu.memory_space<hbm>>
      tpu.wait_indirect_dma semaphore(%arg14 : memref<!tpu.dma_semaphore, #tpu.memory_space<semaphore_mem>>) src(%dma_wait3A_74 : memref<10000x128xf32, #tpu.memory_space<hbm>>) dst(%arg11 : memref<128x128xf32, #tpu.memory_space<vmem>>)
      %dma_start3A_75 = arith.constant 1 : i32
      %dma_start3A_76 = arith.constant 0 : i32
      %dma_start3A_77 = tpu.memref_slice %arg7[%dma_start3A_75, %dma_start3A_76] : memref<8x128xi32, #tpu.memory_space<vmem>> -> memref<1x128xi32, #tpu.memory_space<vmem>>
      %dma_start3A_78 = tpu.memref_squeeze %dma_start3A_77 : memref<1x128xi32, #tpu.memory_space<vmem>> -> memref<128xi32, #tpu.memory_space<vmem>>
      %dma_start3A_79 = arith.constant 0 : i32
      %dma_start3A_80 = arith.constant 0 : i32
      %dma_start3A_81 = tpu.memref_slice %arg2[%dma_start3A_79, %dma_start3A_80] : memref<10000x128xf32, #tpu.memory_space<hbm>> -> memref<10000x128xf32, #tpu.memory_space<hbm>>
      tpu.enqueue_indirect_dma source(%dma_start3A_81 : memref<10000x128xf32, #tpu.memory_space<hbm>>) target(%arg12 : memref<128x128xf32, #tpu.memory_space<vmem>>) offsets(%dma_start3A_78 : memref<128xi32, #tpu.memory_space<vmem>>) semaphore(%arg15 : memref<!tpu.dma_semaphore, #tpu.memory_space<semaphore_mem>>)
      %run_scoped3A = arith.constant 0 : i32
      "tpu.region"() ({
        %run_scoped3A_322 = tpu.sem_alloc : memref<!tpu.dma_semaphore, #tpu.memory_space<semaphore_mem>>
        %dma_start3A_323 = arith.constant 0 : i32
        %dma_start3A_324 = tpu.memref_slice %arg8[%run_scoped3A, %dma_start3A_323] : memref<8x128xi32, #tpu.memory_space<vmem>> -> memref<1x128xi32, #tpu.memory_space<vmem>>
        %dma_start3A_325 = tpu.memref_squeeze %dma_start3A_324 : memref<1x128xi32, #tpu.memory_space<vmem>> -> memref<128xi32, #tpu.memory_space<vmem>>
        %dma_start3A_326 = arith.constant 0 : i32
        %dma_start3A_327 = arith.constant 0 : i32
        %dma_start3A_328 = tpu.memref_slice %arg13[%dma_start3A_326, %dma_start3A_327] : memref<10240x128xf32, #tpu.memory_space<vmem_shared>> -> memref<10240x128xf32, #tpu.memory_space<vmem_shared>>
        tpu.enqueue_indirect_dma source(%arg11 : memref<128x128xf32, #tpu.memory_space<vmem>>) target(%dma_start3A_328 : memref<10240x128xf32, #tpu.memory_space<vmem_shared>>) offsets(%dma_start3A_325 : memref<128xi32, #tpu.memory_space<vmem>>) semaphore(%run_scoped3A_322 : memref<!tpu.dma_semaphore, #tpu.memory_space<semaphore_mem>>) {add = true}
        %dma_wait3A_329 = arith.constant 0 : i32
        %dma_wait3A_330 = tpu.memref_slice %arg8[%run_scoped3A, %dma_wait3A_329] : memref<8x128xi32, #tpu.memory_space<vmem>> -> memref<1x128xi32, #tpu.memory_space<vmem>>
        %dma_wait3A_331 = tpu.memref_squeeze %dma_wait3A_330 : memref<1x128xi32, #tpu.memory_space<vmem>> -> memref<128xi32, #tpu.memory_space<vmem>>
        %dma_wait3A_332 = arith.constant 0 : i32
        %dma_wait3A_333 = arith.constant 0 : i32
        %dma_wait3A_334 = tpu.memref_slice %arg13[%dma_wait3A_332, %dma_wait3A_333] : memref<10240x128xf32, #tpu.memory_space<vmem_shared>> -> memref<10240x128xf32, #tpu.memory_space<vmem_shared>>
        tpu.wait_indirect_dma semaphore(%run_scoped3A_322 : memref<!tpu.dma_semaphore, #tpu.memory_space<semaphore_mem>>) src(%arg11 : memref<128x128xf32, #tpu.memory_space<vmem>>) dst(%dma_wait3A_334 : memref<10240x128xf32, #tpu.memory_space<vmem_shared>>)
        tpu.yield
      }) : () -> ()
      %dma_wait3A_82 = arith.constant 1 : i32
      %dma_wait3A_83 = arith.constant 0 : i32
      %dma_wait3A_84 = tpu.memref_slice %arg7[%dma_wait3A_82, %dma_wait3A_83] : memref<8x128xi32, #tpu.memory_space<vmem>> -> memref<1x128xi32, #tpu.memory_space<vmem>>
      %dma_wait3A_85 = tpu.memref_squeeze %dma_wait3A_84 : memref<1x128xi32, #tpu.memory_space<vmem>> -> memref<128xi32, #tpu.memory_space<vmem>>
      %dma_wait3A_86 = arith.constant 0 : i32
      %dma_wait3A_87 = arith.constant 0 : i32
      %dma_wait3A_88 = tpu.memref_slice %arg2[%dma_wait3A_86, %dma_wait3A_87] : memref<10000x128xf32, #tpu.memory_space<hbm>> -> memref<10000x128xf32, #tpu.memory_space<hbm>>
      tpu.wait_indirect_dma semaphore(%arg15 : memref<!tpu.dma_semaphore, #tpu.memory_space<semaphore_mem>>) src(%dma_wait3A_88 : memref<10000x128xf32, #tpu.memory_space<hbm>>) dst(%arg12 : memref<128x128xf32, #tpu.memory_space<vmem>>)
      %dma_start3A_89 = arith.constant 2 : i32
      %dma_start3A_90 = arith.constant 0 : i32
      %dma_start3A_91 = tpu.memref_slice %arg7[%dma_start3A_89, %dma_start3A_90] : memref<8x128xi32, #tpu.memory_space<vmem>> -> memref<1x128xi32, #tpu.memory_space<vmem>>
      %dma_start3A_92 = tpu.memref_squeeze %dma_start3A_91 : memref<1x128xi32, #tpu.memory_space<vmem>> -> memref<128xi32, #tpu.memory_space<vmem>>
      %dma_start3A_93 = arith.constant 0 : i32
      %dma_start3A_94 = arith.constant 0 : i32
      %dma_start3A_95 = tpu.memref_slice %arg2[%dma_start3A_93, %dma_start3A_94] : memref<10000x128xf32, #tpu.memory_space<hbm>> -> memref<10000x128xf32, #tpu.memory_space<hbm>>
      tpu.enqueue_indirect_dma source(%dma_start3A_95 : memref<10000x128xf32, #tpu.memory_space<hbm>>) target(%arg11 : memref<128x128xf32, #tpu.memory_space<vmem>>) offsets(%dma_start3A_92 : memref<128xi32, #tpu.memory_space<vmem>>) semaphore(%arg14 : memref<!tpu.dma_semaphore, #tpu.memory_space<semaphore_mem>>)
      %run_scoped3A_96 = arith.constant 1 : i32
      "tpu.region"() ({
        %run_scoped3A_322 = tpu.sem_alloc : memref<!tpu.dma_semaphore, #tpu.memory_space<semaphore_mem>>
        %dma_start3A_323 = arith.constant 0 : i32
        %dma_start3A_324 = tpu.memref_slice %arg8[%run_scoped3A_96, %dma_start3A_323] : memref<8x128xi32, #tpu.memory_space<vmem>> -> memref<1x128xi32, #tpu.memory_space<vmem>>
        %dma_start3A_325 = tpu.memref_squeeze %dma_start3A_324 : memref<1x128xi32, #tpu.memory_space<vmem>> -> memref<128xi32, #tpu.memory_space<vmem>>
        %dma_start3A_326 = arith.constant 0 : i32
        %dma_start3A_327 = arith.constant 0 : i32
        %dma_start3A_328 = tpu.memref_slice %arg13[%dma_start3A_326, %dma_start3A_327] : memref<10240x128xf32, #tpu.memory_space<vmem_shared>> -> memref<10240x128xf32, #tpu.memory_space<vmem_shared>>
        tpu.enqueue_indirect_dma source(%arg12 : memref<128x128xf32, #tpu.memory_space<vmem>>) target(%dma_start3A_328 : memref<10240x128xf32, #tpu.memory_space<vmem_shared>>) offsets(%dma_start3A_325 : memref<128xi32, #tpu.memory_space<vmem>>) semaphore(%run_scoped3A_322 : memref<!tpu.dma_semaphore, #tpu.memory_space<semaphore_mem>>) {add = true}
        %dma_wait3A_329 = arith.constant 0 : i32
        %dma_wait3A_330 = tpu.memref_slice %arg8[%run_scoped3A_96, %dma_wait3A_329] : memref<8x128xi32, #tpu.memory_space<vmem>> -> memref<1x128xi32, #tpu.memory_space<vmem>>
        %dma_wait3A_331 = tpu.memref_squeeze %dma_wait3A_330 : memref<1x128xi32, #tpu.memory_space<vmem>> -> memref<128xi32, #tpu.memory_space<vmem>>
        %dma_wait3A_332 = arith.constant 0 : i32
        %dma_wait3A_333 = arith.constant 0 : i32
        %dma_wait3A_334 = tpu.memref_slice %arg13[%dma_wait3A_332, %dma_wait3A_333] : memref<10240x128xf32, #tpu.memory_space<vmem_shared>> -> memref<10240x128xf32, #tpu.memory_space<vmem_shared>>
        tpu.wait_indirect_dma semaphore(%run_scoped3A_322 : memref<!tpu.dma_semaphore, #tpu.memory_space<semaphore_mem>>) src(%arg12 : memref<128x128xf32, #tpu.memory_space<vmem>>) dst(%dma_wait3A_334 : memref<10240x128xf32, #tpu.memory_space<vmem_shared>>)
        tpu.yield
      }) : () -> ()
      %dma_wait3A_97 = arith.constant 2 : i32
      %dma_wait3A_98 = arith.constant 0 : i32
      %dma_wait3A_99 = tpu.memref_slice %arg7[%dma_wait3A_97, %dma_wait3A_98] : memref<8x128xi32, #tpu.memory_space<vmem>> -> memref<1x128xi32, #tpu.memory_space<vmem>>
      %dma_wait3A_100 = tpu.memref_squeeze %dma_wait3A_99 : memref<1x128xi32, #tpu.memory_space<vmem>> -> memref<128xi32, #tpu.memory_space<vmem>>
      %dma_wait3A_101 = arith.constant 0 : i32
      %dma_wait3A_102 = arith.constant 0 : i32
      %dma_wait3A_103 = tpu.memref_slice %arg2[%dma_wait3A_101, %dma_wait3A_102] : memref<10000x128xf32, #tpu.memory_space<hbm>> -> memref<10000x128xf32, #tpu.memory_space<hbm>>
      tpu.wait_indirect_dma semaphore(%arg14 : memref<!tpu.dma_semaphore, #tpu.memory_space<semaphore_mem>>) src(%dma_wait3A_103 : memref<10000x128xf32, #tpu.memory_space<hbm>>) dst(%arg11 : memref<128x128xf32, #tpu.memory_space<vmem>>)
      %dma_start3A_104 = arith.constant 3 : i32
      %dma_start3A_105 = arith.constant 0 : i32
      %dma_start3A_106 = tpu.memref_slice %arg7[%dma_start3A_104, %dma_start3A_105] : memref<8x128xi32, #tpu.memory_space<vmem>> -> memref<1x128xi32, #tpu.memory_space<vmem>>
      %dma_start3A_107 = tpu.memref_squeeze %dma_start3A_106 : memref<1x128xi32, #tpu.memory_space<vmem>> -> memref<128xi32, #tpu.memory_space<vmem>>
      %dma_start3A_108 = arith.constant 0 : i32
      %dma_start3A_109 = arith.constant 0 : i32
      %dma_start3A_110 = tpu.memref_slice %arg2[%dma_start3A_108, %dma_start3A_109] : memref<10000x128xf32, #tpu.memory_space<hbm>> -> memref<10000x128xf32, #tpu.memory_space<hbm>>
      tpu.enqueue_indirect_dma source(%dma_start3A_110 : memref<10000x128xf32, #tpu.memory_space<hbm>>) target(%arg12 : memref<128x128xf32, #tpu.memory_space<vmem>>) offsets(%dma_start3A_107 : memref<128xi32, #tpu.memory_space<vmem>>) semaphore(%arg15 : memref<!tpu.dma_semaphore, #tpu.memory_space<semaphore_mem>>)
      %run_scoped3A_111 = arith.constant 2 : i32
      "tpu.region"() ({
        %run_scoped3A_322 = tpu.sem_alloc : memref<!tpu.dma_semaphore, #tpu.memory_space<semaphore_mem>>
        %dma_start3A_323 = arith.constant 0 : i32
        %dma_start3A_324 = tpu.memref_slice %arg8[%run_scoped3A_111, %dma_start3A_323] : memref<8x128xi32, #tpu.memory_space<vmem>> -> memref<1x128xi32, #tpu.memory_space<vmem>>
        %dma_start3A_325 = tpu.memref_squeeze %dma_start3A_324 : memref<1x128xi32, #tpu.memory_space<vmem>> -> memref<128xi32, #tpu.memory_space<vmem>>
        %dma_start3A_326 = arith.constant 0 : i32
        %dma_start3A_327 = arith.constant 0 : i32
        %dma_start3A_328 = tpu.memref_slice %arg13[%dma_start3A_326, %dma_start3A_327] : memref<10240x128xf32, #tpu.memory_space<vmem_shared>> -> memref<10240x128xf32, #tpu.memory_space<vmem_shared>>
        tpu.enqueue_indirect_dma source(%arg11 : memref<128x128xf32, #tpu.memory_space<vmem>>) target(%dma_start3A_328 : memref<10240x128xf32, #tpu.memory_space<vmem_shared>>) offsets(%dma_start3A_325 : memref<128xi32, #tpu.memory_space<vmem>>) semaphore(%run_scoped3A_322 : memref<!tpu.dma_semaphore, #tpu.memory_space<semaphore_mem>>) {add = true}
        %dma_wait3A_329 = arith.constant 0 : i32
        %dma_wait3A_330 = tpu.memref_slice %arg8[%run_scoped3A_111, %dma_wait3A_329] : memref<8x128xi32, #tpu.memory_space<vmem>> -> memref<1x128xi32, #tpu.memory_space<vmem>>
        %dma_wait3A_331 = tpu.memref_squeeze %dma_wait3A_330 : memref<1x128xi32, #tpu.memory_space<vmem>> -> memref<128xi32, #tpu.memory_space<vmem>>
        %dma_wait3A_332 = arith.constant 0 : i32
        %dma_wait3A_333 = arith.constant 0 : i32
        %dma_wait3A_334 = tpu.memref_slice %arg13[%dma_wait3A_332, %dma_wait3A_333] : memref<10240x128xf32, #tpu.memory_space<vmem_shared>> -> memref<10240x128xf32, #tpu.memory_space<vmem_shared>>
        tpu.wait_indirect_dma semaphore(%run_scoped3A_322 : memref<!tpu.dma_semaphore, #tpu.memory_space<semaphore_mem>>) src(%arg11 : memref<128x128xf32, #tpu.memory_space<vmem>>) dst(%dma_wait3A_334 : memref<10240x128xf32, #tpu.memory_space<vmem_shared>>)
        tpu.yield
      }) : () -> ()
      %dma_wait3A_112 = arith.constant 3 : i32
      %dma_wait3A_113 = arith.constant 0 : i32
      %dma_wait3A_114 = tpu.memref_slice %arg7[%dma_wait3A_112, %dma_wait3A_113] : memref<8x128xi32, #tpu.memory_space<vmem>> -> memref<1x128xi32, #tpu.memory_space<vmem>>
      %dma_wait3A_115 = tpu.memref_squeeze %dma_wait3A_114 : memref<1x128xi32, #tpu.memory_space<vmem>> -> memref<128xi32, #tpu.memory_space<vmem>>
      %dma_wait3A_116 = arith.constant 0 : i32
      %dma_wait3A_117 = arith.constant 0 : i32
      %dma_wait3A_118 = tpu.memref_slice %arg2[%dma_wait3A_116, %dma_wait3A_117] : memref<10000x128xf32, #tpu.memory_space<hbm>> -> memref<10000x128xf32, #tpu.memory_space<hbm>>
      tpu.wait_indirect_dma semaphore(%arg15 : memref<!tpu.dma_semaphore, #tpu.memory_space<semaphore_mem>>) src(%dma_wait3A_118 : memref<10000x128xf32, #tpu.memory_space<hbm>>) dst(%arg12 : memref<128x128xf32, #tpu.memory_space<vmem>>)
      %dma_start3A_119 = arith.constant 4 : i32
      %dma_start3A_120 = arith.constant 0 : i32
      %dma_start3A_121 = tpu.memref_slice %arg7[%dma_start3A_119, %dma_start3A_120] : memref<8x128xi32, #tpu.memory_space<vmem>> -> memref<1x128xi32, #tpu.memory_space<vmem>>
      %dma_start3A_122 = tpu.memref_squeeze %dma_start3A_121 : memref<1x128xi32, #tpu.memory_space<vmem>> -> memref<128xi32, #tpu.memory_space<vmem>>
      %dma_start3A_123 = arith.constant 0 : i32
      %dma_start3A_124 = arith.constant 0 : i32
      %dma_start3A_125 = tpu.memref_slice %arg2[%dma_start3A_123, %dma_start3A_124] : memref<10000x128xf32, #tpu.memory_space<hbm>> -> memref<10000x128xf32, #tpu.memory_space<hbm>>
      tpu.enqueue_indirect_dma source(%dma_start3A_125 : memref<10000x128xf32, #tpu.memory_space<hbm>>) target(%arg11 : memref<128x128xf32, #tpu.memory_space<vmem>>) offsets(%dma_start3A_122 : memref<128xi32, #tpu.memory_space<vmem>>) semaphore(%arg14 : memref<!tpu.dma_semaphore, #tpu.memory_space<semaphore_mem>>)
      %run_scoped3A_126 = arith.constant 3 : i32
      "tpu.region"() ({
        %run_scoped3A_322 = tpu.sem_alloc : memref<!tpu.dma_semaphore, #tpu.memory_space<semaphore_mem>>
        %dma_start3A_323 = arith.constant 0 : i32
        %dma_start3A_324 = tpu.memref_slice %arg8[%run_scoped3A_126, %dma_start3A_323] : memref<8x128xi32, #tpu.memory_space<vmem>> -> memref<1x128xi32, #tpu.memory_space<vmem>>
        %dma_start3A_325 = tpu.memref_squeeze %dma_start3A_324 : memref<1x128xi32, #tpu.memory_space<vmem>> -> memref<128xi32, #tpu.memory_space<vmem>>
        %dma_start3A_326 = arith.constant 0 : i32
        %dma_start3A_327 = arith.constant 0 : i32
        %dma_start3A_328 = tpu.memref_slice %arg13[%dma_start3A_326, %dma_start3A_327] : memref<10240x128xf32, #tpu.memory_space<vmem_shared>> -> memref<10240x128xf32, #tpu.memory_space<vmem_shared>>
        tpu.enqueue_indirect_dma source(%arg12 : memref<128x128xf32, #tpu.memory_space<vmem>>) target(%dma_start3A_328 : memref<10240x128xf32, #tpu.memory_space<vmem_shared>>) offsets(%dma_start3A_325 : memref<128xi32, #tpu.memory_space<vmem>>) semaphore(%run_scoped3A_322 : memref<!tpu.dma_semaphore, #tpu.memory_space<semaphore_mem>>) {add = true}
        %dma_wait3A_329 = arith.constant 0 : i32
        %dma_wait3A_330 = tpu.memref_slice %arg8[%run_scoped3A_126, %dma_wait3A_329] : memref<8x128xi32, #tpu.memory_space<vmem>> -> memref<1x128xi32, #tpu.memory_space<vmem>>
        %dma_wait3A_331 = tpu.memref_squeeze %dma_wait3A_330 : memref<1x128xi32, #tpu.memory_space<vmem>> -> memref<128xi32, #tpu.memory_space<vmem>>
        %dma_wait3A_332 = arith.constant 0 : i32
        %dma_wait3A_333 = arith.constant 0 : i32
        %dma_wait3A_334 = tpu.memref_slice %arg13[%dma_wait3A_332, %dma_wait3A_333] : memref<10240x128xf32, #tpu.memory_space<vmem_shared>> -> memref<10240x128xf32, #tpu.memory_space<vmem_shared>>
        tpu.wait_indirect_dma semaphore(%run_scoped3A_322 : memref<!tpu.dma_semaphore, #tpu.memory_space<semaphore_mem>>) src(%arg12 : memref<128x128xf32, #tpu.memory_space<vmem>>) dst(%dma_wait3A_334 : memref<10240x128xf32, #tpu.memory_space<vmem_shared>>)
        tpu.yield
      }) : () -> ()
      %dma_wait3A_127 = arith.constant 4 : i32
      %dma_wait3A_128 = arith.constant 0 : i32
      %dma_wait3A_129 = tpu.memref_slice %arg7[%dma_wait3A_127, %dma_wait3A_128] : memref<8x128xi32, #tpu.memory_space<vmem>> -> memref<1x128xi32, #tpu.memory_space<vmem>>
      %dma_wait3A_130 = tpu.memref_squeeze %dma_wait3A_129 : memref<1x128xi32, #tpu.memory_space<vmem>> -> memref<128xi32, #tpu.memory_space<vmem>>
      %dma_wait3A_131 = arith.constant 0 : i32
      %dma_wait3A_132 = arith.constant 0 : i32
      %dma_wait3A_133 = tpu.memref_slice %arg2[%dma_wait3A_131, %dma_wait3A_132] : memref<10000x128xf32, #tpu.memory_space<hbm>> -> memref<10000x128xf32, #tpu.memory_space<hbm>>
      tpu.wait_indirect_dma semaphore(%arg14 : memref<!tpu.dma_semaphore, #tpu.memory_space<semaphore_mem>>) src(%dma_wait3A_133 : memref<10000x128xf32, #tpu.memory_space<hbm>>) dst(%arg11 : memref<128x128xf32, #tpu.memory_space<vmem>>)
      %dma_start3A_134 = arith.constant 5 : i32
      %dma_start3A_135 = arith.constant 0 : i32
      %dma_start3A_136 = tpu.memref_slice %arg7[%dma_start3A_134, %dma_start3A_135] : memref<8x128xi32, #tpu.memory_space<vmem>> -> memref<1x128xi32, #tpu.memory_space<vmem>>
      %dma_start3A_137 = tpu.memref_squeeze %dma_start3A_136 : memref<1x128xi32, #tpu.memory_space<vmem>> -> memref<128xi32, #tpu.memory_space<vmem>>
      %dma_start3A_138 = arith.constant 0 : i32
      %dma_start3A_139 = arith.constant 0 : i32
      %dma_start3A_140 = tpu.memref_slice %arg2[%dma_start3A_138, %dma_start3A_139] : memref<10000x128xf32, #tpu.memory_space<hbm>> -> memref<10000x128xf32, #tpu.memory_space<hbm>>
      tpu.enqueue_indirect_dma source(%dma_start3A_140 : memref<10000x128xf32, #tpu.memory_space<hbm>>) target(%arg12 : memref<128x128xf32, #tpu.memory_space<vmem>>) offsets(%dma_start3A_137 : memref<128xi32, #tpu.memory_space<vmem>>) semaphore(%arg15 : memref<!tpu.dma_semaphore, #tpu.memory_space<semaphore_mem>>)
      %run_scoped3A_141 = arith.constant 4 : i32
      "tpu.region"() ({
        %run_scoped3A_322 = tpu.sem_alloc : memref<!tpu.dma_semaphore, #tpu.memory_space<semaphore_mem>>
        %dma_start3A_323 = arith.constant 0 : i32
        %dma_start3A_324 = tpu.memref_slice %arg8[%run_scoped3A_141, %dma_start3A_323] : memref<8x128xi32, #tpu.memory_space<vmem>> -> memref<1x128xi32, #tpu.memory_space<vmem>>
        %dma_start3A_325 = tpu.memref_squeeze %dma_start3A_324 : memref<1x128xi32, #tpu.memory_space<vmem>> -> memref<128xi32, #tpu.memory_space<vmem>>
        %dma_start3A_326 = arith.constant 0 : i32
        %dma_start3A_327 = arith.constant 0 : i32
        %dma_start3A_328 = tpu.memref_slice %arg13[%dma_start3A_326, %dma_start3A_327] : memref<10240x128xf32, #tpu.memory_space<vmem_shared>> -> memref<10240x128xf32, #tpu.memory_space<vmem_shared>>
        tpu.enqueue_indirect_dma source(%arg11 : memref<128x128xf32, #tpu.memory_space<vmem>>) target(%dma_start3A_328 : memref<10240x128xf32, #tpu.memory_space<vmem_shared>>) offsets(%dma_start3A_325 : memref<128xi32, #tpu.memory_space<vmem>>) semaphore(%run_scoped3A_322 : memref<!tpu.dma_semaphore, #tpu.memory_space<semaphore_mem>>) {add = true}
        %dma_wait3A_329 = arith.constant 0 : i32
        %dma_wait3A_330 = tpu.memref_slice %arg8[%run_scoped3A_141, %dma_wait3A_329] : memref<8x128xi32, #tpu.memory_space<vmem>> -> memref<1x128xi32, #tpu.memory_space<vmem>>
        %dma_wait3A_331 = tpu.memref_squeeze %dma_wait3A_330 : memref<1x128xi32, #tpu.memory_space<vmem>> -> memref<128xi32, #tpu.memory_space<vmem>>
        %dma_wait3A_332 = arith.constant 0 : i32
        %dma_wait3A_333 = arith.constant 0 : i32
        %dma_wait3A_334 = tpu.memref_slice %arg13[%dma_wait3A_332, %dma_wait3A_333] : memref<10240x128xf32, #tpu.memory_space<vmem_shared>> -> memref<10240x128xf32, #tpu.memory_space<vmem_shared>>
        tpu.wait_indirect_dma semaphore(%run_scoped3A_322 : memref<!tpu.dma_semaphore, #tpu.memory_space<semaphore_mem>>) src(%arg11 : memref<128x128xf32, #tpu.memory_space<vmem>>) dst(%dma_wait3A_334 : memref<10240x128xf32, #tpu.memory_space<vmem_shared>>)
        tpu.yield
      }) : () -> ()
      %dma_wait3A_142 = arith.constant 5 : i32
      %dma_wait3A_143 = arith.constant 0 : i32
      %dma_wait3A_144 = tpu.memref_slice %arg7[%dma_wait3A_142, %dma_wait3A_143] : memref<8x128xi32, #tpu.memory_space<vmem>> -> memref<1x128xi32, #tpu.memory_space<vmem>>
      %dma_wait3A_145 = tpu.memref_squeeze %dma_wait3A_144 : memref<1x128xi32, #tpu.memory_space<vmem>> -> memref<128xi32, #tpu.memory_space<vmem>>
      %dma_wait3A_146 = arith.constant 0 : i32
      %dma_wait3A_147 = arith.constant 0 : i32
      %dma_wait3A_148 = tpu.memref_slice %arg2[%dma_wait3A_146, %dma_wait3A_147] : memref<10000x128xf32, #tpu.memory_space<hbm>> -> memref<10000x128xf32, #tpu.memory_space<hbm>>
      tpu.wait_indirect_dma semaphore(%arg15 : memref<!tpu.dma_semaphore, #tpu.memory_space<semaphore_mem>>) src(%dma_wait3A_148 : memref<10000x128xf32, #tpu.memory_space<hbm>>) dst(%arg12 : memref<128x128xf32, #tpu.memory_space<vmem>>)
      %dma_start3A_149 = arith.constant 6 : i32
      %dma_start3A_150 = arith.constant 0 : i32
      %dma_start3A_151 = tpu.memref_slice %arg7[%dma_start3A_149, %dma_start3A_150] : memref<8x128xi32, #tpu.memory_space<vmem>> -> memref<1x128xi32, #tpu.memory_space<vmem>>
      %dma_start3A_152 = tpu.memref_squeeze %dma_start3A_151 : memref<1x128xi32, #tpu.memory_space<vmem>> -> memref<128xi32, #tpu.memory_space<vmem>>
      %dma_start3A_153 = arith.constant 0 : i32
      %dma_start3A_154 = arith.constant 0 : i32
      %dma_start3A_155 = tpu.memref_slice %arg2[%dma_start3A_153, %dma_start3A_154] : memref<10000x128xf32, #tpu.memory_space<hbm>> -> memref<10000x128xf32, #tpu.memory_space<hbm>>
      tpu.enqueue_indirect_dma source(%dma_start3A_155 : memref<10000x128xf32, #tpu.memory_space<hbm>>) target(%arg11 : memref<128x128xf32, #tpu.memory_space<vmem>>) offsets(%dma_start3A_152 : memref<128xi32, #tpu.memory_space<vmem>>) semaphore(%arg14 : memref<!tpu.dma_semaphore, #tpu.memory_space<semaphore_mem>>)
      %run_scoped3A_156 = arith.constant 5 : i32
      "tpu.region"() ({
        %run_scoped3A_322 = tpu.sem_alloc : memref<!tpu.dma_semaphore, #tpu.memory_space<semaphore_mem>>
        %dma_start3A_323 = arith.constant 0 : i32
        %dma_start3A_324 = tpu.memref_slice %arg8[%run_scoped3A_156, %dma_start3A_323] : memref<8x128xi32, #tpu.memory_space<vmem>> -> memref<1x128xi32, #tpu.memory_space<vmem>>
        %dma_start3A_325 = tpu.memref_squeeze %dma_start3A_324 : memref<1x128xi32, #tpu.memory_space<vmem>> -> memref<128xi32, #tpu.memory_space<vmem>>
        %dma_start3A_326 = arith.constant 0 : i32
        %dma_start3A_327 = arith.constant 0 : i32
        %dma_start3A_328 = tpu.memref_slice %arg13[%dma_start3A_326, %dma_start3A_327] : memref<10240x128xf32, #tpu.memory_space<vmem_shared>> -> memref<10240x128xf32, #tpu.memory_space<vmem_shared>>
        tpu.enqueue_indirect_dma source(%arg12 : memref<128x128xf32, #tpu.memory_space<vmem>>) target(%dma_start3A_328 : memref<10240x128xf32, #tpu.memory_space<vmem_shared>>) offsets(%dma_start3A_325 : memref<128xi32, #tpu.memory_space<vmem>>) semaphore(%run_scoped3A_322 : memref<!tpu.dma_semaphore, #tpu.memory_space<semaphore_mem>>) {add = true}
        %dma_wait3A_329 = arith.constant 0 : i32
        %dma_wait3A_330 = tpu.memref_slice %arg8[%run_scoped3A_156, %dma_wait3A_329] : memref<8x128xi32, #tpu.memory_space<vmem>> -> memref<1x128xi32, #tpu.memory_space<vmem>>
        %dma_wait3A_331 = tpu.memref_squeeze %dma_wait3A_330 : memref<1x128xi32, #tpu.memory_space<vmem>> -> memref<128xi32, #tpu.memory_space<vmem>>
        %dma_wait3A_332 = arith.constant 0 : i32
        %dma_wait3A_333 = arith.constant 0 : i32
        %dma_wait3A_334 = tpu.memref_slice %arg13[%dma_wait3A_332, %dma_wait3A_333] : memref<10240x128xf32, #tpu.memory_space<vmem_shared>> -> memref<10240x128xf32, #tpu.memory_space<vmem_shared>>
        tpu.wait_indirect_dma semaphore(%run_scoped3A_322 : memref<!tpu.dma_semaphore, #tpu.memory_space<semaphore_mem>>) src(%arg12 : memref<128x128xf32, #tpu.memory_space<vmem>>) dst(%dma_wait3A_334 : memref<10240x128xf32, #tpu.memory_space<vmem_shared>>)
        tpu.yield
      }) : () -> ()
      %dma_wait3A_157 = arith.constant 6 : i32
      %dma_wait3A_158 = arith.constant 0 : i32
      %dma_wait3A_159 = tpu.memref_slice %arg7[%dma_wait3A_157, %dma_wait3A_158] : memref<8x128xi32, #tpu.memory_space<vmem>> -> memref<1x128xi32, #tpu.memory_space<vmem>>
      %dma_wait3A_160 = tpu.memref_squeeze %dma_wait3A_159 : memref<1x128xi32, #tpu.memory_space<vmem>> -> memref<128xi32, #tpu.memory_space<vmem>>
      %dma_wait3A_161 = arith.constant 0 : i32
      %dma_wait3A_162 = arith.constant 0 : i32
      %dma_wait3A_163 = tpu.memref_slice %arg2[%dma_wait3A_161, %dma_wait3A_162] : memref<10000x128xf32, #tpu.memory_space<hbm>> -> memref<10000x128xf32, #tpu.memory_space<hbm>>
      tpu.wait_indirect_dma semaphore(%arg14 : memref<!tpu.dma_semaphore, #tpu.memory_space<semaphore_mem>>) src(%dma_wait3A_163 : memref<10000x128xf32, #tpu.memory_space<hbm>>) dst(%arg11 : memref<128x128xf32, #tpu.memory_space<vmem>>)
      %dma_start3A_164 = arith.constant 7 : i32
      %dma_start3A_165 = arith.constant 0 : i32
      %dma_start3A_166 = tpu.memref_slice %arg7[%dma_start3A_164, %dma_start3A_165] : memref<8x128xi32, #tpu.memory_space<vmem>> -> memref<1x128xi32, #tpu.memory_space<vmem>>
      %dma_start3A_167 = tpu.memref_squeeze %dma_start3A_166 : memref<1x128xi32, #tpu.memory_space<vmem>> -> memref<128xi32, #tpu.memory_space<vmem>>
      %dma_start3A_168 = arith.constant 0 : i32
      %dma_start3A_169 = arith.constant 0 : i32
      %dma_start3A_170 = tpu.memref_slice %arg2[%dma_start3A_168, %dma_start3A_169] : memref<10000x128xf32, #tpu.memory_space<hbm>> -> memref<10000x128xf32, #tpu.memory_space<hbm>>
      tpu.enqueue_indirect_dma source(%dma_start3A_170 : memref<10000x128xf32, #tpu.memory_space<hbm>>) target(%arg12 : memref<128x128xf32, #tpu.memory_space<vmem>>) offsets(%dma_start3A_167 : memref<128xi32, #tpu.memory_space<vmem>>) semaphore(%arg15 : memref<!tpu.dma_semaphore, #tpu.memory_space<semaphore_mem>>)
      %run_scoped3A_171 = arith.constant 6 : i32
      "tpu.region"() ({
        %run_scoped3A_322 = tpu.sem_alloc : memref<!tpu.dma_semaphore, #tpu.memory_space<semaphore_mem>>
        %dma_start3A_323 = arith.constant 0 : i32
        %dma_start3A_324 = tpu.memref_slice %arg8[%run_scoped3A_171, %dma_start3A_323] : memref<8x128xi32, #tpu.memory_space<vmem>> -> memref<1x128xi32, #tpu.memory_space<vmem>>
        %dma_start3A_325 = tpu.memref_squeeze %dma_start3A_324 : memref<1x128xi32, #tpu.memory_space<vmem>> -> memref<128xi32, #tpu.memory_space<vmem>>
        %dma_start3A_326 = arith.constant 0 : i32
        %dma_start3A_327 = arith.constant 0 : i32
        %dma_start3A_328 = tpu.memref_slice %arg13[%dma_start3A_326, %dma_start3A_327] : memref<10240x128xf32, #tpu.memory_space<vmem_shared>> -> memref<10240x128xf32, #tpu.memory_space<vmem_shared>>
        tpu.enqueue_indirect_dma source(%arg11 : memref<128x128xf32, #tpu.memory_space<vmem>>) target(%dma_start3A_328 : memref<10240x128xf32, #tpu.memory_space<vmem_shared>>) offsets(%dma_start3A_325 : memref<128xi32, #tpu.memory_space<vmem>>) semaphore(%run_scoped3A_322 : memref<!tpu.dma_semaphore, #tpu.memory_space<semaphore_mem>>) {add = true}
        %dma_wait3A_329 = arith.constant 0 : i32
        %dma_wait3A_330 = tpu.memref_slice %arg8[%run_scoped3A_171, %dma_wait3A_329] : memref<8x128xi32, #tpu.memory_space<vmem>> -> memref<1x128xi32, #tpu.memory_space<vmem>>
        %dma_wait3A_331 = tpu.memref_squeeze %dma_wait3A_330 : memref<1x128xi32, #tpu.memory_space<vmem>> -> memref<128xi32, #tpu.memory_space<vmem>>
        %dma_wait3A_332 = arith.constant 0 : i32
        %dma_wait3A_333 = arith.constant 0 : i32
        %dma_wait3A_334 = tpu.memref_slice %arg13[%dma_wait3A_332, %dma_wait3A_333] : memref<10240x128xf32, #tpu.memory_space<vmem_shared>> -> memref<10240x128xf32, #tpu.memory_space<vmem_shared>>
        tpu.wait_indirect_dma semaphore(%run_scoped3A_322 : memref<!tpu.dma_semaphore, #tpu.memory_space<semaphore_mem>>) src(%arg11 : memref<128x128xf32, #tpu.memory_space<vmem>>) dst(%dma_wait3A_334 : memref<10240x128xf32, #tpu.memory_space<vmem_shared>>)
        tpu.yield
      }) : () -> ()
      %dma_wait3A_172 = arith.constant 7 : i32
      %dma_wait3A_173 = arith.constant 0 : i32
      %dma_wait3A_174 = tpu.memref_slice %arg7[%dma_wait3A_172, %dma_wait3A_173] : memref<8x128xi32, #tpu.memory_space<vmem>> -> memref<1x128xi32, #tpu.memory_space<vmem>>
      %dma_wait3A_175 = tpu.memref_squeeze %dma_wait3A_174 : memref<1x128xi32, #tpu.memory_space<vmem>> -> memref<128xi32, #tpu.memory_space<vmem>>
      %dma_wait3A_176 = arith.constant 0 : i32
      %dma_wait3A_177 = arith.constant 0 : i32
      %dma_wait3A_178 = tpu.memref_slice %arg2[%dma_wait3A_176, %dma_wait3A_177] : memref<10000x128xf32, #tpu.memory_space<hbm>> -> memref<10000x128xf32, #tpu.memory_space<hbm>>
      tpu.wait_indirect_dma semaphore(%arg15 : memref<!tpu.dma_semaphore, #tpu.memory_space<semaphore_mem>>) src(%dma_wait3A_178 : memref<10000x128xf32, #tpu.memory_space<hbm>>) dst(%arg12 : memref<128x128xf32, #tpu.memory_space<vmem>>)
      %run_scoped3A_179 = arith.constant 7 : i32
      "tpu.region"() ({
        %run_scoped3A_322 = tpu.sem_alloc : memref<!tpu.dma_semaphore, #tpu.memory_space<semaphore_mem>>
        %dma_start3A_323 = arith.constant 0 : i32
        %dma_start3A_324 = tpu.memref_slice %arg8[%run_scoped3A_179, %dma_start3A_323] : memref<8x128xi32, #tpu.memory_space<vmem>> -> memref<1x128xi32, #tpu.memory_space<vmem>>
        %dma_start3A_325 = tpu.memref_squeeze %dma_start3A_324 : memref<1x128xi32, #tpu.memory_space<vmem>> -> memref<128xi32, #tpu.memory_space<vmem>>
        %dma_start3A_326 = arith.constant 0 : i32
        %dma_start3A_327 = arith.constant 0 : i32
        %dma_start3A_328 = tpu.memref_slice %arg13[%dma_start3A_326, %dma_start3A_327] : memref<10240x128xf32, #tpu.memory_space<vmem_shared>> -> memref<10240x128xf32, #tpu.memory_space<vmem_shared>>
        tpu.enqueue_indirect_dma source(%arg12 : memref<128x128xf32, #tpu.memory_space<vmem>>) target(%dma_start3A_328 : memref<10240x128xf32, #tpu.memory_space<vmem_shared>>) offsets(%dma_start3A_325 : memref<128xi32, #tpu.memory_space<vmem>>) semaphore(%run_scoped3A_322 : memref<!tpu.dma_semaphore, #tpu.memory_space<semaphore_mem>>) {add = true}
        %dma_wait3A_329 = arith.constant 0 : i32
        %dma_wait3A_330 = tpu.memref_slice %arg8[%run_scoped3A_179, %dma_wait3A_329] : memref<8x128xi32, #tpu.memory_space<vmem>> -> memref<1x128xi32, #tpu.memory_space<vmem>>
        %dma_wait3A_331 = tpu.memref_squeeze %dma_wait3A_330 : memref<1x128xi32, #tpu.memory_space<vmem>> -> memref<128xi32, #tpu.memory_space<vmem>>
        %dma_wait3A_332 = arith.constant 0 : i32
        %dma_wait3A_333 = arith.constant 0 : i32
        %dma_wait3A_334 = tpu.memref_slice %arg13[%dma_wait3A_332, %dma_wait3A_333] : memref<10240x128xf32, #tpu.memory_space<vmem_shared>> -> memref<10240x128xf32, #tpu.memory_space<vmem_shared>>
        tpu.wait_indirect_dma semaphore(%run_scoped3A_322 : memref<!tpu.dma_semaphore, #tpu.memory_space<semaphore_mem>>) src(%arg12 : memref<128x128xf32, #tpu.memory_space<vmem>>) dst(%dma_wait3A_334 : memref<10240x128xf32, #tpu.memory_space<vmem_shared>>)
        tpu.yield
      }) : () -> ()
      %add3A_180 = arith.constant 1 : i32
      %add3A_181 = arith.addi %mul3A_27, %add3A_180 : i32
      %dma_wait3A_182 = arith.constant 0 : i32
      %dma_wait3A_183 = arith.constant 0 : i32
      %dma_wait3A_184 = tpu.memref_slice %arg3[%add3A, %add3A_181, %dma_wait3A_182, %dma_wait3A_183] : memref<32x10x8x128xi32, #tpu.memory_space<hbm>> -> memref<1x1x8x128xi32, #tpu.memory_space<hbm>>
      %dma_wait3A_185 = tpu.memref_squeeze %dma_wait3A_184 : memref<1x1x8x128xi32, #tpu.memory_space<hbm>> -> memref<8x128xi32, #tpu.memory_space<hbm>>
      %dma_wait3A_186 = arith.constant 0 : i32
      %dma_wait3A_187 = arith.constant 0 : i32
      %dma_wait3A_188 = tpu.memref_slice %arg3[%add3A, %add3A_181, %dma_wait3A_186, %dma_wait3A_187] : memref<32x10x8x128xi32, #tpu.memory_space<hbm>> -> memref<1x1x8x128xi32, #tpu.memory_space<hbm>>
      %dma_wait3A_189 = tpu.memref_squeeze %dma_wait3A_188 : memref<1x1x8x128xi32, #tpu.memory_space<hbm>> -> memref<8x128xi32, #tpu.memory_space<hbm>>
      tpu.wait_dma2 semaphore(%arg16 : memref<!tpu.dma_semaphore, #tpu.memory_space<semaphore_mem>>) src(%dma_wait3A_189 : memref<8x128xi32, #tpu.memory_space<hbm>>) dst(%arg9 : memref<8x128xi32, #tpu.memory_space<vmem>>)
      %dma_wait3A_190 = arith.constant 0 : i32
      %dma_wait3A_191 = arith.constant 0 : i32
      %dma_wait3A_192 = tpu.memref_slice %arg4[%add3A, %add3A_181, %dma_wait3A_190, %dma_wait3A_191] : memref<32x10x8x128xi32, #tpu.memory_space<hbm>> -> memref<1x1x8x128xi32, #tpu.memory_space<hbm>>
      %dma_wait3A_193 = tpu.memref_squeeze %dma_wait3A_192 : memref<1x1x8x128xi32, #tpu.memory_space<hbm>> -> memref<8x128xi32, #tpu.memory_space<hbm>>
      %dma_wait3A_194 = arith.constant 0 : i32
      %dma_wait3A_195 = arith.constant 0 : i32
      %dma_wait3A_196 = tpu.memref_slice %arg4[%add3A, %add3A_181, %dma_wait3A_194, %dma_wait3A_195] : memref<32x10x8x128xi32, #tpu.memory_space<hbm>> -> memref<1x1x8x128xi32, #tpu.memory_space<hbm>>
      %dma_wait3A_197 = tpu.memref_squeeze %dma_wait3A_196 : memref<1x1x8x128xi32, #tpu.memory_space<hbm>> -> memref<8x128xi32, #tpu.memory_space<hbm>>
      tpu.wait_dma2 semaphore(%arg16 : memref<!tpu.dma_semaphore, #tpu.memory_space<semaphore_mem>>) src(%dma_wait3A_197 : memref<8x128xi32, #tpu.memory_space<hbm>>) dst(%arg10 : memref<8x128xi32, #tpu.memory_space<vmem>>)
      %add3A_198 = arith.constant 1 : i32
      %add3A_199 = arith.addi %scan3A_25, %add3A_198 : i32
      %lt3A = arith.constant 5 : i32
      %lt3A_200 = arith.cmpi slt, %add3A_199, %lt3A : i32
      %convert_element_type3A = arith.extui %lt3A_200 : i1 to i32
      %cond3A = arith.constant 0 : i32
      %cond3A_201 = arith.cmpi ne, %convert_element_type3A, %cond3A : i32
      scf.if %cond3A_201 {
        %add3A_322 = arith.constant 2 : i32
        %add3A_323 = arith.addi %mul3A_27, %add3A_322 : i32
        %dma_start3A_324 = arith.constant 0 : i32
        %dma_start3A_325 = arith.constant 0 : i32
        %dma_start3A_326 = tpu.memref_slice %arg3[%add3A, %add3A_323, %dma_start3A_324, %dma_start3A_325] : memref<32x10x8x128xi32, #tpu.memory_space<hbm>> -> memref<1x1x8x128xi32, #tpu.memory_space<hbm>>
        %dma_start3A_327 = tpu.memref_squeeze %dma_start3A_326 : memref<1x1x8x128xi32, #tpu.memory_space<hbm>> -> memref<8x128xi32, #tpu.memory_space<hbm>>
        %dma_start3A_328 = arith.constant 0 : i32
        %dma_start3A_329 = arith.constant 0 : i32
        %dma_start3A_330 = tpu.memref_slice %arg3[%add3A, %add3A_323, %dma_start3A_328, %dma_start3A_329] : memref<32x10x8x128xi32, #tpu.memory_space<hbm>> -> memref<1x1x8x128xi32, #tpu.memory_space<hbm>>
        %dma_start3A_331 = tpu.memref_squeeze %dma_start3A_330 : memref<1x1x8x128xi32, #tpu.memory_space<hbm>> -> memref<8x128xi32, #tpu.memory_space<hbm>>
        tpu.enqueue_dma source(%dma_start3A_331 : memref<8x128xi32, #tpu.memory_space<hbm>>) target(%arg7 : memref<8x128xi32, #tpu.memory_space<vmem>>) target_semaphore(%arg16 : memref<!tpu.dma_semaphore, #tpu.memory_space<semaphore_mem>>)
        %dma_start3A_332 = arith.constant 0 : i32
        %dma_start3A_333 = arith.constant 0 : i32
        %dma_start3A_334 = tpu.memref_slice %arg4[%add3A, %add3A_323, %dma_start3A_332, %dma_start3A_333] : memref<32x10x8x128xi32, #tpu.memory_space<hbm>> -> memref<1x1x8x128xi32, #tpu.memory_space<hbm>>
        %dma_start3A_335 = tpu.memref_squeeze %dma_start3A_334 : memref<1x1x8x128xi32, #tpu.memory_space<hbm>> -> memref<8x128xi32, #tpu.memory_space<hbm>>
        %dma_start3A_336 = arith.constant 0 : i32
        %dma_start3A_337 = arith.constant 0 : i32
        %dma_start3A_338 = tpu.memref_slice %arg4[%add3A, %add3A_323, %dma_start3A_336, %dma_start3A_337] : memref<32x10x8x128xi32, #tpu.memory_space<hbm>> -> memref<1x1x8x128xi32, #tpu.memory_space<hbm>>
        %dma_start3A_339 = tpu.memref_squeeze %dma_start3A_338 : memref<1x1x8x128xi32, #tpu.memory_space<hbm>> -> memref<8x128xi32, #tpu.memory_space<hbm>>
        tpu.enqueue_dma source(%dma_start3A_339 : memref<8x128xi32, #tpu.memory_space<hbm>>) target(%arg8 : memref<8x128xi32, #tpu.memory_space<vmem>>) target_semaphore(%arg16 : memref<!tpu.dma_semaphore, #tpu.memory_space<semaphore_mem>>)
      } else {
      }
      %dma_start3A_202 = arith.constant 0 : i32
      %dma_start3A_203 = arith.constant 0 : i32
      %dma_start3A_204 = tpu.memref_slice %arg9[%dma_start3A_202, %dma_start3A_203] : memref<8x128xi32, #tpu.memory_space<vmem>> -> memref<1x128xi32, #tpu.memory_space<vmem>>
      %dma_start3A_205 = tpu.memref_squeeze %dma_start3A_204 : memref<1x128xi32, #tpu.memory_space<vmem>> -> memref<128xi32, #tpu.memory_space<vmem>>
      %dma_start3A_206 = arith.constant 0 : i32
      %dma_start3A_207 = arith.constant 0 : i32
      %dma_start3A_208 = tpu.memref_slice %arg2[%dma_start3A_206, %dma_start3A_207] : memref<10000x128xf32, #tpu.memory_space<hbm>> -> memref<10000x128xf32, #tpu.memory_space<hbm>>
      tpu.enqueue_indirect_dma source(%dma_start3A_208 : memref<10000x128xf32, #tpu.memory_space<hbm>>) target(%arg11 : memref<128x128xf32, #tpu.memory_space<vmem>>) offsets(%dma_start3A_205 : memref<128xi32, #tpu.memory_space<vmem>>) semaphore(%arg14 : memref<!tpu.dma_semaphore, #tpu.memory_space<semaphore_mem>>)
      %dma_wait3A_209 = arith.constant 0 : i32
      %dma_wait3A_210 = arith.constant 0 : i32
      %dma_wait3A_211 = tpu.memref_slice %arg9[%dma_wait3A_209, %dma_wait3A_210] : memref<8x128xi32, #tpu.memory_space<vmem>> -> memref<1x128xi32, #tpu.memory_space<vmem>>
      %dma_wait3A_212 = tpu.memref_squeeze %dma_wait3A_211 : memref<1x128xi32, #tpu.memory_space<vmem>> -> memref<128xi32, #tpu.memory_space<vmem>>
      %dma_wait3A_213 = arith.constant 0 : i32
      %dma_wait3A_214 = arith.constant 0 : i32
      %dma_wait3A_215 = tpu.memref_slice %arg2[%dma_wait3A_213, %dma_wait3A_214] : memref<10000x128xf32, #tpu.memory_space<hbm>> -> memref<10000x128xf32, #tpu.memory_space<hbm>>
      tpu.wait_indirect_dma semaphore(%arg14 : memref<!tpu.dma_semaphore, #tpu.memory_space<semaphore_mem>>) src(%dma_wait3A_215 : memref<10000x128xf32, #tpu.memory_space<hbm>>) dst(%arg11 : memref<128x128xf32, #tpu.memory_space<vmem>>)
      %dma_start3A_216 = arith.constant 1 : i32
      %dma_start3A_217 = arith.constant 0 : i32
      %dma_start3A_218 = tpu.memref_slice %arg9[%dma_start3A_216, %dma_start3A_217] : memref<8x128xi32, #tpu.memory_space<vmem>> -> memref<1x128xi32, #tpu.memory_space<vmem>>
      %dma_start3A_219 = tpu.memref_squeeze %dma_start3A_218 : memref<1x128xi32, #tpu.memory_space<vmem>> -> memref<128xi32, #tpu.memory_space<vmem>>
      %dma_start3A_220 = arith.constant 0 : i32
      %dma_start3A_221 = arith.constant 0 : i32
      %dma_start3A_222 = tpu.memref_slice %arg2[%dma_start3A_220, %dma_start3A_221] : memref<10000x128xf32, #tpu.memory_space<hbm>> -> memref<10000x128xf32, #tpu.memory_space<hbm>>
      tpu.enqueue_indirect_dma source(%dma_start3A_222 : memref<10000x128xf32, #tpu.memory_space<hbm>>) target(%arg12 : memref<128x128xf32, #tpu.memory_space<vmem>>) offsets(%dma_start3A_219 : memref<128xi32, #tpu.memory_space<vmem>>) semaphore(%arg15 : memref<!tpu.dma_semaphore, #tpu.memory_space<semaphore_mem>>)
      %run_scoped3A_223 = arith.constant 0 : i32
      "tpu.region"() ({
        %run_scoped3A_322 = tpu.sem_alloc : memref<!tpu.dma_semaphore, #tpu.memory_space<semaphore_mem>>
        %dma_start3A_323 = arith.constant 0 : i32
        %dma_start3A_324 = tpu.memref_slice %arg10[%run_scoped3A_223, %dma_start3A_323] : memref<8x128xi32, #tpu.memory_space<vmem>> -> memref<1x128xi32, #tpu.memory_space<vmem>>
        %dma_start3A_325 = tpu.memref_squeeze %dma_start3A_324 : memref<1x128xi32, #tpu.memory_space<vmem>> -> memref<128xi32, #tpu.memory_space<vmem>>
        %dma_start3A_326 = arith.constant 0 : i32
        %dma_start3A_327 = arith.constant 0 : i32
        %dma_start3A_328 = tpu.memref_slice %arg13[%dma_start3A_326, %dma_start3A_327] : memref<10240x128xf32, #tpu.memory_space<vmem_shared>> -> memref<10240x128xf32, #tpu.memory_space<vmem_shared>>
        tpu.enqueue_indirect_dma source(%arg11 : memref<128x128xf32, #tpu.memory_space<vmem>>) target(%dma_start3A_328 : memref<10240x128xf32, #tpu.memory_space<vmem_shared>>) offsets(%dma_start3A_325 : memref<128xi32, #tpu.memory_space<vmem>>) semaphore(%run_scoped3A_322 : memref<!tpu.dma_semaphore, #tpu.memory_space<semaphore_mem>>) {add = true}
        %dma_wait3A_329 = arith.constant 0 : i32
        %dma_wait3A_330 = tpu.memref_slice %arg10[%run_scoped3A_223, %dma_wait3A_329] : memref<8x128xi32, #tpu.memory_space<vmem>> -> memref<1x128xi32, #tpu.memory_space<vmem>>
        %dma_wait3A_331 = tpu.memref_squeeze %dma_wait3A_330 : memref<1x128xi32, #tpu.memory_space<vmem>> -> memref<128xi32, #tpu.memory_space<vmem>>
        %dma_wait3A_332 = arith.constant 0 : i32
        %dma_wait3A_333 = arith.constant 0 : i32
        %dma_wait3A_334 = tpu.memref_slice %arg13[%dma_wait3A_332, %dma_wait3A_333] : memref<10240x128xf32, #tpu.memory_space<vmem_shared>> -> memref<10240x128xf32, #tpu.memory_space<vmem_shared>>
        tpu.wait_indirect_dma semaphore(%run_scoped3A_322 : memref<!tpu.dma_semaphore, #tpu.memory_space<semaphore_mem>>) src(%arg11 : memref<128x128xf32, #tpu.memory_space<vmem>>) dst(%dma_wait3A_334 : memref<10240x128xf32, #tpu.memory_space<vmem_shared>>)
        tpu.yield
      }) : () -> ()
      %dma_wait3A_224 = arith.constant 1 : i32
      %dma_wait3A_225 = arith.constant 0 : i32
      %dma_wait3A_226 = tpu.memref_slice %arg9[%dma_wait3A_224, %dma_wait3A_225] : memref<8x128xi32, #tpu.memory_space<vmem>> -> memref<1x128xi32, #tpu.memory_space<vmem>>
      %dma_wait3A_227 = tpu.memref_squeeze %dma_wait3A_226 : memref<1x128xi32, #tpu.memory_space<vmem>> -> memref<128xi32, #tpu.memory_space<vmem>>
      %dma_wait3A_228 = arith.constant 0 : i32
      %dma_wait3A_229 = arith.constant 0 : i32
      %dma_wait3A_230 = tpu.memref_slice %arg2[%dma_wait3A_228, %dma_wait3A_229] : memref<10000x128xf32, #tpu.memory_space<hbm>> -> memref<10000x128xf32, #tpu.memory_space<hbm>>
      tpu.wait_indirect_dma semaphore(%arg15 : memref<!tpu.dma_semaphore, #tpu.memory_space<semaphore_mem>>) src(%dma_wait3A_230 : memref<10000x128xf32, #tpu.memory_space<hbm>>) dst(%arg12 : memref<128x128xf32, #tpu.memory_space<vmem>>)
      %dma_start3A_231 = arith.constant 2 : i32
      %dma_start3A_232 = arith.constant 0 : i32
      %dma_start3A_233 = tpu.memref_slice %arg9[%dma_start3A_231, %dma_start3A_232] : memref<8x128xi32, #tpu.memory_space<vmem>> -> memref<1x128xi32, #tpu.memory_space<vmem>>
      %dma_start3A_234 = tpu.memref_squeeze %dma_start3A_233 : memref<1x128xi32, #tpu.memory_space<vmem>> -> memref<128xi32, #tpu.memory_space<vmem>>
      %dma_start3A_235 = arith.constant 0 : i32
      %dma_start3A_236 = arith.constant 0 : i32
      %dma_start3A_237 = tpu.memref_slice %arg2[%dma_start3A_235, %dma_start3A_236] : memref<10000x128xf32, #tpu.memory_space<hbm>> -> memref<10000x128xf32, #tpu.memory_space<hbm>>
      tpu.enqueue_indirect_dma source(%dma_start3A_237 : memref<10000x128xf32, #tpu.memory_space<hbm>>) target(%arg11 : memref<128x128xf32, #tpu.memory_space<vmem>>) offsets(%dma_start3A_234 : memref<128xi32, #tpu.memory_space<vmem>>) semaphore(%arg14 : memref<!tpu.dma_semaphore, #tpu.memory_space<semaphore_mem>>)
      %run_scoped3A_238 = arith.constant 1 : i32
      "tpu.region"() ({
        %run_scoped3A_322 = tpu.sem_alloc : memref<!tpu.dma_semaphore, #tpu.memory_space<semaphore_mem>>
        %dma_start3A_323 = arith.constant 0 : i32
        %dma_start3A_324 = tpu.memref_slice %arg10[%run_scoped3A_238, %dma_start3A_323] : memref<8x128xi32, #tpu.memory_space<vmem>> -> memref<1x128xi32, #tpu.memory_space<vmem>>
        %dma_start3A_325 = tpu.memref_squeeze %dma_start3A_324 : memref<1x128xi32, #tpu.memory_space<vmem>> -> memref<128xi32, #tpu.memory_space<vmem>>
        %dma_start3A_326 = arith.constant 0 : i32
        %dma_start3A_327 = arith.constant 0 : i32
        %dma_start3A_328 = tpu.memref_slice %arg13[%dma_start3A_326, %dma_start3A_327] : memref<10240x128xf32, #tpu.memory_space<vmem_shared>> -> memref<10240x128xf32, #tpu.memory_space<vmem_shared>>
        tpu.enqueue_indirect_dma source(%arg12 : memref<128x128xf32, #tpu.memory_space<vmem>>) target(%dma_start3A_328 : memref<10240x128xf32, #tpu.memory_space<vmem_shared>>) offsets(%dma_start3A_325 : memref<128xi32, #tpu.memory_space<vmem>>) semaphore(%run_scoped3A_322 : memref<!tpu.dma_semaphore, #tpu.memory_space<semaphore_mem>>) {add = true}
        %dma_wait3A_329 = arith.constant 0 : i32
        %dma_wait3A_330 = tpu.memref_slice %arg10[%run_scoped3A_238, %dma_wait3A_329] : memref<8x128xi32, #tpu.memory_space<vmem>> -> memref<1x128xi32, #tpu.memory_space<vmem>>
        %dma_wait3A_331 = tpu.memref_squeeze %dma_wait3A_330 : memref<1x128xi32, #tpu.memory_space<vmem>> -> memref<128xi32, #tpu.memory_space<vmem>>
        %dma_wait3A_332 = arith.constant 0 : i32
        %dma_wait3A_333 = arith.constant 0 : i32
        %dma_wait3A_334 = tpu.memref_slice %arg13[%dma_wait3A_332, %dma_wait3A_333] : memref<10240x128xf32, #tpu.memory_space<vmem_shared>> -> memref<10240x128xf32, #tpu.memory_space<vmem_shared>>
        tpu.wait_indirect_dma semaphore(%run_scoped3A_322 : memref<!tpu.dma_semaphore, #tpu.memory_space<semaphore_mem>>) src(%arg12 : memref<128x128xf32, #tpu.memory_space<vmem>>) dst(%dma_wait3A_334 : memref<10240x128xf32, #tpu.memory_space<vmem_shared>>)
        tpu.yield
      }) : () -> ()
      %dma_wait3A_239 = arith.constant 2 : i32
      %dma_wait3A_240 = arith.constant 0 : i32
      %dma_wait3A_241 = tpu.memref_slice %arg9[%dma_wait3A_239, %dma_wait3A_240] : memref<8x128xi32, #tpu.memory_space<vmem>> -> memref<1x128xi32, #tpu.memory_space<vmem>>
      %dma_wait3A_242 = tpu.memref_squeeze %dma_wait3A_241 : memref<1x128xi32, #tpu.memory_space<vmem>> -> memref<128xi32, #tpu.memory_space<vmem>>
      %dma_wait3A_243 = arith.constant 0 : i32
      %dma_wait3A_244 = arith.constant 0 : i32
      %dma_wait3A_245 = tpu.memref_slice %arg2[%dma_wait3A_243, %dma_wait3A_244] : memref<10000x128xf32, #tpu.memory_space<hbm>> -> memref<10000x128xf32, #tpu.memory_space<hbm>>
      tpu.wait_indirect_dma semaphore(%arg14 : memref<!tpu.dma_semaphore, #tpu.memory_space<semaphore_mem>>) src(%dma_wait3A_245 : memref<10000x128xf32, #tpu.memory_space<hbm>>) dst(%arg11 : memref<128x128xf32, #tpu.memory_space<vmem>>)
      %dma_start3A_246 = arith.constant 3 : i32
      %dma_start3A_247 = arith.constant 0 : i32
      %dma_start3A_248 = tpu.memref_slice %arg9[%dma_start3A_246, %dma_start3A_247] : memref<8x128xi32, #tpu.memory_space<vmem>> -> memref<1x128xi32, #tpu.memory_space<vmem>>
      %dma_start3A_249 = tpu.memref_squeeze %dma_start3A_248 : memref<1x128xi32, #tpu.memory_space<vmem>> -> memref<128xi32, #tpu.memory_space<vmem>>
      %dma_start3A_250 = arith.constant 0 : i32
      %dma_start3A_251 = arith.constant 0 : i32
      %dma_start3A_252 = tpu.memref_slice %arg2[%dma_start3A_250, %dma_start3A_251] : memref<10000x128xf32, #tpu.memory_space<hbm>> -> memref<10000x128xf32, #tpu.memory_space<hbm>>
      tpu.enqueue_indirect_dma source(%dma_start3A_252 : memref<10000x128xf32, #tpu.memory_space<hbm>>) target(%arg12 : memref<128x128xf32, #tpu.memory_space<vmem>>) offsets(%dma_start3A_249 : memref<128xi32, #tpu.memory_space<vmem>>) semaphore(%arg15 : memref<!tpu.dma_semaphore, #tpu.memory_space<semaphore_mem>>)
      %run_scoped3A_253 = arith.constant 2 : i32
      "tpu.region"() ({
        %run_scoped3A_322 = tpu.sem_alloc : memref<!tpu.dma_semaphore, #tpu.memory_space<semaphore_mem>>
        %dma_start3A_323 = arith.constant 0 : i32
        %dma_start3A_324 = tpu.memref_slice %arg10[%run_scoped3A_253, %dma_start3A_323] : memref<8x128xi32, #tpu.memory_space<vmem>> -> memref<1x128xi32, #tpu.memory_space<vmem>>
        %dma_start3A_325 = tpu.memref_squeeze %dma_start3A_324 : memref<1x128xi32, #tpu.memory_space<vmem>> -> memref<128xi32, #tpu.memory_space<vmem>>
        %dma_start3A_326 = arith.constant 0 : i32
        %dma_start3A_327 = arith.constant 0 : i32
        %dma_start3A_328 = tpu.memref_slice %arg13[%dma_start3A_326, %dma_start3A_327] : memref<10240x128xf32, #tpu.memory_space<vmem_shared>> -> memref<10240x128xf32, #tpu.memory_space<vmem_shared>>
        tpu.enqueue_indirect_dma source(%arg11 : memref<128x128xf32, #tpu.memory_space<vmem>>) target(%dma_start3A_328 : memref<10240x128xf32, #tpu.memory_space<vmem_shared>>) offsets(%dma_start3A_325 : memref<128xi32, #tpu.memory_space<vmem>>) semaphore(%run_scoped3A_322 : memref<!tpu.dma_semaphore, #tpu.memory_space<semaphore_mem>>) {add = true}
        %dma_wait3A_329 = arith.constant 0 : i32
        %dma_wait3A_330 = tpu.memref_slice %arg10[%run_scoped3A_253, %dma_wait3A_329] : memref<8x128xi32, #tpu.memory_space<vmem>> -> memref<1x128xi32, #tpu.memory_space<vmem>>
        %dma_wait3A_331 = tpu.memref_squeeze %dma_wait3A_330 : memref<1x128xi32, #tpu.memory_space<vmem>> -> memref<128xi32, #tpu.memory_space<vmem>>
        %dma_wait3A_332 = arith.constant 0 : i32
        %dma_wait3A_333 = arith.constant 0 : i32
        %dma_wait3A_334 = tpu.memref_slice %arg13[%dma_wait3A_332, %dma_wait3A_333] : memref<10240x128xf32, #tpu.memory_space<vmem_shared>> -> memref<10240x128xf32, #tpu.memory_space<vmem_shared>>
        tpu.wait_indirect_dma semaphore(%run_scoped3A_322 : memref<!tpu.dma_semaphore, #tpu.memory_space<semaphore_mem>>) src(%arg11 : memref<128x128xf32, #tpu.memory_space<vmem>>) dst(%dma_wait3A_334 : memref<10240x128xf32, #tpu.memory_space<vmem_shared>>)
        tpu.yield
      }) : () -> ()
      %dma_wait3A_254 = arith.constant 3 : i32
      %dma_wait3A_255 = arith.constant 0 : i32
      %dma_wait3A_256 = tpu.memref_slice %arg9[%dma_wait3A_254, %dma_wait3A_255] : memref<8x128xi32, #tpu.memory_space<vmem>> -> memref<1x128xi32, #tpu.memory_space<vmem>>
      %dma_wait3A_257 = tpu.memref_squeeze %dma_wait3A_256 : memref<1x128xi32, #tpu.memory_space<vmem>> -> memref<128xi32, #tpu.memory_space<vmem>>
      %dma_wait3A_258 = arith.constant 0 : i32
      %dma_wait3A_259 = arith.constant 0 : i32
      %dma_wait3A_260 = tpu.memref_slice %arg2[%dma_wait3A_258, %dma_wait3A_259] : memref<10000x128xf32, #tpu.memory_space<hbm>> -> memref<10000x128xf32, #tpu.memory_space<hbm>>
      tpu.wait_indirect_dma semaphore(%arg15 : memref<!tpu.dma_semaphore, #tpu.memory_space<semaphore_mem>>) src(%dma_wait3A_260 : memref<10000x128xf32, #tpu.memory_space<hbm>>) dst(%arg12 : memref<128x128xf32, #tpu.memory_space<vmem>>)
      %dma_start3A_261 = arith.constant 4 : i32
      %dma_start3A_262 = arith.constant 0 : i32
      %dma_start3A_263 = tpu.memref_slice %arg9[%dma_start3A_261, %dma_start3A_262] : memref<8x128xi32, #tpu.memory_space<vmem>> -> memref<1x128xi32, #tpu.memory_space<vmem>>
      %dma_start3A_264 = tpu.memref_squeeze %dma_start3A_263 : memref<1x128xi32, #tpu.memory_space<vmem>> -> memref<128xi32, #tpu.memory_space<vmem>>
      %dma_start3A_265 = arith.constant 0 : i32
      %dma_start3A_266 = arith.constant 0 : i32
      %dma_start3A_267 = tpu.memref_slice %arg2[%dma_start3A_265, %dma_start3A_266] : memref<10000x128xf32, #tpu.memory_space<hbm>> -> memref<10000x128xf32, #tpu.memory_space<hbm>>
      tpu.enqueue_indirect_dma source(%dma_start3A_267 : memref<10000x128xf32, #tpu.memory_space<hbm>>) target(%arg11 : memref<128x128xf32, #tpu.memory_space<vmem>>) offsets(%dma_start3A_264 : memref<128xi32, #tpu.memory_space<vmem>>) semaphore(%arg14 : memref<!tpu.dma_semaphore, #tpu.memory_space<semaphore_mem>>)
      %run_scoped3A_268 = arith.constant 3 : i32
      "tpu.region"() ({
        %run_scoped3A_322 = tpu.sem_alloc : memref<!tpu.dma_semaphore, #tpu.memory_space<semaphore_mem>>
        %dma_start3A_323 = arith.constant 0 : i32
        %dma_start3A_324 = tpu.memref_slice %arg10[%run_scoped3A_268, %dma_start3A_323] : memref<8x128xi32, #tpu.memory_space<vmem>> -> memref<1x128xi32, #tpu.memory_space<vmem>>
        %dma_start3A_325 = tpu.memref_squeeze %dma_start3A_324 : memref<1x128xi32, #tpu.memory_space<vmem>> -> memref<128xi32, #tpu.memory_space<vmem>>
        %dma_start3A_326 = arith.constant 0 : i32
        %dma_start3A_327 = arith.constant 0 : i32
        %dma_start3A_328 = tpu.memref_slice %arg13[%dma_start3A_326, %dma_start3A_327] : memref<10240x128xf32, #tpu.memory_space<vmem_shared>> -> memref<10240x128xf32, #tpu.memory_space<vmem_shared>>
        tpu.enqueue_indirect_dma source(%arg12 : memref<128x128xf32, #tpu.memory_space<vmem>>) target(%dma_start3A_328 : memref<10240x128xf32, #tpu.memory_space<vmem_shared>>) offsets(%dma_start3A_325 : memref<128xi32, #tpu.memory_space<vmem>>) semaphore(%run_scoped3A_322 : memref<!tpu.dma_semaphore, #tpu.memory_space<semaphore_mem>>) {add = true}
        %dma_wait3A_329 = arith.constant 0 : i32
        %dma_wait3A_330 = tpu.memref_slice %arg10[%run_scoped3A_268, %dma_wait3A_329] : memref<8x128xi32, #tpu.memory_space<vmem>> -> memref<1x128xi32, #tpu.memory_space<vmem>>
        %dma_wait3A_331 = tpu.memref_squeeze %dma_wait3A_330 : memref<1x128xi32, #tpu.memory_space<vmem>> -> memref<128xi32, #tpu.memory_space<vmem>>
        %dma_wait3A_332 = arith.constant 0 : i32
        %dma_wait3A_333 = arith.constant 0 : i32
        %dma_wait3A_334 = tpu.memref_slice %arg13[%dma_wait3A_332, %dma_wait3A_333] : memref<10240x128xf32, #tpu.memory_space<vmem_shared>> -> memref<10240x128xf32, #tpu.memory_space<vmem_shared>>
        tpu.wait_indirect_dma semaphore(%run_scoped3A_322 : memref<!tpu.dma_semaphore, #tpu.memory_space<semaphore_mem>>) src(%arg12 : memref<128x128xf32, #tpu.memory_space<vmem>>) dst(%dma_wait3A_334 : memref<10240x128xf32, #tpu.memory_space<vmem_shared>>)
        tpu.yield
      }) : () -> ()
      %dma_wait3A_269 = arith.constant 4 : i32
      %dma_wait3A_270 = arith.constant 0 : i32
      %dma_wait3A_271 = tpu.memref_slice %arg9[%dma_wait3A_269, %dma_wait3A_270] : memref<8x128xi32, #tpu.memory_space<vmem>> -> memref<1x128xi32, #tpu.memory_space<vmem>>
      %dma_wait3A_272 = tpu.memref_squeeze %dma_wait3A_271 : memref<1x128xi32, #tpu.memory_space<vmem>> -> memref<128xi32, #tpu.memory_space<vmem>>
      %dma_wait3A_273 = arith.constant 0 : i32
      %dma_wait3A_274 = arith.constant 0 : i32
      %dma_wait3A_275 = tpu.memref_slice %arg2[%dma_wait3A_273, %dma_wait3A_274] : memref<10000x128xf32, #tpu.memory_space<hbm>> -> memref<10000x128xf32, #tpu.memory_space<hbm>>
      tpu.wait_indirect_dma semaphore(%arg14 : memref<!tpu.dma_semaphore, #tpu.memory_space<semaphore_mem>>) src(%dma_wait3A_275 : memref<10000x128xf32, #tpu.memory_space<hbm>>) dst(%arg11 : memref<128x128xf32, #tpu.memory_space<vmem>>)
      %dma_start3A_276 = arith.constant 5 : i32
      %dma_start3A_277 = arith.constant 0 : i32
      %dma_start3A_278 = tpu.memref_slice %arg9[%dma_start3A_276, %dma_start3A_277] : memref<8x128xi32, #tpu.memory_space<vmem>> -> memref<1x128xi32, #tpu.memory_space<vmem>>
      %dma_start3A_279 = tpu.memref_squeeze %dma_start3A_278 : memref<1x128xi32, #tpu.memory_space<vmem>> -> memref<128xi32, #tpu.memory_space<vmem>>
      %dma_start3A_280 = arith.constant 0 : i32
      %dma_start3A_281 = arith.constant 0 : i32
      %dma_start3A_282 = tpu.memref_slice %arg2[%dma_start3A_280, %dma_start3A_281] : memref<10000x128xf32, #tpu.memory_space<hbm>> -> memref<10000x128xf32, #tpu.memory_space<hbm>>
      tpu.enqueue_indirect_dma source(%dma_start3A_282 : memref<10000x128xf32, #tpu.memory_space<hbm>>) target(%arg12 : memref<128x128xf32, #tpu.memory_space<vmem>>) offsets(%dma_start3A_279 : memref<128xi32, #tpu.memory_space<vmem>>) semaphore(%arg15 : memref<!tpu.dma_semaphore, #tpu.memory_space<semaphore_mem>>)
      %run_scoped3A_283 = arith.constant 4 : i32
      "tpu.region"() ({
        %run_scoped3A_322 = tpu.sem_alloc : memref<!tpu.dma_semaphore, #tpu.memory_space<semaphore_mem>>
        %dma_start3A_323 = arith.constant 0 : i32
        %dma_start3A_324 = tpu.memref_slice %arg10[%run_scoped3A_283, %dma_start3A_323] : memref<8x128xi32, #tpu.memory_space<vmem>> -> memref<1x128xi32, #tpu.memory_space<vmem>>
        %dma_start3A_325 = tpu.memref_squeeze %dma_start3A_324 : memref<1x128xi32, #tpu.memory_space<vmem>> -> memref<128xi32, #tpu.memory_space<vmem>>
        %dma_start3A_326 = arith.constant 0 : i32
        %dma_start3A_327 = arith.constant 0 : i32
        %dma_start3A_328 = tpu.memref_slice %arg13[%dma_start3A_326, %dma_start3A_327] : memref<10240x128xf32, #tpu.memory_space<vmem_shared>> -> memref<10240x128xf32, #tpu.memory_space<vmem_shared>>
        tpu.enqueue_indirect_dma source(%arg11 : memref<128x128xf32, #tpu.memory_space<vmem>>) target(%dma_start3A_328 : memref<10240x128xf32, #tpu.memory_space<vmem_shared>>) offsets(%dma_start3A_325 : memref<128xi32, #tpu.memory_space<vmem>>) semaphore(%run_scoped3A_322 : memref<!tpu.dma_semaphore, #tpu.memory_space<semaphore_mem>>) {add = true}
        %dma_wait3A_329 = arith.constant 0 : i32
        %dma_wait3A_330 = tpu.memref_slice %arg10[%run_scoped3A_283, %dma_wait3A_329] : memref<8x128xi32, #tpu.memory_space<vmem>> -> memref<1x128xi32, #tpu.memory_space<vmem>>
        %dma_wait3A_331 = tpu.memref_squeeze %dma_wait3A_330 : memref<1x128xi32, #tpu.memory_space<vmem>> -> memref<128xi32, #tpu.memory_space<vmem>>
        %dma_wait3A_332 = arith.constant 0 : i32
        %dma_wait3A_333 = arith.constant 0 : i32
        %dma_wait3A_334 = tpu.memref_slice %arg13[%dma_wait3A_332, %dma_wait3A_333] : memref<10240x128xf32, #tpu.memory_space<vmem_shared>> -> memref<10240x128xf32, #tpu.memory_space<vmem_shared>>
        tpu.wait_indirect_dma semaphore(%run_scoped3A_322 : memref<!tpu.dma_semaphore, #tpu.memory_space<semaphore_mem>>) src(%arg11 : memref<128x128xf32, #tpu.memory_space<vmem>>) dst(%dma_wait3A_334 : memref<10240x128xf32, #tpu.memory_space<vmem_shared>>)
        tpu.yield
      }) : () -> ()
      %dma_wait3A_284 = arith.constant 5 : i32
      %dma_wait3A_285 = arith.constant 0 : i32
      %dma_wait3A_286 = tpu.memref_slice %arg9[%dma_wait3A_284, %dma_wait3A_285] : memref<8x128xi32, #tpu.memory_space<vmem>> -> memref<1x128xi32, #tpu.memory_space<vmem>>
      %dma_wait3A_287 = tpu.memref_squeeze %dma_wait3A_286 : memref<1x128xi32, #tpu.memory_space<vmem>> -> memref<128xi32, #tpu.memory_space<vmem>>
      %dma_wait3A_288 = arith.constant 0 : i32
      %dma_wait3A_289 = arith.constant 0 : i32
      %dma_wait3A_290 = tpu.memref_slice %arg2[%dma_wait3A_288, %dma_wait3A_289] : memref<10000x128xf32, #tpu.memory_space<hbm>> -> memref<10000x128xf32, #tpu.memory_space<hbm>>
      tpu.wait_indirect_dma semaphore(%arg15 : memref<!tpu.dma_semaphore, #tpu.memory_space<semaphore_mem>>) src(%dma_wait3A_290 : memref<10000x128xf32, #tpu.memory_space<hbm>>) dst(%arg12 : memref<128x128xf32, #tpu.memory_space<vmem>>)
      %dma_start3A_291 = arith.constant 6 : i32
      %dma_start3A_292 = arith.constant 0 : i32
      %dma_start3A_293 = tpu.memref_slice %arg9[%dma_start3A_291, %dma_start3A_292] : memref<8x128xi32, #tpu.memory_space<vmem>> -> memref<1x128xi32, #tpu.memory_space<vmem>>
      %dma_start3A_294 = tpu.memref_squeeze %dma_start3A_293 : memref<1x128xi32, #tpu.memory_space<vmem>> -> memref<128xi32, #tpu.memory_space<vmem>>
      %dma_start3A_295 = arith.constant 0 : i32
      %dma_start3A_296 = arith.constant 0 : i32
      %dma_start3A_297 = tpu.memref_slice %arg2[%dma_start3A_295, %dma_start3A_296] : memref<10000x128xf32, #tpu.memory_space<hbm>> -> memref<10000x128xf32, #tpu.memory_space<hbm>>
      tpu.enqueue_indirect_dma source(%dma_start3A_297 : memref<10000x128xf32, #tpu.memory_space<hbm>>) target(%arg11 : memref<128x128xf32, #tpu.memory_space<vmem>>) offsets(%dma_start3A_294 : memref<128xi32, #tpu.memory_space<vmem>>) semaphore(%arg14 : memref<!tpu.dma_semaphore, #tpu.memory_space<semaphore_mem>>)
      %run_scoped3A_298 = arith.constant 5 : i32
      "tpu.region"() ({
        %run_scoped3A_322 = tpu.sem_alloc : memref<!tpu.dma_semaphore, #tpu.memory_space<semaphore_mem>>
        %dma_start3A_323 = arith.constant 0 : i32
        %dma_start3A_324 = tpu.memref_slice %arg10[%run_scoped3A_298, %dma_start3A_323] : memref<8x128xi32, #tpu.memory_space<vmem>> -> memref<1x128xi32, #tpu.memory_space<vmem>>
        %dma_start3A_325 = tpu.memref_squeeze %dma_start3A_324 : memref<1x128xi32, #tpu.memory_space<vmem>> -> memref<128xi32, #tpu.memory_space<vmem>>
        %dma_start3A_326 = arith.constant 0 : i32
        %dma_start3A_327 = arith.constant 0 : i32
        %dma_start3A_328 = tpu.memref_slice %arg13[%dma_start3A_326, %dma_start3A_327] : memref<10240x128xf32, #tpu.memory_space<vmem_shared>> -> memref<10240x128xf32, #tpu.memory_space<vmem_shared>>
        tpu.enqueue_indirect_dma source(%arg12 : memref<128x128xf32, #tpu.memory_space<vmem>>) target(%dma_start3A_328 : memref<10240x128xf32, #tpu.memory_space<vmem_shared>>) offsets(%dma_start3A_325 : memref<128xi32, #tpu.memory_space<vmem>>) semaphore(%run_scoped3A_322 : memref<!tpu.dma_semaphore, #tpu.memory_space<semaphore_mem>>) {add = true}
        %dma_wait3A_329 = arith.constant 0 : i32
        %dma_wait3A_330 = tpu.memref_slice %arg10[%run_scoped3A_298, %dma_wait3A_329] : memref<8x128xi32, #tpu.memory_space<vmem>> -> memref<1x128xi32, #tpu.memory_space<vmem>>
        %dma_wait3A_331 = tpu.memref_squeeze %dma_wait3A_330 : memref<1x128xi32, #tpu.memory_space<vmem>> -> memref<128xi32, #tpu.memory_space<vmem>>
        %dma_wait3A_332 = arith.constant 0 : i32
        %dma_wait3A_333 = arith.constant 0 : i32
        %dma_wait3A_334 = tpu.memref_slice %arg13[%dma_wait3A_332, %dma_wait3A_333] : memref<10240x128xf32, #tpu.memory_space<vmem_shared>> -> memref<10240x128xf32, #tpu.memory_space<vmem_shared>>
        tpu.wait_indirect_dma semaphore(%run_scoped3A_322 : memref<!tpu.dma_semaphore, #tpu.memory_space<semaphore_mem>>) src(%arg12 : memref<128x128xf32, #tpu.memory_space<vmem>>) dst(%dma_wait3A_334 : memref<10240x128xf32, #tpu.memory_space<vmem_shared>>)
        tpu.yield
      }) : () -> ()
      %dma_wait3A_299 = arith.constant 6 : i32
      %dma_wait3A_300 = arith.constant 0 : i32
      %dma_wait3A_301 = tpu.memref_slice %arg9[%dma_wait3A_299, %dma_wait3A_300] : memref<8x128xi32, #tpu.memory_space<vmem>> -> memref<1x128xi32, #tpu.memory_space<vmem>>
      %dma_wait3A_302 = tpu.memref_squeeze %dma_wait3A_301 : memref<1x128xi32, #tpu.memory_space<vmem>> -> memref<128xi32, #tpu.memory_space<vmem>>
      %dma_wait3A_303 = arith.constant 0 : i32
      %dma_wait3A_304 = arith.constant 0 : i32
      %dma_wait3A_305 = tpu.memref_slice %arg2[%dma_wait3A_303, %dma_wait3A_304] : memref<10000x128xf32, #tpu.memory_space<hbm>> -> memref<10000x128xf32, #tpu.memory_space<hbm>>
      tpu.wait_indirect_dma semaphore(%arg14 : memref<!tpu.dma_semaphore, #tpu.memory_space<semaphore_mem>>) src(%dma_wait3A_305 : memref<10000x128xf32, #tpu.memory_space<hbm>>) dst(%arg11 : memref<128x128xf32, #tpu.memory_space<vmem>>)
      %dma_start3A_306 = arith.constant 7 : i32
      %dma_start3A_307 = arith.constant 0 : i32
      %dma_start3A_308 = tpu.memref_slice %arg9[%dma_start3A_306, %dma_start3A_307] : memref<8x128xi32, #tpu.memory_space<vmem>> -> memref<1x128xi32, #tpu.memory_space<vmem>>
      %dma_start3A_309 = tpu.memref_squeeze %dma_start3A_308 : memref<1x128xi32, #tpu.memory_space<vmem>> -> memref<128xi32, #tpu.memory_space<vmem>>
      %dma_start3A_310 = arith.constant 0 : i32
      %dma_start3A_311 = arith.constant 0 : i32
      %dma_start3A_312 = tpu.memref_slice %arg2[%dma_start3A_310, %dma_start3A_311] : memref<10000x128xf32, #tpu.memory_space<hbm>> -> memref<10000x128xf32, #tpu.memory_space<hbm>>
      tpu.enqueue_indirect_dma source(%dma_start3A_312 : memref<10000x128xf32, #tpu.memory_space<hbm>>) target(%arg12 : memref<128x128xf32, #tpu.memory_space<vmem>>) offsets(%dma_start3A_309 : memref<128xi32, #tpu.memory_space<vmem>>) semaphore(%arg15 : memref<!tpu.dma_semaphore, #tpu.memory_space<semaphore_mem>>)
      %run_scoped3A_313 = arith.constant 6 : i32
      "tpu.region"() ({
        %run_scoped3A_322 = tpu.sem_alloc : memref<!tpu.dma_semaphore, #tpu.memory_space<semaphore_mem>>
        %dma_start3A_323 = arith.constant 0 : i32
        %dma_start3A_324 = tpu.memref_slice %arg10[%run_scoped3A_313, %dma_start3A_323] : memref<8x128xi32, #tpu.memory_space<vmem>> -> memref<1x128xi32, #tpu.memory_space<vmem>>
        %dma_start3A_325 = tpu.memref_squeeze %dma_start3A_324 : memref<1x128xi32, #tpu.memory_space<vmem>> -> memref<128xi32, #tpu.memory_space<vmem>>
        %dma_start3A_326 = arith.constant 0 : i32
        %dma_start3A_327 = arith.constant 0 : i32
        %dma_start3A_328 = tpu.memref_slice %arg13[%dma_start3A_326, %dma_start3A_327] : memref<10240x128xf32, #tpu.memory_space<vmem_shared>> -> memref<10240x128xf32, #tpu.memory_space<vmem_shared>>
        tpu.enqueue_indirect_dma source(%arg11 : memref<128x128xf32, #tpu.memory_space<vmem>>) target(%dma_start3A_328 : memref<10240x128xf32, #tpu.memory_space<vmem_shared>>) offsets(%dma_start3A_325 : memref<128xi32, #tpu.memory_space<vmem>>) semaphore(%run_scoped3A_322 : memref<!tpu.dma_semaphore, #tpu.memory_space<semaphore_mem>>) {add = true}
        %dma_wait3A_329 = arith.constant 0 : i32
        %dma_wait3A_330 = tpu.memref_slice %arg10[%run_scoped3A_313, %dma_wait3A_329] : memref<8x128xi32, #tpu.memory_space<vmem>> -> memref<1x128xi32, #tpu.memory_space<vmem>>
        %dma_wait3A_331 = tpu.memref_squeeze %dma_wait3A_330 : memref<1x128xi32, #tpu.memory_space<vmem>> -> memref<128xi32, #tpu.memory_space<vmem>>
        %dma_wait3A_332 = arith.constant 0 : i32
        %dma_wait3A_333 = arith.constant 0 : i32
        %dma_wait3A_334 = tpu.memref_slice %arg13[%dma_wait3A_332, %dma_wait3A_333] : memref<10240x128xf32, #tpu.memory_space<vmem_shared>> -> memref<10240x128xf32, #tpu.memory_space<vmem_shared>>
        tpu.wait_indirect_dma semaphore(%run_scoped3A_322 : memref<!tpu.dma_semaphore, #tpu.memory_space<semaphore_mem>>) src(%arg11 : memref<128x128xf32, #tpu.memory_space<vmem>>) dst(%dma_wait3A_334 : memref<10240x128xf32, #tpu.memory_space<vmem_shared>>)
        tpu.yield
      }) : () -> ()
      %dma_wait3A_314 = arith.constant 7 : i32
      %dma_wait3A_315 = arith.constant 0 : i32
      %dma_wait3A_316 = tpu.memref_slice %arg9[%dma_wait3A_314, %dma_wait3A_315] : memref<8x128xi32, #tpu.memory_space<vmem>> -> memref<1x128xi32, #tpu.memory_space<vmem>>
      %dma_wait3A_317 = tpu.memref_squeeze %dma_wait3A_316 : memref<1x128xi32, #tpu.memory_space<vmem>> -> memref<128xi32, #tpu.memory_space<vmem>>
      %dma_wait3A_318 = arith.constant 0 : i32
      %dma_wait3A_319 = arith.constant 0 : i32
      %dma_wait3A_320 = tpu.memref_slice %arg2[%dma_wait3A_318, %dma_wait3A_319] : memref<10000x128xf32, #tpu.memory_space<hbm>> -> memref<10000x128xf32, #tpu.memory_space<hbm>>
      tpu.wait_indirect_dma semaphore(%arg15 : memref<!tpu.dma_semaphore, #tpu.memory_space<semaphore_mem>>) src(%dma_wait3A_320 : memref<10000x128xf32, #tpu.memory_space<hbm>>) dst(%arg12 : memref<128x128xf32, #tpu.memory_space<vmem>>)
      %run_scoped3A_321 = arith.constant 7 : i32
      "tpu.region"() ({
        %run_scoped3A_322 = tpu.sem_alloc : memref<!tpu.dma_semaphore, #tpu.memory_space<semaphore_mem>>
        %dma_start3A_323 = arith.constant 0 : i32
        %dma_start3A_324 = tpu.memref_slice %arg10[%run_scoped3A_321, %dma_start3A_323] : memref<8x128xi32, #tpu.memory_space<vmem>> -> memref<1x128xi32, #tpu.memory_space<vmem>>
        %dma_start3A_325 = tpu.memref_squeeze %dma_start3A_324 : memref<1x128xi32, #tpu.memory_space<vmem>> -> memref<128xi32, #tpu.memory_space<vmem>>
        %dma_start3A_326 = arith.constant 0 : i32
        %dma_start3A_327 = arith.constant 0 : i32
        %dma_start3A_328 = tpu.memref_slice %arg13[%dma_start3A_326, %dma_start3A_327] : memref<10240x128xf32, #tpu.memory_space<vmem_shared>> -> memref<10240x128xf32, #tpu.memory_space<vmem_shared>>
        tpu.enqueue_indirect_dma source(%arg12 : memref<128x128xf32, #tpu.memory_space<vmem>>) target(%dma_start3A_328 : memref<10240x128xf32, #tpu.memory_space<vmem_shared>>) offsets(%dma_start3A_325 : memref<128xi32, #tpu.memory_space<vmem>>) semaphore(%run_scoped3A_322 : memref<!tpu.dma_semaphore, #tpu.memory_space<semaphore_mem>>) {add = true}
        %dma_wait3A_329 = arith.constant 0 : i32
        %dma_wait3A_330 = tpu.memref_slice %arg10[%run_scoped3A_321, %dma_wait3A_329] : memref<8x128xi32, #tpu.memory_space<vmem>> -> memref<1x128xi32, #tpu.memory_space<vmem>>
        %dma_wait3A_331 = tpu.memref_squeeze %dma_wait3A_330 : memref<1x128xi32, #tpu.memory_space<vmem>> -> memref<128xi32, #tpu.memory_space<vmem>>
        %dma_wait3A_332 = arith.constant 0 : i32
        %dma_wait3A_333 = arith.constant 0 : i32
        %dma_wait3A_334 = tpu.memref_slice %arg13[%dma_wait3A_332, %dma_wait3A_333] : memref<10240x128xf32, #tpu.memory_space<vmem_shared>> -> memref<10240x128xf32, #tpu.memory_space<vmem_shared>>
        tpu.wait_indirect_dma semaphore(%run_scoped3A_322 : memref<!tpu.dma_semaphore, #tpu.memory_space<semaphore_mem>>) src(%arg12 : memref<128x128xf32, #tpu.memory_space<vmem>>) dst(%dma_wait3A_334 : memref<10240x128xf32, #tpu.memory_space<vmem_shared>>)
        tpu.yield
      }) : () -> ()
    }
    %scan3A_23 = arith.constant 5 : i32
    %barrier3A_24 = arith.constant 0 : index
    tpu.barrier barrier_id(%barrier3A_24)
    "tpu.region"() ({
      %run_scoped3A = tpu.sem_alloc : memref<!tpu.dma_semaphore, #tpu.memory_space<semaphore_mem>>
      %dma_start3A_25 = arith.constant 0 : i32
      %dma_start3A_26 = tpu.memref_slice %arg6[%arg0, %mul3A_2, %dma_start3A_25] : memref<2x10240x128xf32, #tpu.memory_space<hbm>> -> memref<1x640x128xf32, #tpu.memory_space<hbm>>
      %dma_start3A_27 = tpu.memref_squeeze %dma_start3A_26 : memref<1x640x128xf32, #tpu.memory_space<hbm>> -> memref<640x128xf32, #tpu.memory_space<hbm>>
      %dma_start3A_28 = arith.constant 0 : i32
      %dma_start3A_29 = tpu.memref_slice %arg13[%mul3A_2, %dma_start3A_28] : memref<10240x128xf32, #tpu.memory_space<vmem_shared>> -> memref<640x128xf32, #tpu.memory_space<vmem_shared>>
      tpu.enqueue_dma source(%dma_start3A_29 : memref<640x128xf32, #tpu.memory_space<vmem_shared>>) target(%dma_start3A_27 : memref<640x128xf32, #tpu.memory_space<hbm>>) target_semaphore(%run_scoped3A : memref<!tpu.dma_semaphore, #tpu.memory_space<semaphore_mem>>)
      %dma_wait3A = arith.constant 0 : i32
      %dma_wait3A_30 = tpu.memref_slice %arg6[%arg0, %mul3A_2, %dma_wait3A] : memref<2x10240x128xf32, #tpu.memory_space<hbm>> -> memref<1x640x128xf32, #tpu.memory_space<hbm>>
      %dma_wait3A_31 = tpu.memref_squeeze %dma_wait3A_30 : memref<1x640x128xf32, #tpu.memory_space<hbm>> -> memref<640x128xf32, #tpu.memory_space<hbm>>
      %dma_wait3A_32 = arith.constant 0 : i32
      %dma_wait3A_33 = tpu.memref_slice %arg13[%mul3A_2, %dma_wait3A_32] : memref<10240x128xf32, #tpu.memory_space<vmem_shared>> -> memref<640x128xf32, #tpu.memory_space<vmem_shared>>
      tpu.wait_dma2 semaphore(%run_scoped3A : memref<!tpu.dma_semaphore, #tpu.memory_space<semaphore_mem>>) src(%dma_wait3A_33 : memref<640x128xf32, #tpu.memory_space<vmem_shared>>) dst(%dma_wait3A_31 : memref<640x128xf32, #tpu.memory_space<hbm>>)
      tpu.yield
    }) : () -> ()
    return
  }
}

module attributes {stable_mosaic.version = 14 : i64} {
  func.func @_dense_body(%arg0: i32, %arg1: memref<400x128xf32, #tpu.memory_space<vmem>>, %arg2: memref<1x400x128xf32, #tpu.memory_space<vmem>>, %arg3: memref<1x400x128xf32, #tpu.memory_space<vmem>>, %arg4: memref<1x400x128xf32, #tpu.memory_space<vmem>>, %arg5: memref<1x400x128xf32, #tpu.memory_space<vmem>>, %arg6: memref<128x128xf32, #tpu.memory_space<vmem>>, %arg7: memref<16x128xf32, #tpu.memory_space<vmem>>, %arg8: memref<1x128xf32, #tpu.memory_space<vmem>>, %arg9: memref<128x128xf32, #tpu.memory_space<vmem>>, %arg10: memref<128x128xf32, #tpu.memory_space<vmem>>, %arg11: memref<1x128xf32, #tpu.memory_space<vmem>>, %arg12: memref<400x128xf32, #tpu.memory_space<vmem>>) attributes {dimension_semantics = [#tpu.dimension_semantics<arbitrary>], iteration_bounds = array<i64: 25>, scalar_prefetch = 0 : i64, scratch_operands = 0 : i64, tpu.core_type = #tpu.core_type<tc>, window_params = [{transform_indices = @transform_0, window_bounds = array<i64: 400, 128>}, {transform_indices = @transform_1, window_bounds = array<i64: 1, 400, 128>}, {transform_indices = @transform_2, window_bounds = array<i64: 1, 400, 128>}, {transform_indices = @transform_3, window_bounds = array<i64: 1, 400, 128>}, {transform_indices = @transform_4, window_bounds = array<i64: 1, 400, 128>}, {pipeline_mode = #tpu.pipeline_mode<synchronous>, transform_indices = @transform_5, window_bounds = array<i64: 128, 128>}, {pipeline_mode = #tpu.pipeline_mode<synchronous>, transform_indices = @transform_6, window_bounds = array<i64: 16, 128>}, {pipeline_mode = #tpu.pipeline_mode<synchronous>, transform_indices = @transform_7, window_bounds = array<i64: 1, 128>}, {pipeline_mode = #tpu.pipeline_mode<synchronous>, transform_indices = @transform_8, window_bounds = array<i64: 128, 128>}, {pipeline_mode = #tpu.pipeline_mode<synchronous>, transform_indices = @transform_9, window_bounds = array<i64: 128, 128>}, {pipeline_mode = #tpu.pipeline_mode<synchronous>, transform_indices = @transform_10, window_bounds = array<i64: 1, 128>}, {transform_indices = @transform_11, window_bounds = array<i64: 400, 128>}]} {
    %get3A = arith.constant 0 : index
    %get3A_0 = arith.constant 0 : index
    %get3A_1 = arith.constant 0 : index
    %get3A_2 = vector.load %arg2[%get3A, %get3A_0, %get3A_1] : memref<1x400x128xf32, #tpu.memory_space<vmem>>, vector<1x400x128xf32>
    %get3A_3 = vector.shape_cast %get3A_2 : vector<1x400x128xf32> to vector<400x128xf32>
    %get3A_4 = arith.constant 0 : index
    %get3A_5 = arith.constant 0 : index
    %get3A_6 = arith.constant 0 : index
    %get3A_7 = vector.load %arg3[%get3A_4, %get3A_5, %get3A_6] : memref<1x400x128xf32, #tpu.memory_space<vmem>>, vector<1x400x128xf32>
    %get3A_8 = vector.shape_cast %get3A_7 : vector<1x400x128xf32> to vector<400x128xf32>
    %add3A = arith.addf %get3A_3, %get3A_8 : vector<400x128xf32>
    %get3A_9 = arith.constant 0 : index
    %get3A_10 = arith.constant 0 : index
    %get3A_11 = arith.constant 0 : index
    %get3A_12 = vector.load %arg4[%get3A_9, %get3A_10, %get3A_11] : memref<1x400x128xf32, #tpu.memory_space<vmem>>, vector<1x400x16xf32>
    %get3A_13 = vector.shape_cast %get3A_12 : vector<1x400x16xf32> to vector<400x16xf32>
    %get3A_14 = arith.constant 0 : index
    %get3A_15 = arith.constant 0 : index
    %get3A_16 = arith.constant 0 : index
    %get3A_17 = vector.load %arg5[%get3A_14, %get3A_15, %get3A_16] : memref<1x400x128xf32, #tpu.memory_space<vmem>>, vector<1x400x16xf32>
    %get3A_18 = vector.shape_cast %get3A_17 : vector<1x400x16xf32> to vector<400x16xf32>
    %add3A_19 = arith.addf %get3A_13, %get3A_18 : vector<400x16xf32>
    %get3A_20 = arith.constant 0 : index
    %get3A_21 = arith.constant 0 : index
    %get3A_22 = arith.constant 16 : index
    %get3A_23 = vector.load %arg4[%get3A_20, %get3A_21, %get3A_22] : memref<1x400x128xf32, #tpu.memory_space<vmem>>, vector<1x400x1xf32>
    %get3A_24 = vector.shape_cast %get3A_23 : vector<1x400x1xf32> to vector<400x1xf32>
    %get3A_25 = arith.constant 0 : index
    %get3A_26 = arith.constant 0 : index
    %get3A_27 = arith.constant 16 : index
    %get3A_28 = vector.load %arg5[%get3A_25, %get3A_26, %get3A_27] : memref<1x400x128xf32, #tpu.memory_space<vmem>>, vector<1x400x1xf32>
    %get3A_29 = vector.shape_cast %get3A_28 : vector<1x400x1xf32> to vector<400x1xf32>
    %add3A_30 = arith.addf %get3A_24, %get3A_29 : vector<400x1xf32>
    %get3A_31 = arith.constant 0 : index
    %get3A_32 = arith.constant 0 : index
    %get3A_33 = vector.load %arg6[%get3A_31, %get3A_32] : memref<128x128xf32, #tpu.memory_space<vmem>>, vector<128x128xf32>
    %dot_general3A = arith.constant dense<0.000000e+00> : vector<400x128xf32>
    %dot_general3A_34 = tpu.matmul %add3A, %get3A_33, %dot_general3A {dimension_numbers = #tpu.dot_dimension_numbers<[1], [0], [0], [1], [0, 0, 1, 1], [], []>, transpose_lhs_hint = false} : vector<400x128xf32>, vector<128x128xf32>, vector<400x128xf32> -> vector<400x128xf32>
    %get3A_35 = arith.constant 0 : index
    %get3A_36 = arith.constant 0 : index
    %get3A_37 = vector.load %arg7[%get3A_35, %get3A_36] : memref<16x128xf32, #tpu.memory_space<vmem>>, vector<16x128xf32>
    %dot_general3A_38 = arith.constant dense<0.000000e+00> : vector<400x128xf32>
    %dot_general3A_39 = tpu.matmul %add3A_19, %get3A_37, %dot_general3A_38 {dimension_numbers = #tpu.dot_dimension_numbers<[1], [0], [0], [1], [0, 0, 1, 1], [], []>, transpose_lhs_hint = false} : vector<400x16xf32>, vector<16x128xf32>, vector<400x128xf32> -> vector<400x128xf32>
    %add3A_40 = arith.addf %dot_general3A_34, %dot_general3A_39 : vector<400x128xf32>
    %max3A = arith.constant 1.000000e+00 : f32
    %max3A_41 = vector.broadcast %max3A : f32 to vector<400x1xf32>
    %max3A_42 = arith.maximumf %add3A_30, %max3A_41 : vector<400x1xf32>
    %div3A = arith.constant 1.000000e+00 : f32
    %div3A_43 = vector.broadcast %div3A : f32 to vector<400x1xf32>
    %div3A_44 = arith.divf %div3A_43, %max3A_42 : vector<400x1xf32>
    %mul3A = vector.broadcast %div3A_44 : vector<400x1xf32> to vector<400x128xf32>
    %mul3A_45 = arith.mulf %add3A_40, %mul3A : vector<400x128xf32>
    %get3A_46 = arith.constant 0 : index
    %get3A_47 = arith.constant 0 : index
    %get3A_48 = vector.load %arg8[%get3A_46, %get3A_47] : memref<1x128xf32, #tpu.memory_space<vmem>>, vector<1x128xf32>
    %gt3A = arith.constant 0.000000e+00 : f32
    %gt3A_49 = vector.broadcast %gt3A : f32 to vector<400x1xf32>
    %gt3A_50 = arith.cmpf ogt, %add3A_30, %gt3A_49 : vector<400x1xf32>
    %convert_element_type3A = arith.extui %gt3A_50 : vector<400x1xi1> to vector<400x1xi32>
    %convert_element_type3A_51 = arith.sitofp %convert_element_type3A : vector<400x1xi32> to vector<400x1xf32>
    %mul3A_52 = vector.broadcast %get3A_48 : vector<1x128xf32> to vector<400x128xf32>
    %mul3A_53 = vector.broadcast %convert_element_type3A_51 : vector<400x1xf32> to vector<400x128xf32>
    %mul3A_54 = arith.mulf %mul3A_52, %mul3A_53 : vector<400x128xf32>
    %add3A_55 = arith.addf %mul3A_45, %mul3A_54 : vector<400x128xf32>
    %get3A_56 = arith.constant 0 : index
    %get3A_57 = arith.constant 0 : index
    %get3A_58 = vector.load %arg1[%get3A_56, %get3A_57] : memref<400x128xf32, #tpu.memory_space<vmem>>, vector<400x128xf32>
    %get3A_59 = arith.constant 0 : index
    %get3A_60 = arith.constant 0 : index
    %get3A_61 = vector.load %arg9[%get3A_59, %get3A_60] : memref<128x128xf32, #tpu.memory_space<vmem>>, vector<128x128xf32>
    %dot_general3A_62 = arith.constant dense<0.000000e+00> : vector<400x128xf32>
    %dot_general3A_63 = tpu.matmul %get3A_58, %get3A_61, %dot_general3A_62 {dimension_numbers = #tpu.dot_dimension_numbers<[1], [0], [0], [1], [0, 0, 1, 1], [], []>, transpose_lhs_hint = false} : vector<400x128xf32>, vector<128x128xf32>, vector<400x128xf32> -> vector<400x128xf32>
    %get3A_64 = arith.constant 0 : index
    %get3A_65 = arith.constant 0 : index
    %get3A_66 = vector.load %arg10[%get3A_64, %get3A_65] : memref<128x128xf32, #tpu.memory_space<vmem>>, vector<128x128xf32>
    %dot_general3A_67 = arith.constant dense<0.000000e+00> : vector<400x128xf32>
    %dot_general3A_68 = tpu.matmul %add3A_55, %get3A_66, %dot_general3A_67 {dimension_numbers = #tpu.dot_dimension_numbers<[1], [0], [0], [1], [0, 0, 1, 1], [], []>, transpose_lhs_hint = false} : vector<400x128xf32>, vector<128x128xf32>, vector<400x128xf32> -> vector<400x128xf32>
    %add3A_69 = arith.addf %dot_general3A_63, %dot_general3A_68 : vector<400x128xf32>
    %get3A_70 = arith.constant 0 : index
    %get3A_71 = arith.constant 0 : index
    %get3A_72 = vector.load %arg11[%get3A_70, %get3A_71] : memref<1x128xf32, #tpu.memory_space<vmem>>, vector<1x128xf32>
    %add3A_73 = vector.broadcast %get3A_72 : vector<1x128xf32> to vector<400x128xf32>
    %add3A_74 = arith.addf %add3A_69, %add3A_73 : vector<400x128xf32>
    %max3A_75 = arith.constant 0.000000e+00 : f32
    %max3A_76 = vector.broadcast %max3A_75 : f32 to vector<400x128xf32>
    %max3A_77 = arith.maximumf %add3A_74, %max3A_76 : vector<400x128xf32>
    %swap3A = arith.constant 0 : index
    %swap3A_78 = arith.constant 0 : index
    %swap3A_79 = vector.load %arg12[%swap3A, %swap3A_78] : memref<400x128xf32, #tpu.memory_space<vmem>>, vector<400x128xf32>
    tpu.vector_store %arg12[%swap3A, %swap3A_78], %max3A_77 {strides = array<i32>} : memref<400x128xf32, #tpu.memory_space<vmem>>, vector<400x128xf32>,
    return
  }
  func.func @transform_0(%arg0: i32) -> (i32, i32) {
    %c0_i32 = arith.constant 0 : i32
    %c0_i32_0 = arith.constant 0 : i32
    return %arg0, %c0_i32 : i32, i32
  }
  func.func @transform_1(%arg0: i32) -> (i32, i32, i32) {
    %c0_i32 = arith.constant 0 : i32
    %c0_i32_0 = arith.constant 0 : i32
    %c0_i32_1 = arith.constant 0 : i32
    return %c0_i32, %arg0, %c0_i32_0 : i32, i32, i32
  }
  func.func @transform_2(%arg0: i32) -> (i32, i32, i32) {
    %c1_i32 = arith.constant 1 : i32
    %c0_i32 = arith.constant 0 : i32
    %c0_i32_0 = arith.constant 0 : i32
    return %c1_i32, %arg0, %c0_i32 : i32, i32, i32
  }
  func.func @transform_3(%arg0: i32) -> (i32, i32, i32) {
    %c0_i32 = arith.constant 0 : i32
    %c0_i32_0 = arith.constant 0 : i32
    %c0_i32_1 = arith.constant 0 : i32
    return %c0_i32, %arg0, %c0_i32_0 : i32, i32, i32
  }
  func.func @transform_4(%arg0: i32) -> (i32, i32, i32) {
    %c1_i32 = arith.constant 1 : i32
    %c0_i32 = arith.constant 0 : i32
    %c0_i32_0 = arith.constant 0 : i32
    return %c1_i32, %arg0, %c0_i32 : i32, i32, i32
  }
  func.func @transform_5(%arg0: i32) -> (i32, i32) {
    %c0_i32 = arith.constant 0 : i32
    %c0_i32_0 = arith.constant 0 : i32
    %c0_i32_1 = arith.constant 0 : i32
    return %c0_i32, %c0_i32_0 : i32, i32
  }
  func.func @transform_6(%arg0: i32) -> (i32, i32) {
    %c0_i32 = arith.constant 0 : i32
    %c0_i32_0 = arith.constant 0 : i32
    %c0_i32_1 = arith.constant 0 : i32
    return %c0_i32, %c0_i32_0 : i32, i32
  }
  func.func @transform_7(%arg0: i32) -> (i32, i32) {
    %c0_i32 = arith.constant 0 : i32
    %c0_i32_0 = arith.constant 0 : i32
    %c0_i32_1 = arith.constant 0 : i32
    return %c0_i32, %c0_i32_0 : i32, i32
  }
  func.func @transform_8(%arg0: i32) -> (i32, i32) {
    %c0_i32 = arith.constant 0 : i32
    %c0_i32_0 = arith.constant 0 : i32
    %c0_i32_1 = arith.constant 0 : i32
    return %c0_i32, %c0_i32_0 : i32, i32
  }
  func.func @transform_9(%arg0: i32) -> (i32, i32) {
    %c0_i32 = arith.constant 0 : i32
    %c0_i32_0 = arith.constant 0 : i32
    %c0_i32_1 = arith.constant 0 : i32
    return %c0_i32, %c0_i32_0 : i32, i32
  }
  func.func @transform_10(%arg0: i32) -> (i32, i32) {
    %c0_i32 = arith.constant 0 : i32
    %c0_i32_0 = arith.constant 0 : i32
    %c0_i32_1 = arith.constant 0 : i32
    return %c0_i32, %c0_i32_0 : i32, i32
  }
  func.func @transform_11(%arg0: i32) -> (i32, i32) {
    %c0_i32 = arith.constant 0 : i32
    %c0_i32_0 = arith.constant 0 : i32
    return %arg0, %c0_i32 : i32, i32
  }
}

module attributes {stable_mosaic.version = 14 : i64} {
  func.func @_dense_body(%arg0: i32, %arg1: memref<400x128xf32, #tpu.memory_space<vmem>>, %arg2: memref<1x400x128xf32, #tpu.memory_space<vmem>>, %arg3: memref<1x400x128xf32, #tpu.memory_space<vmem>>, %arg4: memref<1x400x128xf32, #tpu.memory_space<vmem>>, %arg5: memref<1x400x128xf32, #tpu.memory_space<vmem>>, %arg6: memref<128x128xf32, #tpu.memory_space<vmem>>, %arg7: memref<16x128xf32, #tpu.memory_space<vmem>>, %arg8: memref<1x128xf32, #tpu.memory_space<vmem>>, %arg9: memref<128x128xf32, #tpu.memory_space<vmem>>, %arg10: memref<128x128xf32, #tpu.memory_space<vmem>>, %arg11: memref<1x128xf32, #tpu.memory_space<vmem>>, %arg12: memref<400x128xf32, #tpu.memory_space<vmem>>) attributes {dimension_semantics = [#tpu.dimension_semantics<arbitrary>], iteration_bounds = array<i64: 25>, scalar_prefetch = 0 : i64, scratch_operands = 0 : i64, tpu.core_type = #tpu.core_type<tc>, window_params = [{transform_indices = @transform_0, window_bounds = array<i64: 400, 128>}, {transform_indices = @transform_1, window_bounds = array<i64: 1, 400, 128>}, {transform_indices = @transform_2, window_bounds = array<i64: 1, 400, 128>}, {transform_indices = @transform_3, window_bounds = array<i64: 1, 400, 128>}, {transform_indices = @transform_4, window_bounds = array<i64: 1, 400, 128>}, {pipeline_mode = #tpu.pipeline_mode<synchronous>, transform_indices = @transform_5, window_bounds = array<i64: 128, 128>}, {pipeline_mode = #tpu.pipeline_mode<synchronous>, transform_indices = @transform_6, window_bounds = array<i64: 16, 128>}, {pipeline_mode = #tpu.pipeline_mode<synchronous>, transform_indices = @transform_7, window_bounds = array<i64: 1, 128>}, {pipeline_mode = #tpu.pipeline_mode<synchronous>, transform_indices = @transform_8, window_bounds = array<i64: 128, 128>}, {pipeline_mode = #tpu.pipeline_mode<synchronous>, transform_indices = @transform_9, window_bounds = array<i64: 128, 128>}, {pipeline_mode = #tpu.pipeline_mode<synchronous>, transform_indices = @transform_10, window_bounds = array<i64: 1, 128>}, {transform_indices = @transform_11, window_bounds = array<i64: 400, 128>}]} {
    %get3A = arith.constant 0 : index
    %get3A_0 = arith.constant 0 : index
    %get3A_1 = arith.constant 0 : index
    %get3A_2 = vector.load %arg2[%get3A, %get3A_0, %get3A_1] : memref<1x400x128xf32, #tpu.memory_space<vmem>>, vector<1x400x128xf32>
    %get3A_3 = vector.shape_cast %get3A_2 : vector<1x400x128xf32> to vector<400x128xf32>
    %get3A_4 = arith.constant 0 : index
    %get3A_5 = arith.constant 0 : index
    %get3A_6 = arith.constant 0 : index
    %get3A_7 = vector.load %arg3[%get3A_4, %get3A_5, %get3A_6] : memref<1x400x128xf32, #tpu.memory_space<vmem>>, vector<1x400x128xf32>
    %get3A_8 = vector.shape_cast %get3A_7 : vector<1x400x128xf32> to vector<400x128xf32>
    %add3A = arith.addf %get3A_3, %get3A_8 : vector<400x128xf32>
    %get3A_9 = arith.constant 0 : index
    %get3A_10 = arith.constant 0 : index
    %get3A_11 = arith.constant 0 : index
    %get3A_12 = vector.load %arg4[%get3A_9, %get3A_10, %get3A_11] : memref<1x400x128xf32, #tpu.memory_space<vmem>>, vector<1x400x16xf32>
    %get3A_13 = vector.shape_cast %get3A_12 : vector<1x400x16xf32> to vector<400x16xf32>
    %get3A_14 = arith.constant 0 : index
    %get3A_15 = arith.constant 0 : index
    %get3A_16 = arith.constant 0 : index
    %get3A_17 = vector.load %arg5[%get3A_14, %get3A_15, %get3A_16] : memref<1x400x128xf32, #tpu.memory_space<vmem>>, vector<1x400x16xf32>
    %get3A_18 = vector.shape_cast %get3A_17 : vector<1x400x16xf32> to vector<400x16xf32>
    %add3A_19 = arith.addf %get3A_13, %get3A_18 : vector<400x16xf32>
    %get3A_20 = arith.constant 0 : index
    %get3A_21 = arith.constant 0 : index
    %get3A_22 = arith.constant 16 : index
    %get3A_23 = vector.load %arg4[%get3A_20, %get3A_21, %get3A_22] : memref<1x400x128xf32, #tpu.memory_space<vmem>>, vector<1x400x1xf32>
    %get3A_24 = vector.shape_cast %get3A_23 : vector<1x400x1xf32> to vector<400x1xf32>
    %get3A_25 = arith.constant 0 : index
    %get3A_26 = arith.constant 0 : index
    %get3A_27 = arith.constant 16 : index
    %get3A_28 = vector.load %arg5[%get3A_25, %get3A_26, %get3A_27] : memref<1x400x128xf32, #tpu.memory_space<vmem>>, vector<1x400x1xf32>
    %get3A_29 = vector.shape_cast %get3A_28 : vector<1x400x1xf32> to vector<400x1xf32>
    %add3A_30 = arith.addf %get3A_24, %get3A_29 : vector<400x1xf32>
    %get3A_31 = arith.constant 0 : index
    %get3A_32 = arith.constant 0 : index
    %get3A_33 = vector.load %arg6[%get3A_31, %get3A_32] : memref<128x128xf32, #tpu.memory_space<vmem>>, vector<128x128xf32>
    %dot_general3A = arith.constant dense<0.000000e+00> : vector<400x128xf32>
    %dot_general3A_34 = tpu.matmul %add3A, %get3A_33, %dot_general3A {dimension_numbers = #tpu.dot_dimension_numbers<[1], [0], [0], [1], [0, 0, 1, 1], [], []>, transpose_lhs_hint = false} : vector<400x128xf32>, vector<128x128xf32>, vector<400x128xf32> -> vector<400x128xf32>
    %get3A_35 = arith.constant 0 : index
    %get3A_36 = arith.constant 0 : index
    %get3A_37 = vector.load %arg7[%get3A_35, %get3A_36] : memref<16x128xf32, #tpu.memory_space<vmem>>, vector<16x128xf32>
    %dot_general3A_38 = arith.constant dense<0.000000e+00> : vector<400x128xf32>
    %dot_general3A_39 = tpu.matmul %add3A_19, %get3A_37, %dot_general3A_38 {dimension_numbers = #tpu.dot_dimension_numbers<[1], [0], [0], [1], [0, 0, 1, 1], [], []>, transpose_lhs_hint = false} : vector<400x16xf32>, vector<16x128xf32>, vector<400x128xf32> -> vector<400x128xf32>
    %add3A_40 = arith.addf %dot_general3A_34, %dot_general3A_39 : vector<400x128xf32>
    %max3A = arith.constant 1.000000e+00 : f32
    %max3A_41 = vector.broadcast %max3A : f32 to vector<400x1xf32>
    %max3A_42 = arith.maximumf %add3A_30, %max3A_41 : vector<400x1xf32>
    %div3A = arith.constant 1.000000e+00 : f32
    %div3A_43 = vector.broadcast %div3A : f32 to vector<400x1xf32>
    %div3A_44 = arith.divf %div3A_43, %max3A_42 : vector<400x1xf32>
    %mul3A = vector.broadcast %div3A_44 : vector<400x1xf32> to vector<400x128xf32>
    %mul3A_45 = arith.mulf %add3A_40, %mul3A : vector<400x128xf32>
    %get3A_46 = arith.constant 0 : index
    %get3A_47 = arith.constant 0 : index
    %get3A_48 = vector.load %arg8[%get3A_46, %get3A_47] : memref<1x128xf32, #tpu.memory_space<vmem>>, vector<1x128xf32>
    %gt3A = arith.constant 0.000000e+00 : f32
    %gt3A_49 = vector.broadcast %gt3A : f32 to vector<400x1xf32>
    %gt3A_50 = arith.cmpf ogt, %add3A_30, %gt3A_49 : vector<400x1xf32>
    %convert_element_type3A = arith.extui %gt3A_50 : vector<400x1xi1> to vector<400x1xi32>
    %convert_element_type3A_51 = arith.sitofp %convert_element_type3A : vector<400x1xi32> to vector<400x1xf32>
    %mul3A_52 = vector.broadcast %get3A_48 : vector<1x128xf32> to vector<400x128xf32>
    %mul3A_53 = vector.broadcast %convert_element_type3A_51 : vector<400x1xf32> to vector<400x128xf32>
    %mul3A_54 = arith.mulf %mul3A_52, %mul3A_53 : vector<400x128xf32>
    %add3A_55 = arith.addf %mul3A_45, %mul3A_54 : vector<400x128xf32>
    %get3A_56 = arith.constant 0 : index
    %get3A_57 = arith.constant 0 : index
    %get3A_58 = vector.load %arg1[%get3A_56, %get3A_57] : memref<400x128xf32, #tpu.memory_space<vmem>>, vector<400x128xf32>
    %get3A_59 = arith.constant 0 : index
    %get3A_60 = arith.constant 0 : index
    %get3A_61 = vector.load %arg9[%get3A_59, %get3A_60] : memref<128x128xf32, #tpu.memory_space<vmem>>, vector<128x128xf32>
    %dot_general3A_62 = arith.constant dense<0.000000e+00> : vector<400x128xf32>
    %dot_general3A_63 = tpu.matmul %get3A_58, %get3A_61, %dot_general3A_62 {dimension_numbers = #tpu.dot_dimension_numbers<[1], [0], [0], [1], [0, 0, 1, 1], [], []>, transpose_lhs_hint = false} : vector<400x128xf32>, vector<128x128xf32>, vector<400x128xf32> -> vector<400x128xf32>
    %get3A_64 = arith.constant 0 : index
    %get3A_65 = arith.constant 0 : index
    %get3A_66 = vector.load %arg10[%get3A_64, %get3A_65] : memref<128x128xf32, #tpu.memory_space<vmem>>, vector<128x128xf32>
    %dot_general3A_67 = arith.constant dense<0.000000e+00> : vector<400x128xf32>
    %dot_general3A_68 = tpu.matmul %add3A_55, %get3A_66, %dot_general3A_67 {dimension_numbers = #tpu.dot_dimension_numbers<[1], [0], [0], [1], [0, 0, 1, 1], [], []>, transpose_lhs_hint = false} : vector<400x128xf32>, vector<128x128xf32>, vector<400x128xf32> -> vector<400x128xf32>
    %add3A_69 = arith.addf %dot_general3A_63, %dot_general3A_68 : vector<400x128xf32>
    %get3A_70 = arith.constant 0 : index
    %get3A_71 = arith.constant 0 : index
    %get3A_72 = vector.load %arg11[%get3A_70, %get3A_71] : memref<1x128xf32, #tpu.memory_space<vmem>>, vector<1x128xf32>
    %add3A_73 = vector.broadcast %get3A_72 : vector<1x128xf32> to vector<400x128xf32>
    %add3A_74 = arith.addf %add3A_69, %add3A_73 : vector<400x128xf32>
    %max3A_75 = arith.constant 0.000000e+00 : f32
    %max3A_76 = vector.broadcast %max3A_75 : f32 to vector<400x128xf32>
    %max3A_77 = arith.maximumf %add3A_74, %max3A_76 : vector<400x128xf32>
    %swap3A = arith.constant 0 : index
    %swap3A_78 = arith.constant 0 : index
    %swap3A_79 = vector.load %arg12[%swap3A, %swap3A_78] : memref<400x128xf32, #tpu.memory_space<vmem>>, vector<400x128xf32>
    tpu.vector_store %arg12[%swap3A, %swap3A_78], %max3A_77 {strides = array<i32>} : memref<400x128xf32, #tpu.memory_space<vmem>>, vector<400x128xf32>,
    return
  }
  func.func @transform_0(%arg0: i32) -> (i32, i32) {
    %c0_i32 = arith.constant 0 : i32
    %c0_i32_0 = arith.constant 0 : i32
    return %arg0, %c0_i32 : i32, i32
  }
  func.func @transform_1(%arg0: i32) -> (i32, i32, i32) {
    %c0_i32 = arith.constant 0 : i32
    %c0_i32_0 = arith.constant 0 : i32
    %c0_i32_1 = arith.constant 0 : i32
    return %c0_i32, %arg0, %c0_i32_0 : i32, i32, i32
  }
  func.func @transform_2(%arg0: i32) -> (i32, i32, i32) {
    %c1_i32 = arith.constant 1 : i32
    %c0_i32 = arith.constant 0 : i32
    %c0_i32_0 = arith.constant 0 : i32
    return %c1_i32, %arg0, %c0_i32 : i32, i32, i32
  }
  func.func @transform_3(%arg0: i32) -> (i32, i32, i32) {
    %c0_i32 = arith.constant 0 : i32
    %c0_i32_0 = arith.constant 0 : i32
    %c0_i32_1 = arith.constant 0 : i32
    return %c0_i32, %arg0, %c0_i32_0 : i32, i32, i32
  }
  func.func @transform_4(%arg0: i32) -> (i32, i32, i32) {
    %c1_i32 = arith.constant 1 : i32
    %c0_i32 = arith.constant 0 : i32
    %c0_i32_0 = arith.constant 0 : i32
    return %c1_i32, %arg0, %c0_i32 : i32, i32, i32
  }
  func.func @transform_5(%arg0: i32) -> (i32, i32) {
    %c0_i32 = arith.constant 0 : i32
    %c0_i32_0 = arith.constant 0 : i32
    %c0_i32_1 = arith.constant 0 : i32
    return %c0_i32, %c0_i32_0 : i32, i32
  }
  func.func @transform_6(%arg0: i32) -> (i32, i32) {
    %c0_i32 = arith.constant 0 : i32
    %c0_i32_0 = arith.constant 0 : i32
    %c0_i32_1 = arith.constant 0 : i32
    return %c0_i32, %c0_i32_0 : i32, i32
  }
  func.func @transform_7(%arg0: i32) -> (i32, i32) {
    %c0_i32 = arith.constant 0 : i32
    %c0_i32_0 = arith.constant 0 : i32
    %c0_i32_1 = arith.constant 0 : i32
    return %c0_i32, %c0_i32_0 : i32, i32
  }
  func.func @transform_8(%arg0: i32) -> (i32, i32) {
    %c0_i32 = arith.constant 0 : i32
    %c0_i32_0 = arith.constant 0 : i32
    %c0_i32_1 = arith.constant 0 : i32
    return %c0_i32, %c0_i32_0 : i32, i32
  }
  func.func @transform_9(%arg0: i32) -> (i32, i32) {
    %c0_i32 = arith.constant 0 : i32
    %c0_i32_0 = arith.constant 0 : i32
    %c0_i32_1 = arith.constant 0 : i32
    return %c0_i32, %c0_i32_0 : i32, i32
  }
  func.func @transform_10(%arg0: i32) -> (i32, i32) {
    %c0_i32 = arith.constant 0 : i32
    %c0_i32_0 = arith.constant 0 : i32
    %c0_i32_1 = arith.constant 0 : i32
    return %c0_i32, %c0_i32_0 : i32, i32
  }
  func.func @transform_11(%arg0: i32) -> (i32, i32) {
    %c0_i32 = arith.constant 0 : i32
    %c0_i32_0 = arith.constant 0 : i32
    return %arg0, %c0_i32 : i32, i32
  }
}

</mosaic_0001>

<sc_bundles>
// kernel: kernel.10.cloned.1.call-start
scs
__scs_entry_jumppad:
0x0: {  	(pc) =	sbr.rel $0x88, $3  }
0x1: {  	(tag) =	ssettag $0x0;
	lr =	simm.s32 $0x1  }
0x2: {  	[smem:$0x3F96] =	sst lr;
	_ =	strace $0xD0000000  }
0x3: {  	_ = 	snop  }
0x4: {  	_ = 	snop  }
0x5: {  	_ = 	snop  }
0x6: {  	_ = 	snop  }
0x7: {  	_ = 	snop  }
__scs_overlays_trampoline_lowered:
0x8: {  	[smem:$0x3FA5] =	sst s0  }
0x9: {  	[smem:$0x3FA6] =	sst s1  }
0xa: {  	[smem:$0x3FA7] =	sst s2  }
0xb: {  	[smem:$0x3FA8] =	sst s3  }
0xc: {  	[smem:$0x3FA9] =	sst s4  }
0xd: {  	[smem:$0x3FAA] =	sst s5  }
0xe: {  	[smem:$0x3FAB] =	sst s6  }
0xf: {  	[smem:$0x3FAC] =	sst s7  }
0x10: {  	[smem:$0x3FAD] =	sst s8  }
0x11: {  	[smem:$0x3FAE] =	sst s9;
	s0 =	simm.s32 @!p0 $0x0  }
0x12: {  	s1 =	sld [smem:$0x3F94];
	s0 =	simm.s32 @p0 $0x1  }
0x13: {  	[smem:$0x3FAF] =	sst s0;
	s0 =	simm.s32 @!p1 $0x0  }
0x14: {  	s2 =	sld [smem:$0x3F93];
	s0 =	simm.s32 @p1 $0x1  }
0x15: {  	[smem:$0x3FB0] =	sst s0;
	s0 =	simm.s32 @!p2 $0x0  }
0x16: {  	s3 =	sld [smem:$0x3FDB];
	s0 =	simm.s32 @p2 $0x1  }
0x17: {  	s4 =	simm.s32 $0x1BF5;
	[smem:$0x3FB2] =	sst s0  }
0x18: {  	s0 =	sld [smem:$0x3F95];
	_ =	swait.ge [sflag:s4], $0x0  }
0x19: {  	s7 =	sld [smem:$0x3F96]  }
0x1a: {  	s8 =	sadd.s32 $0xFFFFE003, lr  }
0x1b: {  	s9 =	sadd.s32 $0xFFFFFEF7, lr;
	s5 =	simm.s32 $0xFFFFFFFF;
	p2 =	slt.u32 s8, $0xFFFFF086  }
0x1c: {  	p1 =	slt.u32 s9, $0xF7A;
	s5 =	simm.s32 @!p2 $0x0  }
0x1d: {  	s5 =	simm.s32 @p1 $0x1;
	p0 =	seq.s32 s7, s2  }
0x1e: {  	s7 =	smul.u32 @!p0 $0xF7A, s2;
	p2 =	seq.s32 @!p0 s5, $0x0  }
0x1f: {  	s9 =	smul.u32 $0xF7A, s1;
	s8 =	simm.s32 @!p0 $0x1BF5;
	p2 =	por !p2, p0  }
0x20: {  	[sflag:s8] =	ssyncset.s32 @!p0 $0xFFFFF086;
	s6 =	sadd.s32 @!p0 s3, s7;
	s7 =	simm.s32 @!p0 $0x108  }
0x21: {  	s3 =	sadd.s32 s3, s9;
	s6 =	sadd.s32 @!p0 $0x88, s6;
	s7 =	simm.s32 @p2 $0x1082  }
0x22: {  	[simem:s7], [sflag:s8] =	dma.local @!p0 [hbm:s6], $0xF7A  }
0x23: {  	s9 =	sor.u32 $0xD0000000, s2;
	s6 =	simm.s32 $0x108;
	_ =	swait.ge @!p0 [sflag:s8], $0x0  }
0x24: {  	s3 =	sadd.s32 $0x88, s3;
	s6 =	simm.s32 @!p1 $0x1082;
	[sflag:s4] =	ssyncset.s32 $0xFFFFF086  }
0x25: {  	[simem:s6], [sflag:s4] =	dma.local [hbm:s3], $0xF7A  }
0x26: {  	[smem:$0x3F96] =	sst s1;
	(tag) =	ssettag s2;
	_ =	strace s9  }
0x27: {  	s1 =	sld [smem:$0x3FA6]  }
0x28: {  	s2 =	sld [smem:$0x3FA7]  }
0x29: {  	s4 =	sld [smem:$0x3FA9]  }
0x2a: {  	p0 =	seq.s32 s5, $0x0;
	s5 =	sld [smem:$0x3FAA]  }
0x2b: {  	s6 =	sld [smem:$0x3FAB]  }
0x2c: {  	s7 =	sld [smem:$0x3FAC]  }
0x2d: {  	s3 =	simm.s32 $0x108;
	s8 =	sld [smem:$0x3FAD]  }
0x2e: {  	s3 =	simm.s32 @!p0 $0x1082;
	s9 =	sld [smem:$0x3FAE]  }
0x2f: {  	lr =	sadd.s32 s0, s3;
	s0 =	sld [smem:$0x3FA5]  }
0x30: {  	s3 =	sld [smem:$0x3FA8]  }
0x31: {  	[smem:$0x3FB1] =	sst s10  }
0x32: {  	s10 =	sld [smem:$0x3FAF];
	_ =	sdelay $0x3  }
0x33: {  	p0 =	seq.s32 s10, $0x1;
	s10 =	sld [smem:$0x3FB1];
	_ =	sdelay $0x3  }
0x34: {  	[smem:$0x3FB1] =	sst s10  }
0x35: {  	s10 =	sld [smem:$0x3FB0];
	_ =	sdelay $0x3  }
0x36: {  	p1 =	seq.s32 s10, $0x1;
	s10 =	sld [smem:$0x3FB1];
	_ =	sdelay $0x3  }
0x37: {  	[smem:$0x3FB1] =	sst s10  }
0x38: {  	s10 =	sld [smem:$0x3FB2]  }
0x39: {  	_ = 	snop;
	(pc) =	sbr.ind lr, $3  }
0x3a: {  	_ = 	snop  }
0x3b: {  	_ = 	snop  }
0x3c: {  	p2 =	seq.s32 s10, $0x1;
	s10 =	sld [smem:$0x3FB1]  }
0x3d: {  	_ =	shalt  }
0x3e: {  	_ =	shalt  }
0x3f: {  	_ =	shalt  }
0x40: {  	_ =	shalt  }
0x41: {  	_ =	shalt  }
0x42: {  	_ =	shalt  }
0x43: {  	_ =	shalt  }
0x44: {  	_ =	shalt  }
0x45: {  	_ =	shalt  }
0x46: {  	_ =	shalt  }
0x47: {  	_ =	shalt  }
0x48: {  	_ =	shalt  }
0x49: {  	_ =	shalt  }
0x4a: {  	_ =	shalt  }
0x4b: {  	_ =	shalt  }
0x4c: {  	_ =	shalt  }
0x4d: {  	_ =	shalt  }
0x4e: {  	_ =	shalt  }
0x4f: {  	_ =	shalt  }
0x50: {  	_ =	shalt  }
0x51: {  	_ =	shalt  }
0x52: {  	_ =	shalt  }
0x53: {  	_ =	shalt  }
0x54: {  	_ =	shalt  }
0x55: {  	_ =	shalt  }
0x56: {  	_ =	shalt  }
0x57: {  	_ =	shalt  }
0x58: {  	_ =	shalt  }
0x59: {  	_ =	shalt  }
0x5a: {  	_ =	shalt  }
0x5b: {  	_ =	shalt  }
0x5c: {  	_ =	shalt  }
0x5d: {  	_ =	shalt  }
0x5e: {  	_ =	shalt  }
0x5f: {  	_ =	shalt  }
0x60: {  	_ =	shalt  }
0x61: {  	_ =	shalt  }
0x62: {  	_ =	shalt  }
0x63: {  	_ =	shalt  }
0x64: {  	_ =	shalt  }
0x65: {  	_ =	shalt  }
0x66: {  	_ =	shalt  }
0x67: {  	_ =	shalt  }
0x68: {  	_ =	shalt  }
0x69: {  	_ =	shalt  }
0x6a: {  	_ =	shalt  }
0x6b: {  	_ =	shalt  }
0x6c: {  	_ =	shalt  }
0x6d: {  	_ =	shalt  }
0x6e: {  	_ =	shalt  }
0x6f: {  	_ =	shalt  }
0x70: {  	_ =	shalt  }
0x71: {  	_ =	shalt  }
0x72: {  	_ =	shalt  }
0x73: {  	_ =	shalt  }
0x74: {  	_ =	shalt  }
0x75: {  	_ =	shalt  }
0x76: {  	_ =	shalt  }
0x77: {  	_ =	shalt  }
0x78: {  	_ =	shalt  }
0x79: {  	_ =	shalt  }
0x7a: {  	_ =	shalt  }
0x7b: {  	_ =	shalt  }
0x7c: {  	_ =	shalt  }
0x7d: {  	_ =	shalt  }
0x7e: {  	_ =	shalt  }
0x7f: {  	_ =	shalt  }
0x80: {  	_ =	shalt  }
0x81: {  	_ =	shalt  }
0x82: {  	_ =	shalt  }
0x83: {  	_ =	shalt  }
0x84: {  	_ =	shalt  }
0x85: {  	_ =	shalt  }
0x86: {  	_ =	shalt  }
0x87: {  	_ =	shalt  }
.Lfunc_end0:
.L_simem_size_0:
called_computation.1_lowered:
.L_overlay_start_0:
0x88: {  	s2 =	sld [smem:$0x3FD9]  }
0x89: {  	s3 =	sld [smem:$0x3FFE];
	_ =	sdelay $0x1  }
0x8a: {  	s1 =	srdreg.scid  }
0x8b: {  	s0 =	sand.u32 $0x1, s1  }
0x8c: {  	s17 =	sshll.u32 s0, $0xA;
	s2 =	sadd.s32 s3, s2  }
0x8d: {  	s2 =	sadd.s32 s2, s17  }
0x8e: {  	[smem:$0x3FBD] =	sst s2  }
0x8f: {  	_ = 	snop  }
0x90: {  	s2 =	sld [smem:$0x3FD0];
	(tm) =	ssettm $0x1  }
0x91: {  	s18 =	sld [smem:$0x3FFB];
	_ =	sdelay $0x3  }
0x92: {  	_ =	strace s18  }
0x93: {  	s3 =	sld [smem:$0x3FFC];
	_ =	sdelay $0x3  }
0x94: {  	_ =	strace s3  }
0x95: {  	s3 =	sld [smem:$0x3FFD];
	_ =	sdelay $0x3  }
0x96: {  	_ =	strace s3  }
0x97: {  	_ =	strace $0x8FFFFFFF  }
0x98: {  	s19 =	sld [smem:$0x3FDB];
	_ =	sdelay $0x1  }
0x99: {  	s4 =	simm.s32 $_scs_section_size  }
0x9a: {  	s5 =	simm.s32 $_size__tile_overlayer_lowered;
	s6 =	simm.s32 $_tile_overlayer_lowered  }
0x9b: {  	s22 =	simm.s32 $0x1BFF;
	s21 =	sshll.u32 s6, $0x1;
	s3 =	sadd.s32 s4, s19  }
0x9c: {  	s7 =	simm.s32 $0x0;
	s20 =	sshll.u32 s5, $0x1;
	s5 =	sadd.s32 s21, s3  }
0x9d: {  	[timem:s7], [sflag:s22] =	dma.local [hbm:s5], s20  }
0x9e: {  	_ =	swait.ge [sflag:s22], s20  }
0x9f: {  	s4 =	ssub.s32 $0x0, s20;
	[sflag:s22] =	ssyncset.done $0x0  }
0xa0: {  	[sflag:s22] =	ssyncadd.s32 s4;
	_ =	sdelay $0x1  }
0xa1: {  	s23 =	simm.s32 $0x1B8B  }
0xa2: {  	_ =	swait.ge [sflag:s23], $0x1  }
0xa3: {  	[sflag:s23] =	ssyncset.done $0x0  }
0xa4: {  	s25 =	simm.s32 $0x1B8E;
	s24 =	sld [smem:$0x3FFE];
	[sflag:s23] =	ssyncadd.s32 $0xFFFFFFFF  }
0xa5: {  	s26 =	simm.s32 $execute0_lowered;
	[smem:$0x3FD2] =	sst s25  }
0xa6: {  	s5 =	sshll.u32 s26, $0x1;
	_ =	strace $0x80000049;
	[dreg:$0x1] =	wrdreg $0xFFFFFFFF  }
0xa7: {  	s28 =	simm.s32 $_size_execute0_lowered;
	s3 =	sadd.s32 s3, s5;
	[dreg:$0x0] =	wrdreg $0x0  }
0xa8: {  	s5 =	sshll.u32 s28, $0x1;
	[dreg:$0x2] =	wrdreg s3  }
0xa9: {  	[dreg:$0x3] =	wrdreg s5  }
0xaa: {  	[dreg:$0x4] =	wrdreg $0xC0  }
0xab: {  	_ =	task [dreg:s7], $0x5FFFF  }
0xac: {  	[dreg:$0x1] =	wrdreg $0xFFFFFFFF  }
0xad: {  	[dreg:$0x0] =	wrdreg $0x60  }
0xae: {  	[dreg:$0x2] =	wrdreg s24  }
0xaf: {  	[dreg:$0x3] =	wrdreg s2  }
0xb0: {  	[dreg:$0x4] =	wrdreg $0x94800  }
0xb1: {  	[dreg:$0x5] =	wrdreg $0x9  }
0xb2: {  	_ =	task.clear_ibuf [dreg:s7], $0x6FFFF;
	_ =	strace $0x90000049  }
0xb3: {  	s29 =	simm.s32 $0x9;
	_ =	strace $0x8000004B  }
0xb4: {  	_ =	swait.ge [sflag:s29], $0x1  }
0xb5: {  	[sflag:s29] =	ssyncadd.s32 $0xFFFFFFFF  }
0xb6: {  	_ =	strace $0x9000004B  }
0xb7: {  	_ =	sfence  }
0xb8: {  	s30 =	sld [smem:$0x0];
	_ =	sdelay $0x2  }
0xb9: {  	s31 =	sshll.u32 s1, $0xD;
	s1 =	sshrl.u32 s1, $0x2  }
0xba: {  	s3 =	sand.u32 $0x4000, s31;
	s1 =	sadd.s32 s1, s30  }
0xbb: {  	s0 =	sor.u32 s3, s0;
	s1 =	sshll.u32 s1, $0x11  }
0xbc: {  	s0 =	sor.u32 s1, s0  }
0xbd: {  	s0 =	sadd.s32 $0x8F2B, s0  }
0xbe: {  	[sflag:s0] =	ssyncadd.remote.s32 $0x1  }
0xbf: {  	_ =	sfence.sel $0xFFFF  }
0xc0: {  	[dreg:$0x0] =	wrdreg $0xFFFFFFFF;
	(pc) =	sbr.abs _section_cstart, $3  }
0xc1: {  	[dreg:$0x1] =	wrdreg $0xFFFFFFFF  }
0xc2: {  	_ =	task.clear_ibuf [dreg:s7], $0x2FFFF;
	_ =	strace $0x9FFFFFFF  }
0xc3: {  	(tm) =	ssettm $0x7FFFFFFF  }
tec
execute0_lowered:
.L_overlay_start_1:
0x0: {  	(tag) =	ssettag $0x1  }
0x1: {  	s0 =	rddreg [dreg:$0x0]  }
0x2: {  	s3 =	rddreg [dreg:$0x2]  }
0x3: {  	s10 =	stileid.u32;
	s1 =	srdreg.scid  }
0x4: {  	s4 =	simm.s32 $0x0;
	s21 =	simm.s32 $0x5;
	s28 =	simm.s32 $0x1400  }
0x5: {  	s29 =	simm.s32 $0x2;
	s30 =	simm.s32 $0x5400;
	s31 =	simm.s32 $0x3  }
0x6: {  	s18 =	simm.s32 $0x380;
	s2 =	smul.u32 $0x14000, s10;
	s1 =	sand.u32 $0x1, s1  }
0x7: {  	[smem:$0x7FF] =	sst s4;
	s5 =	sadd.s32 $0x90A00, s0;
	s6 =	sadd.s32 $0xEA00, s0  }
0x8: {  	s7 =	smul.u32 $0x50000, s10;
	s24 =	sshll.u32 s10, $0x6;
	s11 =	sadd.s32 $0x90B00, s0  }
0x9: {  	s12 =	sadd.s32 $0x90C00, s0;
	s13 =	sadd.s32 $0x90D00, s0;
	s14 =	sadd.s32 $0x90E00, s0  }
0xa: {  	s15 =	sadd.s32 $0x90F00, s0;
	s16 =	sadd.s32 $0x91000, s0;
	s17 =	sadd.s32 $0x91100, s0  }
0xb: {  	s23 =	smul.u32 $0x140000, s1;
	_ =	strace $0x8000004A;
	s8 =	ssub.s32 $0x2, s1  }
0xc: {  	s1 =	sshll.u32 s1, $0x4;
	s9 =	sshrl.u32 s8, $0x1;
	s7 =	sshrl.u32 s7, $0x2  }
0xd: {  	s1 =	sor.u32 s10, s1;
	s4 =	sadd.s32 s2, s23;
	s2 =	sshrl.u32 s2, $0x3  }
0xe: {  	s9 =	ssub.s32 s8, s9;
	s7 =	sadd.s32 s7, s3;
	s8 =	smul.u32 $0x2800, s1  }
0xf: {  	s10 =	smul.u32 $0xA, s1;
	s23 =	simm.s32 $0x400;
	s1 =	simm.s32 $0x4  }
0x10: {  	s4 =	sshrl.u32 s4, $0x3;
	s2 =	sadd.s32 s2, s0;
	s26 =	smax.u32 s9, $0x1  }
0x11: {  	s4 =	sadd.s32 s4, s0;
	s2 =	sadd.s32 $0x18A00, s2;
	[dreg:$0x7] =	wrdreg s26  }
0x12: {  	s9 =	simm.s32 $0x0;
	[dreg:$0x4] =	wrdreg s2;
	s25 =	sadd.s32 $0x130A00, s4  }
0x13: {  	s26 =	simm.s32 $0x80;
	s2 =	sor.u32 $0x1C05, s24;
	[dreg:$0x6] =	wrdreg s25  }
0x14: {  	s4 =	sshrl.u32 s7, $0x3;
	s24 =	simm.s32 $0x1;
	[dreg:$0x5] =	wrdreg s2  }
0x15: {  	s7 =	simm.s32 $0x0;
	s25 =	simm.s32 $0xC00;
	[dreg:$0x8] =	wrdreg s4  }
.LBB2_1:
0x16: {  	[dreg:$0x9] =	wrdreg s7  }
0x17: {  	s0 =	rddreg [dreg:$0x4]  }
0x18: {  	[spmem:s4], [sflag:s2] =	dma.local [hbm:s0], $0x2800  }
0x19: {  	_ =	swait.ge [sflag:s21], $0x2800  }
0x1a: {  	[sflag:s21] =	ssyncset.done $0x0  }
0x1b: {  	[sflag:s21] =	ssyncadd.s32 $0xFFFFD800  }
0x1c: {  	s20 =	simm.s32 $0x0;
	s22 =	simm.s32 $0x9400;
	s19 =	rddreg [dreg:$0x1]  }
0x1d: {  	[tilespmem:s22], [sflag:$0x5] =	stream.linear.gather [hbm4b:s19+s20], $0x80, $0x38;
	[tilespmem:$0x1D480] =	vst v63  }
0x1e: {  	_ =	swait.ge [sflag:s21], $0x80  }
0x1f: {  	[sflag:s21] =	ssyncset.done $0x0  }
0x20: {  	[sflag:s21] =	ssyncadd.s32 $0xFFFFFF80  }
0x21: {  	v0 =	vld [tilespmem:$0x9400];
	_ =	sdelay $0x3  }
0x22: {  	s0 =	simm.s32 $0x200;
	s2 =	simm.s32 $0x0  }
.LBB2_2:
0x23: {  	p0 =	sne.s32 s0, $0xFE00;
	[tilespmem:s2+$0x1410] =	vst v0;
	s4 =	smov.u32 s0;
	s0 =	sadd.s32 $0x200, s0  }
.Ltmp0:
0x24: {  	[tilespmem:s2+$0x5410] =	vst v0;
	(pc) =	sbr.rel @p0 .LBB2_2-.Ltmp0, $2  }
0x25: {  	_ =	sdelay $0x2  }
0x26: {  	s2 =	sshra.s32 s4, $0x2  }
0x27: {  	[tilespmem:s2+$0x1410] =	vst v0  }
0x28: {  	[tilespmem:s2+$0x5410] =	vst v0  }
0x29: {  	s20 =	simm.s32 $0x0;
	[bflag:$0x0] =	sbarrier.arrive $0xFFFF  }
.LBB2_4:
0x2a: {  	p0 =	seq.s32 s20, $0x0  }
0x2b: {  	s0 =	simm.s32 @!p0 $0x3  }
0x2c: {  	_ =	swait.ge @!p0 [sflag:s0], $0x4000  }
0x2d: {  	[sflag:s0] =	ssyncset.done @!p0 $0x0  }
0x2e: {  	s2 =	sshll.u32 s20, $0xA;
	[sflag:s0] =	ssyncadd.s32 @!p0 $0xFFFFC000;
	s0 =	simm.s32 @!p0 $0x4  }
0x2f: {  	s2 =	sadd.s32 s8, s2;
	_ =	swait.ge @!p0 [sflag:s0], $0x4000  }
0x30: {  	s2 =	sshrl.u32 s2, $0x3;
	[sflag:s0] =	ssyncset.done @!p0 $0x0  }
0x31: {  	s7 =	sadd.s32 s6, s2;
	[sflag:s0] =	ssyncadd.s32 @!p0 $0xFFFFC000  }
0x32: {  	[tilespmem:s9], [sflag:$0x5] =	stream.linear.gather [hbm4b:s7+s9], $0x400, $0x38;
	[tilespmem:$0x1D480] =	vst v63  }
0x33: {  	s19 =	sadd.s32 s10, s20;
	_ =	swait.ge [sflag:s21], $0x400  }
0x34: {  	s19 =	sshll.u32 s19, $0xB;
	[sflag:s21] =	ssyncset.done $0x0  }
0x35: {  	s0 =	sadd.s32 s5, s19;
	[sflag:s21] =	ssyncadd.s32 $0xFFFFFC00  }
0x36: {  	[tilespmem:s23], [sflag:$0x1] =	stream.linear.gather [hbm4b:s0+s9], $0x800, $0x38;
	[tilespmem:$0x1D480] =	vst v63  }
0x37: {  	s2 =	sand.u32 $0x1E00, s9;
	_ =	swait.ge [sflag:s24], $0x800  }
0x38: {  	s4 =	sand.u32 $0x70, s9;
	s0 =	sshrl.u32 s2, $0x2;
	[sflag:s24] =	ssyncset.done $0x0  }
0x39: {  	s22 =	sadd.s32 s19, s11;
	s0 =	sor.u32 s4, s0;
	[sflag:s24] =	ssyncadd.s32 $0xFFFFF800  }
0x3a: {  	[tilespmem:s25], [sflag:$0x2] =	stream.linear.gather [hbm4b:s22+s9], $0x800, $0x38;
	[tilespmem:$0x1D480] =	vst v63  }
0x3b: {  	v0 =	vld [tilespmem:s0+$0x400];
	_ =	sdelay $0x1  }
0x3c: {  	s7 =	simm.s32 $0x40  }
0x3d: {  	s4 =	sand.u32 $0x1E00, s7;
	s22 =	simm.s32 $0x10  }
0x3e: {  	s4 =	sshrl.u32 s4, $0x2;
	s0 =	simm.s32 $0x1400;
	s2 =	sand.u32 $0x70, s22  }
0x3f: {  	s4 =	sor.u32 s2, s4;
	[tilespmem:s0+$0x0] =	vst v0  }
0x40: {  	v0 =	vld [tilespmem:s4+$0x400]  }
0x41: {  	s2 =	simm.s32 $0x80;
	s4 =	simm.s32 $0x20  }
.LBB2_5:
0x42: {  	s22 =	sand.u32 $0x1E00, s2  }
0x43: {  	p0 =	sne.s32 s2, $0x1FC0;
	s2 =	sadd.s32 $0x40, s2;
	s7 =	sand.u32 $0x70, s4  }
.Ltmp1:
0x44: {  	s0 =	sadd.s32 $0x80, s0;
	s22 =	sshrl.u32 s22, $0x2;
	(pc) =	sbr.rel @p0 .LBB2_5-.Ltmp1, $3  }
0x45: {  	s7 =	sor.u32 s7, s22;
	[tilespmem:s0+$0x0] =	vst v0  }
0x46: {  	v0 =	vld [tilespmem:s7+$0x400];
	_ =	sdelay $0x1  }
0x47: {  	s4 =	sadd.s32 $0x10, s4  }
0x48: {  	_ = 	snop  }
0x49: {  	s0 =	sadd.s32 $0x80, s0  }
0x4a: {  	s22 =	simm.s32 $0x0;
	[tilespmem:s0+$0x0] =	vst v0  }
0x4b: {  	[spmem:s3] =	stream.indirect.scatter.add.f32 [tilespmem:s28], [sflag:$0x3], $0x80, s22, s26, $0xb8;
	[tilespmem:$0x1D480] =	vst v63  }
0x4c: {  	_ =	swait.ge [sflag:s29], $0x800  }
0x4d: {  	[sflag:s29] =	ssyncset.done $0x0  }
0x4e: {  	s2 =	sadd.s32 s19, s12;
	s4 =	sand.u32 $0x1E00, s22;
	[sflag:s29] =	ssyncadd.s32 $0xFFFFF800  }
0x4f: {  	[tilespmem:s23], [sflag:$0x1] =	stream.linear.gather [hbm4b:s2+s22], $0x800, $0x38;
	[tilespmem:$0x1D480] =	vst v63  }
0x50: {  	s0 =	sand.u32 $0x70, s22;
	s2 =	sshrl.u32 s4, $0x2  }
0x51: {  	s0 =	sor.u32 s0, s2  }
0x52: {  	v0 =	vld [tilespmem:s0+$0xC00];
	_ =	sdelay $0x1  }
0x53: {  	s7 =	simm.s32 $0x40  }
0x54: {  	s22 =	simm.s32 $0x10;
	s4 =	sand.u32 $0x1E00, s7  }
0x55: {  	s2 =	sand.u32 $0x70, s22;
	s4 =	sshrl.u32 s4, $0x2;
	s0 =	simm.s32 $0x5400  }
0x56: {  	s4 =	sor.u32 s2, s4;
	[tilespmem:s0+$0x0] =	vst v0  }
0x57: {  	v0 =	vld [tilespmem:s4+$0xC00]  }
0x58: {  	s2 =	simm.s32 $0x80;
	s4 =	simm.s32 $0x20  }
.LBB2_7:
0x59: {  	s7 =	sand.u32 $0x1E00, s2  }
0x5a: {  	p0 =	sne.s32 s2, $0x1FC0;
	s2 =	sadd.s32 $0x40, s2;
	s22 =	sand.u32 $0x70, s4  }
.Ltmp2:
0x5b: {  	s0 =	sadd.s32 $0x80, s0;
	s7 =	sshrl.u32 s7, $0x2;
	(pc) =	sbr.rel @p0 .LBB2_7-.Ltmp2, $3  }
0x5c: {  	s7 =	sor.u32 s22, s7;
	[tilespmem:s0+$0x0] =	vst v0  }
0x5d: {  	v0 =	vld [tilespmem:s7+$0xC00];
	_ =	sdelay $0x1  }
0x5e: {  	s4 =	sadd.s32 $0x10, s4  }
0x5f: {  	_ = 	snop  }
0x60: {  	s0 =	sadd.s32 $0x80, s0  }
0x61: {  	[tilespmem:s0+$0x0] =	vst v0  }
0x62: {  	[spmem:s3] =	stream.indirect.scatter.add.f32 [tilespmem:s30], [sflag:$0x4], $0x80, s26, s26, $0xb8;
	[tilespmem:$0x1D480] =	vst v63  }
0x63: {  	_ =	swait.ge [sflag:s24], $0x800  }
0x64: {  	[sflag:s24] =	ssyncset.done $0x0  }
0x65: {  	s22 =	sadd.s32 s19, s13;
	s2 =	simm.s32 $0x0;
	[sflag:s24] =	ssyncadd.s32 $0xFFFFF800  }
0x66: {  	[tilespmem:s25], [sflag:$0x2] =	stream.linear.gather [hbm4b:s22+s2], $0x800, $0x38;
	[tilespmem:$0x1D480] =	vst v63  }
0x67: {  	s4 =	sand.u32 $0x1E00, s2;
	_ =	swait.ge [sflag:s31], $0x4000  }
0x68: {  	s0 =	sshrl.u32 s4, $0x2;
	s2 =	sand.u32 $0x70, s2;
	[sflag:s31] =	ssyncset.done $0x0  }
0x69: {  	s0 =	sor.u32 s2, s0;
	[sflag:s31] =	ssyncadd.s32 $0xFFFFC000  }
0x6a: {  	v0 =	vld [tilespmem:s0+$0x400];
	_ =	sdelay $0x1  }
0x6b: {  	s7 =	simm.s32 $0x40  }
0x6c: {  	s4 =	sand.u32 $0x1E00, s7;
	s22 =	simm.s32 $0x10  }
0x6d: {  	s4 =	sshrl.u32 s4, $0x2;
	s2 =	sand.u32 $0x70, s22;
	s0 =	simm.s32 $0x1400  }
0x6e: {  	s4 =	sor.u32 s2, s4;
	[tilespmem:s0+$0x0] =	vst v0  }
0x6f: {  	v0 =	vld [tilespmem:s4+$0x400]  }
0x70: {  	s2 =	simm.s32 $0x80;
	s4 =	simm.s32 $0x20  }
.LBB2_9:
0x71: {  	s7 =	sand.u32 $0x1E00, s2  }
0x72: {  	p0 =	sne.s32 s2, $0x1FC0;
	s2 =	sadd.s32 $0x40, s2;
	s22 =	sand.u32 $0x70, s4  }
.Ltmp3:
0x73: {  	s0 =	sadd.s32 $0x80, s0;
	s7 =	sshrl.u32 s7, $0x2;
	(pc) =	sbr.rel @p0 .LBB2_9-.Ltmp3, $3  }
0x74: {  	s7 =	sor.u32 s22, s7;
	[tilespmem:s0+$0x0] =	vst v0  }
0x75: {  	v0 =	vld [tilespmem:s7+$0x400];
	_ =	sdelay $0x1  }
0x76: {  	s4 =	sadd.s32 $0x10, s4  }
0x77: {  	_ = 	snop  }
0x78: {  	s0 =	sadd.s32 $0x80, s0  }
0x79: {  	s7 =	simm.s32 $0x100;
	[tilespmem:s0+$0x0] =	vst v0  }
0x7a: {  	[spmem:s3] =	stream.indirect.scatter.add.f32 [tilespmem:s28], [sflag:$0x3], $0x80, s7, s26, $0xb8;
	[tilespmem:$0x1D480] =	vst v63  }
0x7b: {  	_ =	swait.ge [sflag:s29], $0x800  }
0x7c: {  	[sflag:s29] =	ssyncset.done $0x0  }
0x7d: {  	s22 =	sadd.s32 s19, s14;
	s2 =	simm.s32 $0x0;
	[sflag:s29] =	ssyncadd.s32 $0xFFFFF800  }
0x7e: {  	[tilespmem:s23], [sflag:$0x1] =	stream.linear.gather [hbm4b:s22+s2], $0x800, $0x38;
	[tilespmem:$0x1D480] =	vst v63  }
0x7f: {  	s4 =	sand.u32 $0x1E00, s2;
	_ =	swait.ge [sflag:s1], $0x4000  }
0x80: {  	s0 =	sshrl.u32 s4, $0x2;
	s2 =	sand.u32 $0x70, s2;
	[sflag:s1] =	ssyncset.done $0x0  }
0x81: {  	s0 =	sor.u32 s2, s0;
	[sflag:s1] =	ssyncadd.s32 $0xFFFFC000  }
0x82: {  	v0 =	vld [tilespmem:s0+$0xC00];
	_ =	sdelay $0x1  }
0x83: {  	s7 =	simm.s32 $0x40  }
0x84: {  	s4 =	sand.u32 $0x1E00, s7;
	s22 =	simm.s32 $0x10  }
0x85: {  	s4 =	sshrl.u32 s4, $0x2;
	s2 =	sand.u32 $0x70, s22;
	s0 =	simm.s32 $0x5400  }
0x86: {  	s4 =	sor.u32 s2, s4;
	[tilespmem:s0+$0x0] =	vst v0  }
0x87: {  	v0 =	vld [tilespmem:s4+$0xC00]  }
0x88: {  	s2 =	simm.s32 $0x80;
	s4 =	simm.s32 $0x20  }
.LBB2_11:
0x89: {  	s7 =	sand.u32 $0x1E00, s2  }
0x8a: {  	p0 =	sne.s32 s2, $0x1FC0;
	s2 =	sadd.s32 $0x40, s2;
	s22 =	sand.u32 $0x70, s4  }
.Ltmp4:
0x8b: {  	s0 =	sadd.s32 $0x80, s0;
	s7 =	sshrl.u32 s7, $0x2;
	(pc) =	sbr.rel @p0 .LBB2_11-.Ltmp4, $3  }
0x8c: {  	s7 =	sor.u32 s22, s7;
	[tilespmem:s0+$0x0] =	vst v0  }
0x8d: {  	v0 =	vld [tilespmem:s7+$0xC00];
	_ =	sdelay $0x1  }
0x8e: {  	s4 =	sadd.s32 $0x10, s4  }
0x8f: {  	_ = 	snop  }
0x90: {  	s0 =	sadd.s32 $0x80, s0  }
0x91: {  	s7 =	simm.s32 $0x180;
	[tilespmem:s0+$0x0] =	vst v0  }
0x92: {  	[spmem:s3] =	stream.indirect.scatter.add.f32 [tilespmem:s30], [sflag:$0x4], $0x80, s7, s26, $0xb8;
	[tilespmem:$0x1D480] =	vst v63  }
0x93: {  	_ =	swait.ge [sflag:s24], $0x800  }
0x94: {  	[sflag:s24] =	ssyncset.done $0x0  }
0x95: {  	s22 =	sadd.s32 s19, s15;
	s2 =	simm.s32 $0x0;
	[sflag:s24] =	ssyncadd.s32 $0xFFFFF800  }
0x96: {  	[tilespmem:s25], [sflag:$0x2] =	stream.linear.gather [hbm4b:s22+s2], $0x800, $0x38;
	[tilespmem:$0x1D480] =	vst v63  }
0x97: {  	s4 =	sand.u32 $0x1E00, s2;
	_ =	swait.ge [sflag:s31], $0x4000  }
0x98: {  	s0 =	sshrl.u32 s4, $0x2;
	s2 =	sand.u32 $0x70, s2;
	[sflag:s31] =	ssyncset.done $0x0  }
0x99: {  	s0 =	sor.u32 s2, s0;
	[sflag:s31] =	ssyncadd.s32 $0xFFFFC000  }
0x9a: {  	v0 =	vld [tilespmem:s0+$0x400];
	_ =	sdelay $0x1  }
0x9b: {  	s7 =	simm.s32 $0x40  }
0x9c: {  	s4 =	sand.u32 $0x1E00, s7;
	s22 =	simm.s32 $0x10  }
0x9d: {  	s4 =	sshrl.u32 s4, $0x2;
	s2 =	sand.u32 $0x70, s22;
	s0 =	simm.s32 $0x1400  }
0x9e: {  	s4 =	sor.u32 s2, s4;
	[tilespmem:s0+$0x0] =	vst v0  }
0x9f: {  	v0 =	vld [tilespmem:s4+$0x400]  }
0xa0: {  	s2 =	simm.s32 $0x80;
	s4 =	simm.s32 $0x20  }
.LBB2_13:
0xa1: {  	s7 =	sand.u32 $0x1E00, s2  }
0xa2: {  	p0 =	sne.s32 s2, $0x1FC0;
	s2 =	sadd.s32 $0x40, s2;
	s22 =	sand.u32 $0x70, s4  }
.Ltmp5:
0xa3: {  	s0 =	sadd.s32 $0x80, s0;
	s7 =	sshrl.u32 s7, $0x2;
	(pc) =	sbr.rel @p0 .LBB2_13-.Ltmp5, $3  }
0xa4: {  	s7 =	sor.u32 s22, s7;
	[tilespmem:s0+$0x0] =	vst v0  }
0xa5: {  	v0 =	vld [tilespmem:s7+$0x400];
	_ =	sdelay $0x1  }
0xa6: {  	s4 =	sadd.s32 $0x10, s4  }
0xa7: {  	_ = 	snop  }
0xa8: {  	s0 =	sadd.s32 $0x80, s0  }
0xa9: {  	s7 =	simm.s32 $0x200;
	[tilespmem:s0+$0x0] =	vst v0  }
0xaa: {  	[spmem:s3] =	stream.indirect.scatter.add.f32 [tilespmem:s28], [sflag:$0x3], $0x80, s7, s26, $0xb8;
	[tilespmem:$0x1D480] =	vst v63  }
0xab: {  	_ =	swait.ge [sflag:s29], $0x800  }
0xac: {  	[sflag:s29] =	ssyncset.done $0x0  }
0xad: {  	s22 =	sadd.s32 s19, s16;
	s2 =	simm.s32 $0x0;
	[sflag:s29] =	ssyncadd.s32 $0xFFFFF800  }
0xae: {  	[tilespmem:s23], [sflag:$0x1] =	stream.linear.gather [hbm4b:s22+s2], $0x800, $0x38;
	[tilespmem:$0x1D480] =	vst v63  }
0xaf: {  	s4 =	sand.u32 $0x1E00, s2;
	_ =	swait.ge [sflag:s1], $0x4000  }
0xb0: {  	s0 =	sshrl.u32 s4, $0x2;
	s2 =	sand.u32 $0x70, s2;
	[sflag:s1] =	ssyncset.done $0x0  }
0xb1: {  	s0 =	sor.u32 s2, s0;
	[sflag:s1] =	ssyncadd.s32 $0xFFFFC000  }
0xb2: {  	v0 =	vld [tilespmem:s0+$0xC00];
	_ =	sdelay $0x1  }
0xb3: {  	s7 =	simm.s32 $0x40  }
0xb4: {  	s4 =	sand.u32 $0x1E00, s7;
	s22 =	simm.s32 $0x10  }
0xb5: {  	s4 =	sshrl.u32 s4, $0x2;
	s2 =	sand.u32 $0x70, s22;
	s0 =	simm.s32 $0x5400  }
0xb6: {  	s4 =	sor.u32 s2, s4;
	[tilespmem:s0+$0x0] =	vst v0  }
0xb7: {  	v0 =	vld [tilespmem:s4+$0xC00]  }
0xb8: {  	s2 =	simm.s32 $0x80;
	s4 =	simm.s32 $0x20  }
.LBB2_15:
0xb9: {  	s7 =	sand.u32 $0x1E00, s2  }
0xba: {  	p0 =	sne.s32 s2, $0x1FC0;
	s2 =	sadd.s32 $0x40, s2;
	s22 =	sand.u32 $0x70, s4  }
.Ltmp6:
0xbb: {  	s0 =	sadd.s32 $0x80, s0;
	s7 =	sshrl.u32 s7, $0x2;
	(pc) =	sbr.rel @p0 .LBB2_15-.Ltmp6, $3  }
0xbc: {  	s7 =	sor.u32 s22, s7;
	[tilespmem:s0+$0x0] =	vst v0  }
0xbd: {  	v0 =	vld [tilespmem:s7+$0xC00];
	_ =	sdelay $0x1  }
0xbe: {  	s4 =	sadd.s32 $0x10, s4  }
0xbf: {  	_ = 	snop  }
0xc0: {  	s0 =	sadd.s32 $0x80, s0  }
0xc1: {  	s2 =	simm.s32 $0x280;
	[tilespmem:s0+$0x0] =	vst v0  }
0xc2: {  	[spmem:s3] =	stream.indirect.scatter.add.f32 [tilespmem:s30], [sflag:$0x4], $0x80, s2, s26, $0xb8;
	[tilespmem:$0x1D480] =	vst v63  }
0xc3: {  	_ =	swait.ge [sflag:s24], $0x800  }
0xc4: {  	[sflag:s24] =	ssyncset.done $0x0  }
0xc5: {  	s4 =	sadd.s32 s19, s17;
	s2 =	simm.s32 $0x0;
	[sflag:s24] =	ssyncadd.s32 $0xFFFFF800  }
0xc6: {  	[tilespmem:s25], [sflag:$0x2] =	stream.linear.gather [hbm4b:s4+s2], $0x800, $0x38;
	[tilespmem:$0x1D480] =	vst v63  }
0xc7: {  	s7 =	sand.u32 $0x1E00, s2;
	_ =	swait.ge [sflag:s31], $0x4000  }
0xc8: {  	s0 =	sshrl.u32 s7, $0x2;
	s2 =	sand.u32 $0x70, s2;
	[sflag:s31] =	ssyncset.done $0x0  }
0xc9: {  	s0 =	sor.u32 s2, s0;
	[sflag:s31] =	ssyncadd.s32 $0xFFFFC000  }
0xca: {  	v0 =	vld [tilespmem:s0+$0x400];
	_ =	sdelay $0x1  }
0xcb: {  	s19 =	simm.s32 $0x40  }
0xcc: {  	s22 =	simm.s32 $0x10;
	s4 =	sand.u32 $0x1E00, s19  }
0xcd: {  	s2 =	sand.u32 $0x70, s22;
	s4 =	sshrl.u32 s4, $0x2;
	s0 =	simm.s32 $0x1400  }
0xce: {  	s4 =	sor.u32 s2, s4;
	[tilespmem:s0+$0x0] =	vst v0  }
0xcf: {  	v0 =	vld [tilespmem:s4+$0x400]  }
0xd0: {  	s2 =	simm.s32 $0x80;
	s4 =	simm.s32 $0x20  }
.LBB2_17:
0xd1: {  	s7 =	sand.u32 $0x1E00, s2  }
0xd2: {  	p0 =	sne.s32 s2, $0x1FC0;
	s2 =	sadd.s32 $0x40, s2;
	s19 =	sand.u32 $0x70, s4  }
.Ltmp7:
0xd3: {  	s0 =	sadd.s32 $0x80, s0;
	s7 =	sshrl.u32 s7, $0x2;
	(pc) =	sbr.rel @p0 .LBB2_17-.Ltmp7, $3  }
0xd4: {  	s7 =	sor.u32 s19, s7;
	[tilespmem:s0+$0x0] =	vst v0  }
0xd5: {  	v0 =	vld [tilespmem:s7+$0x400];
	_ =	sdelay $0x1  }
0xd6: {  	s4 =	sadd.s32 $0x10, s4  }
0xd7: {  	_ = 	snop  }
0xd8: {  	s0 =	sadd.s32 $0x80, s0  }
0xd9: {  	s4 =	simm.s32 $0x300;
	[tilespmem:s0+$0x0] =	vst v0  }
0xda: {  	[spmem:s3] =	stream.indirect.scatter.add.f32 [tilespmem:s28], [sflag:$0x3], $0x80, s4, s26, $0xb8;
	[tilespmem:$0x1D480] =	vst v63  }
0xdb: {  	_ =	swait.ge [sflag:s29], $0x800  }
0xdc: {  	[sflag:s29] =	ssyncset.done $0x0  }
0xdd: {  	s7 =	simm.s32 $0x0;
	[sflag:s29] =	ssyncadd.s32 $0xFFFFF800  }
0xde: {  	s2 =	sand.u32 $0x1E00, s7;
	_ =	swait.ge [sflag:s1], $0x4000  }
0xdf: {  	s0 =	sand.u32 $0x70, s7;
	s2 =	sshrl.u32 s2, $0x2;
	[sflag:s1] =	ssyncset.done $0x0  }
0xe0: {  	s0 =	sor.u32 s0, s2;
	[sflag:s1] =	ssyncadd.s32 $0xFFFFC000  }
0xe1: {  	v0 =	vld [tilespmem:s0+$0xC00];
	_ =	sdelay $0x1  }
0xe2: {  	s19 =	simm.s32 $0x40  }
0xe3: {  	s22 =	simm.s32 $0x10;
	s4 =	sand.u32 $0x1E00, s19  }
0xe4: {  	s2 =	sand.u32 $0x70, s22;
	s4 =	sshrl.u32 s4, $0x2;
	s0 =	simm.s32 $0x5400  }
0xe5: {  	s4 =	sor.u32 s2, s4;
	[tilespmem:s0+$0x0] =	vst v0  }
0xe6: {  	v0 =	vld [tilespmem:s4+$0xC00]  }
0xe7: {  	s2 =	simm.s32 $0x80;
	s4 =	simm.s32 $0x20  }
.LBB2_19:
0xe8: {  	s7 =	sand.u32 $0x1E00, s2  }
0xe9: {  	p0 =	sne.s32 s2, $0x1FC0;
	s2 =	sadd.s32 $0x40, s2;
	s19 =	sand.u32 $0x70, s4  }
.Ltmp8:
0xea: {  	s0 =	sadd.s32 $0x80, s0;
	s7 =	sshrl.u32 s7, $0x2;
	(pc) =	sbr.rel @p0 .LBB2_19-.Ltmp8, $3  }
0xeb: {  	s7 =	sor.u32 s19, s7;
	[tilespmem:s0+$0x0] =	vst v0  }
0xec: {  	v0 =	vld [tilespmem:s7+$0xC00];
	_ =	sdelay $0x1  }
0xed: {  	s4 =	sadd.s32 $0x10, s4  }
0xee: {  	s20 =	sadd.s32 $0x1, s20  }
0xef: {  	p0 =	sne.s32 s20, $0xA  }
.Ltmp9:
0xf0: {  	_ = 	snop;
	(pc) =	sbr.rel @p0 .LBB2_4-.Ltmp9, $4  }
0xf1: {  	_ = 	snop  }
0xf2: {  	s0 =	sadd.s32 $0x80, s0  }
0xf3: {  	[tilespmem:s0+$0x0] =	vst v0  }
0xf4: {  	[spmem:s3] =	stream.indirect.scatter.add.f32 [tilespmem:s30], [sflag:$0x4], $0x80, s18, s26, $0xb8;
	[tilespmem:$0x1D480] =	vst v63  }
0xf5: {  	_ =	swait.ge [sflag:s31], $0x4000  }
0xf6: {  	[sflag:s31] =	ssyncset.done $0x0  }
0xf7: {  	[sflag:s31] =	ssyncadd.s32 $0xFFFFC000  }
0xf8: {  	_ =	swait.ge [sflag:s1], $0x4000  }
0xf9: {  	[sflag:s1] =	ssyncset.done $0x0  }
0xfa: {  	[sflag:s1] =	ssyncadd.s32 $0xFFFFC000  }
0xfb: {  	[bflag:$0x0] =	sbarrier.arrive $0xFFFF  }
0xfc: {  	s2 =	rddreg [dreg:$0x5]  }
0xfd: {  	s0 =	rddreg [dreg:$0x6]  }
0xfe: {  	s4 =	rddreg [dreg:$0x8]  }
0xff: {  	[hbm:s0], [sflag:s2] =	dma.local [spmem:s4], $0x2800  }
0x100: {  	_ =	swait.ge [sflag:s21], $0x2800  }
0x101: {  	s7 =	rddreg [dreg:$0x9]  }
0x102: {  	s22 =	rddreg [dreg:$0x7];
	s7 =	sadd.s32 $0x1, s7  }
0x103: {  	p0 =	sne.s32 s7, s22  }
.Ltmp10:
0x104: {  	_ = 	snop;
	(pc) =	sbr.rel @p0 .LBB2_1-.Ltmp10, $3  }
0x105: {  	_ =	sdelay $0x1  }
0x106: {  	[sflag:s21] =	ssyncset.done $0x0  }
0x107: {  	[sflag:s21] =	ssyncadd.s32 $0xFFFFD800  }
0x108: {  	_ =	sfence.sel $0x180000  }
0x109: {  	[bflag:$0x0] =	sbarrier.arrive $0xFFFF  }
0x10a: {  	_ =	strace $0x9000004A  }
0x10b: {  	s0 =	stileid.u32;
	[bflag:$0x2] =	sbarrier.arrive $0xFFFF  }
0x10c: {  	p0 =	sne.s32 s0, $0x0;
	s0 =	rddreg [dreg:$0x3]  }
0x10d: {  	s0 =	sadd.s32 @!p0 $0x100000, s0  }
0x10e: {  	[sflag:s0] =	ssyncadd.tile.s32 @!p0 $0x1;
	_ =	shalt  }
.Lfunc_end2:
_tile_overlayer_lowered:
.L_overlay_start_2:
0x10f: {  	(tag) =	ssettag $0x2  }
0x110: {  	s0 =	rddreg [dreg:$0x0];
	s2 =	stileid.u32  }
0x111: {  	s1 =	rddreg [dreg:$0x1];
	p0 =	sne.s32 s2, $0x0  }
0x112: {  	s3 =	rddreg [dreg:$0x2];
	[bflag:$0x3] =	sbarrier.arrive $0xFFFF;
	s2 =	simm.s32 @!p0 $0x1C05  }
0x113: {  	[timem:s3], [sflag:s2] =	dma.local @!p0 [hbm:s0], s1  }
0x114: {  	s0 =	simm.s32 @!p0 $0x5  }
0x115: {  	_ =	swait.ge @!p0 [sflag:s0], s1  }
0x116: {  	s1 =	ssub.s32 @!p0 $0x0, s1;
	[sflag:s0] =	ssyncset.done @!p0 $0x0  }
0x117: {  	[sflag:s0] =	ssyncadd.s32 @!p0 s1  }
0x118: {  	[bflag:$0x3] =	sbarrier.arrive $0xFFFF  }
0x119: {  	_ =	shalt  }

// kernel: kernel.13.cloned.1.call-start
scs
__scs_entry_jumppad:
0x0: {  	(pc) =	sbr.rel $0x88, $3  }
0x1: {  	(tag) =	ssettag $0x0;
	lr =	simm.s32 $0x1  }
0x2: {  	[smem:$0x3F96] =	sst lr;
	_ =	strace $0xD0000000  }
0x3: {  	_ = 	snop  }
0x4: {  	_ = 	snop  }
0x5: {  	_ = 	snop  }
0x6: {  	_ = 	snop  }
0x7: {  	_ = 	snop  }
__scs_overlays_trampoline_lowered:
0x8: {  	[smem:$0x3FA5] =	sst s0  }
0x9: {  	[smem:$0x3FA6] =	sst s1  }
0xa: {  	[smem:$0x3FA7] =	sst s2  }
0xb: {  	[smem:$0x3FA8] =	sst s3  }
0xc: {  	[smem:$0x3FA9] =	sst s4  }
0xd: {  	[smem:$0x3FAA] =	sst s5  }
0xe: {  	[smem:$0x3FAB] =	sst s6  }
0xf: {  	[smem:$0x3FAC] =	sst s7  }
0x10: {  	[smem:$0x3FAD] =	sst s8  }
0x11: {  	[smem:$0x3FAE] =	sst s9;
	s0 =	simm.s32 @!p0 $0x0  }
0x12: {  	s1 =	sld [smem:$0x3F94];
	s0 =	simm.s32 @p0 $0x1  }
0x13: {  	[smem:$0x3FAF] =	sst s0;
	s0 =	simm.s32 @!p1 $0x0  }
0x14: {  	s2 =	sld [smem:$0x3F93];
	s0 =	simm.s32 @p1 $0x1  }
0x15: {  	[smem:$0x3FB0] =	sst s0;
	s0 =	simm.s32 @!p2 $0x0  }
0x16: {  	s3 =	sld [smem:$0x3FDB];
	s0 =	simm.s32 @p2 $0x1  }
0x17: {  	s4 =	simm.s32 $0x1BF5;
	[smem:$0x3FB2] =	sst s0  }
0x18: {  	s0 =	sld [smem:$0x3F95];
	_ =	swait.ge [sflag:s4], $0x0  }
0x19: {  	s7 =	sld [smem:$0x3F96]  }
0x1a: {  	s8 =	sadd.s32 $0xFFFFE003, lr  }
0x1b: {  	s9 =	sadd.s32 $0xFFFFFEF7, lr;
	s5 =	simm.s32 $0xFFFFFFFF;
	p2 =	slt.u32 s8, $0xFFFFF086  }
0x1c: {  	p1 =	slt.u32 s9, $0xF7A;
	s5 =	simm.s32 @!p2 $0x0  }
0x1d: {  	s5 =	simm.s32 @p1 $0x1;
	p0 =	seq.s32 s7, s2  }
0x1e: {  	s7 =	smul.u32 @!p0 $0xF7A, s2;
	p2 =	seq.s32 @!p0 s5, $0x0  }
0x1f: {  	s9 =	smul.u32 $0xF7A, s1;
	s8 =	simm.s32 @!p0 $0x1BF5;
	p2 =	por !p2, p0  }
0x20: {  	[sflag:s8] =	ssyncset.s32 @!p0 $0xFFFFF086;
	s6 =	sadd.s32 @!p0 s3, s7;
	s7 =	simm.s32 @!p0 $0x108  }
0x21: {  	s3 =	sadd.s32 s3, s9;
	s6 =	sadd.s32 @!p0 $0x88, s6;
	s7 =	simm.s32 @p2 $0x1082  }
0x22: {  	[simem:s7], [sflag:s8] =	dma.local @!p0 [hbm:s6], $0xF7A  }
0x23: {  	s9 =	sor.u32 $0xD0000000, s2;
	s6 =	simm.s32 $0x108;
	_ =	swait.ge @!p0 [sflag:s8], $0x0  }
0x24: {  	s3 =	sadd.s32 $0x88, s3;
	s6 =	simm.s32 @!p1 $0x1082;
	[sflag:s4] =	ssyncset.s32 $0xFFFFF086  }
0x25: {  	[simem:s6], [sflag:s4] =	dma.local [hbm:s3], $0xF7A  }
0x26: {  	[smem:$0x3F96] =	sst s1;
	(tag) =	ssettag s2;
	_ =	strace s9  }
0x27: {  	s1 =	sld [smem:$0x3FA6]  }
0x28: {  	s2 =	sld [smem:$0x3FA7]  }
0x29: {  	s4 =	sld [smem:$0x3FA9]  }
0x2a: {  	p0 =	seq.s32 s5, $0x0;
	s5 =	sld [smem:$0x3FAA]  }
0x2b: {  	s6 =	sld [smem:$0x3FAB]  }
0x2c: {  	s7 =	sld [smem:$0x3FAC]  }
0x2d: {  	s3 =	simm.s32 $0x108;
	s8 =	sld [smem:$0x3FAD]  }
0x2e: {  	s3 =	simm.s32 @!p0 $0x1082;
	s9 =	sld [smem:$0x3FAE]  }
0x2f: {  	lr =	sadd.s32 s0, s3;
	s0 =	sld [smem:$0x3FA5]  }
0x30: {  	s3 =	sld [smem:$0x3FA8]  }
0x31: {  	[smem:$0x3FB1] =	sst s10  }
0x32: {  	s10 =	sld [smem:$0x3FAF];
	_ =	sdelay $0x3  }
0x33: {  	p0 =	seq.s32 s10, $0x1;
	s10 =	sld [smem:$0x3FB1];
	_ =	sdelay $0x3  }
0x34: {  	[smem:$0x3FB1] =	sst s10  }
0x35: {  	s10 =	sld [smem:$0x3FB0];
	_ =	sdelay $0x3  }
0x36: {  	p1 =	seq.s32 s10, $0x1;
	s10 =	sld [smem:$0x3FB1];
	_ =	sdelay $0x3  }
0x37: {  	[smem:$0x3FB1] =	sst s10  }
0x38: {  	s10 =	sld [smem:$0x3FB2]  }
0x39: {  	_ = 	snop;
	(pc) =	sbr.ind lr, $3  }
0x3a: {  	_ = 	snop  }
0x3b: {  	_ = 	snop  }
0x3c: {  	p2 =	seq.s32 s10, $0x1;
	s10 =	sld [smem:$0x3FB1]  }
0x3d: {  	_ =	shalt  }
0x3e: {  	_ =	shalt  }
0x3f: {  	_ =	shalt  }
0x40: {  	_ =	shalt  }
0x41: {  	_ =	shalt  }
0x42: {  	_ =	shalt  }
0x43: {  	_ =	shalt  }
0x44: {  	_ =	shalt  }
0x45: {  	_ =	shalt  }
0x46: {  	_ =	shalt  }
0x47: {  	_ =	shalt  }
0x48: {  	_ =	shalt  }
0x49: {  	_ =	shalt  }
0x4a: {  	_ =	shalt  }
0x4b: {  	_ =	shalt  }
0x4c: {  	_ =	shalt  }
0x4d: {  	_ =	shalt  }
0x4e: {  	_ =	shalt  }
0x4f: {  	_ =	shalt  }
0x50: {  	_ =	shalt  }
0x51: {  	_ =	shalt  }
0x52: {  	_ =	shalt  }
0x53: {  	_ =	shalt  }
0x54: {  	_ =	shalt  }
0x55: {  	_ =	shalt  }
0x56: {  	_ =	shalt  }
0x57: {  	_ =	shalt  }
0x58: {  	_ =	shalt  }
0x59: {  	_ =	shalt  }
0x5a: {  	_ =	shalt  }
0x5b: {  	_ =	shalt  }
0x5c: {  	_ =	shalt  }
0x5d: {  	_ =	shalt  }
0x5e: {  	_ =	shalt  }
0x5f: {  	_ =	shalt  }
0x60: {  	_ =	shalt  }
0x61: {  	_ =	shalt  }
0x62: {  	_ =	shalt  }
0x63: {  	_ =	shalt  }
0x64: {  	_ =	shalt  }
0x65: {  	_ =	shalt  }
0x66: {  	_ =	shalt  }
0x67: {  	_ =	shalt  }
0x68: {  	_ =	shalt  }
0x69: {  	_ =	shalt  }
0x6a: {  	_ =	shalt  }
0x6b: {  	_ =	shalt  }
0x6c: {  	_ =	shalt  }
0x6d: {  	_ =	shalt  }
0x6e: {  	_ =	shalt  }
0x6f: {  	_ =	shalt  }
0x70: {  	_ =	shalt  }
0x71: {  	_ =	shalt  }
0x72: {  	_ =	shalt  }
0x73: {  	_ =	shalt  }
0x74: {  	_ =	shalt  }
0x75: {  	_ =	shalt  }
0x76: {  	_ =	shalt  }
0x77: {  	_ =	shalt  }
0x78: {  	_ =	shalt  }
0x79: {  	_ =	shalt  }
0x7a: {  	_ =	shalt  }
0x7b: {  	_ =	shalt  }
0x7c: {  	_ =	shalt  }
0x7d: {  	_ =	shalt  }
0x7e: {  	_ =	shalt  }
0x7f: {  	_ =	shalt  }
0x80: {  	_ =	shalt  }
0x81: {  	_ =	shalt  }
0x82: {  	_ =	shalt  }
0x83: {  	_ =	shalt  }
0x84: {  	_ =	shalt  }
0x85: {  	_ =	shalt  }
0x86: {  	_ =	shalt  }
0x87: {  	_ =	shalt  }
.Lfunc_end0:
.L_simem_size_0:
called_computation.2_lowered:
.L_overlay_start_0:
0x88: {  	s2 =	sld [smem:$0x3FD9]  }
0x89: {  	s3 =	sld [smem:$0x3FFE];
	_ =	sdelay $0x1  }
0x8a: {  	s1 =	srdreg.scid  }
0x8b: {  	s0 =	sand.u32 $0x1, s1  }
0x8c: {  	s17 =	sshll.u32 s0, $0xA;
	s2 =	sadd.s32 s3, s2  }
0x8d: {  	s2 =	sadd.s32 s2, s17  }
0x8e: {  	[smem:$0x3FBD] =	sst s2  }
0x8f: {  	_ = 	snop  }
0x90: {  	s2 =	sld [smem:$0x3FD0];
	(tm) =	ssettm $0x1  }
0x91: {  	s18 =	sld [smem:$0x3FFB];
	_ =	sdelay $0x3  }
0x92: {  	_ =	strace s18  }
0x93: {  	s3 =	sld [smem:$0x3FFC];
	_ =	sdelay $0x3  }
0x94: {  	_ =	strace s3  }
0x95: {  	s3 =	sld [smem:$0x3FFD];
	_ =	sdelay $0x3  }
0x96: {  	_ =	strace s3  }
0x97: {  	_ =	strace $0x8FFFFFFF  }
0x98: {  	s19 =	sld [smem:$0x3FDB];
	_ =	sdelay $0x1  }
0x99: {  	s4 =	simm.s32 $_scs_section_size  }
0x9a: {  	s5 =	simm.s32 $_size__tile_overlayer_lowered;
	s6 =	simm.s32 $_tile_overlayer_lowered  }
0x9b: {  	s22 =	simm.s32 $0x1BFF;
	s21 =	sshll.u32 s6, $0x1;
	s3 =	sadd.s32 s4, s19  }
0x9c: {  	s7 =	simm.s32 $0x0;
	s20 =	sshll.u32 s5, $0x1;
	s5 =	sadd.s32 s21, s3  }
0x9d: {  	[timem:s7], [sflag:s22] =	dma.local [hbm:s5], s20  }
0x9e: {  	_ =	swait.ge [sflag:s22], s20  }
0x9f: {  	s4 =	ssub.s32 $0x0, s20;
	[sflag:s22] =	ssyncset.done $0x0  }
0xa0: {  	[sflag:s22] =	ssyncadd.s32 s4;
	_ =	sdelay $0x1  }
0xa1: {  	s23 =	simm.s32 $0x1B8B  }
0xa2: {  	_ =	swait.ge [sflag:s23], $0x1  }
0xa3: {  	[sflag:s23] =	ssyncset.done $0x0  }
0xa4: {  	s25 =	simm.s32 $0x1B8E;
	s24 =	sld [smem:$0x3FFE];
	[sflag:s23] =	ssyncadd.s32 $0xFFFFFFFF  }
0xa5: {  	s26 =	simm.s32 $execute0_lowered;
	[smem:$0x3FD2] =	sst s25  }
0xa6: {  	s5 =	sshll.u32 s26, $0x1;
	_ =	strace $0x8000004C;
	[dreg:$0x1] =	wrdreg $0xFFFFFFFF  }
0xa7: {  	s28 =	simm.s32 $_size_execute0_lowered;
	s3 =	sadd.s32 s3, s5;
	[dreg:$0x0] =	wrdreg $0x0  }
0xa8: {  	s5 =	sshll.u32 s28, $0x1;
	[dreg:$0x2] =	wrdreg s3  }
0xa9: {  	[dreg:$0x3] =	wrdreg s5  }
0xaa: {  	[dreg:$0x4] =	wrdreg $0xC0  }
0xab: {  	_ =	task [dreg:s7], $0x5FFFF  }
0xac: {  	[dreg:$0x1] =	wrdreg $0xFFFFFFFF  }
0xad: {  	[dreg:$0x0] =	wrdreg $0x60  }
0xae: {  	[dreg:$0x2] =	wrdreg s2  }
0xaf: {  	[dreg:$0x3] =	wrdreg s24  }
0xb0: {  	[dreg:$0x4] =	wrdreg $0x90000  }
0xb1: {  	[dreg:$0x5] =	wrdreg $0x9  }
0xb2: {  	_ =	task.clear_ibuf [dreg:s7], $0x6FFFF;
	_ =	strace $0x9000004C  }
0xb3: {  	s29 =	simm.s32 $0x9;
	_ =	strace $0x8000004E  }
0xb4: {  	_ =	swait.ge [sflag:s29], $0x1  }
0xb5: {  	[sflag:s29] =	ssyncadd.s32 $0xFFFFFFFF  }
0xb6: {  	_ =	strace $0x9000004E  }
0xb7: {  	_ =	sfence  }
0xb8: {  	s30 =	sld [smem:$0x0];
	_ =	sdelay $0x2  }
0xb9: {  	s31 =	sshll.u32 s1, $0xD;
	s1 =	sshrl.u32 s1, $0x2  }
0xba: {  	s3 =	sand.u32 $0x4000, s31;
	s1 =	sadd.s32 s1, s30  }
0xbb: {  	s0 =	sor.u32 s3, s0;
	s1 =	sshll.u32 s1, $0x11  }
0xbc: {  	s0 =	sor.u32 s1, s0  }
0xbd: {  	s0 =	sadd.s32 $0x8F2B, s0  }
0xbe: {  	[sflag:s0] =	ssyncadd.remote.s32 $0x1  }
0xbf: {  	_ =	sfence.sel $0xFFFF  }
0xc0: {  	[dreg:$0x0] =	wrdreg $0xFFFFFFFF;
	(pc) =	sbr.abs _section_cstart, $3  }
0xc1: {  	[dreg:$0x1] =	wrdreg $0xFFFFFFFF  }
0xc2: {  	_ =	task.clear_ibuf [dreg:s7], $0x2FFFF;
	_ =	strace $0x9FFFFFFF  }
0xc3: {  	(tm) =	ssettm $0x7FFFFFFF  }
tec
execute0_lowered:
.L_overlay_start_1:
0x0: {  	(tag) =	ssettag $0x1  }
0x1: {  	s2 =	rddreg [dreg:$0x0]  }
0x2: {  	s0 =	rddreg [dreg:$0x1]  }
0x3: {  	s3 =	rddreg [dreg:$0x2];
	s14 =	stileid.u32  }
0x4: {  	s1 =	srdreg.scid;
	s4 =	simm.s32 $0x0;
	s19 =	simm.s32 $0x100  }
0x5: {  	s20 =	simm.s32 $0x480;
	s22 =	simm.s32 $0x180;
	s23 =	simm.s32 $0x500  }
0x6: {  	s24 =	simm.s32 $0x200;
	s25 =	simm.s32 $0x580;
	s28 =	simm.s32 $0xE80  }
0x7: {  	s29 =	simm.s32 $0xB80;
	s30 =	simm.s32 $0xF00;
	s31 =	simm.s32 $0xF80  }
0x8: {  	s7 =	smul.u32 $0x14000, s14;
	s1 =	sand.u32 $0x1, s1;
	[smem:$0x7FF] =	sst s4  }
0x9: {  	s11 =	smul.u32 $0x2800, s14;
	_ =	strace $0x8000004D;
	[dreg:$0x6] =	wrdreg s19  }
0xa: {  	s5 =	sadd.s32 $0x4A00, s0;
	s15 =	smul.u32 $0x50000, s14;
	[dreg:$0x7] =	wrdreg s20  }
0xb: {  	s6 =	sadd.s32 $0xEA00, s0;
	s8 =	smul.u32 $0x140000, s1;
	[dreg:$0x8] =	wrdreg s22  }
0xc: {  	s21 =	sshll.u32 s14, $0x6;
	s9 =	smul.u32 $0x28000, s1;
	[dreg:$0x9] =	wrdreg s23  }
0xd: {  	s16 =	ssub.s32 $0x2, s1;
	s1 =	sshll.u32 s1, $0x4;
	[dreg:$0xa] =	wrdreg s24  }
0xe: {  	[dreg:$0xb] =	wrdreg s25;
	s19 =	simm.s32 $0x880;
	s20 =	simm.s32 $0x900  }
0xf: {  	s22 =	simm.s32 $0x980;
	s23 =	simm.s32 $0xD00;
	[dreg:$0x13] =	wrdreg s19  }
0x10: {  	s24 =	simm.s32 $0xA00;
	s25 =	simm.s32 $0xD80;
	[dreg:$0x14] =	wrdreg s20  }
0x11: {  	s10 =	sshrl.u32 s7, $0x3;
	s12 =	sshrl.u32 s16, $0x1;
	[dreg:$0x16] =	wrdreg s22  }
0x12: {  	s1 =	sor.u32 s14, s1;
	s14 =	simm.s32 $0x300;
	[dreg:$0x17] =	wrdreg s23  }
0x13: {  	s19 =	simm.s32 $0xC00;
	s20 =	simm.s32 $0x80;
	[dreg:$0x18] =	wrdreg s24  }
0x14: {  	s22 =	simm.s32 $0x1;
	s23 =	simm.s32 $0x5000;
	[dreg:$0x19] =	wrdreg s25  }
0x15: {  	s24 =	simm.s32 $0x2;
	s25 =	simm.s32 $0xE00;
	s10 =	sadd.s32 s10, s0  }
0x16: {  	s7 =	sadd.s32 s7, s8;
	s9 =	sadd.s32 s11, s9;
	s8 =	sshrl.u32 s15, $0x2  }
0x17: {  	s1 =	smul.u32 $0x2800, s1;
	[dreg:$0xe] =	wrdreg s14;
	s15 =	simm.s32 $0x680  }
0x18: {  	s7 =	sshrl.u32 s7, $0x3;
	s11 =	sor.u32 $0x400, s9;
	s13 =	sadd.s32 s8, s3  }
0x19: {  	s10 =	sadd.s32 $0x18A00, s10;
	s8 =	sor.u32 $0x1C04, s21;
	[dreg:$0xf] =	wrdreg s15  }
0x1a: {  	s15 =	simm.s32 $0x4;
	s21 =	simm.s32 $0xC80;
	[dreg:$0x1b] =	wrdreg s10  }
0x1b: {  	s0 =	sadd.s32 s7, s0;
	s10 =	simm.s32 $0x280;
	[dreg:$0x15] =	wrdreg s21  }
0x1c: {  	s7 =	ssub.s32 s16, s12;
	s12 =	simm.s32 $0x600;
	[dreg:$0xc] =	wrdreg s10  }
0x1d: {  	s11 =	sshrl.u32 s11, $0x3;
	s16 =	simm.s32 $0x380;
	[dreg:$0xd] =	wrdreg s12  }
0x1e: {  	s1 =	sshrl.u32 s1, $0x3;
	s17 =	sadd.s32 s11, s6;
	[dreg:$0x10] =	wrdreg s16  }
0x1f: {  	s14 =	sshrl.u32 s13, $0x3;
	s18 =	sadd.s32 s11, s5;
	[dreg:$0x4] =	wrdreg s17  }
0x20: {  	s21 =	simm.s32 $0x1000;
	s26 =	sadd.s32 s5, s1;
	[dreg:$0x5] =	wrdreg s18  }
0x21: {  	s1 =	sadd.s32 s6, s1;
	s0 =	sadd.s32 $0x40A00, s0;
	[dreg:$0x1c] =	wrdreg s26  }
0x22: {  	s12 =	smax.u32 s7, $0x1;
	s7 =	sadd.s32 $0x800, s9;
	[dreg:$0x1d] =	wrdreg s1  }
0x23: {  	s16 =	simm.s32 $0x400;
	[dreg:$0x1e] =	wrdreg s0;
	s17 =	simm.s32 $0x700  }
0x24: {  	s18 =	simm.s32 $0x780;
	s26 =	simm.s32 $0xA80;
	[dreg:$0x11] =	wrdreg s17  }
0x25: {  	s0 =	simm.s32 $0x0;
	[dreg:$0x12] =	wrdreg s18;
	s17 =	simm.s32 $0x3  }
0x26: {  	s18 =	simm.s32 $0x800;
	[dreg:$0x1a] =	wrdreg s26;
	s26 =	simm.s32 $0xB00  }
.LBB2_1:
0x27: {  	s1 =	rddreg [dreg:$0x1b]  }
0x28: {  	[spmem:s14], [sflag:s8] =	dma.local [hbm:s1], $0x2800  }
0x29: {  	_ =	swait.ge [sflag:s15], $0x2800  }
0x2a: {  	[sflag:s15] =	ssyncset.done $0x0  }
0x2b: {  	[sflag:s15] =	ssyncadd.s32 $0xFFFFD800  }
0x2c: {  	[bflag:$0x0] =	sbarrier.arrive $0xFFFF  }
0x2d: {  	s10 =	rddreg [dreg:$0x1c]  }
0x2e: {  	[tilespmem:s4], [sflag:$0x3] =	stream.linear.gather [hbm4b:s10+s4], $0x400, $0x38;
	[tilespmem:$0x1D000] =	vst v63  }
0x2f: {  	s11 =	rddreg [dreg:$0x1d]  }
0x30: {  	[tilespmem:s16], [sflag:$0x3] =	stream.linear.gather [hbm4b:s11+s4], $0x400, $0x38;
	[tilespmem:$0x1D000] =	vst v63  }
0x31: {  	_ =	swait.ge [sflag:s17], $0x400  }
0x32: {  	[sflag:s17] =	ssyncset.done $0x0  }
0x33: {  	[sflag:s17] =	ssyncadd.s32 $0xFFFFFC00  }
0x34: {  	_ =	swait.ge [sflag:s17], $0x400  }
0x35: {  	s13 =	rddreg [dreg:$0x5];
	[sflag:s17] =	ssyncset.done $0x0  }
0x36: {  	s9 =	rddreg [dreg:$0x4];
	[sflag:s17] =	ssyncadd.s32 $0xFFFFFC00;
	s1 =	sadd.s32 $0x0, s13  }
0x37: {  	[tilespmem:s18], [sflag:$0x3] =	stream.linear.gather [hbm4b:s1+s4], $0x400, $0x38;
	[tilespmem:$0x1D000] =	vst v63  }
0x38: {  	s10 =	sadd.s32 $0x0, s9  }
0x39: {  	[tilespmem:s19], [sflag:$0x3] =	stream.linear.gather [hbm4b:s10+s4], $0x400, $0x38;
	[tilespmem:$0x1D000] =	vst v63  }
0x3a: {  	_ = 	snop  }
0x3b: {  	[tilespmem:s21], [sflag:$0x1] =	stream.indirect.gather [hbm4b:s2+s20], $0x80, s4, s20, $0xb8;
	[tilespmem:$0x1D000] =	vst v63  }
0x3c: {  	_ =	swait.ge [sflag:s22], $0x4000  }
0x3d: {  	[sflag:s22] =	ssyncset.done $0x0  }
0x3e: {  	[sflag:s22] =	ssyncadd.s32 $0xFFFFC000  }
0x3f: {  	[tilespmem:s23], [sflag:$0x2] =	stream.indirect.gather [hbm4b:s2+s20], $0x80, s20, s20, $0xb8;
	[tilespmem:$0x1D000] =	vst v63  }
0x40: {  	_ = 	snop  }
0x41: {  	[spmem:s3] =	stream.indirect.scatter.add.f32 [tilespmem:s21], [sflag:$0x4], $0x80, s16, s20, $0xb8;
	[tilespmem:$0x1D000] =	vst v63  }
0x42: {  	_ =	swait.ge [sflag:s15], $0x4000  }
0x43: {  	[sflag:s15] =	ssyncset.done $0x0  }
0x44: {  	[sflag:s15] =	ssyncadd.s32 $0xFFFFC000  }
0x45: {  	_ =	swait.ge [sflag:s24], $0x4000  }
0x46: {  	[sflag:s24] =	ssyncset.done $0x0  }
0x47: {  	s11 =	rddreg [dreg:$0x6];
	[sflag:s24] =	ssyncadd.s32 $0xFFFFC000  }
0x48: {  	[tilespmem:s21], [sflag:$0x1] =	stream.indirect.gather [hbm4b:s2+s20], $0x80, s11, s20, $0xb8;
	[tilespmem:$0x1D000] =	vst v63  }
0x49: {  	s13 =	rddreg [dreg:$0x7]  }
0x4a: {  	[spmem:s3] =	stream.indirect.scatter.add.f32 [tilespmem:s23], [sflag:$0x4], $0x80, s13, s20, $0xb8;
	[tilespmem:$0x1D000] =	vst v63  }
0x4b: {  	_ =	swait.ge [sflag:s15], $0x4000  }
0x4c: {  	[sflag:s15] =	ssyncset.done $0x0  }
0x4d: {  	[sflag:s15] =	ssyncadd.s32 $0xFFFFC000  }
0x4e: {  	_ =	swait.ge [sflag:s22], $0x4000  }
0x4f: {  	[sflag:s22] =	ssyncset.done $0x0  }
0x50: {  	s9 =	rddreg [dreg:$0x8];
	[sflag:s22] =	ssyncadd.s32 $0xFFFFC000  }
0x51: {  	[tilespmem:s23], [sflag:$0x2] =	stream.indirect.gather [hbm4b:s2+s20], $0x80, s9, s20, $0xb8;
	[tilespmem:$0x1D000] =	vst v63  }
0x52: {  	s10 =	rddreg [dreg:$0x9]  }
0x53: {  	[spmem:s3] =	stream.indirect.scatter.add.f32 [tilespmem:s21], [sflag:$0x4], $0x80, s10, s20, $0xb8;
	[tilespmem:$0x1D000] =	vst v63  }
0x54: {  	_ =	swait.ge [sflag:s15], $0x4000  }
0x55: {  	[sflag:s15] =	ssyncset.done $0x0  }
0x56: {  	[sflag:s15] =	ssyncadd.s32 $0xFFFFC000  }
0x57: {  	_ =	swait.ge [sflag:s24], $0x4000  }
0x58: {  	[sflag:s24] =	ssyncset.done $0x0  }
0x59: {  	s11 =	rddreg [dreg:$0xa];
	[sflag:s24] =	ssyncadd.s32 $0xFFFFC000  }
0x5a: {  	[tilespmem:s21], [sflag:$0x1] =	stream.indirect.gather [hbm4b:s2+s20], $0x80, s11, s20, $0xb8;
	[tilespmem:$0x1D000] =	vst v63  }
0x5b: {  	s13 =	rddreg [dreg:$0xb]  }
0x5c: {  	[spmem:s3] =	stream.indirect.scatter.add.f32 [tilespmem:s23], [sflag:$0x4], $0x80, s13, s20, $0xb8;
	[tilespmem:$0x1D000] =	vst v63  }
0x5d: {  	_ =	swait.ge [sflag:s15], $0x4000  }
0x5e: {  	[sflag:s15] =	ssyncset.done $0x0  }
0x5f: {  	[sflag:s15] =	ssyncadd.s32 $0xFFFFC000  }
0x60: {  	_ =	swait.ge [sflag:s22], $0x4000  }
0x61: {  	[sflag:s22] =	ssyncset.done $0x0  }
0x62: {  	s9 =	rddreg [dreg:$0xc];
	[sflag:s22] =	ssyncadd.s32 $0xFFFFC000  }
0x63: {  	[tilespmem:s23], [sflag:$0x2] =	stream.indirect.gather [hbm4b:s2+s20], $0x80, s9, s20, $0xb8;
	[tilespmem:$0x1D000] =	vst v63  }
0x64: {  	s10 =	rddreg [dreg:$0xd]  }
0x65: {  	[spmem:s3] =	stream.indirect.scatter.add.f32 [tilespmem:s21], [sflag:$0x4], $0x80, s10, s20, $0xb8;
	[tilespmem:$0x1D000] =	vst v63  }
0x66: {  	_ =	swait.ge [sflag:s15], $0x4000  }
0x67: {  	[sflag:s15] =	ssyncset.done $0x0  }
0x68: {  	[sflag:s15] =	ssyncadd.s32 $0xFFFFC000  }
0x69: {  	_ =	swait.ge [sflag:s24], $0x4000  }
0x6a: {  	[sflag:s24] =	ssyncset.done $0x0  }
0x6b: {  	s11 =	rddreg [dreg:$0xe];
	[sflag:s24] =	ssyncadd.s32 $0xFFFFC000  }
0x6c: {  	[tilespmem:s21], [sflag:$0x1] =	stream.indirect.gather [hbm4b:s2+s20], $0x80, s11, s20, $0xb8;
	[tilespmem:$0x1D000] =	vst v63  }
0x6d: {  	s13 =	rddreg [dreg:$0xf]  }
0x6e: {  	[spmem:s3] =	stream.indirect.scatter.add.f32 [tilespmem:s23], [sflag:$0x4], $0x80, s13, s20, $0xb8;
	[tilespmem:$0x1D000] =	vst v63  }
0x6f: {  	_ =	swait.ge [sflag:s15], $0x4000  }
0x70: {  	[sflag:s15] =	ssyncset.done $0x0  }
0x71: {  	[sflag:s15] =	ssyncadd.s32 $0xFFFFC000  }
0x72: {  	_ =	swait.ge [sflag:s22], $0x4000  }
0x73: {  	[sflag:s22] =	ssyncset.done $0x0  }
0x74: {  	s9 =	rddreg [dreg:$0x10];
	[sflag:s22] =	ssyncadd.s32 $0xFFFFC000  }
0x75: {  	[tilespmem:s23], [sflag:$0x2] =	stream.indirect.gather [hbm4b:s2+s20], $0x80, s9, s20, $0xb8;
	[tilespmem:$0x1D000] =	vst v63  }
0x76: {  	s10 =	rddreg [dreg:$0x11]  }
0x77: {  	[spmem:s3] =	stream.indirect.scatter.add.f32 [tilespmem:s21], [sflag:$0x4], $0x80, s10, s20, $0xb8;
	[tilespmem:$0x1D000] =	vst v63  }
0x78: {  	_ =	swait.ge [sflag:s15], $0x4000  }
0x79: {  	[sflag:s15] =	ssyncset.done $0x0  }
0x7a: {  	[sflag:s15] =	ssyncadd.s32 $0xFFFFC000  }
0x7b: {  	_ =	swait.ge [sflag:s24], $0x4000  }
0x7c: {  	[sflag:s24] =	ssyncset.done $0x0  }
0x7d: {  	s11 =	rddreg [dreg:$0x12];
	[sflag:s24] =	ssyncadd.s32 $0xFFFFC000  }
0x7e: {  	[spmem:s3] =	stream.indirect.scatter.add.f32 [tilespmem:s23], [sflag:$0x4], $0x80, s11, s20, $0xb8;
	[tilespmem:$0x1D000] =	vst v63  }
0x7f: {  	_ =	swait.ge [sflag:s15], $0x4000  }
0x80: {  	[sflag:s15] =	ssyncset.done $0x0  }
0x81: {  	[sflag:s15] =	ssyncadd.s32 $0xFFFFC000  }
0x82: {  	_ =	swait.ge [sflag:s17], $0x400  }
0x83: {  	[sflag:s17] =	ssyncset.done $0x0  }
0x84: {  	[sflag:s17] =	ssyncadd.s32 $0xFFFFFC00  }
0x85: {  	p0 =	por $0x0, $0x0;
	_ =	swait.ge [sflag:s17], $0x400  }
0x86: {  	s1 =	sshrl.u32 @!p0 s7, $0x3;
	[sflag:s17] =	ssyncset.done $0x0  }
0x87: {  	s13 =	simm.s32 @!p0 $0x0;
	s9 =	sadd.s32 @!p0 s5, s1;
	[sflag:s17] =	ssyncadd.s32 $0xFFFFFC00  }
0x88: {  	[tilespmem:s13], [sflag:$0x3] =	stream.linear.gather @!p0 [hbm4b:s9+s13], $0x400, $0x38;
	[tilespmem:$0x1D000] =	vst v63  }
0x89: {  	s1 =	sadd.s32 @!p0 s6, s1;
	s9 =	simm.s32 @!p0 $0x400  }
0x8a: {  	[tilespmem:s9], [sflag:$0x3] =	stream.linear.gather @!p0 [hbm4b:s1+s13], $0x400, $0x38;
	[tilespmem:$0x1D000] =	vst v63  }
0x8b: {  	_ = 	snop  }
0x8c: {  	[tilespmem:s21], [sflag:$0x1] =	stream.indirect.gather [hbm4b:s2+s20], $0x80, s18, s20, $0xb8;
	[tilespmem:$0x1D000] =	vst v63  }
0x8d: {  	_ =	swait.ge [sflag:s22], $0x4000  }
0x8e: {  	[sflag:s22] =	ssyncset.done $0x0  }
0x8f: {  	s13 =	rddreg [dreg:$0x13];
	[sflag:s22] =	ssyncadd.s32 $0xFFFFC000  }
0x90: {  	[tilespmem:s23], [sflag:$0x2] =	stream.indirect.gather [hbm4b:s2+s20], $0x80, s13, s20, $0xb8;
	[tilespmem:$0x1D000] =	vst v63  }
0x91: {  	_ = 	snop  }
0x92: {  	[spmem:s3] =	stream.indirect.scatter.add.f32 [tilespmem:s21], [sflag:$0x4], $0x80, s19, s20, $0xb8;
	[tilespmem:$0x1D000] =	vst v63  }
0x93: {  	_ =	swait.ge [sflag:s15], $0x4000  }
0x94: {  	[sflag:s15] =	ssyncset.done $0x0  }
0x95: {  	[sflag:s15] =	ssyncadd.s32 $0xFFFFC000  }
0x96: {  	_ =	swait.ge [sflag:s24], $0x4000  }
0x97: {  	[sflag:s24] =	ssyncset.done $0x0  }
0x98: {  	s9 =	rddreg [dreg:$0x14];
	[sflag:s24] =	ssyncadd.s32 $0xFFFFC000  }
0x99: {  	[tilespmem:s21], [sflag:$0x1] =	stream.indirect.gather [hbm4b:s2+s20], $0x80, s9, s20, $0xb8;
	[tilespmem:$0x1D000] =	vst v63  }
0x9a: {  	s10 =	rddreg [dreg:$0x15]  }
0x9b: {  	[spmem:s3] =	stream.indirect.scatter.add.f32 [tilespmem:s23], [sflag:$0x4], $0x80, s10, s20, $0xb8;
	[tilespmem:$0x1D000] =	vst v63  }
0x9c: {  	_ =	swait.ge [sflag:s15], $0x4000  }
0x9d: {  	[sflag:s15] =	ssyncset.done $0x0  }
0x9e: {  	[sflag:s15] =	ssyncadd.s32 $0xFFFFC000  }
0x9f: {  	_ =	swait.ge [sflag:s22], $0x4000  }
0xa0: {  	[sflag:s22] =	ssyncset.done $0x0  }
0xa1: {  	s11 =	rddreg [dreg:$0x16];
	[sflag:s22] =	ssyncadd.s32 $0xFFFFC000  }
0xa2: {  	[tilespmem:s23], [sflag:$0x2] =	stream.indirect.gather [hbm4b:s2+s20], $0x80, s11, s20, $0xb8;
	[tilespmem:$0x1D000] =	vst v63  }
0xa3: {  	s13 =	rddreg [dreg:$0x17]  }
0xa4: {  	[spmem:s3] =	stream.indirect.scatter.add.f32 [tilespmem:s21], [sflag:$0x4], $0x80, s13, s20, $0xb8;
	[tilespmem:$0x1D000] =	vst v63  }
0xa5: {  	_ =	swait.ge [sflag:s15], $0x4000  }
0xa6: {  	[sflag:s15] =	ssyncset.done $0x0  }
0xa7: {  	[sflag:s15] =	ssyncadd.s32 $0xFFFFC000  }
0xa8: {  	_ =	swait.ge [sflag:s24], $0x4000  }
0xa9: {  	[sflag:s24] =	ssyncset.done $0x0  }
0xaa: {  	s10 =	rddreg [dreg:$0x18];
	[sflag:s24] =	ssyncadd.s32 $0xFFFFC000  }
0xab: {  	[tilespmem:s21], [sflag:$0x1] =	stream.indirect.gather [hbm4b:s2+s20], $0x80, s10, s20, $0xb8;
	[tilespmem:$0x1D000] =	vst v63  }
0xac: {  	s11 =	rddreg [dreg:$0x19]  }
0xad: {  	[spmem:s3] =	stream.indirect.scatter.add.f32 [tilespmem:s23], [sflag:$0x4], $0x80, s11, s20, $0xb8;
	[tilespmem:$0x1D000] =	vst v63  }
0xae: {  	_ =	swait.ge [sflag:s15], $0x4000  }
0xaf: {  	[sflag:s15] =	ssyncset.done $0x0  }
0xb0: {  	[sflag:s15] =	ssyncadd.s32 $0xFFFFC000  }
0xb1: {  	_ =	swait.ge [sflag:s22], $0x4000  }
0xb2: {  	[sflag:s22] =	ssyncset.done $0x0  }
0xb3: {  	s13 =	rddreg [dreg:$0x1a];
	[sflag:s22] =	ssyncadd.s32 $0xFFFFC000  }
0xb4: {  	[tilespmem:s23], [sflag:$0x2] =	stream.indirect.gather [hbm4b:s2+s20], $0x80, s13, s20, $0xb8;
	[tilespmem:$0x1D000] =	vst v63  }
0xb5: {  	_ = 	snop  }
0xb6: {  	[spmem:s3] =	stream.indirect.scatter.add.f32 [tilespmem:s21], [sflag:$0x4], $0x80, s25, s20, $0xb8;
	[tilespmem:$0x1D000] =	vst v63  }
0xb7: {  	_ =	swait.ge [sflag:s15], $0x4000  }
0xb8: {  	[sflag:s15] =	ssyncset.done $0x0  }
0xb9: {  	[sflag:s15] =	ssyncadd.s32 $0xFFFFC000  }
0xba: {  	_ =	swait.ge [sflag:s24], $0x4000  }
0xbb: {  	[sflag:s24] =	ssyncset.done $0x0  }
0xbc: {  	[sflag:s24] =	ssyncadd.s32 $0xFFFFC000  }
0xbd: {  	[tilespmem:s21], [sflag:$0x1] =	stream.indirect.gather [hbm4b:s2+s20], $0x80, s26, s20, $0xb8;
	[tilespmem:$0x1D000] =	vst v63  }
0xbe: {  	_ = 	snop  }
0xbf: {  	[spmem:s3] =	stream.indirect.scatter.add.f32 [tilespmem:s23], [sflag:$0x4], $0x80, s28, s20, $0xb8;
	[tilespmem:$0x1D000] =	vst v63  }
0xc0: {  	_ =	swait.ge [sflag:s15], $0x4000  }
0xc1: {  	[sflag:s15] =	ssyncset.done $0x0  }
0xc2: {  	[sflag:s15] =	ssyncadd.s32 $0xFFFFC000  }
0xc3: {  	_ =	swait.ge [sflag:s22], $0x4000  }
0xc4: {  	[sflag:s22] =	ssyncset.done $0x0  }
0xc5: {  	[sflag:s22] =	ssyncadd.s32 $0xFFFFC000  }
0xc6: {  	[tilespmem:s23], [sflag:$0x2] =	stream.indirect.gather [hbm4b:s2+s20], $0x80, s29, s20, $0xb8;
	[tilespmem:$0x1D000] =	vst v63  }
0xc7: {  	_ = 	snop  }
0xc8: {  	[spmem:s3] =	stream.indirect.scatter.add.f32 [tilespmem:s21], [sflag:$0x4], $0x80, s30, s20, $0xb8;
	[tilespmem:$0x1D000] =	vst v63  }
0xc9: {  	_ =	swait.ge [sflag:s15], $0x4000  }
0xca: {  	[sflag:s15] =	ssyncset.done $0x0  }
0xcb: {  	[sflag:s15] =	ssyncadd.s32 $0xFFFFC000  }
0xcc: {  	_ =	swait.ge [sflag:s24], $0x4000  }
0xcd: {  	[sflag:s24] =	ssyncset.done $0x0  }
0xce: {  	[sflag:s24] =	ssyncadd.s32 $0xFFFFC000  }
0xcf: {  	[spmem:s3] =	stream.indirect.scatter.add.f32 [tilespmem:s23], [sflag:$0x4], $0x80, s31, s20, $0xb8;
	[tilespmem:$0x1D000] =	vst v63  }
0xd0: {  	_ =	swait.ge [sflag:s15], $0x4000  }
0xd1: {  	s1 =	simm.s32 $0x100;
	s13 =	smov.u32 s7;
	[sflag:s15] =	ssyncset.done $0x0  }
.LBB2_2:
0xd2: {  	[sflag:s15] =	ssyncadd.s32 $0xFFFFC000  }
0xd3: {  	_ =	swait.ge [sflag:s17], $0x400  }
0xd4: {  	[sflag:s17] =	ssyncset.done $0x0  }
0xd5: {  	[sflag:s17] =	ssyncadd.s32 $0xFFFFFC00  }
0xd6: {  	_ =	swait.ge [sflag:s17], $0x400  }
0xd7: {  	s9 =	smov.u32 s1;
	s10 =	rddreg [dreg:$0x5];
	[sflag:s17] =	ssyncset.done $0x0  }
0xd8: {  	s11 =	rddreg [dreg:$0x4];
	[sflag:s17] =	ssyncadd.s32 $0xFFFFFC00;
	s10 =	sadd.s32 s9, s10  }
0xd9: {  	[tilespmem:s18], [sflag:$0x3] =	stream.linear.gather [hbm4b:s10+s4], $0x400, $0x38;
	[tilespmem:$0x1D000] =	vst v63  }
0xda: {  	s11 =	sadd.s32 s9, s11  }
0xdb: {  	[tilespmem:s19], [sflag:$0x3] =	stream.linear.gather [hbm4b:s11+s4], $0x400, $0x38;
	[tilespmem:$0x1D000] =	vst v63  }
0xdc: {  	_ = 	snop  }
0xdd: {  	[tilespmem:s21], [sflag:$0x1] =	stream.indirect.gather [hbm4b:s2+s20], $0x80, s4, s20, $0xb8;
	[tilespmem:$0x1D000] =	vst v63  }
0xde: {  	_ =	swait.ge [sflag:s22], $0x4000  }
0xdf: {  	[sflag:s22] =	ssyncset.done $0x0  }
0xe0: {  	[sflag:s22] =	ssyncadd.s32 $0xFFFFC000  }
0xe1: {  	[tilespmem:s23], [sflag:$0x2] =	stream.indirect.gather [hbm4b:s2+s20], $0x80, s20, s20, $0xb8;
	[tilespmem:$0x1D000] =	vst v63  }
0xe2: {  	_ = 	snop  }
0xe3: {  	[spmem:s3] =	stream.indirect.scatter.add.f32 [tilespmem:s21], [sflag:$0x4], $0x80, s16, s20, $0xb8;
	[tilespmem:$0x1D000] =	vst v63  }
0xe4: {  	_ =	swait.ge [sflag:s15], $0x4000  }
0xe5: {  	[sflag:s15] =	ssyncset.done $0x0  }
0xe6: {  	[sflag:s15] =	ssyncadd.s32 $0xFFFFC000  }
0xe7: {  	_ =	swait.ge [sflag:s24], $0x4000  }
0xe8: {  	[sflag:s24] =	ssyncset.done $0x0  }
0xe9: {  	s10 =	rddreg [dreg:$0x6];
	[sflag:s24] =	ssyncadd.s32 $0xFFFFC000  }
0xea: {  	[tilespmem:s21], [sflag:$0x1] =	stream.indirect.gather [hbm4b:s2+s20], $0x80, s10, s20, $0xb8;
	[tilespmem:$0x1D000] =	vst v63  }
0xeb: {  	s11 =	rddreg [dreg:$0x7]  }
0xec: {  	[spmem:s3] =	stream.indirect.scatter.add.f32 [tilespmem:s23], [sflag:$0x4], $0x80, s11, s20, $0xb8;
	[tilespmem:$0x1D000] =	vst v63  }
0xed: {  	_ =	swait.ge [sflag:s15], $0x4000  }
0xee: {  	[sflag:s15] =	ssyncset.done $0x0  }
0xef: {  	[sflag:s15] =	ssyncadd.s32 $0xFFFFC000  }
0xf0: {  	_ =	swait.ge [sflag:s22], $0x4000  }
0xf1: {  	[sflag:s22] =	ssyncset.done $0x0  }
0xf2: {  	s10 =	rddreg [dreg:$0x8];
	[sflag:s22] =	ssyncadd.s32 $0xFFFFC000  }
0xf3: {  	[tilespmem:s23], [sflag:$0x2] =	stream.indirect.gather [hbm4b:s2+s20], $0x80, s10, s20, $0xb8;
	[tilespmem:$0x1D000] =	vst v63  }
0xf4: {  	s11 =	rddreg [dreg:$0x9]  }
0xf5: {  	[spmem:s3] =	stream.indirect.scatter.add.f32 [tilespmem:s21], [sflag:$0x4], $0x80, s11, s20, $0xb8;
	[tilespmem:$0x1D000] =	vst v63  }
0xf6: {  	_ =	swait.ge [sflag:s15], $0x4000  }
0xf7: {  	[sflag:s15] =	ssyncset.done $0x0  }
0xf8: {  	[sflag:s15] =	ssyncadd.s32 $0xFFFFC000  }
0xf9: {  	_ =	swait.ge [sflag:s24], $0x4000  }
0xfa: {  	[sflag:s24] =	ssyncset.done $0x0  }
0xfb: {  	s10 =	rddreg [dreg:$0xa];
	[sflag:s24] =	ssyncadd.s32 $0xFFFFC000  }
0xfc: {  	[tilespmem:s21], [sflag:$0x1] =	stream.indirect.gather [hbm4b:s2+s20], $0x80, s10, s20, $0xb8;
	[tilespmem:$0x1D000] =	vst v63  }
0xfd: {  	s11 =	rddreg [dreg:$0xb]  }
0xfe: {  	[spmem:s3] =	stream.indirect.scatter.add.f32 [tilespmem:s23], [sflag:$0x4], $0x80, s11, s20, $0xb8;
	[tilespmem:$0x1D000] =	vst v63  }
0xff: {  	_ =	swait.ge [sflag:s15], $0x4000  }
0x100: {  	[sflag:s15] =	ssyncset.done $0x0  }
0x101: {  	[sflag:s15] =	ssyncadd.s32 $0xFFFFC000  }
0x102: {  	_ =	swait.ge [sflag:s22], $0x4000  }
0x103: {  	[sflag:s22] =	ssyncset.done $0x0  }
0x104: {  	s10 =	rddreg [dreg:$0xc];
	[sflag:s22] =	ssyncadd.s32 $0xFFFFC000  }
0x105: {  	[tilespmem:s23], [sflag:$0x2] =	stream.indirect.gather [hbm4b:s2+s20], $0x80, s10, s20, $0xb8;
	[tilespmem:$0x1D000] =	vst v63  }
0x106: {  	s11 =	rddreg [dreg:$0xd]  }
0x107: {  	[spmem:s3] =	stream.indirect.scatter.add.f32 [tilespmem:s21], [sflag:$0x4], $0x80, s11, s20, $0xb8;
	[tilespmem:$0x1D000] =	vst v63  }
0x108: {  	_ =	swait.ge [sflag:s15], $0x4000  }
0x109: {  	[sflag:s15] =	ssyncset.done $0x0  }
0x10a: {  	[sflag:s15] =	ssyncadd.s32 $0xFFFFC000  }
0x10b: {  	_ =	swait.ge [sflag:s24], $0x4000  }
0x10c: {  	[sflag:s24] =	ssyncset.done $0x0  }
0x10d: {  	s10 =	rddreg [dreg:$0xe];
	[sflag:s24] =	ssyncadd.s32 $0xFFFFC000  }
0x10e: {  	[tilespmem:s21], [sflag:$0x1] =	stream.indirect.gather [hbm4b:s2+s20], $0x80, s10, s20, $0xb8;
	[tilespmem:$0x1D000] =	vst v63  }
0x10f: {  	s11 =	rddreg [dreg:$0xf]  }
0x110: {  	[spmem:s3] =	stream.indirect.scatter.add.f32 [tilespmem:s23], [sflag:$0x4], $0x80, s11, s20, $0xb8;
	[tilespmem:$0x1D000] =	vst v63  }
0x111: {  	_ =	swait.ge [sflag:s15], $0x4000  }
0x112: {  	[sflag:s15] =	ssyncset.done $0x0  }
0x113: {  	[sflag:s15] =	ssyncadd.s32 $0xFFFFC000  }
0x114: {  	_ =	swait.ge [sflag:s22], $0x4000  }
0x115: {  	[sflag:s22] =	ssyncset.done $0x0  }
0x116: {  	s10 =	rddreg [dreg:$0x10];
	[sflag:s22] =	ssyncadd.s32 $0xFFFFC000  }
0x117: {  	[tilespmem:s23], [sflag:$0x2] =	stream.indirect.gather [hbm4b:s2+s20], $0x80, s10, s20, $0xb8;
	[tilespmem:$0x1D000] =	vst v63  }
0x118: {  	s11 =	rddreg [dreg:$0x11]  }
0x119: {  	[spmem:s3] =	stream.indirect.scatter.add.f32 [tilespmem:s21], [sflag:$0x4], $0x80, s11, s20, $0xb8;
	[tilespmem:$0x1D000] =	vst v63  }
0x11a: {  	_ =	swait.ge [sflag:s15], $0x4000  }
0x11b: {  	[sflag:s15] =	ssyncset.done $0x0  }
0x11c: {  	[sflag:s15] =	ssyncadd.s32 $0xFFFFC000  }
0x11d: {  	_ =	swait.ge [sflag:s24], $0x4000  }
0x11e: {  	[sflag:s24] =	ssyncset.done $0x0  }
0x11f: {  	s11 =	rddreg [dreg:$0x12];
	[sflag:s24] =	ssyncadd.s32 $0xFFFFC000  }
0x120: {  	[spmem:s3] =	stream.indirect.scatter.add.f32 [tilespmem:s23], [sflag:$0x4], $0x80, s11, s20, $0xb8;
	[tilespmem:$0x1D000] =	vst v63  }
0x121: {  	_ =	swait.ge [sflag:s15], $0x4000  }
0x122: {  	[sflag:s15] =	ssyncset.done $0x0  }
0x123: {  	[sflag:s15] =	ssyncadd.s32 $0xFFFFC000  }
0x124: {  	_ =	swait.ge [sflag:s17], $0x400  }
0x125: {  	[sflag:s17] =	ssyncset.done $0x0  }
0x126: {  	[sflag:s17] =	ssyncadd.s32 $0xFFFFFC00  }
0x127: {  	s13 =	sadd.s32 $0x800, s13;
	p1 =	seq.s32 s9, $0x400;
	_ =	swait.ge [sflag:s17], $0x400  }
0x128: {  	s9 =	sshrl.u32 @!p1 s13, $0x3;
	[sflag:s17] =	ssyncset.done $0x0  }
0x129: {  	s10 =	sadd.s32 @!p1 s5, s9;
	s11 =	simm.s32 @!p1 $0x0;
	[sflag:s17] =	ssyncadd.s32 $0xFFFFFC00  }
0x12a: {  	[tilespmem:s11], [sflag:$0x3] =	stream.linear.gather @!p1 [hbm4b:s10+s11], $0x400, $0x38;
	[tilespmem:$0x1D000] =	vst v63  }
0x12b: {  	s9 =	sadd.s32 @!p1 s6, s9;
	s10 =	simm.s32 @!p1 $0x400  }
0x12c: {  	[tilespmem:s10], [sflag:$0x3] =	stream.linear.gather @!p1 [hbm4b:s9+s11], $0x400, $0x38;
	[tilespmem:$0x1D000] =	vst v63  }
0x12d: {  	_ = 	snop  }
0x12e: {  	[tilespmem:s21], [sflag:$0x1] =	stream.indirect.gather [hbm4b:s2+s20], $0x80, s18, s20, $0xb8;
	[tilespmem:$0x1D000] =	vst v63  }
0x12f: {  	_ =	swait.ge [sflag:s22], $0x4000  }
0x130: {  	[sflag:s22] =	ssyncset.done $0x0  }
0x131: {  	s11 =	rddreg [dreg:$0x13];
	[sflag:s22] =	ssyncadd.s32 $0xFFFFC000  }
0x132: {  	[tilespmem:s23], [sflag:$0x2] =	stream.indirect.gather [hbm4b:s2+s20], $0x80, s11, s20, $0xb8;
	[tilespmem:$0x1D000] =	vst v63  }
0x133: {  	_ = 	snop  }
0x134: {  	[spmem:s3] =	stream.indirect.scatter.add.f32 [tilespmem:s21], [sflag:$0x4], $0x80, s19, s20, $0xb8;
	[tilespmem:$0x1D000] =	vst v63  }
0x135: {  	_ =	swait.ge [sflag:s15], $0x4000  }
0x136: {  	[sflag:s15] =	ssyncset.done $0x0  }
0x137: {  	[sflag:s15] =	ssyncadd.s32 $0xFFFFC000  }
0x138: {  	_ =	swait.ge [sflag:s24], $0x4000  }
0x139: {  	[sflag:s24] =	ssyncset.done $0x0  }
0x13a: {  	s10 =	rddreg [dreg:$0x14];
	[sflag:s24] =	ssyncadd.s32 $0xFFFFC000  }
0x13b: {  	[tilespmem:s21], [sflag:$0x1] =	stream.indirect.gather [hbm4b:s2+s20], $0x80, s10, s20, $0xb8;
	[tilespmem:$0x1D000] =	vst v63  }
0x13c: {  	s11 =	rddreg [dreg:$0x15]  }
0x13d: {  	[spmem:s3] =	stream.indirect.scatter.add.f32 [tilespmem:s23], [sflag:$0x4], $0x80, s11, s20, $0xb8;
	[tilespmem:$0x1D000] =	vst v63  }
0x13e: {  	_ =	swait.ge [sflag:s15], $0x4000  }
0x13f: {  	[sflag:s15] =	ssyncset.done $0x0  }
0x140: {  	[sflag:s15] =	ssyncadd.s32 $0xFFFFC000  }
0x141: {  	_ =	swait.ge [sflag:s22], $0x4000  }
0x142: {  	[sflag:s22] =	ssyncset.done $0x0  }
0x143: {  	s10 =	rddreg [dreg:$0x16];
	[sflag:s22] =	ssyncadd.s32 $0xFFFFC000  }
0x144: {  	[tilespmem:s23], [sflag:$0x2] =	stream.indirect.gather [hbm4b:s2+s20], $0x80, s10, s20, $0xb8;
	[tilespmem:$0x1D000] =	vst v63  }
0x145: {  	s11 =	rddreg [dreg:$0x17]  }
0x146: {  	[spmem:s3] =	stream.indirect.scatter.add.f32 [tilespmem:s21], [sflag:$0x4], $0x80, s11, s20, $0xb8;
	[tilespmem:$0x1D000] =	vst v63  }
0x147: {  	_ =	swait.ge [sflag:s15], $0x4000  }
0x148: {  	[sflag:s15] =	ssyncset.done $0x0  }
0x149: {  	[sflag:s15] =	ssyncadd.s32 $0xFFFFC000  }
0x14a: {  	_ =	swait.ge [sflag:s24], $0x4000  }
0x14b: {  	[sflag:s24] =	ssyncset.done $0x0  }
0x14c: {  	s10 =	rddreg [dreg:$0x18];
	[sflag:s24] =	ssyncadd.s32 $0xFFFFC000  }
0x14d: {  	[tilespmem:s21], [sflag:$0x1] =	stream.indirect.gather [hbm4b:s2+s20], $0x80, s10, s20, $0xb8;
	[tilespmem:$0x1D000] =	vst v63  }
0x14e: {  	s11 =	rddreg [dreg:$0x19]  }
0x14f: {  	[spmem:s3] =	stream.indirect.scatter.add.f32 [tilespmem:s23], [sflag:$0x4], $0x80, s11, s20, $0xb8;
	[tilespmem:$0x1D000] =	vst v63  }
0x150: {  	_ =	swait.ge [sflag:s15], $0x4000  }
0x151: {  	[sflag:s15] =	ssyncset.done $0x0  }
0x152: {  	[sflag:s15] =	ssyncadd.s32 $0xFFFFC000  }
0x153: {  	_ =	swait.ge [sflag:s22], $0x4000  }
0x154: {  	[sflag:s22] =	ssyncset.done $0x0  }
0x155: {  	s11 =	rddreg [dreg:$0x1a];
	[sflag:s22] =	ssyncadd.s32 $0xFFFFC000  }
0x156: {  	[tilespmem:s23], [sflag:$0x2] =	stream.indirect.gather [hbm4b:s2+s20], $0x80, s11, s20, $0xb8;
	[tilespmem:$0x1D000] =	vst v63  }
0x157: {  	_ = 	snop  }
0x158: {  	[spmem:s3] =	stream.indirect.scatter.add.f32 [tilespmem:s21], [sflag:$0x4], $0x80, s25, s20, $0xb8;
	[tilespmem:$0x1D000] =	vst v63  }
0x159: {  	_ =	swait.ge [sflag:s15], $0x4000  }
0x15a: {  	[sflag:s15] =	ssyncset.done $0x0  }
0x15b: {  	[sflag:s15] =	ssyncadd.s32 $0xFFFFC000  }
0x15c: {  	_ =	swait.ge [sflag:s24], $0x4000  }
0x15d: {  	[sflag:s24] =	ssyncset.done $0x0  }
0x15e: {  	[sflag:s24] =	ssyncadd.s32 $0xFFFFC000  }
0x15f: {  	[tilespmem:s21], [sflag:$0x1] =	stream.indirect.gather [hbm4b:s2+s20], $0x80, s26, s20, $0xb8;
	[tilespmem:$0x1D000] =	vst v63  }
0x160: {  	_ = 	snop  }
0x161: {  	[spmem:s3] =	stream.indirect.scatter.add.f32 [tilespmem:s23], [sflag:$0x4], $0x80, s28, s20, $0xb8;
	[tilespmem:$0x1D000] =	vst v63  }
0x162: {  	_ =	swait.ge [sflag:s15], $0x4000  }
0x163: {  	[sflag:s15] =	ssyncset.done $0x0  }
0x164: {  	[sflag:s15] =	ssyncadd.s32 $0xFFFFC000  }
0x165: {  	_ =	swait.ge [sflag:s22], $0x4000  }
0x166: {  	[sflag:s22] =	ssyncset.done $0x0  }
0x167: {  	[sflag:s22] =	ssyncadd.s32 $0xFFFFC000  }
0x168: {  	[tilespmem:s23], [sflag:$0x2] =	stream.indirect.gather [hbm4b:s2+s20], $0x80, s29, s20, $0xb8;
	[tilespmem:$0x1D000] =	vst v63  }
0x169: {  	_ = 	snop  }
0x16a: {  	[spmem:s3] =	stream.indirect.scatter.add.f32 [tilespmem:s21], [sflag:$0x4], $0x80, s30, s20, $0xb8;
	[tilespmem:$0x1D000] =	vst v63  }
0x16b: {  	_ =	swait.ge [sflag:s15], $0x4000  }
0x16c: {  	[sflag:s15] =	ssyncset.done $0x0  }
0x16d: {  	s1 =	sadd.s32 $0x100, s1;
	[sflag:s15] =	ssyncadd.s32 $0xFFFFC000  }
0x16e: {  	p0 =	sne.s32 s1, $0x500;
	_ =	swait.ge [sflag:s24], $0x4000  }
.Ltmp0:
0x16f: {  	[sflag:s24] =	ssyncset.done $0x0;
	(pc) =	sbr.rel @p0 .LBB2_2-.Ltmp0, $4  }
0x170: {  	[sflag:s24] =	ssyncadd.s32 $0xFFFFC000  }
0x171: {  	[spmem:s3] =	stream.indirect.scatter.add.f32 [tilespmem:s23], [sflag:$0x4], $0x80, s31, s20, $0xb8;
	[tilespmem:$0x1D000] =	vst v63  }
0x172: {  	_ =	swait.ge [sflag:s15], $0x4000  }
0x173: {  	[sflag:s15] =	ssyncset.done $0x0  }
0x174: {  	[sflag:s15] =	ssyncadd.s32 $0xFFFFC000;
	s0 =	sadd.s32 $0x1, s0  }
0x175: {  	[bflag:$0x0] =	sbarrier.arrive $0xFFFF;
	p0 =	sne.s32 s0, s12  }
.Ltmp1:
0x176: {  	s1 =	rddreg [dreg:$0x1e];
	(pc) =	sbr.rel @p0 .LBB2_1-.Ltmp1, $4  }
0x177: {  	[hbm:s1], [sflag:s8] =	dma.local [spmem:s14], $0x2800  }
0x178: {  	_ =	swait.ge [sflag:s15], $0x2800  }
0x179: {  	[sflag:s15] =	ssyncset.done $0x0  }
0x17a: {  	[sflag:s15] =	ssyncadd.s32 $0xFFFFD800  }
0x17b: {  	_ =	sfence.sel $0x180000  }
0x17c: {  	[bflag:$0x0] =	sbarrier.arrive $0xFFFF  }
0x17d: {  	_ =	strace $0x9000004D  }
0x17e: {  	s0 =	stileid.u32;
	[bflag:$0x2] =	sbarrier.arrive $0xFFFF  }
0x17f: {  	p0 =	sne.s32 s0, $0x0;
	s0 =	rddreg [dreg:$0x3]  }
0x180: {  	s0 =	sadd.s32 @!p0 $0x100000, s0  }
0x181: {  	[sflag:s0] =	ssyncadd.tile.s32 @!p0 $0x1;
	_ =	shalt  }
.Lfunc_end2:
_tile_overlayer_lowered:
.L_overlay_start_2:
0x182: {  	(tag) =	ssettag $0x2  }
0x183: {  	s0 =	rddreg [dreg:$0x0];
	s2 =	stileid.u32  }
0x184: {  	s1 =	rddreg [dreg:$0x1];
	p0 =	sne.s32 s2, $0x0  }
0x185: {  	s3 =	rddreg [dreg:$0x2];
	[bflag:$0x3] =	sbarrier.arrive $0xFFFF;
	s2 =	simm.s32 @!p0 $0x1C04  }
0x186: {  	[timem:s3], [sflag:s2] =	dma.local @!p0 [hbm:s0], s1  }
0x187: {  	s0 =	simm.s32 @!p0 $0x4  }
0x188: {  	_ =	swait.ge @!p0 [sflag:s0], s1  }
0x189: {  	s1 =	ssub.s32 @!p0 $0x0, s1;
	[sflag:s0] =	ssyncset.done @!p0 $0x0  }
0x18a: {  	[sflag:s0] =	ssyncadd.s32 @!p0 s1  }
0x18b: {  	[bflag:$0x3] =	sbarrier.arrive $0xFFFF  }
0x18c: {  	_ =	shalt  }

// kernel: kernel.7.cloned.1.call-start
scs
__scs_entry_jumppad:
0x0: {  	(pc) =	sbr.rel $0x88, $3  }
0x1: {  	(tag) =	ssettag $0x0;
	lr =	simm.s32 $0x1  }
0x2: {  	[smem:$0x3F96] =	sst lr;
	_ =	strace $0xD0000000  }
0x3: {  	_ = 	snop  }
0x4: {  	_ = 	snop  }
0x5: {  	_ = 	snop  }
0x6: {  	_ = 	snop  }
0x7: {  	_ = 	snop  }
__scs_overlays_trampoline_lowered:
0x8: {  	[smem:$0x3FA5] =	sst s0  }
0x9: {  	[smem:$0x3FA6] =	sst s1  }
0xa: {  	[smem:$0x3FA7] =	sst s2  }
0xb: {  	[smem:$0x3FA8] =	sst s3  }
0xc: {  	[smem:$0x3FA9] =	sst s4  }
0xd: {  	[smem:$0x3FAA] =	sst s5  }
0xe: {  	[smem:$0x3FAB] =	sst s6  }
0xf: {  	[smem:$0x3FAC] =	sst s7  }
0x10: {  	[smem:$0x3FAD] =	sst s8  }
0x11: {  	[smem:$0x3FAE] =	sst s9;
	s0 =	simm.s32 @!p0 $0x0  }
0x12: {  	s1 =	sld [smem:$0x3F94];
	s0 =	simm.s32 @p0 $0x1  }
0x13: {  	[smem:$0x3FAF] =	sst s0;
	s0 =	simm.s32 @!p1 $0x0  }
0x14: {  	s2 =	sld [smem:$0x3F93];
	s0 =	simm.s32 @p1 $0x1  }
0x15: {  	[smem:$0x3FB0] =	sst s0;
	s0 =	simm.s32 @!p2 $0x0  }
0x16: {  	s3 =	sld [smem:$0x3FDB];
	s0 =	simm.s32 @p2 $0x1  }
0x17: {  	s4 =	simm.s32 $0x1BF5;
	[smem:$0x3FB2] =	sst s0  }
0x18: {  	s0 =	sld [smem:$0x3F95];
	_ =	swait.ge [sflag:s4], $0x0  }
0x19: {  	s7 =	sld [smem:$0x3F96]  }
0x1a: {  	s8 =	sadd.s32 $0xFFFFE003, lr  }
0x1b: {  	s9 =	sadd.s32 $0xFFFFFEF7, lr;
	s5 =	simm.s32 $0xFFFFFFFF;
	p2 =	slt.u32 s8, $0xFFFFF086  }
0x1c: {  	p1 =	slt.u32 s9, $0xF7A;
	s5 =	simm.s32 @!p2 $0x0  }
0x1d: {  	s5 =	simm.s32 @p1 $0x1;
	p0 =	seq.s32 s7, s2  }
0x1e: {  	s7 =	smul.u32 @!p0 $0xF7A, s2;
	p2 =	seq.s32 @!p0 s5, $0x0  }
0x1f: {  	s9 =	smul.u32 $0xF7A, s1;
	s8 =	simm.s32 @!p0 $0x1BF5;
	p2 =	por !p2, p0  }
0x20: {  	[sflag:s8] =	ssyncset.s32 @!p0 $0xFFFFF086;
	s6 =	sadd.s32 @!p0 s3, s7;
	s7 =	simm.s32 @!p0 $0x108  }
0x21: {  	s3 =	sadd.s32 s3, s9;
	s6 =	sadd.s32 @!p0 $0x88, s6;
	s7 =	simm.s32 @p2 $0x1082  }
0x22: {  	[simem:s7], [sflag:s8] =	dma.local @!p0 [hbm:s6], $0xF7A  }
0x23: {  	s9 =	sor.u32 $0xD0000000, s2;
	s6 =	simm.s32 $0x108;
	_ =	swait.ge @!p0 [sflag:s8], $0x0  }
0x24: {  	s3 =	sadd.s32 $0x88, s3;
	s6 =	simm.s32 @!p1 $0x1082;
	[sflag:s4] =	ssyncset.s32 $0xFFFFF086  }
0x25: {  	[simem:s6], [sflag:s4] =	dma.local [hbm:s3], $0xF7A  }
0x26: {  	[smem:$0x3F96] =	sst s1;
	(tag) =	ssettag s2;
	_ =	strace s9  }
0x27: {  	s1 =	sld [smem:$0x3FA6]  }
0x28: {  	s2 =	sld [smem:$0x3FA7]  }
0x29: {  	s4 =	sld [smem:$0x3FA9]  }
0x2a: {  	p0 =	seq.s32 s5, $0x0;
	s5 =	sld [smem:$0x3FAA]  }
0x2b: {  	s6 =	sld [smem:$0x3FAB]  }
0x2c: {  	s7 =	sld [smem:$0x3FAC]  }
0x2d: {  	s3 =	simm.s32 $0x108;
	s8 =	sld [smem:$0x3FAD]  }
0x2e: {  	s3 =	simm.s32 @!p0 $0x1082;
	s9 =	sld [smem:$0x3FAE]  }
0x2f: {  	lr =	sadd.s32 s0, s3;
	s0 =	sld [smem:$0x3FA5]  }
0x30: {  	s3 =	sld [smem:$0x3FA8]  }
0x31: {  	[smem:$0x3FB1] =	sst s10  }
0x32: {  	s10 =	sld [smem:$0x3FAF];
	_ =	sdelay $0x3  }
0x33: {  	p0 =	seq.s32 s10, $0x1;
	s10 =	sld [smem:$0x3FB1];
	_ =	sdelay $0x3  }
0x34: {  	[smem:$0x3FB1] =	sst s10  }
0x35: {  	s10 =	sld [smem:$0x3FB0];
	_ =	sdelay $0x3  }
0x36: {  	p1 =	seq.s32 s10, $0x1;
	s10 =	sld [smem:$0x3FB1];
	_ =	sdelay $0x3  }
0x37: {  	[smem:$0x3FB1] =	sst s10  }
0x38: {  	s10 =	sld [smem:$0x3FB2]  }
0x39: {  	_ = 	snop;
	(pc) =	sbr.ind lr, $3  }
0x3a: {  	_ = 	snop  }
0x3b: {  	_ = 	snop  }
0x3c: {  	p2 =	seq.s32 s10, $0x1;
	s10 =	sld [smem:$0x3FB1]  }
0x3d: {  	_ =	shalt  }
0x3e: {  	_ =	shalt  }
0x3f: {  	_ =	shalt  }
0x40: {  	_ =	shalt  }
0x41: {  	_ =	shalt  }
0x42: {  	_ =	shalt  }
0x43: {  	_ =	shalt  }
0x44: {  	_ =	shalt  }
0x45: {  	_ =	shalt  }
0x46: {  	_ =	shalt  }
0x47: {  	_ =	shalt  }
0x48: {  	_ =	shalt  }
0x49: {  	_ =	shalt  }
0x4a: {  	_ =	shalt  }
0x4b: {  	_ =	shalt  }
0x4c: {  	_ =	shalt  }
0x4d: {  	_ =	shalt  }
0x4e: {  	_ =	shalt  }
0x4f: {  	_ =	shalt  }
0x50: {  	_ =	shalt  }
0x51: {  	_ =	shalt  }
0x52: {  	_ =	shalt  }
0x53: {  	_ =	shalt  }
0x54: {  	_ =	shalt  }
0x55: {  	_ =	shalt  }
0x56: {  	_ =	shalt  }
0x57: {  	_ =	shalt  }
0x58: {  	_ =	shalt  }
0x59: {  	_ =	shalt  }
0x5a: {  	_ =	shalt  }
0x5b: {  	_ =	shalt  }
0x5c: {  	_ =	shalt  }
0x5d: {  	_ =	shalt  }
0x5e: {  	_ =	shalt  }
0x5f: {  	_ =	shalt  }
0x60: {  	_ =	shalt  }
0x61: {  	_ =	shalt  }
0x62: {  	_ =	shalt  }
0x63: {  	_ =	shalt  }
0x64: {  	_ =	shalt  }
0x65: {  	_ =	shalt  }
0x66: {  	_ =	shalt  }
0x67: {  	_ =	shalt  }
0x68: {  	_ =	shalt  }
0x69: {  	_ =	shalt  }
0x6a: {  	_ =	shalt  }
0x6b: {  	_ =	shalt  }
0x6c: {  	_ =	shalt  }
0x6d: {  	_ =	shalt  }
0x6e: {  	_ =	shalt  }
0x6f: {  	_ =	shalt  }
0x70: {  	_ =	shalt  }
0x71: {  	_ =	shalt  }
0x72: {  	_ =	shalt  }
0x73: {  	_ =	shalt  }
0x74: {  	_ =	shalt  }
0x75: {  	_ =	shalt  }
0x76: {  	_ =	shalt  }
0x77: {  	_ =	shalt  }
0x78: {  	_ =	shalt  }
0x79: {  	_ =	shalt  }
0x7a: {  	_ =	shalt  }
0x7b: {  	_ =	shalt  }
0x7c: {  	_ =	shalt  }
0x7d: {  	_ =	shalt  }
0x7e: {  	_ =	shalt  }
0x7f: {  	_ =	shalt  }
0x80: {  	_ =	shalt  }
0x81: {  	_ =	shalt  }
0x82: {  	_ =	shalt  }
0x83: {  	_ =	shalt  }
0x84: {  	_ =	shalt  }
0x85: {  	_ =	shalt  }
0x86: {  	_ =	shalt  }
0x87: {  	_ =	shalt  }
.Lfunc_end0:
.L_simem_size_0:
called_computation_lowered:
.L_overlay_start_0:
0x88: {  	s2 =	sld [smem:$0x3FD9]  }
0x89: {  	s3 =	sld [smem:$0x3FFE];
	_ =	sdelay $0x1  }
0x8a: {  	s1 =	srdreg.scid  }
0x8b: {  	s0 =	sand.u32 $0x1, s1  }
0x8c: {  	s17 =	sshll.u32 s0, $0xA;
	s2 =	sadd.s32 s3, s2  }
0x8d: {  	s2 =	sadd.s32 s2, s17  }
0x8e: {  	[smem:$0x3FBD] =	sst s2  }
0x8f: {  	_ = 	snop  }
0x90: {  	s2 =	sld [smem:$0x3FC9];
	(tm) =	ssettm $0x1  }
0x91: {  	s18 =	sld [smem:$0x3FFB];
	_ =	sdelay $0x3  }
0x92: {  	_ =	strace s18  }
0x93: {  	s3 =	sld [smem:$0x3FFC];
	_ =	sdelay $0x3  }
0x94: {  	_ =	strace s3  }
0x95: {  	s3 =	sld [smem:$0x3FFD];
	_ =	sdelay $0x3  }
0x96: {  	_ =	strace s3  }
0x97: {  	_ =	strace $0x8FFFFFFF  }
0x98: {  	s19 =	sld [smem:$0x3FDB];
	_ =	sdelay $0x1  }
0x99: {  	s4 =	simm.s32 $_scs_section_size  }
0x9a: {  	s5 =	simm.s32 $_size__tile_overlayer_lowered;
	s6 =	simm.s32 $_tile_overlayer_lowered  }
0x9b: {  	s22 =	simm.s32 $0x1BFF;
	s21 =	sshll.u32 s6, $0x1;
	s3 =	sadd.s32 s4, s19  }
0x9c: {  	s7 =	simm.s32 $0x0;
	s20 =	sshll.u32 s5, $0x1;
	s5 =	sadd.s32 s21, s3  }
0x9d: {  	[timem:s7], [sflag:s22] =	dma.local [hbm:s5], s20  }
0x9e: {  	_ =	swait.ge [sflag:s22], s20  }
0x9f: {  	s4 =	ssub.s32 $0x0, s20;
	[sflag:s22] =	ssyncset.done $0x0  }
0xa0: {  	[sflag:s22] =	ssyncadd.s32 s4;
	_ =	sdelay $0x1  }
0xa1: {  	s23 =	simm.s32 $0x1B8B  }
0xa2: {  	_ =	swait.ge [sflag:s23], $0x1  }
0xa3: {  	[sflag:s23] =	ssyncset.done $0x0  }
0xa4: {  	s25 =	simm.s32 $0x1B8E;
	s24 =	sld [smem:$0x3FFE];
	[sflag:s23] =	ssyncadd.s32 $0xFFFFFFFF  }
0xa5: {  	s26 =	simm.s32 $execute0_lowered;
	[smem:$0x3FD2] =	sst s25  }
0xa6: {  	s5 =	sshll.u32 s26, $0x1;
	_ =	strace $0x80000046;
	[dreg:$0x1] =	wrdreg $0xFFFFFFFF  }
0xa7: {  	s28 =	simm.s32 $_size_execute0_lowered;
	s3 =	sadd.s32 s3, s5;
	[dreg:$0x0] =	wrdreg $0x0  }
0xa8: {  	s5 =	sshll.u32 s28, $0x1;
	[dreg:$0x2] =	wrdreg s3  }
0xa9: {  	[dreg:$0x3] =	wrdreg s5  }
0xaa: {  	[dreg:$0x4] =	wrdreg $0xC0  }
0xab: {  	_ =	task [dreg:s7], $0x5FFFF  }
0xac: {  	[dreg:$0x1] =	wrdreg $0xFFFFFFFF  }
0xad: {  	[dreg:$0x0] =	wrdreg $0x60  }
0xae: {  	[dreg:$0x2] =	wrdreg s2  }
0xaf: {  	[dreg:$0x3] =	wrdreg s24  }
0xb0: {  	[dreg:$0x4] =	wrdreg $0x90000  }
0xb1: {  	[dreg:$0x5] =	wrdreg $0x9  }
0xb2: {  	_ =	task.clear_ibuf [dreg:s7], $0x6FFFF;
	_ =	strace $0x90000046  }
0xb3: {  	s29 =	simm.s32 $0x9;
	_ =	strace $0x80000048  }
0xb4: {  	_ =	swait.ge [sflag:s29], $0x1  }
0xb5: {  	[sflag:s29] =	ssyncadd.s32 $0xFFFFFFFF  }
0xb6: {  	_ =	strace $0x90000048  }
0xb7: {  	_ =	sfence  }
0xb8: {  	s30 =	sld [smem:$0x0];
	_ =	sdelay $0x2  }
0xb9: {  	s31 =	sshll.u32 s1, $0xD;
	s1 =	sshrl.u32 s1, $0x2  }
0xba: {  	s3 =	sand.u32 $0x4000, s31;
	s1 =	sadd.s32 s1, s30  }
0xbb: {  	s0 =	sor.u32 s3, s0;
	s1 =	sshll.u32 s1, $0x11  }
0xbc: {  	s0 =	sor.u32 s1, s0  }
0xbd: {  	s0 =	sadd.s32 $0x8F2B, s0  }
0xbe: {  	[sflag:s0] =	ssyncadd.remote.s32 $0x1  }
0xbf: {  	_ =	sfence.sel $0xFFFF  }
0xc0: {  	[dreg:$0x0] =	wrdreg $0xFFFFFFFF;
	(pc) =	sbr.abs _section_cstart, $3  }
0xc1: {  	[dreg:$0x1] =	wrdreg $0xFFFFFFFF  }
0xc2: {  	_ =	task.clear_ibuf [dreg:s7], $0x2FFFF;
	_ =	strace $0x9FFFFFFF  }
0xc3: {  	(tm) =	ssettm $0x7FFFFFFF  }
tec
execute0_lowered:
.L_overlay_start_1:
0x0: {  	(tag) =	ssettag $0x1  }
0x1: {  	s2 =	rddreg [dreg:$0x0]  }
0x2: {  	s0 =	rddreg [dreg:$0x1]  }
0x3: {  	s3 =	rddreg [dreg:$0x2];
	s14 =	stileid.u32  }
0x4: {  	s1 =	srdreg.scid;
	s4 =	simm.s32 $0x0;
	s19 =	simm.s32 $0x100  }
0x5: {  	s20 =	simm.s32 $0x480;
	s22 =	simm.s32 $0x180;
	s23 =	simm.s32 $0x500  }
0x6: {  	s24 =	simm.s32 $0x200;
	s25 =	simm.s32 $0x580;
	s28 =	simm.s32 $0xE80  }
0x7: {  	s29 =	simm.s32 $0xB80;
	s30 =	simm.s32 $0xF00;
	s31 =	simm.s32 $0xF80  }
0x8: {  	s7 =	smul.u32 $0x14000, s14;
	s1 =	sand.u32 $0x1, s1;
	[smem:$0x7FF] =	sst s4  }
0x9: {  	s11 =	smul.u32 $0x2800, s14;
	_ =	strace $0x80000047;
	[dreg:$0x6] =	wrdreg s19  }
0xa: {  	s5 =	sadd.s32 $0x4A00, s0;
	s15 =	smul.u32 $0x50000, s14;
	[dreg:$0x7] =	wrdreg s20  }
0xb: {  	s6 =	sadd.s32 $0xEA00, s0;
	s8 =	smul.u32 $0x140000, s1;
	[dreg:$0x8] =	wrdreg s22  }
0xc: {  	s21 =	sshll.u32 s14, $0x6;
	s9 =	smul.u32 $0x28000, s1;
	[dreg:$0x9] =	wrdreg s23  }
0xd: {  	s16 =	ssub.s32 $0x2, s1;
	s1 =	sshll.u32 s1, $0x4;
	[dreg:$0xa] =	wrdreg s24  }
0xe: {  	[dreg:$0xb] =	wrdreg s25;
	s19 =	simm.s32 $0x880;
	s20 =	simm.s32 $0x900  }
0xf: {  	s22 =	simm.s32 $0x980;
	s23 =	simm.s32 $0xD00;
	[dreg:$0x13] =	wrdreg s19  }
0x10: {  	s24 =	simm.s32 $0xA00;
	s25 =	simm.s32 $0xD80;
	[dreg:$0x14] =	wrdreg s20  }
0x11: {  	s10 =	sshrl.u32 s7, $0x3;
	s12 =	sshrl.u32 s16, $0x1;
	[dreg:$0x16] =	wrdreg s22  }
0x12: {  	s1 =	sor.u32 s14, s1;
	s14 =	simm.s32 $0x300;
	[dreg:$0x17] =	wrdreg s23  }
0x13: {  	s19 =	simm.s32 $0xC00;
	s20 =	simm.s32 $0x80;
	[dreg:$0x18] =	wrdreg s24  }
0x14: {  	s22 =	simm.s32 $0x1;
	s23 =	simm.s32 $0x5000;
	[dreg:$0x19] =	wrdreg s25  }
0x15: {  	s24 =	simm.s32 $0x2;
	s25 =	simm.s32 $0xE00;
	s10 =	sadd.s32 s10, s0  }
0x16: {  	s7 =	sadd.s32 s7, s8;
	s9 =	sadd.s32 s11, s9;
	s8 =	sshrl.u32 s15, $0x2  }
0x17: {  	s1 =	smul.u32 $0x2800, s1;
	[dreg:$0xe] =	wrdreg s14;
	s15 =	simm.s32 $0x680  }
0x18: {  	s7 =	sshrl.u32 s7, $0x3;
	s11 =	sor.u32 $0x400, s9;
	s13 =	sadd.s32 s8, s3  }
0x19: {  	s10 =	sadd.s32 $0x18A00, s10;
	s8 =	sor.u32 $0x1C04, s21;
	[dreg:$0xf] =	wrdreg s15  }
0x1a: {  	s15 =	simm.s32 $0x4;
	s21 =	simm.s32 $0xC80;
	[dreg:$0x1b] =	wrdreg s10  }
0x1b: {  	s0 =	sadd.s32 s7, s0;
	s10 =	simm.s32 $0x280;
	[dreg:$0x15] =	wrdreg s21  }
0x1c: {  	s7 =	ssub.s32 s16, s12;
	s12 =	simm.s32 $0x600;
	[dreg:$0xc] =	wrdreg s10  }
0x1d: {  	s11 =	sshrl.u32 s11, $0x3;
	s16 =	simm.s32 $0x380;
	[dreg:$0xd] =	wrdreg s12  }
0x1e: {  	s1 =	sshrl.u32 s1, $0x3;
	s17 =	sadd.s32 s11, s6;
	[dreg:$0x10] =	wrdreg s16  }
0x1f: {  	s14 =	sshrl.u32 s13, $0x3;
	s18 =	sadd.s32 s11, s5;
	[dreg:$0x4] =	wrdreg s17  }
0x20: {  	s21 =	simm.s32 $0x1000;
	s26 =	sadd.s32 s5, s1;
	[dreg:$0x5] =	wrdreg s18  }
0x21: {  	s1 =	sadd.s32 s6, s1;
	s0 =	sadd.s32 $0x40A00, s0;
	[dreg:$0x1c] =	wrdreg s26  }
0x22: {  	s12 =	smax.u32 s7, $0x1;
	s7 =	sadd.s32 $0x800, s9;
	[dreg:$0x1d] =	wrdreg s1  }
0x23: {  	s16 =	simm.s32 $0x400;
	[dreg:$0x1e] =	wrdreg s0;
	s17 =	simm.s32 $0x700  }
0x24: {  	s18 =	simm.s32 $0x780;
	s26 =	simm.s32 $0xA80;
	[dreg:$0x11] =	wrdreg s17  }
0x25: {  	s0 =	simm.s32 $0x0;
	[dreg:$0x12] =	wrdreg s18;
	s17 =	simm.s32 $0x3  }
0x26: {  	s18 =	simm.s32 $0x800;
	[dreg:$0x1a] =	wrdreg s26;
	s26 =	simm.s32 $0xB00  }
.LBB2_1:
0x27: {  	s1 =	rddreg [dreg:$0x1b]  }
0x28: {  	[spmem:s14], [sflag:s8] =	dma.local [hbm:s1], $0x2800  }
0x29: {  	_ =	swait.ge [sflag:s15], $0x2800  }
0x2a: {  	[sflag:s15] =	ssyncset.done $0x0  }
0x2b: {  	[sflag:s15] =	ssyncadd.s32 $0xFFFFD800  }
0x2c: {  	[bflag:$0x0] =	sbarrier.arrive $0xFFFF  }
0x2d: {  	s10 =	rddreg [dreg:$0x1c]  }
0x2e: {  	[tilespmem:s4], [sflag:$0x3] =	stream.linear.gather [hbm4b:s10+s4], $0x400, $0x38;
	[tilespmem:$0x1D000] =	vst v63  }
0x2f: {  	s11 =	rddreg [dreg:$0x1d]  }
0x30: {  	[tilespmem:s16], [sflag:$0x3] =	stream.linear.gather [hbm4b:s11+s4], $0x400, $0x38;
	[tilespmem:$0x1D000] =	vst v63  }
0x31: {  	_ =	swait.ge [sflag:s17], $0x400  }
0x32: {  	[sflag:s17] =	ssyncset.done $0x0  }
0x33: {  	[sflag:s17] =	ssyncadd.s32 $0xFFFFFC00  }
0x34: {  	_ =	swait.ge [sflag:s17], $0x400  }
0x35: {  	s13 =	rddreg [dreg:$0x5];
	[sflag:s17] =	ssyncset.done $0x0  }
0x36: {  	s9 =	rddreg [dreg:$0x4];
	[sflag:s17] =	ssyncadd.s32 $0xFFFFFC00;
	s1 =	sadd.s32 $0x0, s13  }
0x37: {  	[tilespmem:s18], [sflag:$0x3] =	stream.linear.gather [hbm4b:s1+s4], $0x400, $0x38;
	[tilespmem:$0x1D000] =	vst v63  }
0x38: {  	s10 =	sadd.s32 $0x0, s9  }
0x39: {  	[tilespmem:s19], [sflag:$0x3] =	stream.linear.gather [hbm4b:s10+s4], $0x400, $0x38;
	[tilespmem:$0x1D000] =	vst v63  }
0x3a: {  	_ = 	snop  }
0x3b: {  	[tilespmem:s21], [sflag:$0x1] =	stream.indirect.gather [hbm4b:s2+s20], $0x80, s4, s20, $0xb8;
	[tilespmem:$0x1D000] =	vst v63  }
0x3c: {  	_ =	swait.ge [sflag:s22], $0x4000  }
0x3d: {  	[sflag:s22] =	ssyncset.done $0x0  }
0x3e: {  	[sflag:s22] =	ssyncadd.s32 $0xFFFFC000  }
0x3f: {  	[tilespmem:s23], [sflag:$0x2] =	stream.indirect.gather [hbm4b:s2+s20], $0x80, s20, s20, $0xb8;
	[tilespmem:$0x1D000] =	vst v63  }
0x40: {  	_ = 	snop  }
0x41: {  	[spmem:s3] =	stream.indirect.scatter.add.f32 [tilespmem:s21], [sflag:$0x4], $0x80, s16, s20, $0xb8;
	[tilespmem:$0x1D000] =	vst v63  }
0x42: {  	_ =	swait.ge [sflag:s15], $0x4000  }
0x43: {  	[sflag:s15] =	ssyncset.done $0x0  }
0x44: {  	[sflag:s15] =	ssyncadd.s32 $0xFFFFC000  }
0x45: {  	_ =	swait.ge [sflag:s24], $0x4000  }
0x46: {  	[sflag:s24] =	ssyncset.done $0x0  }
0x47: {  	s11 =	rddreg [dreg:$0x6];
	[sflag:s24] =	ssyncadd.s32 $0xFFFFC000  }
0x48: {  	[tilespmem:s21], [sflag:$0x1] =	stream.indirect.gather [hbm4b:s2+s20], $0x80, s11, s20, $0xb8;
	[tilespmem:$0x1D000] =	vst v63  }
0x49: {  	s13 =	rddreg [dreg:$0x7]  }
0x4a: {  	[spmem:s3] =	stream.indirect.scatter.add.f32 [tilespmem:s23], [sflag:$0x4], $0x80, s13, s20, $0xb8;
	[tilespmem:$0x1D000] =	vst v63  }
0x4b: {  	_ =	swait.ge [sflag:s15], $0x4000  }
0x4c: {  	[sflag:s15] =	ssyncset.done $0x0  }
0x4d: {  	[sflag:s15] =	ssyncadd.s32 $0xFFFFC000  }
0x4e: {  	_ =	swait.ge [sflag:s22], $0x4000  }
0x4f: {  	[sflag:s22] =	ssyncset.done $0x0  }
0x50: {  	s9 =	rddreg [dreg:$0x8];
	[sflag:s22] =	ssyncadd.s32 $0xFFFFC000  }
0x51: {  	[tilespmem:s23], [sflag:$0x2] =	stream.indirect.gather [hbm4b:s2+s20], $0x80, s9, s20, $0xb8;
	[tilespmem:$0x1D000] =	vst v63  }
0x52: {  	s10 =	rddreg [dreg:$0x9]  }
0x53: {  	[spmem:s3] =	stream.indirect.scatter.add.f32 [tilespmem:s21], [sflag:$0x4], $0x80, s10, s20, $0xb8;
	[tilespmem:$0x1D000] =	vst v63  }
0x54: {  	_ =	swait.ge [sflag:s15], $0x4000  }
0x55: {  	[sflag:s15] =	ssyncset.done $0x0  }
0x56: {  	[sflag:s15] =	ssyncadd.s32 $0xFFFFC000  }
0x57: {  	_ =	swait.ge [sflag:s24], $0x4000  }
0x58: {  	[sflag:s24] =	ssyncset.done $0x0  }
0x59: {  	s11 =	rddreg [dreg:$0xa];
	[sflag:s24] =	ssyncadd.s32 $0xFFFFC000  }
0x5a: {  	[tilespmem:s21], [sflag:$0x1] =	stream.indirect.gather [hbm4b:s2+s20], $0x80, s11, s20, $0xb8;
	[tilespmem:$0x1D000] =	vst v63  }
0x5b: {  	s13 =	rddreg [dreg:$0xb]  }
0x5c: {  	[spmem:s3] =	stream.indirect.scatter.add.f32 [tilespmem:s23], [sflag:$0x4], $0x80, s13, s20, $0xb8;
	[tilespmem:$0x1D000] =	vst v63  }
0x5d: {  	_ =	swait.ge [sflag:s15], $0x4000  }
0x5e: {  	[sflag:s15] =	ssyncset.done $0x0  }
0x5f: {  	[sflag:s15] =	ssyncadd.s32 $0xFFFFC000  }
0x60: {  	_ =	swait.ge [sflag:s22], $0x4000  }
0x61: {  	[sflag:s22] =	ssyncset.done $0x0  }
0x62: {  	s9 =	rddreg [dreg:$0xc];
	[sflag:s22] =	ssyncadd.s32 $0xFFFFC000  }
0x63: {  	[tilespmem:s23], [sflag:$0x2] =	stream.indirect.gather [hbm4b:s2+s20], $0x80, s9, s20, $0xb8;
	[tilespmem:$0x1D000] =	vst v63  }
0x64: {  	s10 =	rddreg [dreg:$0xd]  }
0x65: {  	[spmem:s3] =	stream.indirect.scatter.add.f32 [tilespmem:s21], [sflag:$0x4], $0x80, s10, s20, $0xb8;
	[tilespmem:$0x1D000] =	vst v63  }
0x66: {  	_ =	swait.ge [sflag:s15], $0x4000  }
0x67: {  	[sflag:s15] =	ssyncset.done $0x0  }
0x68: {  	[sflag:s15] =	ssyncadd.s32 $0xFFFFC000  }
0x69: {  	_ =	swait.ge [sflag:s24], $0x4000  }
0x6a: {  	[sflag:s24] =	ssyncset.done $0x0  }
0x6b: {  	s11 =	rddreg [dreg:$0xe];
	[sflag:s24] =	ssyncadd.s32 $0xFFFFC000  }
0x6c: {  	[tilespmem:s21], [sflag:$0x1] =	stream.indirect.gather [hbm4b:s2+s20], $0x80, s11, s20, $0xb8;
	[tilespmem:$0x1D000] =	vst v63  }
0x6d: {  	s13 =	rddreg [dreg:$0xf]  }
0x6e: {  	[spmem:s3] =	stream.indirect.scatter.add.f32 [tilespmem:s23], [sflag:$0x4], $0x80, s13, s20, $0xb8;
	[tilespmem:$0x1D000] =	vst v63  }
0x6f: {  	_ =	swait.ge [sflag:s15], $0x4000  }
0x70: {  	[sflag:s15] =	ssyncset.done $0x0  }
0x71: {  	[sflag:s15] =	ssyncadd.s32 $0xFFFFC000  }
0x72: {  	_ =	swait.ge [sflag:s22], $0x4000  }
0x73: {  	[sflag:s22] =	ssyncset.done $0x0  }
0x74: {  	s9 =	rddreg [dreg:$0x10];
	[sflag:s22] =	ssyncadd.s32 $0xFFFFC000  }
0x75: {  	[tilespmem:s23], [sflag:$0x2] =	stream.indirect.gather [hbm4b:s2+s20], $0x80, s9, s20, $0xb8;
	[tilespmem:$0x1D000] =	vst v63  }
0x76: {  	s10 =	rddreg [dreg:$0x11]  }
0x77: {  	[spmem:s3] =	stream.indirect.scatter.add.f32 [tilespmem:s21], [sflag:$0x4], $0x80, s10, s20, $0xb8;
	[tilespmem:$0x1D000] =	vst v63  }
0x78: {  	_ =	swait.ge [sflag:s15], $0x4000  }
0x79: {  	[sflag:s15] =	ssyncset.done $0x0  }
0x7a: {  	[sflag:s15] =	ssyncadd.s32 $0xFFFFC000  }
0x7b: {  	_ =	swait.ge [sflag:s24], $0x4000  }
0x7c: {  	[sflag:s24] =	ssyncset.done $0x0  }
0x7d: {  	s11 =	rddreg [dreg:$0x12];
	[sflag:s24] =	ssyncadd.s32 $0xFFFFC000  }
0x7e: {  	[spmem:s3] =	stream.indirect.scatter.add.f32 [tilespmem:s23], [sflag:$0x4], $0x80, s11, s20, $0xb8;
	[tilespmem:$0x1D000] =	vst v63  }
0x7f: {  	_ =	swait.ge [sflag:s15], $0x4000  }
0x80: {  	[sflag:s15] =	ssyncset.done $0x0  }
0x81: {  	[sflag:s15] =	ssyncadd.s32 $0xFFFFC000  }
0x82: {  	_ =	swait.ge [sflag:s17], $0x400  }
0x83: {  	[sflag:s17] =	ssyncset.done $0x0  }
0x84: {  	[sflag:s17] =	ssyncadd.s32 $0xFFFFFC00  }
0x85: {  	p0 =	por $0x0, $0x0;
	_ =	swait.ge [sflag:s17], $0x400  }
0x86: {  	s1 =	sshrl.u32 @!p0 s7, $0x3;
	[sflag:s17] =	ssyncset.done $0x0  }
0x87: {  	s13 =	simm.s32 @!p0 $0x0;
	s9 =	sadd.s32 @!p0 s5, s1;
	[sflag:s17] =	ssyncadd.s32 $0xFFFFFC00  }
0x88: {  	[tilespmem:s13], [sflag:$0x3] =	stream.linear.gather @!p0 [hbm4b:s9+s13], $0x400, $0x38;
	[tilespmem:$0x1D000] =	vst v63  }
0x89: {  	s1 =	sadd.s32 @!p0 s6, s1;
	s9 =	simm.s32 @!p0 $0x400  }
0x8a: {  	[tilespmem:s9], [sflag:$0x3] =	stream.linear.gather @!p0 [hbm4b:s1+s13], $0x400, $0x38;
	[tilespmem:$0x1D000] =	vst v63  }
0x8b: {  	_ = 	snop  }
0x8c: {  	[tilespmem:s21], [sflag:$0x1] =	stream.indirect.gather [hbm4b:s2+s20], $0x80, s18, s20, $0xb8;
	[tilespmem:$0x1D000] =	vst v63  }
0x8d: {  	_ =	swait.ge [sflag:s22], $0x4000  }
0x8e: {  	[sflag:s22] =	ssyncset.done $0x0  }
0x8f: {  	s13 =	rddreg [dreg:$0x13];
	[sflag:s22] =	ssyncadd.s32 $0xFFFFC000  }
0x90: {  	[tilespmem:s23], [sflag:$0x2] =	stream.indirect.gather [hbm4b:s2+s20], $0x80, s13, s20, $0xb8;
	[tilespmem:$0x1D000] =	vst v63  }
0x91: {  	_ = 	snop  }
0x92: {  	[spmem:s3] =	stream.indirect.scatter.add.f32 [tilespmem:s21], [sflag:$0x4], $0x80, s19, s20, $0xb8;
	[tilespmem:$0x1D000] =	vst v63  }
0x93: {  	_ =	swait.ge [sflag:s15], $0x4000  }
0x94: {  	[sflag:s15] =	ssyncset.done $0x0  }
0x95: {  	[sflag:s15] =	ssyncadd.s32 $0xFFFFC000  }
0x96: {  	_ =	swait.ge [sflag:s24], $0x4000  }
0x97: {  	[sflag:s24] =	ssyncset.done $0x0  }
0x98: {  	s9 =	rddreg [dreg:$0x14];
	[sflag:s24] =	ssyncadd.s32 $0xFFFFC000  }
0x99: {  	[tilespmem:s21], [sflag:$0x1] =	stream.indirect.gather [hbm4b:s2+s20], $0x80, s9, s20, $0xb8;
	[tilespmem:$0x1D000] =	vst v63  }
0x9a: {  	s10 =	rddreg [dreg:$0x15]  }
0x9b: {  	[spmem:s3] =	stream.indirect.scatter.add.f32 [tilespmem:s23], [sflag:$0x4], $0x80, s10, s20, $0xb8;
	[tilespmem:$0x1D000] =	vst v63  }
0x9c: {  	_ =	swait.ge [sflag:s15], $0x4000  }
0x9d: {  	[sflag:s15] =	ssyncset.done $0x0  }
0x9e: {  	[sflag:s15] =	ssyncadd.s32 $0xFFFFC000  }
0x9f: {  	_ =	swait.ge [sflag:s22], $0x4000  }
0xa0: {  	[sflag:s22] =	ssyncset.done $0x0  }
0xa1: {  	s11 =	rddreg [dreg:$0x16];
	[sflag:s22] =	ssyncadd.s32 $0xFFFFC000  }
0xa2: {  	[tilespmem:s23], [sflag:$0x2] =	stream.indirect.gather [hbm4b:s2+s20], $0x80, s11, s20, $0xb8;
	[tilespmem:$0x1D000] =	vst v63  }
0xa3: {  	s13 =	rddreg [dreg:$0x17]  }
0xa4: {  	[spmem:s3] =	stream.indirect.scatter.add.f32 [tilespmem:s21], [sflag:$0x4], $0x80, s13, s20, $0xb8;
	[tilespmem:$0x1D000] =	vst v63  }
0xa5: {  	_ =	swait.ge [sflag:s15], $0x4000  }
0xa6: {  	[sflag:s15] =	ssyncset.done $0x0  }
0xa7: {  	[sflag:s15] =	ssyncadd.s32 $0xFFFFC000  }
0xa8: {  	_ =	swait.ge [sflag:s24], $0x4000  }
0xa9: {  	[sflag:s24] =	ssyncset.done $0x0  }
0xaa: {  	s10 =	rddreg [dreg:$0x18];
	[sflag:s24] =	ssyncadd.s32 $0xFFFFC000  }
0xab: {  	[tilespmem:s21], [sflag:$0x1] =	stream.indirect.gather [hbm4b:s2+s20], $0x80, s10, s20, $0xb8;
	[tilespmem:$0x1D000] =	vst v63  }
0xac: {  	s11 =	rddreg [dreg:$0x19]  }
0xad: {  	[spmem:s3] =	stream.indirect.scatter.add.f32 [tilespmem:s23], [sflag:$0x4], $0x80, s11, s20, $0xb8;
	[tilespmem:$0x1D000] =	vst v63  }
0xae: {  	_ =	swait.ge [sflag:s15], $0x4000  }
0xaf: {  	[sflag:s15] =	ssyncset.done $0x0  }
0xb0: {  	[sflag:s15] =	ssyncadd.s32 $0xFFFFC000  }
0xb1: {  	_ =	swait.ge [sflag:s22], $0x4000  }
0xb2: {  	[sflag:s22] =	ssyncset.done $0x0  }
0xb3: {  	s13 =	rddreg [dreg:$0x1a];
	[sflag:s22] =	ssyncadd.s32 $0xFFFFC000  }
0xb4: {  	[tilespmem:s23], [sflag:$0x2] =	stream.indirect.gather [hbm4b:s2+s20], $0x80, s13, s20, $0xb8;
	[tilespmem:$0x1D000] =	vst v63  }
0xb5: {  	_ = 	snop  }
0xb6: {  	[spmem:s3] =	stream.indirect.scatter.add.f32 [tilespmem:s21], [sflag:$0x4], $0x80, s25, s20, $0xb8;
	[tilespmem:$0x1D000] =	vst v63  }
0xb7: {  	_ =	swait.ge [sflag:s15], $0x4000  }
0xb8: {  	[sflag:s15] =	ssyncset.done $0x0  }
0xb9: {  	[sflag:s15] =	ssyncadd.s32 $0xFFFFC000  }
0xba: {  	_ =	swait.ge [sflag:s24], $0x4000  }
0xbb: {  	[sflag:s24] =	ssyncset.done $0x0  }
0xbc: {  	[sflag:s24] =	ssyncadd.s32 $0xFFFFC000  }
0xbd: {  	[tilespmem:s21], [sflag:$0x1] =	stream.indirect.gather [hbm4b:s2+s20], $0x80, s26, s20, $0xb8;
	[tilespmem:$0x1D000] =	vst v63  }
0xbe: {  	_ = 	snop  }
0xbf: {  	[spmem:s3] =	stream.indirect.scatter.add.f32 [tilespmem:s23], [sflag:$0x4], $0x80, s28, s20, $0xb8;
	[tilespmem:$0x1D000] =	vst v63  }
0xc0: {  	_ =	swait.ge [sflag:s15], $0x4000  }
0xc1: {  	[sflag:s15] =	ssyncset.done $0x0  }
0xc2: {  	[sflag:s15] =	ssyncadd.s32 $0xFFFFC000  }
0xc3: {  	_ =	swait.ge [sflag:s22], $0x4000  }
0xc4: {  	[sflag:s22] =	ssyncset.done $0x0  }
0xc5: {  	[sflag:s22] =	ssyncadd.s32 $0xFFFFC000  }
0xc6: {  	[tilespmem:s23], [sflag:$0x2] =	stream.indirect.gather [hbm4b:s2+s20], $0x80, s29, s20, $0xb8;
	[tilespmem:$0x1D000] =	vst v63  }
0xc7: {  	_ = 	snop  }
0xc8: {  	[spmem:s3] =	stream.indirect.scatter.add.f32 [tilespmem:s21], [sflag:$0x4], $0x80, s30, s20, $0xb8;
	[tilespmem:$0x1D000] =	vst v63  }
0xc9: {  	_ =	swait.ge [sflag:s15], $0x4000  }
0xca: {  	[sflag:s15] =	ssyncset.done $0x0  }
0xcb: {  	[sflag:s15] =	ssyncadd.s32 $0xFFFFC000  }
0xcc: {  	_ =	swait.ge [sflag:s24], $0x4000  }
0xcd: {  	[sflag:s24] =	ssyncset.done $0x0  }
0xce: {  	[sflag:s24] =	ssyncadd.s32 $0xFFFFC000  }
0xcf: {  	[spmem:s3] =	stream.indirect.scatter.add.f32 [tilespmem:s23], [sflag:$0x4], $0x80, s31, s20, $0xb8;
	[tilespmem:$0x1D000] =	vst v63  }
0xd0: {  	_ =	swait.ge [sflag:s15], $0x4000  }
0xd1: {  	s1 =	simm.s32 $0x100;
	s13 =	smov.u32 s7;
	[sflag:s15] =	ssyncset.done $0x0  }
.LBB2_2:
0xd2: {  	[sflag:s15] =	ssyncadd.s32 $0xFFFFC000  }
0xd3: {  	_ =	swait.ge [sflag:s17], $0x400  }
0xd4: {  	[sflag:s17] =	ssyncset.done $0x0  }
0xd5: {  	[sflag:s17] =	ssyncadd.s32 $0xFFFFFC00  }
0xd6: {  	_ =	swait.ge [sflag:s17], $0x400  }
0xd7: {  	s9 =	smov.u32 s1;
	s10 =	rddreg [dreg:$0x5];
	[sflag:s17] =	ssyncset.done $0x0  }
0xd8: {  	s11 =	rddreg [dreg:$0x4];
	[sflag:s17] =	ssyncadd.s32 $0xFFFFFC00;
	s10 =	sadd.s32 s9, s10  }
0xd9: {  	[tilespmem:s18], [sflag:$0x3] =	stream.linear.gather [hbm4b:s10+s4], $0x400, $0x38;
	[tilespmem:$0x1D000] =	vst v63  }
0xda: {  	s11 =	sadd.s32 s9, s11  }
0xdb: {  	[tilespmem:s19], [sflag:$0x3] =	stream.linear.gather [hbm4b:s11+s4], $0x400, $0x38;
	[tilespmem:$0x1D000] =	vst v63  }
0xdc: {  	_ = 	snop  }
0xdd: {  	[tilespmem:s21], [sflag:$0x1] =	stream.indirect.gather [hbm4b:s2+s20], $0x80, s4, s20, $0xb8;
	[tilespmem:$0x1D000] =	vst v63  }
0xde: {  	_ =	swait.ge [sflag:s22], $0x4000  }
0xdf: {  	[sflag:s22] =	ssyncset.done $0x0  }
0xe0: {  	[sflag:s22] =	ssyncadd.s32 $0xFFFFC000  }
0xe1: {  	[tilespmem:s23], [sflag:$0x2] =	stream.indirect.gather [hbm4b:s2+s20], $0x80, s20, s20, $0xb8;
	[tilespmem:$0x1D000] =	vst v63  }
0xe2: {  	_ = 	snop  }
0xe3: {  	[spmem:s3] =	stream.indirect.scatter.add.f32 [tilespmem:s21], [sflag:$0x4], $0x80, s16, s20, $0xb8;
	[tilespmem:$0x1D000] =	vst v63  }
0xe4: {  	_ =	swait.ge [sflag:s15], $0x4000  }
0xe5: {  	[sflag:s15] =	ssyncset.done $0x0  }
0xe6: {  	[sflag:s15] =	ssyncadd.s32 $0xFFFFC000  }
0xe7: {  	_ =	swait.ge [sflag:s24], $0x4000  }
0xe8: {  	[sflag:s24] =	ssyncset.done $0x0  }
0xe9: {  	s10 =	rddreg [dreg:$0x6];
	[sflag:s24] =	ssyncadd.s32 $0xFFFFC000  }
0xea: {  	[tilespmem:s21], [sflag:$0x1] =	stream.indirect.gather [hbm4b:s2+s20], $0x80, s10, s20, $0xb8;
	[tilespmem:$0x1D000] =	vst v63  }
0xeb: {  	s11 =	rddreg [dreg:$0x7]  }
0xec: {  	[spmem:s3] =	stream.indirect.scatter.add.f32 [tilespmem:s23], [sflag:$0x4], $0x80, s11, s20, $0xb8;
	[tilespmem:$0x1D000] =	vst v63  }
0xed: {  	_ =	swait.ge [sflag:s15], $0x4000  }
0xee: {  	[sflag:s15] =	ssyncset.done $0x0  }
0xef: {  	[sflag:s15] =	ssyncadd.s32 $0xFFFFC000  }
0xf0: {  	_ =	swait.ge [sflag:s22], $0x4000  }
0xf1: {  	[sflag:s22] =	ssyncset.done $0x0  }
0xf2: {  	s10 =	rddreg [dreg:$0x8];
	[sflag:s22] =	ssyncadd.s32 $0xFFFFC000  }
0xf3: {  	[tilespmem:s23], [sflag:$0x2] =	stream.indirect.gather [hbm4b:s2+s20], $0x80, s10, s20, $0xb8;
	[tilespmem:$0x1D000] =	vst v63  }
0xf4: {  	s11 =	rddreg [dreg:$0x9]  }
0xf5: {  	[spmem:s3] =	stream.indirect.scatter.add.f32 [tilespmem:s21], [sflag:$0x4], $0x80, s11, s20, $0xb8;
	[tilespmem:$0x1D000] =	vst v63  }
0xf6: {  	_ =	swait.ge [sflag:s15], $0x4000  }
0xf7: {  	[sflag:s15] =	ssyncset.done $0x0  }
0xf8: {  	[sflag:s15] =	ssyncadd.s32 $0xFFFFC000  }
0xf9: {  	_ =	swait.ge [sflag:s24], $0x4000  }
0xfa: {  	[sflag:s24] =	ssyncset.done $0x0  }
0xfb: {  	s10 =	rddreg [dreg:$0xa];
	[sflag:s24] =	ssyncadd.s32 $0xFFFFC000  }
0xfc: {  	[tilespmem:s21], [sflag:$0x1] =	stream.indirect.gather [hbm4b:s2+s20], $0x80, s10, s20, $0xb8;
	[tilespmem:$0x1D000] =	vst v63  }
0xfd: {  	s11 =	rddreg [dreg:$0xb]  }
0xfe: {  	[spmem:s3] =	stream.indirect.scatter.add.f32 [tilespmem:s23], [sflag:$0x4], $0x80, s11, s20, $0xb8;
	[tilespmem:$0x1D000] =	vst v63  }
0xff: {  	_ =	swait.ge [sflag:s15], $0x4000  }
0x100: {  	[sflag:s15] =	ssyncset.done $0x0  }
0x101: {  	[sflag:s15] =	ssyncadd.s32 $0xFFFFC000  }
0x102: {  	_ =	swait.ge [sflag:s22], $0x4000  }
0x103: {  	[sflag:s22] =	ssyncset.done $0x0  }
0x104: {  	s10 =	rddreg [dreg:$0xc];
	[sflag:s22] =	ssyncadd.s32 $0xFFFFC000  }
0x105: {  	[tilespmem:s23], [sflag:$0x2] =	stream.indirect.gather [hbm4b:s2+s20], $0x80, s10, s20, $0xb8;
	[tilespmem:$0x1D000] =	vst v63  }
0x106: {  	s11 =	rddreg [dreg:$0xd]  }
0x107: {  	[spmem:s3] =	stream.indirect.scatter.add.f32 [tilespmem:s21], [sflag:$0x4], $0x80, s11, s20, $0xb8;
	[tilespmem:$0x1D000] =	vst v63  }
0x108: {  	_ =	swait.ge [sflag:s15], $0x4000  }
0x109: {  	[sflag:s15] =	ssyncset.done $0x0  }
0x10a: {  	[sflag:s15] =	ssyncadd.s32 $0xFFFFC000  }
0x10b: {  	_ =	swait.ge [sflag:s24], $0x4000  }
0x10c: {  	[sflag:s24] =	ssyncset.done $0x0  }
0x10d: {  	s10 =	rddreg [dreg:$0xe];
	[sflag:s24] =	ssyncadd.s32 $0xFFFFC000  }
0x10e: {  	[tilespmem:s21], [sflag:$0x1] =	stream.indirect.gather [hbm4b:s2+s20], $0x80, s10, s20, $0xb8;
	[tilespmem:$0x1D000] =	vst v63  }
0x10f: {  	s11 =	rddreg [dreg:$0xf]  }
0x110: {  	[spmem:s3] =	stream.indirect.scatter.add.f32 [tilespmem:s23], [sflag:$0x4], $0x80, s11, s20, $0xb8;
	[tilespmem:$0x1D000] =	vst v63  }
0x111: {  	_ =	swait.ge [sflag:s15], $0x4000  }
0x112: {  	[sflag:s15] =	ssyncset.done $0x0  }
0x113: {  	[sflag:s15] =	ssyncadd.s32 $0xFFFFC000  }
0x114: {  	_ =	swait.ge [sflag:s22], $0x4000  }
0x115: {  	[sflag:s22] =	ssyncset.done $0x0  }
0x116: {  	s10 =	rddreg [dreg:$0x10];
	[sflag:s22] =	ssyncadd.s32 $0xFFFFC000  }
0x117: {  	[tilespmem:s23], [sflag:$0x2] =	stream.indirect.gather [hbm4b:s2+s20], $0x80, s10, s20, $0xb8;
	[tilespmem:$0x1D000] =	vst v63  }
0x118: {  	s11 =	rddreg [dreg:$0x11]  }
0x119: {  	[spmem:s3] =	stream.indirect.scatter.add.f32 [tilespmem:s21], [sflag:$0x4], $0x80, s11, s20, $0xb8;
	[tilespmem:$0x1D000] =	vst v63  }
0x11a: {  	_ =	swait.ge [sflag:s15], $0x4000  }
0x11b: {  	[sflag:s15] =	ssyncset.done $0x0  }
0x11c: {  	[sflag:s15] =	ssyncadd.s32 $0xFFFFC000  }
0x11d: {  	_ =	swait.ge [sflag:s24], $0x4000  }
0x11e: {  	[sflag:s24] =	ssyncset.done $0x0  }
0x11f: {  	s11 =	rddreg [dreg:$0x12];
	[sflag:s24] =	ssyncadd.s32 $0xFFFFC000  }
0x120: {  	[spmem:s3] =	stream.indirect.scatter.add.f32 [tilespmem:s23], [sflag:$0x4], $0x80, s11, s20, $0xb8;
	[tilespmem:$0x1D000] =	vst v63  }
0x121: {  	_ =	swait.ge [sflag:s15], $0x4000  }
0x122: {  	[sflag:s15] =	ssyncset.done $0x0  }
0x123: {  	[sflag:s15] =	ssyncadd.s32 $0xFFFFC000  }
0x124: {  	_ =	swait.ge [sflag:s17], $0x400  }
0x125: {  	[sflag:s17] =	ssyncset.done $0x0  }
0x126: {  	[sflag:s17] =	ssyncadd.s32 $0xFFFFFC00  }
0x127: {  	s13 =	sadd.s32 $0x800, s13;
	p1 =	seq.s32 s9, $0x400;
	_ =	swait.ge [sflag:s17], $0x400  }
0x128: {  	s9 =	sshrl.u32 @!p1 s13, $0x3;
	[sflag:s17] =	ssyncset.done $0x0  }
0x129: {  	s10 =	sadd.s32 @!p1 s5, s9;
	s11 =	simm.s32 @!p1 $0x0;
	[sflag:s17] =	ssyncadd.s32 $0xFFFFFC00  }
0x12a: {  	[tilespmem:s11], [sflag:$0x3] =	stream.linear.gather @!p1 [hbm4b:s10+s11], $0x400, $0x38;
	[tilespmem:$0x1D000] =	vst v63  }
0x12b: {  	s9 =	sadd.s32 @!p1 s6, s9;
	s10 =	simm.s32 @!p1 $0x400  }
0x12c: {  	[tilespmem:s10], [sflag:$0x3] =	stream.linear.gather @!p1 [hbm4b:s9+s11], $0x400, $0x38;
	[tilespmem:$0x1D000] =	vst v63  }
0x12d: {  	_ = 	snop  }
0x12e: {  	[tilespmem:s21], [sflag:$0x1] =	stream.indirect.gather [hbm4b:s2+s20], $0x80, s18, s20, $0xb8;
	[tilespmem:$0x1D000] =	vst v63  }
0x12f: {  	_ =	swait.ge [sflag:s22], $0x4000  }
0x130: {  	[sflag:s22] =	ssyncset.done $0x0  }
0x131: {  	s11 =	rddreg [dreg:$0x13];
	[sflag:s22] =	ssyncadd.s32 $0xFFFFC000  }
0x132: {  	[tilespmem:s23], [sflag:$0x2] =	stream.indirect.gather [hbm4b:s2+s20], $0x80, s11, s20, $0xb8;
	[tilespmem:$0x1D000] =	vst v63  }
0x133: {  	_ = 	snop  }
0x134: {  	[spmem:s3] =	stream.indirect.scatter.add.f32 [tilespmem:s21], [sflag:$0x4], $0x80, s19, s20, $0xb8;
	[tilespmem:$0x1D000] =	vst v63  }
0x135: {  	_ =	swait.ge [sflag:s15], $0x4000  }
0x136: {  	[sflag:s15] =	ssyncset.done $0x0  }
0x137: {  	[sflag:s15] =	ssyncadd.s32 $0xFFFFC000  }
0x138: {  	_ =	swait.ge [sflag:s24], $0x4000  }
0x139: {  	[sflag:s24] =	ssyncset.done $0x0  }
0x13a: {  	s10 =	rddreg [dreg:$0x14];
	[sflag:s24] =	ssyncadd.s32 $0xFFFFC000  }
0x13b: {  	[tilespmem:s21], [sflag:$0x1] =	stream.indirect.gather [hbm4b:s2+s20], $0x80, s10, s20, $0xb8;
	[tilespmem:$0x1D000] =	vst v63  }
0x13c: {  	s11 =	rddreg [dreg:$0x15]  }
0x13d: {  	[spmem:s3] =	stream.indirect.scatter.add.f32 [tilespmem:s23], [sflag:$0x4], $0x80, s11, s20, $0xb8;
	[tilespmem:$0x1D000] =	vst v63  }
0x13e: {  	_ =	swait.ge [sflag:s15], $0x4000  }
0x13f: {  	[sflag:s15] =	ssyncset.done $0x0  }
0x140: {  	[sflag:s15] =	ssyncadd.s32 $0xFFFFC000  }
0x141: {  	_ =	swait.ge [sflag:s22], $0x4000  }
0x142: {  	[sflag:s22] =	ssyncset.done $0x0  }
0x143: {  	s10 =	rddreg [dreg:$0x16];
	[sflag:s22] =	ssyncadd.s32 $0xFFFFC000  }
0x144: {  	[tilespmem:s23], [sflag:$0x2] =	stream.indirect.gather [hbm4b:s2+s20], $0x80, s10, s20, $0xb8;
	[tilespmem:$0x1D000] =	vst v63  }
0x145: {  	s11 =	rddreg [dreg:$0x17]  }
0x146: {  	[spmem:s3] =	stream.indirect.scatter.add.f32 [tilespmem:s21], [sflag:$0x4], $0x80, s11, s20, $0xb8;
	[tilespmem:$0x1D000] =	vst v63  }
0x147: {  	_ =	swait.ge [sflag:s15], $0x4000  }
0x148: {  	[sflag:s15] =	ssyncset.done $0x0  }
0x149: {  	[sflag:s15] =	ssyncadd.s32 $0xFFFFC000  }
0x14a: {  	_ =	swait.ge [sflag:s24], $0x4000  }
0x14b: {  	[sflag:s24] =	ssyncset.done $0x0  }
0x14c: {  	s10 =	rddreg [dreg:$0x18];
	[sflag:s24] =	ssyncadd.s32 $0xFFFFC000  }
0x14d: {  	[tilespmem:s21], [sflag:$0x1] =	stream.indirect.gather [hbm4b:s2+s20], $0x80, s10, s20, $0xb8;
	[tilespmem:$0x1D000] =	vst v63  }
0x14e: {  	s11 =	rddreg [dreg:$0x19]  }
0x14f: {  	[spmem:s3] =	stream.indirect.scatter.add.f32 [tilespmem:s23], [sflag:$0x4], $0x80, s11, s20, $0xb8;
	[tilespmem:$0x1D000] =	vst v63  }
0x150: {  	_ =	swait.ge [sflag:s15], $0x4000  }
0x151: {  	[sflag:s15] =	ssyncset.done $0x0  }
0x152: {  	[sflag:s15] =	ssyncadd.s32 $0xFFFFC000  }
0x153: {  	_ =	swait.ge [sflag:s22], $0x4000  }
0x154: {  	[sflag:s22] =	ssyncset.done $0x0  }
0x155: {  	s11 =	rddreg [dreg:$0x1a];
	[sflag:s22] =	ssyncadd.s32 $0xFFFFC000  }
0x156: {  	[tilespmem:s23], [sflag:$0x2] =	stream.indirect.gather [hbm4b:s2+s20], $0x80, s11, s20, $0xb8;
	[tilespmem:$0x1D000] =	vst v63  }
0x157: {  	_ = 	snop  }
0x158: {  	[spmem:s3] =	stream.indirect.scatter.add.f32 [tilespmem:s21], [sflag:$0x4], $0x80, s25, s20, $0xb8;
	[tilespmem:$0x1D000] =	vst v63  }
0x159: {  	_ =	swait.ge [sflag:s15], $0x4000  }
0x15a: {  	[sflag:s15] =	ssyncset.done $0x0  }
0x15b: {  	[sflag:s15] =	ssyncadd.s32 $0xFFFFC000  }
0x15c: {  	_ =	swait.ge [sflag:s24], $0x4000  }
0x15d: {  	[sflag:s24] =	ssyncset.done $0x0  }
0x15e: {  	[sflag:s24] =	ssyncadd.s32 $0xFFFFC000  }
0x15f: {  	[tilespmem:s21], [sflag:$0x1] =	stream.indirect.gather [hbm4b:s2+s20], $0x80, s26, s20, $0xb8;
	[tilespmem:$0x1D000] =	vst v63  }
0x160: {  	_ = 	snop  }
0x161: {  	[spmem:s3] =	stream.indirect.scatter.add.f32 [tilespmem:s23], [sflag:$0x4], $0x80, s28, s20, $0xb8;
	[tilespmem:$0x1D000] =	vst v63  }
0x162: {  	_ =	swait.ge [sflag:s15], $0x4000  }
0x163: {  	[sflag:s15] =	ssyncset.done $0x0  }
0x164: {  	[sflag:s15] =	ssyncadd.s32 $0xFFFFC000  }
0x165: {  	_ =	swait.ge [sflag:s22], $0x4000  }
0x166: {  	[sflag:s22] =	ssyncset.done $0x0  }
0x167: {  	[sflag:s22] =	ssyncadd.s32 $0xFFFFC000  }
0x168: {  	[tilespmem:s23], [sflag:$0x2] =	stream.indirect.gather [hbm4b:s2+s20], $0x80, s29, s20, $0xb8;
	[tilespmem:$0x1D000] =	vst v63  }
0x169: {  	_ = 	snop  }
0x16a: {  	[spmem:s3] =	stream.indirect.scatter.add.f32 [tilespmem:s21], [sflag:$0x4], $0x80, s30, s20, $0xb8;
	[tilespmem:$0x1D000] =	vst v63  }
0x16b: {  	_ =	swait.ge [sflag:s15], $0x4000  }
0x16c: {  	[sflag:s15] =	ssyncset.done $0x0  }
0x16d: {  	s1 =	sadd.s32 $0x100, s1;
	[sflag:s15] =	ssyncadd.s32 $0xFFFFC000  }
0x16e: {  	p0 =	sne.s32 s1, $0x500;
	_ =	swait.ge [sflag:s24], $0x4000  }
.Ltmp0:
0x16f: {  	[sflag:s24] =	ssyncset.done $0x0;
	(pc) =	sbr.rel @p0 .LBB2_2-.Ltmp0, $4  }
0x170: {  	[sflag:s24] =	ssyncadd.s32 $0xFFFFC000  }
0x171: {  	[spmem:s3] =	stream.indirect.scatter.add.f32 [tilespmem:s23], [sflag:$0x4], $0x80, s31, s20, $0xb8;
	[tilespmem:$0x1D000] =	vst v63  }
0x172: {  	_ =	swait.ge [sflag:s15], $0x4000  }
0x173: {  	[sflag:s15] =	ssyncset.done $0x0  }
0x174: {  	[sflag:s15] =	ssyncadd.s32 $0xFFFFC000;
	s0 =	sadd.s32 $0x1, s0  }
0x175: {  	[bflag:$0x0] =	sbarrier.arrive $0xFFFF;
	p0 =	sne.s32 s0, s12  }
.Ltmp1:
0x176: {  	s1 =	rddreg [dreg:$0x1e];
	(pc) =	sbr.rel @p0 .LBB2_1-.Ltmp1, $4  }
0x177: {  	[hbm:s1], [sflag:s8] =	dma.local [spmem:s14], $0x2800  }
0x178: {  	_ =	swait.ge [sflag:s15], $0x2800  }
0x179: {  	[sflag:s15] =	ssyncset.done $0x0  }
0x17a: {  	[sflag:s15] =	ssyncadd.s32 $0xFFFFD800  }
0x17b: {  	_ =	sfence.sel $0x180000  }
0x17c: {  	[bflag:$0x0] =	sbarrier.arrive $0xFFFF  }
0x17d: {  	_ =	strace $0x90000047  }
0x17e: {  	s0 =	stileid.u32;
	[bflag:$0x2] =	sbarrier.arrive $0xFFFF  }
0x17f: {  	p0 =	sne.s32 s0, $0x0;
	s0 =	rddreg [dreg:$0x3]  }
0x180: {  	s0 =	sadd.s32 @!p0 $0x100000, s0  }
0x181: {  	[sflag:s0] =	ssyncadd.tile.s32 @!p0 $0x1;
	_ =	shalt  }
.Lfunc_end2:
_tile_overlayer_lowered:
.L_overlay_start_2:
0x182: {  	(tag) =	ssettag $0x2  }
0x183: {  	s0 =	rddreg [dreg:$0x0];
	s2 =	stileid.u32  }
0x184: {  	s1 =	rddreg [dreg:$0x1];
	p0 =	sne.s32 s2, $0x0  }
0x185: {  	s3 =	rddreg [dreg:$0x2];
	[bflag:$0x3] =	sbarrier.arrive $0xFFFF;
	s2 =	simm.s32 @!p0 $0x1C04  }
0x186: {  	[timem:s3], [sflag:s2] =	dma.local @!p0 [hbm:s0], s1  }
0x187: {  	s0 =	simm.s32 @!p0 $0x4  }
0x188: {  	_ =	swait.ge @!p0 [sflag:s0], s1  }
0x189: {  	s1 =	ssub.s32 @!p0 $0x0, s1;
	[sflag:s0] =	ssyncset.done @!p0 $0x0  }
0x18a: {  	[sflag:s0] =	ssyncadd.s32 @!p0 s1  }
0x18b: {  	[bflag:$0x3] =	sbarrier.arrive $0xFFFF  }
0x18c: {  	_ =	shalt  }

</sc_bundles>
